<compile_context>
chip_gen: v7x
topology: tpu7x:2x2x1
jax: 0.10.2.dev20260603
libtpu: 0.0.44.dev20260713+nightly
codegen_flags: <defaults>
</compile_context>

<pallas_src>
import functools

import jax
import jax.numpy as jnp
from jax import lax
from jax.experimental import pallas as pl
from jax.experimental.pallas import tpu as pltpu
from jax.experimental.pallas import tpu_sc as plsc

_BETA = 5.5
_LOGIT_SCALE = 100.0
_C, _M, _D = 1000, 50, 1024
_NW = 32
_CPW = 8
_S = _NW * _CPW
_NCH = _D // 16
_TCB = 8


def _bsum(v):
    return jnp.broadcast_to(jnp.sum(v), (16,))


def _rsqrt(x):
    i = lax.bitcast_convert_type(x, jnp.int32)
    y = lax.bitcast_convert_type(jnp.int32(0x5F3759DF) - (i >> 1), jnp.float32)
    for _ in range(3):
        y = y * (1.5 - 0.5 * x * y * y)
    return y


_RN = 5


def _sc_body(q_hbm, mem_hbm, fx_hbm, bk_hbm, bv_hbm, ffn_hbm, img_hbm,
             out_hbm, rowsb, bkv, bvv, fnv, fxv, adap_v, ckk, cvv, cqb,
             wsum_v, qv_v, iv_v, lg_v, sem_a, sem_b):
    wid = lax.axis_index("s") * 2 + lax.axis_index("c")
    z = jnp.zeros((16,), jnp.float32)
    base = wid * _CPW

    pltpu.sync_copy(q_hbm, qv_v)
    pltpu.sync_copy(img_hbm, iv_v)
    pltpu.sync_copy(bk_hbm.at[pl.ds(base, _CPW)], bkv)
    pltpu.sync_copy(bv_hbm.at[pl.ds(base, _CPW)], bvv)
    pltpu.sync_copy(ffn_hbm.at[pl.ds(base, _CPW)], fnv)
    pltpu.sync_copy(fx_hbm.at[:, pl.ds(base, _CPW)], fxv)
    pltpu.async_copy(mem_hbm.at[pl.ds(0, _RN), pl.ds(base, _CPW)],
                     rowsb.at[0], sem_a)

    def _bdot(v):
        return jnp.broadcast_to(jnp.sum(v), (16,))

    def _const_cls(c, carry):
        def _cc(ch, acc):
            a1, a2, a3 = acc
            sl = pl.ds(ch * 16, 16)
            qc = qv_v[0, sl]
            bkc = bkv[c, sl]
            bvc = bvv[c, sl]
            return (a1 + bkc * bkc, a2 + bvc * bvc, a3 + qc * bkc)
        a1, a2, a3 = lax.fori_loop(0, _NCH, _cc, (z, z, z), unroll=2)
        ckk[c, :] = _bdot(a1)
        cvv[c, :] = _bdot(a2)
        cqb[c, :] = _bdot(a3)
        wsum_v[c, :] = z

        def _za(ch, carry2):
            adap_v[c, pl.ds(ch * 16, 16)] = z
            return carry2
        return lax.fori_loop(0, _NCH, _za, carry)
    lax.fori_loop(0, _CPW, _const_cls, 0)

    def _row_weight(accs, c):
        aq, ab, av, ar, asm = accs
        rr = _bdot(ar)
        kk = rr + 2.0 * _bdot(ab) + ckk[c, :]
        vv = rr + 2.0 * _bdot(av) + cvv[c, :]
        s = _bdot(aq) + cqb[c, :]
        sim = jnp.exp(_BETA * (s * _rsqrt(kk) - 1.0))
        return jnp.where(_bdot(asm) == 0.0, 0.0, sim * _rsqrt(vv))

    def _chunk(b):
        def _cls(c, carry):
            def _p1(ch, acc):
                sl = pl.ds(ch * 16, 16)
                qc = qv_v[0, sl]
                bkc = bkv[c, sl]
                bvc = bvv[c, sl]
                out = []
                for r in range(_RN):
                    rv = rowsb[b, r, c, sl]
                    aq, ab, av, ar, asm = acc[r]
                    out.append((aq + rv * qc, ab + rv * bkc, av + rv * bvc,
                                ar + rv * rv, asm + rv))
                return tuple(out)
            res = lax.fori_loop(0, _NCH, _p1, tuple((z, z, z, z, z)
                                                    for _ in range(_RN)),
                                unroll=2)
            ws = [_row_weight(res[r], c) for r in range(_RN)]
            wacc = wsum_v[c, :]
            for w in ws:
                wacc = wacc + w
            wsum_v[c, :] = wacc

            def _p2(ch, carry2):
                sl = pl.ds(ch * 16, 16)
                acc = adap_v[c, sl]
                for r in range(_RN):
                    acc = acc + rowsb[b, r, c, sl] * ws[r]
                adap_v[c, sl] = acc
                return carry2
            return lax.fori_loop(0, _NCH, _p2, carry)
        lax.fori_loop(0, _CPW, _cls, 0)

    def _start(k, sem):
        pltpu.async_copy(
            mem_hbm.at[pl.ds(k * _RN, _RN), pl.ds(base, _CPW)],
            rowsb.at[k % 2], sem)

    def _wait(k, sem):
        pltpu.make_async_copy(
            mem_hbm.at[pl.ds(k * _RN, _RN), pl.ds(base, _CPW)],
            rowsb.at[k % 2], sem).wait()

    def _pair(i, carry):
        k0 = 2 * i

        @pl.when(k0 + 1 < _M // _RN)
        def _():
            _start(k0 + 1, sem_b)
        _wait(k0, sem_a)
        _chunk(0)

        @pl.when(k0 + 2 < _M // _RN)
        def _():
            _start(k0 + 2, sem_a)

        @pl.when(k0 + 1 < _M // _RN)
        def _():
            _wait(k0 + 1, sem_b)
            _chunk(1)
        return carry
    lax.fori_loop(0, (_M // _RN + 1) // 2, _pair, 0)

    def _fin(c, carry):
        def _pf(ch, acc):
            sl = pl.ds(ch * 16, 16)
            qc = qv_v[0, sl]
            bkc = bkv[c, sl]
            bvc = bvv[c, sl]
            rv = fxv[0, c, sl]
            aq, ab, av, ar, asm = acc
            return (aq + rv * qc, ab + rv * bkc, av + rv * bvc,
                    ar + rv * rv, asm + rv)
        res = lax.fori_loop(0, _NCH, _pf, (z, z, z, z, z), unroll=2)
        wf = _row_weight(res, c)
        wsum = wsum_v[c, :] + wf

        def _p3a(ch, acc):
            sl = pl.ds(ch * 16, 16)
            x = adap_v[c, sl] + wf * fxv[0, c, sl] + wsum * bvv[c, sl]
            return acc + x * x
        aa = _bdot(lax.fori_loop(0, _NCH, _p3a, z, unroll=2))
        r1 = _rsqrt(aa)

        def _p3b(ch, acc):
            a2, ai = acc
            sl = pl.ds(ch * 16, 16)
            x = (adap_v[c, sl] + wf * fxv[0, c, sl] +
                 wsum * bvv[c, sl]) * r1 + fnv[c, sl]
            return (a2 + x * x, ai + x * iv_v[0, sl])
        aa2, ai = lax.fori_loop(0, _NCH, _p3b, (z, z), unroll=2)
        lg_v[c, :] = _LOGIT_SCALE * _bdot(ai) * _rsqrt(_bdot(aa2))
        return carry
    lax.fori_loop(0, _CPW, _fin, 0)

    pltpu.sync_copy(lg_v, out_hbm.at[pl.ds(base, _CPW)])


def _tc_body(q_ref, img_ref, mem_ref, fx_ref, bk_ref, bv_ref, fn_ref, o_ref):
    mem = mem_ref[...]
    fxb = fx_ref[...]
    bk = bk_ref[...]
    bv = bv_ref[...]
    fn = fn_ref[...]

    def _b3(x, shape, dims):
        return lax.broadcast_in_dim(x, shape, dims)

    q = q_ref[...]
    bkbk = _b3(jnp.sum(bk * bk, -1), (_M, _TCB), (1,))
    bvbv = _b3(jnp.sum(bv * bv, -1), (_M, _TCB), (1,))
    qbk = _b3(jnp.sum(bk * _b3(q, (_TCB, _D), (0, 1)), -1), (_M, _TCB), (1,))

    def _w(r, n):
        rr = jnp.sum(r * r, -1)
        kk = rr + 2.0 * jnp.sum(r * _b3(bk, (n, _TCB, _D), (1, 2)), -1) + \
            bkbk[:n]
        vv = rr + 2.0 * jnp.sum(r * _b3(bv, (n, _TCB, _D), (1, 2)), -1) + \
            bvbv[:n]
        s = jnp.sum(r * _b3(q, (n, _TCB, _D), (0, 2)), -1) + qbk[:n]
        sim = jnp.exp(_BETA * (s * lax.rsqrt(kk) - 1.0))
        empty = jnp.sum(r, -1) == 0.0
        return jnp.where(empty, 0.0, sim * lax.rsqrt(vv))

    w = _w(mem, _M)
    w_f = _w(fxb, 1)
    wsum = jnp.sum(w, 0) + jnp.sum(w_f, 0)
    a = jnp.sum(mem * _b3(w, (_M, _TCB, _D), (0, 1)), 0) + \
        jnp.sum(fxb * _b3(w_f, (1, _TCB, _D), (0, 1)), 0) + \
        _b3(wsum, (_TCB, _D), (0,)) * bv
    a = a * lax.rsqrt(jnp.sum(a * a, -1, keepdims=True))
    a2 = a + fn
    img2 = _b3(img_ref[...], (_TCB, _D), (0, 1))
    o_ref[...] = _LOGIT_SCALE * jnp.sum(a2 * img2, -1, keepdims=True) * \
        lax.rsqrt(jnp.sum(a2 * a2, -1, keepdims=True))


def _q_body(img_ref, gb_ref, o_ref):
    s = jnp.sum(gb_ref[...], axis=0, keepdims=True) * (1.0 / _C) + img_ref[...]
    o_ref[...] = s * lax.rsqrt(jnp.sum(s * s))


def _softmax_body(x_ref, o_ref):
    x = x_ref[...]
    idx = lax.broadcasted_iota(jnp.int32, (8, 128), 0) * 128 + \
        lax.broadcasted_iota(jnp.int32, (8, 128), 1)
    x = jnp.where(idx < _C, x, -jnp.inf)
    e = jnp.where(idx < _C, jnp.exp(x - jnp.max(x)), 0.0)
    o_ref[...] = e / jnp.sum(e)


@jax.jit
def kernel(img_feat, image_feature_memory, fixed_global_feat_vanilla,
           global_bias, global_bias_key, global_bias_value, global_ffn_bias):
    q = pl.pallas_call(
        _q_body,
        out_shape=jax.ShapeDtypeStruct((1, _D), jnp.float32),
    )(img_feat, global_bias)

    sc = pl.kernel(
        _sc_body,
        mesh=plsc.VectorSubcoreMesh(core_axis_name="c", subcore_axis_name="s"),
        out_type=jax.ShapeDtypeStruct((_S, 16), jnp.float32),
        compiler_params=pltpu.CompilerParams(use_tc_tiling_on_sc=True,
                                             needs_layout_passes=False),
        scratch_types=[
            pltpu.VMEM((2, _RN, _CPW, _D), jnp.float32),
            pltpu.VMEM((_CPW, _D), jnp.float32),
            pltpu.VMEM((_CPW, _D), jnp.float32),
            pltpu.VMEM((_CPW, _D), jnp.float32),
            pltpu.VMEM((1, _CPW, _D), jnp.float32),
            pltpu.VMEM((_CPW, _D), jnp.float32),
            pltpu.VMEM((_CPW, 16), jnp.float32),
            pltpu.VMEM((_CPW, 16), jnp.float32),
            pltpu.VMEM((_CPW, 16), jnp.float32),
            pltpu.VMEM((_CPW, 16), jnp.float32),
            pltpu.VMEM((1, _D), jnp.float32),
            pltpu.VMEM((1, _D), jnp.float32),
            pltpu.VMEM((_CPW, 16), jnp.float32),
            pltpu.SemaphoreType.DMA,
            pltpu.SemaphoreType.DMA,
        ],
    )
    sc_lg16 = sc(q, jnp.transpose(image_feature_memory, (1, 0, 2)),
                 jnp.transpose(fixed_global_feat_vanilla, (1, 0, 2)),
                 global_bias_key, global_bias_value, global_ffn_bias,
                 img_feat)

    ntc = (_C - _S) // _TCB
    tc_lg = pl.pallas_call(
        _tc_body,
        grid=(ntc,),
        in_specs=[
            pl.BlockSpec((1, _D), lambda i: (0, 0)),
            pl.BlockSpec((1, _D), lambda i: (0, 0)),
            pl.BlockSpec((_M, _TCB, _D), lambda i: (0, _S // _TCB + i, 0)),
            pl.BlockSpec((1, _TCB, _D), lambda i: (0, _S // _TCB + i, 0)),
            pl.BlockSpec((_TCB, _D), lambda i: (_S // _TCB + i, 0)),
            pl.BlockSpec((_TCB, _D), lambda i: (_S // _TCB + i, 0)),
            pl.BlockSpec((_TCB, _D), lambda i: (_S // _TCB + i, 0)),
        ],
        out_specs=pl.BlockSpec((_TCB, 1), lambda i: (i, 0)),
        out_shape=jax.ShapeDtypeStruct((_C - _S, 1), jnp.float32),
    )(q, img_feat, jnp.transpose(image_feature_memory, (1, 0, 2)),
      jnp.transpose(fixed_global_feat_vanilla, (1, 0, 2)),
      global_bias_key, global_bias_value, global_ffn_bias)

    lg = jnp.concatenate([sc_lg16[:, 0], tc_lg[:, 0],
                          jnp.zeros(1024 - _C, jnp.float32)])
    probs = pl.pallas_call(
        _softmax_body,
        out_shape=jax.ShapeDtypeStruct((8, 128), jnp.float32),
    )(lg.reshape(8, 128))
    return probs.reshape(1024)[:_C][None, :]

# --- scband reference (transcript-rebuilt; emitter-appended) ---
"""Pipeline reference for scband-dual-mem-36687610642432 (READ-ONLY COPY).

The authoritative reference and input builder live on the scoring server;
editing this copy changes nothing except your own understanding.
"""

import jax, jax.numpy as jnp
import numpy as np

BETA = 5.5
LOGIT_SCALE = 100.0


def setup_inputs(seed: int = 0) -> dict:
    key = jax.random.key(seed)
    ks = jax.random.split(key, 7)
    C, M, D = 1000, 50, 1024
    return {
        "img_feat": jax.random.normal(ks[0], (1, D), dtype=jnp.float32),
        "image_feature_memory": jax.random.normal(ks[1], (C, M, D), dtype=jnp.float32),
        "fixed_global_feat_vanilla": jax.random.normal(ks[2], (C, 1, D), dtype=jnp.float32),
        "global_bias": 0.02 * jax.random.normal(ks[3], (C, D), dtype=jnp.float32),
        "global_bias_key": 0.02 * jax.random.normal(ks[4], (C, D), dtype=jnp.float32),
        "global_bias_value": 0.02 * jax.random.normal(ks[5], (C, D), dtype=jnp.float32),
        "global_ffn_bias": 0.02 * jax.random.normal(ks[6], (C, D), dtype=jnp.float32),
    }


def reference(img_feat, image_feature_memory, fixed_global_feat_vanilla,
              global_bias, global_bias_key, global_bias_value, global_ffn_bias):
    # DualMem.get_image_pred with center_type_clip='attn', position='all'
    memorized = jnp.concatenate([image_feature_memory, fixed_global_feat_vanilla], axis=1)  # [C, M+1, D]

    # torch.no_grad() block -> stop_gradient
    q = img_feat + jnp.mean(global_bias, axis=0, keepdims=True)            # [1, D]
    K = memorized + global_bias_key[:, None, :]                            # [C, M+1, D]
    V = memorized + global_bias_value[:, None, :]                          # [C, M+1, D]
    K = K / jnp.linalg.norm(K, axis=-1, keepdims=True)
    empty_mask = (jnp.sum(memorized, axis=-1) == 0)                        # [C, M+1]
    K = jnp.where(empty_mask[..., None], 0.0, K)
    V = V / jnp.linalg.norm(V, axis=-1, keepdims=True)
    V = jnp.where(empty_mask[..., None], 0.0, V)
    q = q / jnp.linalg.norm(q, axis=-1, keepdims=True)
    q = jax.lax.stop_gradient(q)
    K = jax.lax.stop_gradient(K)
    V = jax.lax.stop_gradient(V)

    sim = jnp.sum(q * K, axis=-1)                                          # [C, M+1]
    sim = jnp.exp(-BETA * (-sim + 1.0))
    adaptive = jnp.sum(V * sim[..., None], axis=1)                         # [C, D]
    adaptive = adaptive / jnp.linalg.norm(adaptive, axis=-1, keepdims=True)
    adaptive = adaptive + global_ffn_bias[None, :, :]                      # [1, C, D]
    adaptive = adaptive / jnp.linalg.norm(adaptive, axis=-1, keepdims=True)
    logits = LOGIT_SCALE * jnp.matmul(adaptive, img_feat[..., None])       # [1, C, 1]
    logits = logits[:, :, 0]                                               # [1, C]
    return jax.nn.softmax(logits, axis=1)

if __name__ == "__main__":
    import jax
    _d = setup_inputs()
    print(jax.jit(kernel)(*tuple(_d.values())))

</pallas_src>

<mosaic_0001>
#map = affine_map<(d0, d1) -> (0, 0)>
#map1 = affine_map<(d0, d1) -> (0, 0, 0)>
module attributes {stable_mosaic.version = 14 : i64} {
  func.func @_sc_body(%arg0: i32, %arg1: i32, %arg2: memref<1x1024xf32, #tpu.memory_space<hbm>>, %arg3: memref<50x1000x1024xf32, #tpu.memory_space<hbm>>, %arg4: memref<1x1000x1024xf32, #tpu.memory_space<hbm>>, %arg5: memref<1000x1024xf32, #tpu.memory_space<hbm>>, %arg6: memref<1000x1024xf32, #tpu.memory_space<hbm>>, %arg7: memref<1000x1024xf32, #tpu.memory_space<hbm>>, %arg8: memref<1x1024xf32, #tpu.memory_space<hbm>>, %arg9: memref<256x16xf32, #tpu.memory_space<hbm>>, %arg10: memref<2x5x8x1024xf32, #tpu.memory_space<vmem>>, %arg11: memref<8x1024xf32, #tpu.memory_space<vmem>>, %arg12: memref<8x1024xf32, #tpu.memory_space<vmem>>, %arg13: memref<8x1024xf32, #tpu.memory_space<vmem>>, %arg14: memref<1x8x1024xf32, #tpu.memory_space<vmem>>, %arg15: memref<8x1024xf32, #tpu.memory_space<vmem>>, %arg16: memref<8x16xf32, #tpu.memory_space<vmem>>, %arg17: memref<8x16xf32, #tpu.memory_space<vmem>>, %arg18: memref<8x16xf32, #tpu.memory_space<vmem>>, %arg19: memref<8x16xf32, #tpu.memory_space<vmem>>, %arg20: memref<1x1024xf32, #tpu.memory_space<vmem>>, %arg21: memref<1x1024xf32, #tpu.memory_space<vmem>>, %arg22: memref<8x16xf32, #tpu.memory_space<vmem>>, %arg23: memref<!tpu.dma_semaphore, #tpu.memory_space<semaphore_mem>>, %arg24: memref<!tpu.dma_semaphore, #tpu.memory_space<semaphore_mem>>) attributes {dimension_semantics = [#tpu.dimension_semantics<core_parallel>, #tpu.dimension_semantics<subcore_parallel>], iteration_bounds = array<i64: 2, 16>, scalar_prefetch = 0 : i64, scratch_operands = 15 : i64, tpu.core_type = #tpu.core_type<sc_vector_subcore>, window_params = [{transform_indices = #map}, {transform_indices = #map1}, {transform_indices = #map1}, {transform_indices = #map}, {transform_indices = #map}, {transform_indices = #map}, {transform_indices = #map}, {transform_indices = #map}]} {
    %mul3A = arith.constant 2 : i32
    %mul3A_0 = arith.muli %arg1, %mul3A : i32
    %add3A = arith.addi %mul3A_0, %arg0 : i32
    %broadcast_in_dim3A = arith.constant 0.000000e+00 : f32
    %broadcast_in_dim3A_1 = vector.broadcast %broadcast_in_dim3A : f32 to vector<16xf32>
    %mul3A_2 = arith.constant 8 : i32
    %mul3A_3 = arith.muli %add3A, %mul3A_2 : i32
    "tpu.region"() ({
      %run_scoped3A = tpu.sem_alloc : memref<!tpu.dma_semaphore, #tpu.memory_space<semaphore_mem>>
      tpu.enqueue_dma source(%arg2 : memref<1x1024xf32, #tpu.memory_space<hbm>>) target(%arg20 : memref<1x1024xf32, #tpu.memory_space<vmem>>) target_semaphore(%run_scoped3A : memref<!tpu.dma_semaphore, #tpu.memory_space<semaphore_mem>>)
      tpu.wait_dma2 semaphore(%run_scoped3A : memref<!tpu.dma_semaphore, #tpu.memory_space<semaphore_mem>>) src(%arg2 : memref<1x1024xf32, #tpu.memory_space<hbm>>) dst(%arg20 : memref<1x1024xf32, #tpu.memory_space<vmem>>)
      tpu.yield
    }) : () -> ()
    "tpu.region"() ({
      %run_scoped3A = tpu.sem_alloc : memref<!tpu.dma_semaphore, #tpu.memory_space<semaphore_mem>>
      tpu.enqueue_dma source(%arg8 : memref<1x1024xf32, #tpu.memory_space<hbm>>) target(%arg21 : memref<1x1024xf32, #tpu.memory_space<vmem>>) target_semaphore(%run_scoped3A : memref<!tpu.dma_semaphore, #tpu.memory_space<semaphore_mem>>)
      tpu.wait_dma2 semaphore(%run_scoped3A : memref<!tpu.dma_semaphore, #tpu.memory_space<semaphore_mem>>) src(%arg8 : memref<1x1024xf32, #tpu.memory_space<hbm>>) dst(%arg21 : memref<1x1024xf32, #tpu.memory_space<vmem>>)
      tpu.yield
    }) : () -> ()
    "tpu.region"() ({
      %run_scoped3A = tpu.sem_alloc : memref<!tpu.dma_semaphore, #tpu.memory_space<semaphore_mem>>
      %dma_start3A_37 = arith.constant 0 : i32
      %dma_start3A_38 = tpu.memref_slice %arg5[%mul3A_3, %dma_start3A_37] : memref<1000x1024xf32, #tpu.memory_space<hbm>> -> memref<8x1024xf32, #tpu.memory_space<hbm>>
      %dma_start3A_39 = arith.constant 0 : i32
      %dma_start3A_40 = tpu.memref_slice %arg5[%mul3A_3, %dma_start3A_39] : memref<1000x1024xf32, #tpu.memory_space<hbm>> -> memref<8x1024xf32, #tpu.memory_space<hbm>>
      tpu.enqueue_dma source(%dma_start3A_40 : memref<8x1024xf32, #tpu.memory_space<hbm>>) target(%arg11 : memref<8x1024xf32, #tpu.memory_space<vmem>>) target_semaphore(%run_scoped3A : memref<!tpu.dma_semaphore, #tpu.memory_space<semaphore_mem>>)
      %dma_wait3A = arith.constant 0 : i32
      %dma_wait3A_41 = tpu.memref_slice %arg5[%mul3A_3, %dma_wait3A] : memref<1000x1024xf32, #tpu.memory_space<hbm>> -> memref<8x1024xf32, #tpu.memory_space<hbm>>
      %dma_wait3A_42 = arith.constant 0 : i32
      %dma_wait3A_43 = tpu.memref_slice %arg5[%mul3A_3, %dma_wait3A_42] : memref<1000x1024xf32, #tpu.memory_space<hbm>> -> memref<8x1024xf32, #tpu.memory_space<hbm>>
      tpu.wait_dma2 semaphore(%run_scoped3A : memref<!tpu.dma_semaphore, #tpu.memory_space<semaphore_mem>>) src(%dma_wait3A_43 : memref<8x1024xf32, #tpu.memory_space<hbm>>) dst(%arg11 : memref<8x1024xf32, #tpu.memory_space<vmem>>)
      tpu.yield
    }) : () -> ()
    "tpu.region"() ({
      %run_scoped3A = tpu.sem_alloc : memref<!tpu.dma_semaphore, #tpu.memory_space<semaphore_mem>>
      %dma_start3A_37 = arith.constant 0 : i32
      %dma_start3A_38 = tpu.memref_slice %arg6[%mul3A_3, %dma_start3A_37] : memref<1000x1024xf32, #tpu.memory_space<hbm>> -> memref<8x1024xf32, #tpu.memory_space<hbm>>
      %dma_start3A_39 = arith.constant 0 : i32
      %dma_start3A_40 = tpu.memref_slice %arg6[%mul3A_3, %dma_start3A_39] : memref<1000x1024xf32, #tpu.memory_space<hbm>> -> memref<8x1024xf32, #tpu.memory_space<hbm>>
      tpu.enqueue_dma source(%dma_start3A_40 : memref<8x1024xf32, #tpu.memory_space<hbm>>) target(%arg12 : memref<8x1024xf32, #tpu.memory_space<vmem>>) target_semaphore(%run_scoped3A : memref<!tpu.dma_semaphore, #tpu.memory_space<semaphore_mem>>)
      %dma_wait3A = arith.constant 0 : i32
      %dma_wait3A_41 = tpu.memref_slice %arg6[%mul3A_3, %dma_wait3A] : memref<1000x1024xf32, #tpu.memory_space<hbm>> -> memref<8x1024xf32, #tpu.memory_space<hbm>>
      %dma_wait3A_42 = arith.constant 0 : i32
      %dma_wait3A_43 = tpu.memref_slice %arg6[%mul3A_3, %dma_wait3A_42] : memref<1000x1024xf32, #tpu.memory_space<hbm>> -> memref<8x1024xf32, #tpu.memory_space<hbm>>
      tpu.wait_dma2 semaphore(%run_scoped3A : memref<!tpu.dma_semaphore, #tpu.memory_space<semaphore_mem>>) src(%dma_wait3A_43 : memref<8x1024xf32, #tpu.memory_space<hbm>>) dst(%arg12 : memref<8x1024xf32, #tpu.memory_space<vmem>>)
      tpu.yield
    }) : () -> ()
    "tpu.region"() ({
      %run_scoped3A = tpu.sem_alloc : memref<!tpu.dma_semaphore, #tpu.memory_space<semaphore_mem>>
      %dma_start3A_37 = arith.constant 0 : i32
      %dma_start3A_38 = tpu.memref_slice %arg7[%mul3A_3, %dma_start3A_37] : memref<1000x1024xf32, #tpu.memory_space<hbm>> -> memref<8x1024xf32, #tpu.memory_space<hbm>>
      %dma_start3A_39 = arith.constant 0 : i32
      %dma_start3A_40 = tpu.memref_slice %arg7[%mul3A_3, %dma_start3A_39] : memref<1000x1024xf32, #tpu.memory_space<hbm>> -> memref<8x1024xf32, #tpu.memory_space<hbm>>
      tpu.enqueue_dma source(%dma_start3A_40 : memref<8x1024xf32, #tpu.memory_space<hbm>>) target(%arg13 : memref<8x1024xf32, #tpu.memory_space<vmem>>) target_semaphore(%run_scoped3A : memref<!tpu.dma_semaphore, #tpu.memory_space<semaphore_mem>>)
      %dma_wait3A = arith.constant 0 : i32
      %dma_wait3A_41 = tpu.memref_slice %arg7[%mul3A_3, %dma_wait3A] : memref<1000x1024xf32, #tpu.memory_space<hbm>> -> memref<8x1024xf32, #tpu.memory_space<hbm>>
      %dma_wait3A_42 = arith.constant 0 : i32
      %dma_wait3A_43 = tpu.memref_slice %arg7[%mul3A_3, %dma_wait3A_42] : memref<1000x1024xf32, #tpu.memory_space<hbm>> -> memref<8x1024xf32, #tpu.memory_space<hbm>>
      tpu.wait_dma2 semaphore(%run_scoped3A : memref<!tpu.dma_semaphore, #tpu.memory_space<semaphore_mem>>) src(%dma_wait3A_43 : memref<8x1024xf32, #tpu.memory_space<hbm>>) dst(%arg13 : memref<8x1024xf32, #tpu.memory_space<vmem>>)
      tpu.yield
    }) : () -> ()
    "tpu.region"() ({
      %run_scoped3A = tpu.sem_alloc : memref<!tpu.dma_semaphore, #tpu.memory_space<semaphore_mem>>
      %dma_start3A_37 = arith.constant 0 : i32
      %dma_start3A_38 = arith.constant 0 : i32
      %dma_start3A_39 = tpu.memref_slice %arg4[%dma_start3A_37, %mul3A_3, %dma_start3A_38] : memref<1x1000x1024xf32, #tpu.memory_space<hbm>> -> memref<1x8x1024xf32, #tpu.memory_space<hbm>>
      %dma_start3A_40 = arith.constant 0 : i32
      %dma_start3A_41 = arith.constant 0 : i32
      %dma_start3A_42 = tpu.memref_slice %arg4[%dma_start3A_40, %mul3A_3, %dma_start3A_41] : memref<1x1000x1024xf32, #tpu.memory_space<hbm>> -> memref<1x8x1024xf32, #tpu.memory_space<hbm>>
      tpu.enqueue_dma source(%dma_start3A_42 : memref<1x8x1024xf32, #tpu.memory_space<hbm>>) target(%arg14 : memref<1x8x1024xf32, #tpu.memory_space<vmem>>) target_semaphore(%run_scoped3A : memref<!tpu.dma_semaphore, #tpu.memory_space<semaphore_mem>>)
      %dma_wait3A = arith.constant 0 : i32
      %dma_wait3A_43 = arith.constant 0 : i32
      %dma_wait3A_44 = tpu.memref_slice %arg4[%dma_wait3A, %mul3A_3, %dma_wait3A_43] : memref<1x1000x1024xf32, #tpu.memory_space<hbm>> -> memref<1x8x1024xf32, #tpu.memory_space<hbm>>
      %dma_wait3A_45 = arith.constant 0 : i32
      %dma_wait3A_46 = arith.constant 0 : i32
      %dma_wait3A_47 = tpu.memref_slice %arg4[%dma_wait3A_45, %mul3A_3, %dma_wait3A_46] : memref<1x1000x1024xf32, #tpu.memory_space<hbm>> -> memref<1x8x1024xf32, #tpu.memory_space<hbm>>
      tpu.wait_dma2 semaphore(%run_scoped3A : memref<!tpu.dma_semaphore, #tpu.memory_space<semaphore_mem>>) src(%dma_wait3A_47 : memref<1x8x1024xf32, #tpu.memory_space<hbm>>) dst(%arg14 : memref<1x8x1024xf32, #tpu.memory_space<vmem>>)
      tpu.yield
    }) : () -> ()
    %dma_start3A = arith.constant 0 : i32
    %dma_start3A_4 = arith.constant 0 : i32
    %dma_start3A_5 = arith.constant 0 : i32
    %dma_start3A_6 = arith.constant 0 : i32
    %dma_start3A_7 = tpu.memref_slice %arg10[%dma_start3A, %dma_start3A_4, %dma_start3A_5, %dma_start3A_6] : memref<2x5x8x1024xf32, #tpu.memory_space<vmem>> -> memref<1x5x8x1024xf32, #tpu.memory_space<vmem>>
    %dma_start3A_8 = tpu.memref_squeeze %dma_start3A_7 : memref<1x5x8x1024xf32, #tpu.memory_space<vmem>> -> memref<5x8x1024xf32, #tpu.memory_space<vmem>>
    %dma_start3A_9 = arith.constant 0 : i32
    %dma_start3A_10 = arith.constant 0 : i32
    %dma_start3A_11 = tpu.memref_slice %arg3[%dma_start3A_9, %mul3A_3, %dma_start3A_10] : memref<50x1000x1024xf32, #tpu.memory_space<hbm>> -> memref<5x8x1024xf32, #tpu.memory_space<hbm>>
    %dma_start3A_12 = arith.constant 0 : i32
    %dma_start3A_13 = arith.constant 0 : i32
    %dma_start3A_14 = arith.constant 0 : i32
    %dma_start3A_15 = tpu.memref_slice %arg10[%dma_start3A, %dma_start3A_12, %dma_start3A_13, %dma_start3A_14] : memref<2x5x8x1024xf32, #tpu.memory_space<vmem>> -> memref<1x5x8x1024xf32, #tpu.memory_space<vmem>>
    %dma_start3A_16 = tpu.memref_squeeze %dma_start3A_15 : memref<1x5x8x1024xf32, #tpu.memory_space<vmem>> -> memref<5x8x1024xf32, #tpu.memory_space<vmem>>
    %dma_start3A_17 = arith.constant 0 : i32
    %dma_start3A_18 = arith.constant 0 : i32
    %dma_start3A_19 = tpu.memref_slice %arg3[%dma_start3A_17, %mul3A_3, %dma_start3A_18] : memref<50x1000x1024xf32, #tpu.memory_space<hbm>> -> memref<5x8x1024xf32, #tpu.memory_space<hbm>>
    tpu.enqueue_dma source(%dma_start3A_19 : memref<5x8x1024xf32, #tpu.memory_space<hbm>>) target(%dma_start3A_16 : memref<5x8x1024xf32, #tpu.memory_space<vmem>>) target_semaphore(%arg23 : memref<!tpu.dma_semaphore, #tpu.memory_space<semaphore_mem>>)
    %scan3A = arith.constant 0 : i32
    %scan3A_20 = arith.constant 0 : i32
    %scan3A_21 = arith.constant 8 : i32
    %scan3A_22 = arith.addi %scan3A_20, %scan3A_21 : i32
    %scan3A_23 = arith.constant 1 : i32
    scf.for %scan3A_37 = %scan3A_20 to %scan3A_22 step %scan3A_23  : i32 {
      %scan3A_38 = arith.constant 0 : i32
      %scan3A_39 = arith.constant 64 : i32
      %scan3A_40 = arith.addi %scan3A_38, %scan3A_39 : i32
      %scan3A_41 = arith.constant 2 : i32
      %scan3A_42:3 = scf.for %scan3A_74 = %scan3A_38 to %scan3A_40 step %scan3A_41 iter_args(%scan3A_75 = %broadcast_in_dim3A_1, %scan3A_76 = %broadcast_in_dim3A_1, %scan3A_77 = %broadcast_in_dim3A_1) -> (vector<16xf32>, vector<16xf32>, vector<16xf32>)  : i32 {
        %mul3A_78 = arith.constant 16 : i32
        %mul3A_79 = arith.muli %scan3A_74, %mul3A_78 : i32
        %get3A = arith.constant 0 : i32
        %get3A_80 = arith.index_cast %get3A : i32 to index
        %get3A_81 = arith.index_cast %mul3A_79 : i32 to index
        %get3A_82 = tpu.vector_load %arg20[%get3A_80, %get3A_81] {strides = array<i32>} : memref<1x1024xf32, #tpu.memory_space<vmem>>, vector<16xf32>,
        %get3A_83 = arith.index_cast %scan3A_37 : i32 to index
        %get3A_84 = arith.index_cast %mul3A_79 : i32 to index
        %get3A_85 = tpu.vector_load %arg11[%get3A_83, %get3A_84] {strides = array<i32>} : memref<8x1024xf32, #tpu.memory_space<vmem>>, vector<16xf32>,
        %get3A_86 = arith.index_cast %scan3A_37 : i32 to index
        %get3A_87 = arith.index_cast %mul3A_79 : i32 to index
        %get3A_88 = tpu.vector_load %arg12[%get3A_86, %get3A_87] {strides = array<i32>} : memref<8x1024xf32, #tpu.memory_space<vmem>>, vector<16xf32>,
        %mul3A_89 = arith.mulf %get3A_85, %get3A_85 : vector<16xf32>
        %add3A_90 = arith.addf %scan3A_75, %mul3A_89 : vector<16xf32>
        %mul3A_91 = arith.mulf %get3A_88, %get3A_88 : vector<16xf32>
        %add3A_92 = arith.addf %scan3A_76, %mul3A_91 : vector<16xf32>
        %mul3A_93 = arith.mulf %get3A_82, %get3A_85 : vector<16xf32>
        %add3A_94 = arith.addf %scan3A_77, %mul3A_93 : vector<16xf32>
        %scan3A_95 = arith.constant 1 : i32
        %scan3A_96 = arith.addi %scan3A_74, %scan3A_95 : i32
        %mul3A_97 = arith.constant 16 : i32
        %mul3A_98 = arith.muli %scan3A_96, %mul3A_97 : i32
        %get3A_99 = arith.constant 0 : i32
        %get3A_100 = arith.index_cast %get3A_99 : i32 to index
        %get3A_101 = arith.index_cast %mul3A_98 : i32 to index
        %get3A_102 = tpu.vector_load %arg20[%get3A_100, %get3A_101] {strides = array<i32>} : memref<1x1024xf32, #tpu.memory_space<vmem>>, vector<16xf32>,
        %get3A_103 = arith.index_cast %scan3A_37 : i32 to index
        %get3A_104 = arith.index_cast %mul3A_98 : i32 to index
        %get3A_105 = tpu.vector_load %arg11[%get3A_103, %get3A_104] {strides = array<i32>} : memref<8x1024xf32, #tpu.memory_space<vmem>>, vector<16xf32>,
        %get3A_106 = arith.index_cast %scan3A_37 : i32 to index
        %get3A_107 = arith.index_cast %mul3A_98 : i32 to index
        %get3A_108 = tpu.vector_load %arg12[%get3A_106, %get3A_107] {strides = array<i32>} : memref<8x1024xf32, #tpu.memory_space<vmem>>, vector<16xf32>,
        %mul3A_109 = arith.mulf %get3A_105, %get3A_105 : vector<16xf32>
        %add3A_110 = arith.addf %add3A_90, %mul3A_109 : vector<16xf32>
        %mul3A_111 = arith.mulf %get3A_108, %get3A_108 : vector<16xf32>
        %add3A_112 = arith.addf %add3A_92, %mul3A_111 : vector<16xf32>
        %mul3A_113 = arith.mulf %get3A_102, %get3A_105 : vector<16xf32>
        %add3A_114 = arith.addf %add3A_94, %mul3A_113 : vector<16xf32>
        scf.yield %add3A_110, %add3A_112, %add3A_114 : vector<16xf32>, vector<16xf32>, vector<16xf32>
      }
      %scan3A_43 = arith.constant 64 : i32
      %reduce_sum3A = arith.constant true
      %reduce_sum3A_44 = vector.broadcast %reduce_sum3A : i1 to vector<16xi1>
      %reduce_sum3A_45 = tpu.scan <sum>, %scan3A_42#0 masked %reduce_sum3A_44 : vector<16xf32>, vector<16xi1> -> vector<16xf32>
      %reduce_sum3A_46 = vector.extract %reduce_sum3A_45[15] : f32 from vector<16xf32>
      %broadcast_in_dim3A_47 = vector.broadcast %reduce_sum3A_46 : f32 to vector<16xf32>
      %swap3A = arith.index_cast %scan3A_37 : i32 to index
      %swap3A_48 = arith.constant 0 : index
      %swap3A_49 = tpu.vector_load %arg16[%swap3A, %swap3A_48] {strides = array<i32>} : memref<8x16xf32, #tpu.memory_space<vmem>>, vector<16xf32>,
      tpu.vector_store %arg16[%swap3A, %swap3A_48], %broadcast_in_dim3A_47 {strides = array<i32>} : memref<8x16xf32, #tpu.memory_space<vmem>>, vector<16xf32>,
      %reduce_sum3A_50 = arith.constant true
      %reduce_sum3A_51 = vector.broadcast %reduce_sum3A_50 : i1 to vector<16xi1>
      %reduce_sum3A_52 = tpu.scan <sum>, %scan3A_42#1 masked %reduce_sum3A_51 : vector<16xf32>, vector<16xi1> -> vector<16xf32>
      %reduce_sum3A_53 = vector.extract %reduce_sum3A_52[15] : f32 from vector<16xf32>
      %broadcast_in_dim3A_54 = vector.broadcast %reduce_sum3A_53 : f32 to vector<16xf32>
      %swap3A_55 = arith.index_cast %scan3A_37 : i32 to index
      %swap3A_56 = arith.constant 0 : index
      %swap3A_57 = tpu.vector_load %arg17[%swap3A_55, %swap3A_56] {strides = array<i32>} : memref<8x16xf32, #tpu.memory_space<vmem>>, vector<16xf32>,
      tpu.vector_store %arg17[%swap3A_55, %swap3A_56], %broadcast_in_dim3A_54 {strides = array<i32>} : memref<8x16xf32, #tpu.memory_space<vmem>>, vector<16xf32>,
      %reduce_sum3A_58 = arith.constant true
      %reduce_sum3A_59 = vector.broadcast %reduce_sum3A_58 : i1 to vector<16xi1>
      %reduce_sum3A_60 = tpu.scan <sum>, %scan3A_42#2 masked %reduce_sum3A_59 : vector<16xf32>, vector<16xi1> -> vector<16xf32>
      %reduce_sum3A_61 = vector.extract %reduce_sum3A_60[15] : f32 from vector<16xf32>
      %broadcast_in_dim3A_62 = vector.broadcast %reduce_sum3A_61 : f32 to vector<16xf32>
      %swap3A_63 = arith.index_cast %scan3A_37 : i32 to index
      %swap3A_64 = arith.constant 0 : index
      %swap3A_65 = tpu.vector_load %arg18[%swap3A_63, %swap3A_64] {strides = array<i32>} : memref<8x16xf32, #tpu.memory_space<vmem>>, vector<16xf32>,
      tpu.vector_store %arg18[%swap3A_63, %swap3A_64], %broadcast_in_dim3A_62 {strides = array<i32>} : memref<8x16xf32, #tpu.memory_space<vmem>>, vector<16xf32>,
      %swap3A_66 = arith.index_cast %scan3A_37 : i32 to index
      %swap3A_67 = arith.constant 0 : index
      %swap3A_68 = tpu.vector_load %arg19[%swap3A_66, %swap3A_67] {strides = array<i32>} : memref<8x16xf32, #tpu.memory_space<vmem>>, vector<16xf32>,
      tpu.vector_store %arg19[%swap3A_66, %swap3A_67], %broadcast_in_dim3A_1 {strides = array<i32>} : memref<8x16xf32, #tpu.memory_space<vmem>>, vector<16xf32>,
      %scan3A_69 = arith.constant 0 : i32
      %scan3A_70 = arith.constant 64 : i32
      %scan3A_71 = arith.addi %scan3A_69, %scan3A_70 : i32
      %scan3A_72 = arith.constant 1 : i32
      scf.for %scan3A_74 = %scan3A_69 to %scan3A_71 step %scan3A_72  : i32 {
        %mul3A_75 = arith.constant 16 : i32
        %mul3A_76 = arith.muli %scan3A_74, %mul3A_75 : i32
        %swap3A_77 = arith.index_cast %scan3A_37 : i32 to index
        %swap3A_78 = arith.index_cast %mul3A_76 : i32 to index
        %swap3A_79 = tpu.vector_load %arg15[%swap3A_77, %swap3A_78] {strides = array<i32>} : memref<8x1024xf32, #tpu.memory_space<vmem>>, vector<16xf32>,
        tpu.vector_store %arg15[%swap3A_77, %swap3A_78], %broadcast_in_dim3A_1 {strides = array<i32>} : memref<8x1024xf32, #tpu.memory_space<vmem>>, vector<16xf32>,
      }
      %scan3A_73 = arith.constant 64 : i32
    }
    %scan3A_24 = arith.constant 8 : i32
    %scan3A_25 = arith.constant 0 : i32
    %scan3A_26 = arith.constant 0 : i32
    %scan3A_27 = arith.constant 5 : i32
    %scan3A_28 = arith.addi %scan3A_26, %scan3A_27 : i32
    %scan3A_29 = arith.constant 1 : i32
    scf.for %scan3A_37 = %scan3A_26 to %scan3A_28 step %scan3A_29  : i32 {
      %mul3A_38 = arith.constant 2 : i32
      %mul3A_39 = arith.muli %mul3A_38, %scan3A_37 : i32
      %add3A_40 = arith.constant 1 : i32
      %add3A_41 = arith.addi %mul3A_39, %add3A_40 : i32
      %lt3A = arith.constant 10 : i32
      %lt3A_42 = arith.cmpi slt, %add3A_41, %lt3A : i32
      %convert_element_type3A = arith.extui %lt3A_42 : i1 to i32
      %cond3A = arith.constant 0 : i32
      %cond3A_43 = arith.cmpi ne, %convert_element_type3A, %cond3A : i32
      scf.if %cond3A_43 {
        %add3A_89 = arith.constant 1 : i32
        %add3A_90 = arith.addi %mul3A_39, %add3A_89 : i32
        %mul3A_91 = arith.constant 5 : i32
        %mul3A_92 = arith.muli %add3A_90, %mul3A_91 : i32
        %jit3A_93 = arith.constant 2 : i32
        %eq3A_94 = arith.constant 0 : i32
        %eq3A_95 = arith.cmpi eq, %jit3A_93, %eq3A_94 : i32
        %jit3A_96 = arith.constant 1 : i32
        %select_n3A_97 = arith.select %eq3A_95, %jit3A_96, %jit3A_93 : i32
        %rem3A_98 = arith.remsi %add3A_90, %select_n3A_97 : i32
        %ne3A_99 = arith.constant 0 : i32
        %ne3A_100 = arith.cmpi ne, %rem3A_98, %ne3A_99 : i32
        %lt3A_101 = arith.constant 0 : i32
        %lt3A_102 = arith.cmpi slt, %rem3A_98, %lt3A_101 : i32
        %lt3A_103 = arith.constant 0 : i32
        %lt3A_104 = arith.cmpi slt, %select_n3A_97, %lt3A_103 : i32
        %ne3A_105 = arith.xori %lt3A_102, %lt3A_104 : i1
        %and3A_106 = arith.andi %ne3A_105, %ne3A_100 : i1
        %add3A_107 = arith.addi %rem3A_98, %select_n3A_97 : i32
        %select_n3A_108 = arith.select %and3A_106, %add3A_107, %rem3A_98 : i32
        %dma_start3A_109 = arith.constant 0 : i32
        %dma_start3A_110 = arith.constant 0 : i32
        %dma_start3A_111 = arith.constant 0 : i32
        %dma_start3A_112 = tpu.memref_slice %arg10[%select_n3A_108, %dma_start3A_109, %dma_start3A_110, %dma_start3A_111] : memref<2x5x8x1024xf32, #tpu.memory_space<vmem>> -> memref<1x5x8x1024xf32, #tpu.memory_space<vmem>>
        %dma_start3A_113 = tpu.memref_squeeze %dma_start3A_112 : memref<1x5x8x1024xf32, #tpu.memory_space<vmem>> -> memref<5x8x1024xf32, #tpu.memory_space<vmem>>
        %dma_start3A_114 = arith.constant 0 : i32
        %dma_start3A_115 = tpu.memref_slice %arg3[%mul3A_92, %mul3A_3, %dma_start3A_114] : memref<50x1000x1024xf32, #tpu.memory_space<hbm>> -> memref<5x8x1024xf32, #tpu.memory_space<hbm>>
        %dma_start3A_116 = arith.constant 0 : i32
        %dma_start3A_117 = arith.constant 0 : i32
        %dma_start3A_118 = arith.constant 0 : i32
        %dma_start3A_119 = tpu.memref_slice %arg10[%select_n3A_108, %dma_start3A_116, %dma_start3A_117, %dma_start3A_118] : memref<2x5x8x1024xf32, #tpu.memory_space<vmem>> -> memref<1x5x8x1024xf32, #tpu.memory_space<vmem>>
        %dma_start3A_120 = tpu.memref_squeeze %dma_start3A_119 : memref<1x5x8x1024xf32, #tpu.memory_space<vmem>> -> memref<5x8x1024xf32, #tpu.memory_space<vmem>>
        %dma_start3A_121 = arith.constant 0 : i32
        %dma_start3A_122 = tpu.memref_slice %arg3[%mul3A_92, %mul3A_3, %dma_start3A_121] : memref<50x1000x1024xf32, #tpu.memory_space<hbm>> -> memref<5x8x1024xf32, #tpu.memory_space<hbm>>
        tpu.enqueue_dma source(%dma_start3A_122 : memref<5x8x1024xf32, #tpu.memory_space<hbm>>) target(%dma_start3A_120 : memref<5x8x1024xf32, #tpu.memory_space<vmem>>) target_semaphore(%arg24 : memref<!tpu.dma_semaphore, #tpu.memory_space<semaphore_mem>>)
      } else {
      }
      %mul3A_44 = arith.constant 5 : i32
      %mul3A_45 = arith.muli %mul3A_39, %mul3A_44 : i32
      %jit3A = arith.constant 2 : i32
      %eq3A = arith.constant 0 : i32
      %eq3A_46 = arith.cmpi eq, %jit3A, %eq3A : i32
      %jit3A_47 = arith.constant 1 : i32
      %select_n3A = arith.select %eq3A_46, %jit3A_47, %jit3A : i32
      %rem3A = arith.remsi %mul3A_39, %select_n3A : i32
      %ne3A = arith.constant 0 : i32
      %ne3A_48 = arith.cmpi ne, %rem3A, %ne3A : i32
      %lt3A_49 = arith.constant 0 : i32
      %lt3A_50 = arith.cmpi slt, %rem3A, %lt3A_49 : i32
      %lt3A_51 = arith.constant 0 : i32
      %lt3A_52 = arith.cmpi slt, %select_n3A, %lt3A_51 : i32
      %ne3A_53 = arith.xori %lt3A_50, %lt3A_52 : i1
      %and3A = arith.andi %ne3A_53, %ne3A_48 : i1
      %add3A_54 = arith.addi %rem3A, %select_n3A : i32
      %select_n3A_55 = arith.select %and3A, %add3A_54, %rem3A : i32
      %dma_wait3A = arith.constant 0 : i32
      %dma_wait3A_56 = arith.constant 0 : i32
      %dma_wait3A_57 = arith.constant 0 : i32
      %dma_wait3A_58 = tpu.memref_slice %arg10[%select_n3A_55, %dma_wait3A, %dma_wait3A_56, %dma_wait3A_57] : memref<2x5x8x1024xf32, #tpu.memory_space<vmem>> -> memref<1x5x8x1024xf32, #tpu.memory_space<vmem>>
      %dma_wait3A_59 = tpu.memref_squeeze %dma_wait3A_58 : memref<1x5x8x1024xf32, #tpu.memory_space<vmem>> -> memref<5x8x1024xf32, #tpu.memory_space<vmem>>
      %dma_wait3A_60 = arith.constant 0 : i32
      %dma_wait3A_61 = tpu.memref_slice %arg3[%mul3A_45, %mul3A_3, %dma_wait3A_60] : memref<50x1000x1024xf32, #tpu.memory_space<hbm>> -> memref<5x8x1024xf32, #tpu.memory_space<hbm>>
      %dma_wait3A_62 = arith.constant 0 : i32
      %dma_wait3A_63 = arith.constant 0 : i32
      %dma_wait3A_64 = arith.constant 0 : i32
      %dma_wait3A_65 = tpu.memref_slice %arg10[%select_n3A_55, %dma_wait3A_62, %dma_wait3A_63, %dma_wait3A_64] : memref<2x5x8x1024xf32, #tpu.memory_space<vmem>> -> memref<1x5x8x1024xf32, #tpu.memory_space<vmem>>
      %dma_wait3A_66 = tpu.memref_squeeze %dma_wait3A_65 : memref<1x5x8x1024xf32, #tpu.memory_space<vmem>> -> memref<5x8x1024xf32, #tpu.memory_space<vmem>>
      %dma_wait3A_67 = arith.constant 0 : i32
      %dma_wait3A_68 = tpu.memref_slice %arg3[%mul3A_45, %mul3A_3, %dma_wait3A_67] : memref<50x1000x1024xf32, #tpu.memory_space<hbm>> -> memref<5x8x1024xf32, #tpu.memory_space<hbm>>
      tpu.wait_dma2 semaphore(%arg23 : memref<!tpu.dma_semaphore, #tpu.memory_space<semaphore_mem>>) src(%dma_wait3A_68 : memref<5x8x1024xf32, #tpu.memory_space<hbm>>) dst(%dma_wait3A_66 : memref<5x8x1024xf32, #tpu.memory_space<vmem>>)
      %scan3A_69 = arith.constant 0 : i32
      %scan3A_70 = arith.constant 0 : i32
      %scan3A_71 = arith.constant 8 : i32
      %scan3A_72 = arith.addi %scan3A_70, %scan3A_71 : i32
      %scan3A_73 = arith.constant 1 : i32
      scf.for %scan3A_89 = %scan3A_70 to %scan3A_72 step %scan3A_73  : i32 {
        %scan3A_90 = arith.constant 0 : i32
        %scan3A_91 = arith.constant 64 : i32
        %scan3A_92 = arith.addi %scan3A_90, %scan3A_91 : i32
        %scan3A_93 = arith.constant 2 : i32
        %scan3A_94:25 = scf.for %scan3A_755 = %scan3A_90 to %scan3A_92 step %scan3A_93 iter_args(%scan3A_756 = %broadcast_in_dim3A_1, %scan3A_757 = %broadcast_in_dim3A_1, %scan3A_758 = %broadcast_in_dim3A_1, %scan3A_759 = %broadcast_in_dim3A_1, %scan3A_760 = %broadcast_in_dim3A_1, %scan3A_761 = %broadcast_in_dim3A_1, %scan3A_762 = %broadcast_in_dim3A_1, %scan3A_763 = %broadcast_in_dim3A_1, %scan3A_764 = %broadcast_in_dim3A_1, %scan3A_765 = %broadcast_in_dim3A_1, %scan3A_766 = %broadcast_in_dim3A_1, %scan3A_767 = %broadcast_in_dim3A_1, %scan3A_768 = %broadcast_in_dim3A_1, %scan3A_769 = %broadcast_in_dim3A_1, %scan3A_770 = %broadcast_in_dim3A_1, %scan3A_771 = %broadcast_in_dim3A_1, %scan3A_772 = %broadcast_in_dim3A_1, %scan3A_773 = %broadcast_in_dim3A_1, %scan3A_774 = %broadcast_in_dim3A_1, %scan3A_775 = %broadcast_in_dim3A_1, %scan3A_776 = %broadcast_in_dim3A_1, %scan3A_777 = %broadcast_in_dim3A_1, %scan3A_778 = %broadcast_in_dim3A_1, %scan3A_779 = %broadcast_in_dim3A_1, %scan3A_780 = %broadcast_in_dim3A_1) -> (vector<16xf32>, vector<16xf32>, vector<16xf32>, vector<16xf32>, vector<16xf32>, vector<16xf32>, vector<16xf32>, vector<16xf32>, vector<16xf32>, vector<16xf32>, vector<16xf32>, vector<16xf32>, vector<16xf32>, vector<16xf32>, vector<16xf32>, vector<16xf32>, vector<16xf32>, vector<16xf32>, vector<16xf32>, vector<16xf32>, vector<16xf32>, vector<16xf32>, vector<16xf32>, vector<16xf32>, vector<16xf32>)  : i32 {
          %mul3A_781 = arith.constant 16 : i32
          %mul3A_782 = arith.muli %scan3A_755, %mul3A_781 : i32
          %get3A_783 = arith.constant 0 : i32
          %get3A_784 = arith.index_cast %get3A_783 : i32 to index
          %get3A_785 = arith.index_cast %mul3A_782 : i32 to index
          %get3A_786 = tpu.vector_load %arg20[%get3A_784, %get3A_785] {strides = array<i32>} : memref<1x1024xf32, #tpu.memory_space<vmem>>, vector<16xf32>,
          %get3A_787 = arith.index_cast %scan3A_89 : i32 to index
          %get3A_788 = arith.index_cast %mul3A_782 : i32 to index
          %get3A_789 = tpu.vector_load %arg11[%get3A_787, %get3A_788] {strides = array<i32>} : memref<8x1024xf32, #tpu.memory_space<vmem>>, vector<16xf32>,
          %get3A_790 = arith.index_cast %scan3A_89 : i32 to index
          %get3A_791 = arith.index_cast %mul3A_782 : i32 to index
          %get3A_792 = tpu.vector_load %arg12[%get3A_790, %get3A_791] {strides = array<i32>} : memref<8x1024xf32, #tpu.memory_space<vmem>>, vector<16xf32>,
          %get3A_793 = arith.constant 0 : i32
          %get3A_794 = arith.constant 0 : i32
          %get3A_795 = arith.index_cast %get3A_793 : i32 to index
          %get3A_796 = arith.index_cast %get3A_794 : i32 to index
          %get3A_797 = arith.index_cast %scan3A_89 : i32 to index
          %get3A_798 = arith.index_cast %mul3A_782 : i32 to index
          %get3A_799 = tpu.vector_load %arg10[%get3A_795, %get3A_796, %get3A_797, %get3A_798] {strides = array<i32>} : memref<2x5x8x1024xf32, #tpu.memory_space<vmem>>, vector<16xf32>,
          %mul3A_800 = arith.mulf %get3A_799, %get3A_786 : vector<16xf32>
          %add3A_801 = arith.addf %scan3A_756, %mul3A_800 : vector<16xf32>
          %mul3A_802 = arith.mulf %get3A_799, %get3A_789 : vector<16xf32>
          %add3A_803 = arith.addf %scan3A_757, %mul3A_802 : vector<16xf32>
          %mul3A_804 = arith.mulf %get3A_799, %get3A_792 : vector<16xf32>
          %add3A_805 = arith.addf %scan3A_758, %mul3A_804 : vector<16xf32>
          %mul3A_806 = arith.mulf %get3A_799, %get3A_799 : vector<16xf32>
          %add3A_807 = arith.addf %scan3A_759, %mul3A_806 : vector<16xf32>
          %add3A_808 = arith.addf %scan3A_760, %get3A_799 : vector<16xf32>
          %get3A_809 = arith.constant 0 : i32
          %get3A_810 = arith.constant 1 : i32
          %get3A_811 = arith.index_cast %get3A_809 : i32 to index
          %get3A_812 = arith.index_cast %get3A_810 : i32 to index
          %get3A_813 = arith.index_cast %scan3A_89 : i32 to index
          %get3A_814 = arith.index_cast %mul3A_782 : i32 to index
          %get3A_815 = tpu.vector_load %arg10[%get3A_811, %get3A_812, %get3A_813, %get3A_814] {strides = array<i32>} : memref<2x5x8x1024xf32, #tpu.memory_space<vmem>>, vector<16xf32>,
          %mul3A_816 = arith.mulf %get3A_815, %get3A_786 : vector<16xf32>
          %add3A_817 = arith.addf %scan3A_761, %mul3A_816 : vector<16xf32>
          %mul3A_818 = arith.mulf %get3A_815, %get3A_789 : vector<16xf32>
          %add3A_819 = arith.addf %scan3A_762, %mul3A_818 : vector<16xf32>
          %mul3A_820 = arith.mulf %get3A_815, %get3A_792 : vector<16xf32>
          %add3A_821 = arith.addf %scan3A_763, %mul3A_820 : vector<16xf32>
          %mul3A_822 = arith.mulf %get3A_815, %get3A_815 : vector<16xf32>
          %add3A_823 = arith.addf %scan3A_764, %mul3A_822 : vector<16xf32>
          %add3A_824 = arith.addf %scan3A_765, %get3A_815 : vector<16xf32>
          %get3A_825 = arith.constant 0 : i32
          %get3A_826 = arith.constant 2 : i32
          %get3A_827 = arith.index_cast %get3A_825 : i32 to index
          %get3A_828 = arith.index_cast %get3A_826 : i32 to index
          %get3A_829 = arith.index_cast %scan3A_89 : i32 to index
          %get3A_830 = arith.index_cast %mul3A_782 : i32 to index
          %get3A_831 = tpu.vector_load %arg10[%get3A_827, %get3A_828, %get3A_829, %get3A_830] {strides = array<i32>} : memref<2x5x8x1024xf32, #tpu.memory_space<vmem>>, vector<16xf32>,
          %mul3A_832 = arith.mulf %get3A_831, %get3A_786 : vector<16xf32>
          %add3A_833 = arith.addf %scan3A_766, %mul3A_832 : vector<16xf32>
          %mul3A_834 = arith.mulf %get3A_831, %get3A_789 : vector<16xf32>
          %add3A_835 = arith.addf %scan3A_767, %mul3A_834 : vector<16xf32>
          %mul3A_836 = arith.mulf %get3A_831, %get3A_792 : vector<16xf32>
          %add3A_837 = arith.addf %scan3A_768, %mul3A_836 : vector<16xf32>
          %mul3A_838 = arith.mulf %get3A_831, %get3A_831 : vector<16xf32>
          %add3A_839 = arith.addf %scan3A_769, %mul3A_838 : vector<16xf32>
          %add3A_840 = arith.addf %scan3A_770, %get3A_831 : vector<16xf32>
          %get3A_841 = arith.constant 0 : i32
          %get3A_842 = arith.constant 3 : i32
          %get3A_843 = arith.index_cast %get3A_841 : i32 to index
          %get3A_844 = arith.index_cast %get3A_842 : i32 to index
          %get3A_845 = arith.index_cast %scan3A_89 : i32 to index
          %get3A_846 = arith.index_cast %mul3A_782 : i32 to index
          %get3A_847 = tpu.vector_load %arg10[%get3A_843, %get3A_844, %get3A_845, %get3A_846] {strides = array<i32>} : memref<2x5x8x1024xf32, #tpu.memory_space<vmem>>, vector<16xf32>,
          %mul3A_848 = arith.mulf %get3A_847, %get3A_786 : vector<16xf32>
          %add3A_849 = arith.addf %scan3A_771, %mul3A_848 : vector<16xf32>
          %mul3A_850 = arith.mulf %get3A_847, %get3A_789 : vector<16xf32>
          %add3A_851 = arith.addf %scan3A_772, %mul3A_850 : vector<16xf32>
          %mul3A_852 = arith.mulf %get3A_847, %get3A_792 : vector<16xf32>
          %add3A_853 = arith.addf %scan3A_773, %mul3A_852 : vector<16xf32>
          %mul3A_854 = arith.mulf %get3A_847, %get3A_847 : vector<16xf32>
          %add3A_855 = arith.addf %scan3A_774, %mul3A_854 : vector<16xf32>
          %add3A_856 = arith.addf %scan3A_775, %get3A_847 : vector<16xf32>
          %get3A_857 = arith.constant 0 : i32
          %get3A_858 = arith.constant 4 : i32
          %get3A_859 = arith.index_cast %get3A_857 : i32 to index
          %get3A_860 = arith.index_cast %get3A_858 : i32 to index
          %get3A_861 = arith.index_cast %scan3A_89 : i32 to index
          %get3A_862 = arith.index_cast %mul3A_782 : i32 to index
          %get3A_863 = tpu.vector_load %arg10[%get3A_859, %get3A_860, %get3A_861, %get3A_862] {strides = array<i32>} : memref<2x5x8x1024xf32, #tpu.memory_space<vmem>>, vector<16xf32>,
          %mul3A_864 = arith.mulf %get3A_863, %get3A_786 : vector<16xf32>
          %add3A_865 = arith.addf %scan3A_776, %mul3A_864 : vector<16xf32>
          %mul3A_866 = arith.mulf %get3A_863, %get3A_789 : vector<16xf32>
          %add3A_867 = arith.addf %scan3A_777, %mul3A_866 : vector<16xf32>
          %mul3A_868 = arith.mulf %get3A_863, %get3A_792 : vector<16xf32>
          %add3A_869 = arith.addf %scan3A_778, %mul3A_868 : vector<16xf32>
          %mul3A_870 = arith.mulf %get3A_863, %get3A_863 : vector<16xf32>
          %add3A_871 = arith.addf %scan3A_779, %mul3A_870 : vector<16xf32>
          %add3A_872 = arith.addf %scan3A_780, %get3A_863 : vector<16xf32>
          %scan3A_873 = arith.constant 1 : i32
          %scan3A_874 = arith.addi %scan3A_755, %scan3A_873 : i32
          %mul3A_875 = arith.constant 16 : i32
          %mul3A_876 = arith.muli %scan3A_874, %mul3A_875 : i32
          %get3A_877 = arith.constant 0 : i32
          %get3A_878 = arith.index_cast %get3A_877 : i32 to index
          %get3A_879 = arith.index_cast %mul3A_876 : i32 to index
          %get3A_880 = tpu.vector_load %arg20[%get3A_878, %get3A_879] {strides = array<i32>} : memref<1x1024xf32, #tpu.memory_space<vmem>>, vector<16xf32>,
          %get3A_881 = arith.index_cast %scan3A_89 : i32 to index
          %get3A_882 = arith.index_cast %mul3A_876 : i32 to index
          %get3A_883 = tpu.vector_load %arg11[%get3A_881, %get3A_882] {strides = array<i32>} : memref<8x1024xf32, #tpu.memory_space<vmem>>, vector<16xf32>,
          %get3A_884 = arith.index_cast %scan3A_89 : i32 to index
          %get3A_885 = arith.index_cast %mul3A_876 : i32 to index
          %get3A_886 = tpu.vector_load %arg12[%get3A_884, %get3A_885] {strides = array<i32>} : memref<8x1024xf32, #tpu.memory_space<vmem>>, vector<16xf32>,
          %get3A_887 = arith.constant 0 : i32
          %get3A_888 = arith.constant 0 : i32
          %get3A_889 = arith.index_cast %get3A_887 : i32 to index
          %get3A_890 = arith.index_cast %get3A_888 : i32 to index
          %get3A_891 = arith.index_cast %scan3A_89 : i32 to index
          %get3A_892 = arith.index_cast %mul3A_876 : i32 to index
          %get3A_893 = tpu.vector_load %arg10[%get3A_889, %get3A_890, %get3A_891, %get3A_892] {strides = array<i32>} : memref<2x5x8x1024xf32, #tpu.memory_space<vmem>>, vector<16xf32>,
          %mul3A_894 = arith.mulf %get3A_893, %get3A_880 : vector<16xf32>
          %add3A_895 = arith.addf %add3A_801, %mul3A_894 : vector<16xf32>
          %mul3A_896 = arith.mulf %get3A_893, %get3A_883 : vector<16xf32>
          %add3A_897 = arith.addf %add3A_803, %mul3A_896 : vector<16xf32>
          %mul3A_898 = arith.mulf %get3A_893, %get3A_886 : vector<16xf32>
          %add3A_899 = arith.addf %add3A_805, %mul3A_898 : vector<16xf32>
          %mul3A_900 = arith.mulf %get3A_893, %get3A_893 : vector<16xf32>
          %add3A_901 = arith.addf %add3A_807, %mul3A_900 : vector<16xf32>
          %add3A_902 = arith.addf %add3A_808, %get3A_893 : vector<16xf32>
          %get3A_903 = arith.constant 0 : i32
          %get3A_904 = arith.constant 1 : i32
          %get3A_905 = arith.index_cast %get3A_903 : i32 to index
          %get3A_906 = arith.index_cast %get3A_904 : i32 to index
          %get3A_907 = arith.index_cast %scan3A_89 : i32 to index
          %get3A_908 = arith.index_cast %mul3A_876 : i32 to index
          %get3A_909 = tpu.vector_load %arg10[%get3A_905, %get3A_906, %get3A_907, %get3A_908] {strides = array<i32>} : memref<2x5x8x1024xf32, #tpu.memory_space<vmem>>, vector<16xf32>,
          %mul3A_910 = arith.mulf %get3A_909, %get3A_880 : vector<16xf32>
          %add3A_911 = arith.addf %add3A_817, %mul3A_910 : vector<16xf32>
          %mul3A_912 = arith.mulf %get3A_909, %get3A_883 : vector<16xf32>
          %add3A_913 = arith.addf %add3A_819, %mul3A_912 : vector<16xf32>
          %mul3A_914 = arith.mulf %get3A_909, %get3A_886 : vector<16xf32>
          %add3A_915 = arith.addf %add3A_821, %mul3A_914 : vector<16xf32>
          %mul3A_916 = arith.mulf %get3A_909, %get3A_909 : vector<16xf32>
          %add3A_917 = arith.addf %add3A_823, %mul3A_916 : vector<16xf32>
          %add3A_918 = arith.addf %add3A_824, %get3A_909 : vector<16xf32>
          %get3A_919 = arith.constant 0 : i32
          %get3A_920 = arith.constant 2 : i32
          %get3A_921 = arith.index_cast %get3A_919 : i32 to index
          %get3A_922 = arith.index_cast %get3A_920 : i32 to index
          %get3A_923 = arith.index_cast %scan3A_89 : i32 to index
          %get3A_924 = arith.index_cast %mul3A_876 : i32 to index
          %get3A_925 = tpu.vector_load %arg10[%get3A_921, %get3A_922, %get3A_923, %get3A_924] {strides = array<i32>} : memref<2x5x8x1024xf32, #tpu.memory_space<vmem>>, vector<16xf32>,
          %mul3A_926 = arith.mulf %get3A_925, %get3A_880 : vector<16xf32>
          %add3A_927 = arith.addf %add3A_833, %mul3A_926 : vector<16xf32>
          %mul3A_928 = arith.mulf %get3A_925, %get3A_883 : vector<16xf32>
          %add3A_929 = arith.addf %add3A_835, %mul3A_928 : vector<16xf32>
          %mul3A_930 = arith.mulf %get3A_925, %get3A_886 : vector<16xf32>
          %add3A_931 = arith.addf %add3A_837, %mul3A_930 : vector<16xf32>
          %mul3A_932 = arith.mulf %get3A_925, %get3A_925 : vector<16xf32>
          %add3A_933 = arith.addf %add3A_839, %mul3A_932 : vector<16xf32>
          %add3A_934 = arith.addf %add3A_840, %get3A_925 : vector<16xf32>
          %get3A_935 = arith.constant 0 : i32
          %get3A_936 = arith.constant 3 : i32
          %get3A_937 = arith.index_cast %get3A_935 : i32 to index
          %get3A_938 = arith.index_cast %get3A_936 : i32 to index
          %get3A_939 = arith.index_cast %scan3A_89 : i32 to index
          %get3A_940 = arith.index_cast %mul3A_876 : i32 to index
          %get3A_941 = tpu.vector_load %arg10[%get3A_937, %get3A_938, %get3A_939, %get3A_940] {strides = array<i32>} : memref<2x5x8x1024xf32, #tpu.memory_space<vmem>>, vector<16xf32>,
          %mul3A_942 = arith.mulf %get3A_941, %get3A_880 : vector<16xf32>
          %add3A_943 = arith.addf %add3A_849, %mul3A_942 : vector<16xf32>
          %mul3A_944 = arith.mulf %get3A_941, %get3A_883 : vector<16xf32>
          %add3A_945 = arith.addf %add3A_851, %mul3A_944 : vector<16xf32>
          %mul3A_946 = arith.mulf %get3A_941, %get3A_886 : vector<16xf32>
          %add3A_947 = arith.addf %add3A_853, %mul3A_946 : vector<16xf32>
          %mul3A_948 = arith.mulf %get3A_941, %get3A_941 : vector<16xf32>
          %add3A_949 = arith.addf %add3A_855, %mul3A_948 : vector<16xf32>
          %add3A_950 = arith.addf %add3A_856, %get3A_941 : vector<16xf32>
          %get3A_951 = arith.constant 0 : i32
          %get3A_952 = arith.constant 4 : i32
          %get3A_953 = arith.index_cast %get3A_951 : i32 to index
          %get3A_954 = arith.index_cast %get3A_952 : i32 to index
          %get3A_955 = arith.index_cast %scan3A_89 : i32 to index
          %get3A_956 = arith.index_cast %mul3A_876 : i32 to index
          %get3A_957 = tpu.vector_load %arg10[%get3A_953, %get3A_954, %get3A_955, %get3A_956] {strides = array<i32>} : memref<2x5x8x1024xf32, #tpu.memory_space<vmem>>, vector<16xf32>,
          %mul3A_958 = arith.mulf %get3A_957, %get3A_880 : vector<16xf32>
          %add3A_959 = arith.addf %add3A_865, %mul3A_958 : vector<16xf32>
          %mul3A_960 = arith.mulf %get3A_957, %get3A_883 : vector<16xf32>
          %add3A_961 = arith.addf %add3A_867, %mul3A_960 : vector<16xf32>
          %mul3A_962 = arith.mulf %get3A_957, %get3A_886 : vector<16xf32>
          %add3A_963 = arith.addf %add3A_869, %mul3A_962 : vector<16xf32>
          %mul3A_964 = arith.mulf %get3A_957, %get3A_957 : vector<16xf32>
          %add3A_965 = arith.addf %add3A_871, %mul3A_964 : vector<16xf32>
          %add3A_966 = arith.addf %add3A_872, %get3A_957 : vector<16xf32>
          scf.yield %add3A_895, %add3A_897, %add3A_899, %add3A_901, %add3A_902, %add3A_911, %add3A_913, %add3A_915, %add3A_917, %add3A_918, %add3A_927, %add3A_929, %add3A_931, %add3A_933, %add3A_934, %add3A_943, %add3A_945, %add3A_947, %add3A_949, %add3A_950, %add3A_959, %add3A_961, %add3A_963, %add3A_965, %add3A_966 : vector<16xf32>, vector<16xf32>, vector<16xf32>, vector<16xf32>, vector<16xf32>, vector<16xf32>, vector<16xf32>, vector<16xf32>, vector<16xf32>, vector<16xf32>, vector<16xf32>, vector<16xf32>, vector<16xf32>, vector<16xf32>, vector<16xf32>, vector<16xf32>, vector<16xf32>, vector<16xf32>, vector<16xf32>, vector<16xf32>, vector<16xf32>, vector<16xf32>, vector<16xf32>, vector<16xf32>, vector<16xf32>
        }
        %scan3A_95 = arith.constant 64 : i32
        %reduce_sum3A = arith.constant true
        %reduce_sum3A_96 = vector.broadcast %reduce_sum3A : i1 to vector<16xi1>
        %reduce_sum3A_97 = tpu.scan <sum>, %scan3A_94#3 masked %reduce_sum3A_96 : vector<16xf32>, vector<16xi1> -> vector<16xf32>
        %reduce_sum3A_98 = vector.extract %reduce_sum3A_97[15] : f32 from vector<16xf32>
        %broadcast_in_dim3A_99 = vector.broadcast %reduce_sum3A_98 : f32 to vector<16xf32>
        %reduce_sum3A_100 = arith.constant true
        %reduce_sum3A_101 = vector.broadcast %reduce_sum3A_100 : i1 to vector<16xi1>
        %reduce_sum3A_102 = tpu.scan <sum>, %scan3A_94#1 masked %reduce_sum3A_101 : vector<16xf32>, vector<16xi1> -> vector<16xf32>
        %reduce_sum3A_103 = vector.extract %reduce_sum3A_102[15] : f32 from vector<16xf32>
        %broadcast_in_dim3A_104 = vector.broadcast %reduce_sum3A_103 : f32 to vector<16xf32>
        %mul3A_105 = arith.constant 2.000000e+00 : f32
        %mul3A_106 = vector.broadcast %mul3A_105 : f32 to vector<16xf32>
        %mul3A_107 = arith.mulf %mul3A_106, %broadcast_in_dim3A_104 : vector<16xf32>
        %add3A_108 = arith.addf %broadcast_in_dim3A_99, %mul3A_107 : vector<16xf32>
        %get3A = arith.index_cast %scan3A_89 : i32 to index
        %get3A_109 = arith.constant 0 : index
        %get3A_110 = tpu.vector_load %arg16[%get3A, %get3A_109] {strides = array<i32>} : memref<8x16xf32, #tpu.memory_space<vmem>>, vector<16xf32>,
        %add3A_111 = arith.addf %add3A_108, %get3A_110 : vector<16xf32>
        %reduce_sum3A_112 = arith.constant true
        %reduce_sum3A_113 = vector.broadcast %reduce_sum3A_112 : i1 to vector<16xi1>
        %reduce_sum3A_114 = tpu.scan <sum>, %scan3A_94#2 masked %reduce_sum3A_113 : vector<16xf32>, vector<16xi1> -> vector<16xf32>
        %reduce_sum3A_115 = vector.extract %reduce_sum3A_114[15] : f32 from vector<16xf32>
        %broadcast_in_dim3A_116 = vector.broadcast %reduce_sum3A_115 : f32 to vector<16xf32>
        %mul3A_117 = arith.constant 2.000000e+00 : f32
        %mul3A_118 = vector.broadcast %mul3A_117 : f32 to vector<16xf32>
        %mul3A_119 = arith.mulf %mul3A_118, %broadcast_in_dim3A_116 : vector<16xf32>
        %add3A_120 = arith.addf %broadcast_in_dim3A_99, %mul3A_119 : vector<16xf32>
        %get3A_121 = arith.index_cast %scan3A_89 : i32 to index
        %get3A_122 = arith.constant 0 : index
        %get3A_123 = tpu.vector_load %arg17[%get3A_121, %get3A_122] {strides = array<i32>} : memref<8x16xf32, #tpu.memory_space<vmem>>, vector<16xf32>,
        %add3A_124 = arith.addf %add3A_120, %get3A_123 : vector<16xf32>
        %reduce_sum3A_125 = arith.constant true
        %reduce_sum3A_126 = vector.broadcast %reduce_sum3A_125 : i1 to vector<16xi1>
        %reduce_sum3A_127 = tpu.scan <sum>, %scan3A_94#0 masked %reduce_sum3A_126 : vector<16xf32>, vector<16xi1> -> vector<16xf32>
        %reduce_sum3A_128 = vector.extract %reduce_sum3A_127[15] : f32 from vector<16xf32>
        %broadcast_in_dim3A_129 = vector.broadcast %reduce_sum3A_128 : f32 to vector<16xf32>
        %get3A_130 = arith.index_cast %scan3A_89 : i32 to index
        %get3A_131 = arith.constant 0 : index
        %get3A_132 = tpu.vector_load %arg18[%get3A_130, %get3A_131] {strides = array<i32>} : memref<8x16xf32, #tpu.memory_space<vmem>>, vector<16xf32>,
        %add3A_133 = arith.addf %broadcast_in_dim3A_129, %get3A_132 : vector<16xf32>
        %bitcast_convert_type3A = tpu.bitcast %add3A_111 : vector<16xf32> -> vector<16xi32>
        %shift_right_arithmetic3A = arith.constant 1 : i32
        %shift_right_arithmetic3A_134 = vector.broadcast %shift_right_arithmetic3A : i32 to vector<16xi32>
        %shift_right_arithmetic3A_135 = arith.shrsi %bitcast_convert_type3A, %shift_right_arithmetic3A_134 : vector<16xi32>
        %sub3A = arith.constant 1597463007 : i32
        %sub3A_136 = vector.broadcast %sub3A : i32 to vector<16xi32>
        %sub3A_137 = arith.subi %sub3A_136, %shift_right_arithmetic3A_135 : vector<16xi32>
        %bitcast_convert_type3A_138 = tpu.bitcast %sub3A_137 : vector<16xi32> -> vector<16xf32>
        %mul3A_139 = arith.constant 5.000000e-01 : f32
        %mul3A_140 = vector.broadcast %mul3A_139 : f32 to vector<16xf32>
        %mul3A_141 = arith.mulf %mul3A_140, %add3A_111 : vector<16xf32>
        %mul3A_142 = arith.mulf %mul3A_141, %bitcast_convert_type3A_138 : vector<16xf32>
        %mul3A_143 = arith.mulf %mul3A_142, %bitcast_convert_type3A_138 : vector<16xf32>
        %sub3A_144 = arith.constant 1.500000e+00 : f32
        %sub3A_145 = vector.broadcast %sub3A_144 : f32 to vector<16xf32>
        %sub3A_146 = arith.subf %sub3A_145, %mul3A_143 : vector<16xf32>
        %mul3A_147 = arith.mulf %bitcast_convert_type3A_138, %sub3A_146 : vector<16xf32>
        %mul3A_148 = arith.constant 5.000000e-01 : f32
        %mul3A_149 = vector.broadcast %mul3A_148 : f32 to vector<16xf32>
        %mul3A_150 = arith.mulf %mul3A_149, %add3A_111 : vector<16xf32>
        %mul3A_151 = arith.mulf %mul3A_150, %mul3A_147 : vector<16xf32>
        %mul3A_152 = arith.mulf %mul3A_151, %mul3A_147 : vector<16xf32>
        %sub3A_153 = arith.constant 1.500000e+00 : f32
        %sub3A_154 = vector.broadcast %sub3A_153 : f32 to vector<16xf32>
        %sub3A_155 = arith.subf %sub3A_154, %mul3A_152 : vector<16xf32>
        %mul3A_156 = arith.mulf %mul3A_147, %sub3A_155 : vector<16xf32>
        %mul3A_157 = arith.constant 5.000000e-01 : f32
        %mul3A_158 = vector.broadcast %mul3A_157 : f32 to vector<16xf32>
        %mul3A_159 = arith.mulf %mul3A_158, %add3A_111 : vector<16xf32>
        %mul3A_160 = arith.mulf %mul3A_159, %mul3A_156 : vector<16xf32>
        %mul3A_161 = arith.mulf %mul3A_160, %mul3A_156 : vector<16xf32>
        %sub3A_162 = arith.constant 1.500000e+00 : f32
        %sub3A_163 = vector.broadcast %sub3A_162 : f32 to vector<16xf32>
        %sub3A_164 = arith.subf %sub3A_163, %mul3A_161 : vector<16xf32>
        %mul3A_165 = arith.mulf %mul3A_156, %sub3A_164 : vector<16xf32>
        %mul3A_166 = arith.mulf %add3A_133, %mul3A_165 : vector<16xf32>
        %sub3A_167 = arith.constant 1.000000e+00 : f32
        %sub3A_168 = vector.broadcast %sub3A_167 : f32 to vector<16xf32>
        %sub3A_169 = arith.subf %mul3A_166, %sub3A_168 : vector<16xf32>
        %mul3A_170 = arith.constant 5.500000e+00 : f32
        %mul3A_171 = vector.broadcast %mul3A_170 : f32 to vector<16xf32>
        %mul3A_172 = arith.mulf %mul3A_171, %sub3A_169 : vector<16xf32>
        %exp3A = math.exp %mul3A_172 : vector<16xf32>
        %reduce_sum3A_173 = arith.constant true
        %reduce_sum3A_174 = vector.broadcast %reduce_sum3A_173 : i1 to vector<16xi1>
        %reduce_sum3A_175 = tpu.scan <sum>, %scan3A_94#4 masked %reduce_sum3A_174 : vector<16xf32>, vector<16xi1> -> vector<16xf32>
        %reduce_sum3A_176 = vector.extract %reduce_sum3A_175[15] : f32 from vector<16xf32>
        %broadcast_in_dim3A_177 = vector.broadcast %reduce_sum3A_176 : f32 to vector<16xf32>
        %eq3A_178 = arith.constant 0.000000e+00 : f32
        %eq3A_179 = vector.broadcast %eq3A_178 : f32 to vector<16xf32>
        %eq3A_180 = arith.cmpf oeq, %broadcast_in_dim3A_177, %eq3A_179 : vector<16xf32>
        %bitcast_convert_type3A_181 = tpu.bitcast %add3A_124 : vector<16xf32> -> vector<16xi32>
        %shift_right_arithmetic3A_182 = arith.constant 1 : i32
        %shift_right_arithmetic3A_183 = vector.broadcast %shift_right_arithmetic3A_182 : i32 to vector<16xi32>
        %shift_right_arithmetic3A_184 = arith.shrsi %bitcast_convert_type3A_181, %shift_right_arithmetic3A_183 : vector<16xi32>
        %sub3A_185 = arith.constant 1597463007 : i32
        %sub3A_186 = vector.broadcast %sub3A_185 : i32 to vector<16xi32>
        %sub3A_187 = arith.subi %sub3A_186, %shift_right_arithmetic3A_184 : vector<16xi32>
        %bitcast_convert_type3A_188 = tpu.bitcast %sub3A_187 : vector<16xi32> -> vector<16xf32>
        %mul3A_189 = arith.constant 5.000000e-01 : f32
        %mul3A_190 = vector.broadcast %mul3A_189 : f32 to vector<16xf32>
        %mul3A_191 = arith.mulf %mul3A_190, %add3A_124 : vector<16xf32>
        %mul3A_192 = arith.mulf %mul3A_191, %bitcast_convert_type3A_188 : vector<16xf32>
        %mul3A_193 = arith.mulf %mul3A_192, %bitcast_convert_type3A_188 : vector<16xf32>
        %sub3A_194 = arith.constant 1.500000e+00 : f32
        %sub3A_195 = vector.broadcast %sub3A_194 : f32 to vector<16xf32>
        %sub3A_196 = arith.subf %sub3A_195, %mul3A_193 : vector<16xf32>
        %mul3A_197 = arith.mulf %bitcast_convert_type3A_188, %sub3A_196 : vector<16xf32>
        %mul3A_198 = arith.constant 5.000000e-01 : f32
        %mul3A_199 = vector.broadcast %mul3A_198 : f32 to vector<16xf32>
        %mul3A_200 = arith.mulf %mul3A_199, %add3A_124 : vector<16xf32>
        %mul3A_201 = arith.mulf %mul3A_200, %mul3A_197 : vector<16xf32>
        %mul3A_202 = arith.mulf %mul3A_201, %mul3A_197 : vector<16xf32>
        %sub3A_203 = arith.constant 1.500000e+00 : f32
        %sub3A_204 = vector.broadcast %sub3A_203 : f32 to vector<16xf32>
        %sub3A_205 = arith.subf %sub3A_204, %mul3A_202 : vector<16xf32>
        %mul3A_206 = arith.mulf %mul3A_197, %sub3A_205 : vector<16xf32>
        %mul3A_207 = arith.constant 5.000000e-01 : f32
        %mul3A_208 = vector.broadcast %mul3A_207 : f32 to vector<16xf32>
        %mul3A_209 = arith.mulf %mul3A_208, %add3A_124 : vector<16xf32>
        %mul3A_210 = arith.mulf %mul3A_209, %mul3A_206 : vector<16xf32>
        %mul3A_211 = arith.mulf %mul3A_210, %mul3A_206 : vector<16xf32>
        %sub3A_212 = arith.constant 1.500000e+00 : f32
        %sub3A_213 = vector.broadcast %sub3A_212 : f32 to vector<16xf32>
        %sub3A_214 = arith.subf %sub3A_213, %mul3A_211 : vector<16xf32>
        %mul3A_215 = arith.mulf %mul3A_206, %sub3A_214 : vector<16xf32>
        %mul3A_216 = arith.mulf %exp3A, %mul3A_215 : vector<16xf32>
        %jit3A_217 = arith.constant 0.000000e+00 : f32
        %broadcast_in_dim3A_218 = vector.broadcast %jit3A_217 : f32 to vector<16xf32>
        %select_n3A_219 = arith.select %eq3A_180, %broadcast_in_dim3A_218, %mul3A_216 : vector<16xi1>, vector<16xf32>
        %reduce_sum3A_220 = arith.constant true
        %reduce_sum3A_221 = vector.broadcast %reduce_sum3A_220 : i1 to vector<16xi1>
        %reduce_sum3A_222 = tpu.scan <sum>, %scan3A_94#8 masked %reduce_sum3A_221 : vector<16xf32>, vector<16xi1> -> vector<16xf32>
        %reduce_sum3A_223 = vector.extract %reduce_sum3A_222[15] : f32 from vector<16xf32>
        %broadcast_in_dim3A_224 = vector.broadcast %reduce_sum3A_223 : f32 to vector<16xf32>
        %reduce_sum3A_225 = arith.constant true
        %reduce_sum3A_226 = vector.broadcast %reduce_sum3A_225 : i1 to vector<16xi1>
        %reduce_sum3A_227 = tpu.scan <sum>, %scan3A_94#6 masked %reduce_sum3A_226 : vector<16xf32>, vector<16xi1> -> vector<16xf32>
        %reduce_sum3A_228 = vector.extract %reduce_sum3A_227[15] : f32 from vector<16xf32>
        %broadcast_in_dim3A_229 = vector.broadcast %reduce_sum3A_228 : f32 to vector<16xf32>
        %mul3A_230 = arith.constant 2.000000e+00 : f32
        %mul3A_231 = vector.broadcast %mul3A_230 : f32 to vector<16xf32>
        %mul3A_232 = arith.mulf %mul3A_231, %broadcast_in_dim3A_229 : vector<16xf32>
        %add3A_233 = arith.addf %broadcast_in_dim3A_224, %mul3A_232 : vector<16xf32>
        %get3A_234 = arith.index_cast %scan3A_89 : i32 to index
        %get3A_235 = arith.constant 0 : index
        %get3A_236 = tpu.vector_load %arg16[%get3A_234, %get3A_235] {strides = array<i32>} : memref<8x16xf32, #tpu.memory_space<vmem>>, vector<16xf32>,
        %add3A_237 = arith.addf %add3A_233, %get3A_236 : vector<16xf32>
        %reduce_sum3A_238 = arith.constant true
        %reduce_sum3A_239 = vector.broadcast %reduce_sum3A_238 : i1 to vector<16xi1>
        %reduce_sum3A_240 = tpu.scan <sum>, %scan3A_94#7 masked %reduce_sum3A_239 : vector<16xf32>, vector<16xi1> -> vector<16xf32>
        %reduce_sum3A_241 = vector.extract %reduce_sum3A_240[15] : f32 from vector<16xf32>
        %broadcast_in_dim3A_242 = vector.broadcast %reduce_sum3A_241 : f32 to vector<16xf32>
        %mul3A_243 = arith.constant 2.000000e+00 : f32
        %mul3A_244 = vector.broadcast %mul3A_243 : f32 to vector<16xf32>
        %mul3A_245 = arith.mulf %mul3A_244, %broadcast_in_dim3A_242 : vector<16xf32>
        %add3A_246 = arith.addf %broadcast_in_dim3A_224, %mul3A_245 : vector<16xf32>
        %get3A_247 = arith.index_cast %scan3A_89 : i32 to index
        %get3A_248 = arith.constant 0 : index
        %get3A_249 = tpu.vector_load %arg17[%get3A_247, %get3A_248] {strides = array<i32>} : memref<8x16xf32, #tpu.memory_space<vmem>>, vector<16xf32>,
        %add3A_250 = arith.addf %add3A_246, %get3A_249 : vector<16xf32>
        %reduce_sum3A_251 = arith.constant true
        %reduce_sum3A_252 = vector.broadcast %reduce_sum3A_251 : i1 to vector<16xi1>
        %reduce_sum3A_253 = tpu.scan <sum>, %scan3A_94#5 masked %reduce_sum3A_252 : vector<16xf32>, vector<16xi1> -> vector<16xf32>
        %reduce_sum3A_254 = vector.extract %reduce_sum3A_253[15] : f32 from vector<16xf32>
        %broadcast_in_dim3A_255 = vector.broadcast %reduce_sum3A_254 : f32 to vector<16xf32>
        %get3A_256 = arith.index_cast %scan3A_89 : i32 to index
        %get3A_257 = arith.constant 0 : index
        %get3A_258 = tpu.vector_load %arg18[%get3A_256, %get3A_257] {strides = array<i32>} : memref<8x16xf32, #tpu.memory_space<vmem>>, vector<16xf32>,
        %add3A_259 = arith.addf %broadcast_in_dim3A_255, %get3A_258 : vector<16xf32>
        %bitcast_convert_type3A_260 = tpu.bitcast %add3A_237 : vector<16xf32> -> vector<16xi32>
        %shift_right_arithmetic3A_261 = arith.constant 1 : i32
        %shift_right_arithmetic3A_262 = vector.broadcast %shift_right_arithmetic3A_261 : i32 to vector<16xi32>
        %shift_right_arithmetic3A_263 = arith.shrsi %bitcast_convert_type3A_260, %shift_right_arithmetic3A_262 : vector<16xi32>
        %sub3A_264 = arith.constant 1597463007 : i32
        %sub3A_265 = vector.broadcast %sub3A_264 : i32 to vector<16xi32>
        %sub3A_266 = arith.subi %sub3A_265, %shift_right_arithmetic3A_263 : vector<16xi32>
        %bitcast_convert_type3A_267 = tpu.bitcast %sub3A_266 : vector<16xi32> -> vector<16xf32>
        %mul3A_268 = arith.constant 5.000000e-01 : f32
        %mul3A_269 = vector.broadcast %mul3A_268 : f32 to vector<16xf32>
        %mul3A_270 = arith.mulf %mul3A_269, %add3A_237 : vector<16xf32>
        %mul3A_271 = arith.mulf %mul3A_270, %bitcast_convert_type3A_267 : vector<16xf32>
        %mul3A_272 = arith.mulf %mul3A_271, %bitcast_convert_type3A_267 : vector<16xf32>
        %sub3A_273 = arith.constant 1.500000e+00 : f32
        %sub3A_274 = vector.broadcast %sub3A_273 : f32 to vector<16xf32>
        %sub3A_275 = arith.subf %sub3A_274, %mul3A_272 : vector<16xf32>
        %mul3A_276 = arith.mulf %bitcast_convert_type3A_267, %sub3A_275 : vector<16xf32>
        %mul3A_277 = arith.constant 5.000000e-01 : f32
        %mul3A_278 = vector.broadcast %mul3A_277 : f32 to vector<16xf32>
        %mul3A_279 = arith.mulf %mul3A_278, %add3A_237 : vector<16xf32>
        %mul3A_280 = arith.mulf %mul3A_279, %mul3A_276 : vector<16xf32>
        %mul3A_281 = arith.mulf %mul3A_280, %mul3A_276 : vector<16xf32>
        %sub3A_282 = arith.constant 1.500000e+00 : f32
        %sub3A_283 = vector.broadcast %sub3A_282 : f32 to vector<16xf32>
        %sub3A_284 = arith.subf %sub3A_283, %mul3A_281 : vector<16xf32>
        %mul3A_285 = arith.mulf %mul3A_276, %sub3A_284 : vector<16xf32>
        %mul3A_286 = arith.constant 5.000000e-01 : f32
        %mul3A_287 = vector.broadcast %mul3A_286 : f32 to vector<16xf32>
        %mul3A_288 = arith.mulf %mul3A_287, %add3A_237 : vector<16xf32>
        %mul3A_289 = arith.mulf %mul3A_288, %mul3A_285 : vector<16xf32>
        %mul3A_290 = arith.mulf %mul3A_289, %mul3A_285 : vector<16xf32>
        %sub3A_291 = arith.constant 1.500000e+00 : f32
        %sub3A_292 = vector.broadcast %sub3A_291 : f32 to vector<16xf32>
        %sub3A_293 = arith.subf %sub3A_292, %mul3A_290 : vector<16xf32>
        %mul3A_294 = arith.mulf %mul3A_285, %sub3A_293 : vector<16xf32>
        %mul3A_295 = arith.mulf %add3A_259, %mul3A_294 : vector<16xf32>
        %sub3A_296 = arith.constant 1.000000e+00 : f32
        %sub3A_297 = vector.broadcast %sub3A_296 : f32 to vector<16xf32>
        %sub3A_298 = arith.subf %mul3A_295, %sub3A_297 : vector<16xf32>
        %mul3A_299 = arith.constant 5.500000e+00 : f32
        %mul3A_300 = vector.broadcast %mul3A_299 : f32 to vector<16xf32>
        %mul3A_301 = arith.mulf %mul3A_300, %sub3A_298 : vector<16xf32>
        %exp3A_302 = math.exp %mul3A_301 : vector<16xf32>
        %reduce_sum3A_303 = arith.constant true
        %reduce_sum3A_304 = vector.broadcast %reduce_sum3A_303 : i1 to vector<16xi1>
        %reduce_sum3A_305 = tpu.scan <sum>, %scan3A_94#9 masked %reduce_sum3A_304 : vector<16xf32>, vector<16xi1> -> vector<16xf32>
        %reduce_sum3A_306 = vector.extract %reduce_sum3A_305[15] : f32 from vector<16xf32>
        %broadcast_in_dim3A_307 = vector.broadcast %reduce_sum3A_306 : f32 to vector<16xf32>
        %eq3A_308 = arith.constant 0.000000e+00 : f32
        %eq3A_309 = vector.broadcast %eq3A_308 : f32 to vector<16xf32>
        %eq3A_310 = arith.cmpf oeq, %broadcast_in_dim3A_307, %eq3A_309 : vector<16xf32>
        %bitcast_convert_type3A_311 = tpu.bitcast %add3A_250 : vector<16xf32> -> vector<16xi32>
        %shift_right_arithmetic3A_312 = arith.constant 1 : i32
        %shift_right_arithmetic3A_313 = vector.broadcast %shift_right_arithmetic3A_312 : i32 to vector<16xi32>
        %shift_right_arithmetic3A_314 = arith.shrsi %bitcast_convert_type3A_311, %shift_right_arithmetic3A_313 : vector<16xi32>
        %sub3A_315 = arith.constant 1597463007 : i32
        %sub3A_316 = vector.broadcast %sub3A_315 : i32 to vector<16xi32>
        %sub3A_317 = arith.subi %sub3A_316, %shift_right_arithmetic3A_314 : vector<16xi32>
        %bitcast_convert_type3A_318 = tpu.bitcast %sub3A_317 : vector<16xi32> -> vector<16xf32>
        %mul3A_319 = arith.constant 5.000000e-01 : f32
        %mul3A_320 = vector.broadcast %mul3A_319 : f32 to vector<16xf32>
        %mul3A_321 = arith.mulf %mul3A_320, %add3A_250 : vector<16xf32>
        %mul3A_322 = arith.mulf %mul3A_321, %bitcast_convert_type3A_318 : vector<16xf32>
        %mul3A_323 = arith.mulf %mul3A_322, %bitcast_convert_type3A_318 : vector<16xf32>
        %sub3A_324 = arith.constant 1.500000e+00 : f32
        %sub3A_325 = vector.broadcast %sub3A_324 : f32 to vector<16xf32>
        %sub3A_326 = arith.subf %sub3A_325, %mul3A_323 : vector<16xf32>
        %mul3A_327 = arith.mulf %bitcast_convert_type3A_318, %sub3A_326 : vector<16xf32>
        %mul3A_328 = arith.constant 5.000000e-01 : f32
        %mul3A_329 = vector.broadcast %mul3A_328 : f32 to vector<16xf32>
        %mul3A_330 = arith.mulf %mul3A_329, %add3A_250 : vector<16xf32>
        %mul3A_331 = arith.mulf %mul3A_330, %mul3A_327 : vector<16xf32>
        %mul3A_332 = arith.mulf %mul3A_331, %mul3A_327 : vector<16xf32>
        %sub3A_333 = arith.constant 1.500000e+00 : f32
        %sub3A_334 = vector.broadcast %sub3A_333 : f32 to vector<16xf32>
        %sub3A_335 = arith.subf %sub3A_334, %mul3A_332 : vector<16xf32>
        %mul3A_336 = arith.mulf %mul3A_327, %sub3A_335 : vector<16xf32>
        %mul3A_337 = arith.constant 5.000000e-01 : f32
        %mul3A_338 = vector.broadcast %mul3A_337 : f32 to vector<16xf32>
        %mul3A_339 = arith.mulf %mul3A_338, %add3A_250 : vector<16xf32>
        %mul3A_340 = arith.mulf %mul3A_339, %mul3A_336 : vector<16xf32>
        %mul3A_341 = arith.mulf %mul3A_340, %mul3A_336 : vector<16xf32>
        %sub3A_342 = arith.constant 1.500000e+00 : f32
        %sub3A_343 = vector.broadcast %sub3A_342 : f32 to vector<16xf32>
        %sub3A_344 = arith.subf %sub3A_343, %mul3A_341 : vector<16xf32>
        %mul3A_345 = arith.mulf %mul3A_336, %sub3A_344 : vector<16xf32>
        %mul3A_346 = arith.mulf %exp3A_302, %mul3A_345 : vector<16xf32>
        %jit3A_347 = arith.constant 0.000000e+00 : f32
        %broadcast_in_dim3A_348 = vector.broadcast %jit3A_347 : f32 to vector<16xf32>
        %select_n3A_349 = arith.select %eq3A_310, %broadcast_in_dim3A_348, %mul3A_346 : vector<16xi1>, vector<16xf32>
        %reduce_sum3A_350 = arith.constant true
        %reduce_sum3A_351 = vector.broadcast %reduce_sum3A_350 : i1 to vector<16xi1>
        %reduce_sum3A_352 = tpu.scan <sum>, %scan3A_94#13 masked %reduce_sum3A_351 : vector<16xf32>, vector<16xi1> -> vector<16xf32>
        %reduce_sum3A_353 = vector.extract %reduce_sum3A_352[15] : f32 from vector<16xf32>
        %broadcast_in_dim3A_354 = vector.broadcast %reduce_sum3A_353 : f32 to vector<16xf32>
        %reduce_sum3A_355 = arith.constant true
        %reduce_sum3A_356 = vector.broadcast %reduce_sum3A_355 : i1 to vector<16xi1>
        %reduce_sum3A_357 = tpu.scan <sum>, %scan3A_94#11 masked %reduce_sum3A_356 : vector<16xf32>, vector<16xi1> -> vector<16xf32>
        %reduce_sum3A_358 = vector.extract %reduce_sum3A_357[15] : f32 from vector<16xf32>
        %broadcast_in_dim3A_359 = vector.broadcast %reduce_sum3A_358 : f32 to vector<16xf32>
        %mul3A_360 = arith.constant 2.000000e+00 : f32
        %mul3A_361 = vector.broadcast %mul3A_360 : f32 to vector<16xf32>
        %mul3A_362 = arith.mulf %mul3A_361, %broadcast_in_dim3A_359 : vector<16xf32>
        %add3A_363 = arith.addf %broadcast_in_dim3A_354, %mul3A_362 : vector<16xf32>
        %get3A_364 = arith.index_cast %scan3A_89 : i32 to index
        %get3A_365 = arith.constant 0 : index
        %get3A_366 = tpu.vector_load %arg16[%get3A_364, %get3A_365] {strides = array<i32>} : memref<8x16xf32, #tpu.memory_space<vmem>>, vector<16xf32>,
        %add3A_367 = arith.addf %add3A_363, %get3A_366 : vector<16xf32>
        %reduce_sum3A_368 = arith.constant true
        %reduce_sum3A_369 = vector.broadcast %reduce_sum3A_368 : i1 to vector<16xi1>
        %reduce_sum3A_370 = tpu.scan <sum>, %scan3A_94#12 masked %reduce_sum3A_369 : vector<16xf32>, vector<16xi1> -> vector<16xf32>
        %reduce_sum3A_371 = vector.extract %reduce_sum3A_370[15] : f32 from vector<16xf32>
        %broadcast_in_dim3A_372 = vector.broadcast %reduce_sum3A_371 : f32 to vector<16xf32>
        %mul3A_373 = arith.constant 2.000000e+00 : f32
        %mul3A_374 = vector.broadcast %mul3A_373 : f32 to vector<16xf32>
        %mul3A_375 = arith.mulf %mul3A_374, %broadcast_in_dim3A_372 : vector<16xf32>
        %add3A_376 = arith.addf %broadcast_in_dim3A_354, %mul3A_375 : vector<16xf32>
        %get3A_377 = arith.index_cast %scan3A_89 : i32 to index
        %get3A_378 = arith.constant 0 : index
        %get3A_379 = tpu.vector_load %arg17[%get3A_377, %get3A_378] {strides = array<i32>} : memref<8x16xf32, #tpu.memory_space<vmem>>, vector<16xf32>,
        %add3A_380 = arith.addf %add3A_376, %get3A_379 : vector<16xf32>
        %reduce_sum3A_381 = arith.constant true
        %reduce_sum3A_382 = vector.broadcast %reduce_sum3A_381 : i1 to vector<16xi1>
        %reduce_sum3A_383 = tpu.scan <sum>, %scan3A_94#10 masked %reduce_sum3A_382 : vector<16xf32>, vector<16xi1> -> vector<16xf32>
        %reduce_sum3A_384 = vector.extract %reduce_sum3A_383[15] : f32 from vector<16xf32>
        %broadcast_in_dim3A_385 = vector.broadcast %reduce_sum3A_384 : f32 to vector<16xf32>
        %get3A_386 = arith.index_cast %scan3A_89 : i32 to index
        %get3A_387 = arith.constant 0 : index
        %get3A_388 = tpu.vector_load %arg18[%get3A_386, %get3A_387] {strides = array<i32>} : memref<8x16xf32, #tpu.memory_space<vmem>>, vector<16xf32>,
        %add3A_389 = arith.addf %broadcast_in_dim3A_385, %get3A_388 : vector<16xf32>
        %bitcast_convert_type3A_390 = tpu.bitcast %add3A_367 : vector<16xf32> -> vector<16xi32>
        %shift_right_arithmetic3A_391 = arith.constant 1 : i32
        %shift_right_arithmetic3A_392 = vector.broadcast %shift_right_arithmetic3A_391 : i32 to vector<16xi32>
        %shift_right_arithmetic3A_393 = arith.shrsi %bitcast_convert_type3A_390, %shift_right_arithmetic3A_392 : vector<16xi32>
        %sub3A_394 = arith.constant 1597463007 : i32
        %sub3A_395 = vector.broadcast %sub3A_394 : i32 to vector<16xi32>
        %sub3A_396 = arith.subi %sub3A_395, %shift_right_arithmetic3A_393 : vector<16xi32>
        %bitcast_convert_type3A_397 = tpu.bitcast %sub3A_396 : vector<16xi32> -> vector<16xf32>
        %mul3A_398 = arith.constant 5.000000e-01 : f32
        %mul3A_399 = vector.broadcast %mul3A_398 : f32 to vector<16xf32>
        %mul3A_400 = arith.mulf %mul3A_399, %add3A_367 : vector<16xf32>
        %mul3A_401 = arith.mulf %mul3A_400, %bitcast_convert_type3A_397 : vector<16xf32>
        %mul3A_402 = arith.mulf %mul3A_401, %bitcast_convert_type3A_397 : vector<16xf32>
        %sub3A_403 = arith.constant 1.500000e+00 : f32
        %sub3A_404 = vector.broadcast %sub3A_403 : f32 to vector<16xf32>
        %sub3A_405 = arith.subf %sub3A_404, %mul3A_402 : vector<16xf32>
        %mul3A_406 = arith.mulf %bitcast_convert_type3A_397, %sub3A_405 : vector<16xf32>
        %mul3A_407 = arith.constant 5.000000e-01 : f32
        %mul3A_408 = vector.broadcast %mul3A_407 : f32 to vector<16xf32>
        %mul3A_409 = arith.mulf %mul3A_408, %add3A_367 : vector<16xf32>
        %mul3A_410 = arith.mulf %mul3A_409, %mul3A_406 : vector<16xf32>
        %mul3A_411 = arith.mulf %mul3A_410, %mul3A_406 : vector<16xf32>
        %sub3A_412 = arith.constant 1.500000e+00 : f32
        %sub3A_413 = vector.broadcast %sub3A_412 : f32 to vector<16xf32>
        %sub3A_414 = arith.subf %sub3A_413, %mul3A_411 : vector<16xf32>
        %mul3A_415 = arith.mulf %mul3A_406, %sub3A_414 : vector<16xf32>
        %mul3A_416 = arith.constant 5.000000e-01 : f32
        %mul3A_417 = vector.broadcast %mul3A_416 : f32 to vector<16xf32>
        %mul3A_418 = arith.mulf %mul3A_417, %add3A_367 : vector<16xf32>
        %mul3A_419 = arith.mulf %mul3A_418, %mul3A_415 : vector<16xf32>
        %mul3A_420 = arith.mulf %mul3A_419, %mul3A_415 : vector<16xf32>
        %sub3A_421 = arith.constant 1.500000e+00 : f32
        %sub3A_422 = vector.broadcast %sub3A_421 : f32 to vector<16xf32>
        %sub3A_423 = arith.subf %sub3A_422, %mul3A_420 : vector<16xf32>
        %mul3A_424 = arith.mulf %mul3A_415, %sub3A_423 : vector<16xf32>
        %mul3A_425 = arith.mulf %add3A_389, %mul3A_424 : vector<16xf32>
        %sub3A_426 = arith.constant 1.000000e+00 : f32
        %sub3A_427 = vector.broadcast %sub3A_426 : f32 to vector<16xf32>
        %sub3A_428 = arith.subf %mul3A_425, %sub3A_427 : vector<16xf32>
        %mul3A_429 = arith.constant 5.500000e+00 : f32
        %mul3A_430 = vector.broadcast %mul3A_429 : f32 to vector<16xf32>
        %mul3A_431 = arith.mulf %mul3A_430, %sub3A_428 : vector<16xf32>
        %exp3A_432 = math.exp %mul3A_431 : vector<16xf32>
        %reduce_sum3A_433 = arith.constant true
        %reduce_sum3A_434 = vector.broadcast %reduce_sum3A_433 : i1 to vector<16xi1>
        %reduce_sum3A_435 = tpu.scan <sum>, %scan3A_94#14 masked %reduce_sum3A_434 : vector<16xf32>, vector<16xi1> -> vector<16xf32>
        %reduce_sum3A_436 = vector.extract %reduce_sum3A_435[15] : f32 from vector<16xf32>
        %broadcast_in_dim3A_437 = vector.broadcast %reduce_sum3A_436 : f32 to vector<16xf32>
        %eq3A_438 = arith.constant 0.000000e+00 : f32
        %eq3A_439 = vector.broadcast %eq3A_438 : f32 to vector<16xf32>
        %eq3A_440 = arith.cmpf oeq, %broadcast_in_dim3A_437, %eq3A_439 : vector<16xf32>
        %bitcast_convert_type3A_441 = tpu.bitcast %add3A_380 : vector<16xf32> -> vector<16xi32>
        %shift_right_arithmetic3A_442 = arith.constant 1 : i32
        %shift_right_arithmetic3A_443 = vector.broadcast %shift_right_arithmetic3A_442 : i32 to vector<16xi32>
        %shift_right_arithmetic3A_444 = arith.shrsi %bitcast_convert_type3A_441, %shift_right_arithmetic3A_443 : vector<16xi32>
        %sub3A_445 = arith.constant 1597463007 : i32
        %sub3A_446 = vector.broadcast %sub3A_445 : i32 to vector<16xi32>
        %sub3A_447 = arith.subi %sub3A_446, %shift_right_arithmetic3A_444 : vector<16xi32>
        %bitcast_convert_type3A_448 = tpu.bitcast %sub3A_447 : vector<16xi32> -> vector<16xf32>
        %mul3A_449 = arith.constant 5.000000e-01 : f32
        %mul3A_450 = vector.broadcast %mul3A_449 : f32 to vector<16xf32>
        %mul3A_451 = arith.mulf %mul3A_450, %add3A_380 : vector<16xf32>
        %mul3A_452 = arith.mulf %mul3A_451, %bitcast_convert_type3A_448 : vector<16xf32>
        %mul3A_453 = arith.mulf %mul3A_452, %bitcast_convert_type3A_448 : vector<16xf32>
        %sub3A_454 = arith.constant 1.500000e+00 : f32
        %sub3A_455 = vector.broadcast %sub3A_454 : f32 to vector<16xf32>
        %sub3A_456 = arith.subf %sub3A_455, %mul3A_453 : vector<16xf32>
        %mul3A_457 = arith.mulf %bitcast_convert_type3A_448, %sub3A_456 : vector<16xf32>
        %mul3A_458 = arith.constant 5.000000e-01 : f32
        %mul3A_459 = vector.broadcast %mul3A_458 : f32 to vector<16xf32>
        %mul3A_460 = arith.mulf %mul3A_459, %add3A_380 : vector<16xf32>
        %mul3A_461 = arith.mulf %mul3A_460, %mul3A_457 : vector<16xf32>
        %mul3A_462 = arith.mulf %mul3A_461, %mul3A_457 : vector<16xf32>
        %sub3A_463 = arith.constant 1.500000e+00 : f32
        %sub3A_464 = vector.broadcast %sub3A_463 : f32 to vector<16xf32>
        %sub3A_465 = arith.subf %sub3A_464, %mul3A_462 : vector<16xf32>
        %mul3A_466 = arith.mulf %mul3A_457, %sub3A_465 : vector<16xf32>
        %mul3A_467 = arith.constant 5.000000e-01 : f32
        %mul3A_468 = vector.broadcast %mul3A_467 : f32 to vector<16xf32>
        %mul3A_469 = arith.mulf %mul3A_468, %add3A_380 : vector<16xf32>
        %mul3A_470 = arith.mulf %mul3A_469, %mul3A_466 : vector<16xf32>
        %mul3A_471 = arith.mulf %mul3A_470, %mul3A_466 : vector<16xf32>
        %sub3A_472 = arith.constant 1.500000e+00 : f32
        %sub3A_473 = vector.broadcast %sub3A_472 : f32 to vector<16xf32>
        %sub3A_474 = arith.subf %sub3A_473, %mul3A_471 : vector<16xf32>
        %mul3A_475 = arith.mulf %mul3A_466, %sub3A_474 : vector<16xf32>
        %mul3A_476 = arith.mulf %exp3A_432, %mul3A_475 : vector<16xf32>
        %jit3A_477 = arith.constant 0.000000e+00 : f32
        %broadcast_in_dim3A_478 = vector.broadcast %jit3A_477 : f32 to vector<16xf32>
        %select_n3A_479 = arith.select %eq3A_440, %broadcast_in_dim3A_478, %mul3A_476 : vector<16xi1>, vector<16xf32>
        %reduce_sum3A_480 = arith.constant true
        %reduce_sum3A_481 = vector.broadcast %reduce_sum3A_480 : i1 to vector<16xi1>
        %reduce_sum3A_482 = tpu.scan <sum>, %scan3A_94#18 masked %reduce_sum3A_481 : vector<16xf32>, vector<16xi1> -> vector<16xf32>
        %reduce_sum3A_483 = vector.extract %reduce_sum3A_482[15] : f32 from vector<16xf32>
        %broadcast_in_dim3A_484 = vector.broadcast %reduce_sum3A_483 : f32 to vector<16xf32>
        %reduce_sum3A_485 = arith.constant true
        %reduce_sum3A_486 = vector.broadcast %reduce_sum3A_485 : i1 to vector<16xi1>
        %reduce_sum3A_487 = tpu.scan <sum>, %scan3A_94#16 masked %reduce_sum3A_486 : vector<16xf32>, vector<16xi1> -> vector<16xf32>
        %reduce_sum3A_488 = vector.extract %reduce_sum3A_487[15] : f32 from vector<16xf32>
        %broadcast_in_dim3A_489 = vector.broadcast %reduce_sum3A_488 : f32 to vector<16xf32>
        %mul3A_490 = arith.constant 2.000000e+00 : f32
        %mul3A_491 = vector.broadcast %mul3A_490 : f32 to vector<16xf32>
        %mul3A_492 = arith.mulf %mul3A_491, %broadcast_in_dim3A_489 : vector<16xf32>
        %add3A_493 = arith.addf %broadcast_in_dim3A_484, %mul3A_492 : vector<16xf32>
        %get3A_494 = arith.index_cast %scan3A_89 : i32 to index
        %get3A_495 = arith.constant 0 : index
        %get3A_496 = tpu.vector_load %arg16[%get3A_494, %get3A_495] {strides = array<i32>} : memref<8x16xf32, #tpu.memory_space<vmem>>, vector<16xf32>,
        %add3A_497 = arith.addf %add3A_493, %get3A_496 : vector<16xf32>
        %reduce_sum3A_498 = arith.constant true
        %reduce_sum3A_499 = vector.broadcast %reduce_sum3A_498 : i1 to vector<16xi1>
        %reduce_sum3A_500 = tpu.scan <sum>, %scan3A_94#17 masked %reduce_sum3A_499 : vector<16xf32>, vector<16xi1> -> vector<16xf32>
        %reduce_sum3A_501 = vector.extract %reduce_sum3A_500[15] : f32 from vector<16xf32>
        %broadcast_in_dim3A_502 = vector.broadcast %reduce_sum3A_501 : f32 to vector<16xf32>
        %mul3A_503 = arith.constant 2.000000e+00 : f32
        %mul3A_504 = vector.broadcast %mul3A_503 : f32 to vector<16xf32>
        %mul3A_505 = arith.mulf %mul3A_504, %broadcast_in_dim3A_502 : vector<16xf32>
        %add3A_506 = arith.addf %broadcast_in_dim3A_484, %mul3A_505 : vector<16xf32>
        %get3A_507 = arith.index_cast %scan3A_89 : i32 to index
        %get3A_508 = arith.constant 0 : index
        %get3A_509 = tpu.vector_load %arg17[%get3A_507, %get3A_508] {strides = array<i32>} : memref<8x16xf32, #tpu.memory_space<vmem>>, vector<16xf32>,
        %add3A_510 = arith.addf %add3A_506, %get3A_509 : vector<16xf32>
        %reduce_sum3A_511 = arith.constant true
        %reduce_sum3A_512 = vector.broadcast %reduce_sum3A_511 : i1 to vector<16xi1>
        %reduce_sum3A_513 = tpu.scan <sum>, %scan3A_94#15 masked %reduce_sum3A_512 : vector<16xf32>, vector<16xi1> -> vector<16xf32>
        %reduce_sum3A_514 = vector.extract %reduce_sum3A_513[15] : f32 from vector<16xf32>
        %broadcast_in_dim3A_515 = vector.broadcast %reduce_sum3A_514 : f32 to vector<16xf32>
        %get3A_516 = arith.index_cast %scan3A_89 : i32 to index
        %get3A_517 = arith.constant 0 : index
        %get3A_518 = tpu.vector_load %arg18[%get3A_516, %get3A_517] {strides = array<i32>} : memref<8x16xf32, #tpu.memory_space<vmem>>, vector<16xf32>,
        %add3A_519 = arith.addf %broadcast_in_dim3A_515, %get3A_518 : vector<16xf32>
        %bitcast_convert_type3A_520 = tpu.bitcast %add3A_497 : vector<16xf32> -> vector<16xi32>
        %shift_right_arithmetic3A_521 = arith.constant 1 : i32
        %shift_right_arithmetic3A_522 = vector.broadcast %shift_right_arithmetic3A_521 : i32 to vector<16xi32>
        %shift_right_arithmetic3A_523 = arith.shrsi %bitcast_convert_type3A_520, %shift_right_arithmetic3A_522 : vector<16xi32>
        %sub3A_524 = arith.constant 1597463007 : i32
        %sub3A_525 = vector.broadcast %sub3A_524 : i32 to vector<16xi32>
        %sub3A_526 = arith.subi %sub3A_525, %shift_right_arithmetic3A_523 : vector<16xi32>
        %bitcast_convert_type3A_527 = tpu.bitcast %sub3A_526 : vector<16xi32> -> vector<16xf32>
        %mul3A_528 = arith.constant 5.000000e-01 : f32
        %mul3A_529 = vector.broadcast %mul3A_528 : f32 to vector<16xf32>
        %mul3A_530 = arith.mulf %mul3A_529, %add3A_497 : vector<16xf32>
        %mul3A_531 = arith.mulf %mul3A_530, %bitcast_convert_type3A_527 : vector<16xf32>
        %mul3A_532 = arith.mulf %mul3A_531, %bitcast_convert_type3A_527 : vector<16xf32>
        %sub3A_533 = arith.constant 1.500000e+00 : f32
        %sub3A_534 = vector.broadcast %sub3A_533 : f32 to vector<16xf32>
        %sub3A_535 = arith.subf %sub3A_534, %mul3A_532 : vector<16xf32>
        %mul3A_536 = arith.mulf %bitcast_convert_type3A_527, %sub3A_535 : vector<16xf32>
        %mul3A_537 = arith.constant 5.000000e-01 : f32
        %mul3A_538 = vector.broadcast %mul3A_537 : f32 to vector<16xf32>
        %mul3A_539 = arith.mulf %mul3A_538, %add3A_497 : vector<16xf32>
        %mul3A_540 = arith.mulf %mul3A_539, %mul3A_536 : vector<16xf32>
        %mul3A_541 = arith.mulf %mul3A_540, %mul3A_536 : vector<16xf32>
        %sub3A_542 = arith.constant 1.500000e+00 : f32
        %sub3A_543 = vector.broadcast %sub3A_542 : f32 to vector<16xf32>
        %sub3A_544 = arith.subf %sub3A_543, %mul3A_541 : vector<16xf32>
        %mul3A_545 = arith.mulf %mul3A_536, %sub3A_544 : vector<16xf32>
        %mul3A_546 = arith.constant 5.000000e-01 : f32
        %mul3A_547 = vector.broadcast %mul3A_546 : f32 to vector<16xf32>
        %mul3A_548 = arith.mulf %mul3A_547, %add3A_497 : vector<16xf32>
        %mul3A_549 = arith.mulf %mul3A_548, %mul3A_545 : vector<16xf32>
        %mul3A_550 = arith.mulf %mul3A_549, %mul3A_545 : vector<16xf32>
        %sub3A_551 = arith.constant 1.500000e+00 : f32
        %sub3A_552 = vector.broadcast %sub3A_551 : f32 to vector<16xf32>
        %sub3A_553 = arith.subf %sub3A_552, %mul3A_550 : vector<16xf32>
        %mul3A_554 = arith.mulf %mul3A_545, %sub3A_553 : vector<16xf32>
        %mul3A_555 = arith.mulf %add3A_519, %mul3A_554 : vector<16xf32>
        %sub3A_556 = arith.constant 1.000000e+00 : f32
        %sub3A_557 = vector.broadcast %sub3A_556 : f32 to vector<16xf32>
        %sub3A_558 = arith.subf %mul3A_555, %sub3A_557 : vector<16xf32>
        %mul3A_559 = arith.constant 5.500000e+00 : f32
        %mul3A_560 = vector.broadcast %mul3A_559 : f32 to vector<16xf32>
        %mul3A_561 = arith.mulf %mul3A_560, %sub3A_558 : vector<16xf32>
        %exp3A_562 = math.exp %mul3A_561 : vector<16xf32>
        %reduce_sum3A_563 = arith.constant true
        %reduce_sum3A_564 = vector.broadcast %reduce_sum3A_563 : i1 to vector<16xi1>
        %reduce_sum3A_565 = tpu.scan <sum>, %scan3A_94#19 masked %reduce_sum3A_564 : vector<16xf32>, vector<16xi1> -> vector<16xf32>
        %reduce_sum3A_566 = vector.extract %reduce_sum3A_565[15] : f32 from vector<16xf32>
        %broadcast_in_dim3A_567 = vector.broadcast %reduce_sum3A_566 : f32 to vector<16xf32>
        %eq3A_568 = arith.constant 0.000000e+00 : f32
        %eq3A_569 = vector.broadcast %eq3A_568 : f32 to vector<16xf32>
        %eq3A_570 = arith.cmpf oeq, %broadcast_in_dim3A_567, %eq3A_569 : vector<16xf32>
        %bitcast_convert_type3A_571 = tpu.bitcast %add3A_510 : vector<16xf32> -> vector<16xi32>
        %shift_right_arithmetic3A_572 = arith.constant 1 : i32
        %shift_right_arithmetic3A_573 = vector.broadcast %shift_right_arithmetic3A_572 : i32 to vector<16xi32>
        %shift_right_arithmetic3A_574 = arith.shrsi %bitcast_convert_type3A_571, %shift_right_arithmetic3A_573 : vector<16xi32>
        %sub3A_575 = arith.constant 1597463007 : i32
        %sub3A_576 = vector.broadcast %sub3A_575 : i32 to vector<16xi32>
        %sub3A_577 = arith.subi %sub3A_576, %shift_right_arithmetic3A_574 : vector<16xi32>
        %bitcast_convert_type3A_578 = tpu.bitcast %sub3A_577 : vector<16xi32> -> vector<16xf32>
        %mul3A_579 = arith.constant 5.000000e-01 : f32
        %mul3A_580 = vector.broadcast %mul3A_579 : f32 to vector<16xf32>
        %mul3A_581 = arith.mulf %mul3A_580, %add3A_510 : vector<16xf32>
        %mul3A_582 = arith.mulf %mul3A_581, %bitcast_convert_type3A_578 : vector<16xf32>
        %mul3A_583 = arith.mulf %mul3A_582, %bitcast_convert_type3A_578 : vector<16xf32>
        %sub3A_584 = arith.constant 1.500000e+00 : f32
        %sub3A_585 = vector.broadcast %sub3A_584 : f32 to vector<16xf32>
        %sub3A_586 = arith.subf %sub3A_585, %mul3A_583 : vector<16xf32>
        %mul3A_587 = arith.mulf %bitcast_convert_type3A_578, %sub3A_586 : vector<16xf32>
        %mul3A_588 = arith.constant 5.000000e-01 : f32
        %mul3A_589 = vector.broadcast %mul3A_588 : f32 to vector<16xf32>
        %mul3A_590 = arith.mulf %mul3A_589, %add3A_510 : vector<16xf32>
        %mul3A_591 = arith.mulf %mul3A_590, %mul3A_587 : vector<16xf32>
        %mul3A_592 = arith.mulf %mul3A_591, %mul3A_587 : vector<16xf32>
        %sub3A_593 = arith.constant 1.500000e+00 : f32
        %sub3A_594 = vector.broadcast %sub3A_593 : f32 to vector<16xf32>
        %sub3A_595 = arith.subf %sub3A_594, %mul3A_592 : vector<16xf32>
        %mul3A_596 = arith.mulf %mul3A_587, %sub3A_595 : vector<16xf32>
        %mul3A_597 = arith.constant 5.000000e-01 : f32
        %mul3A_598 = vector.broadcast %mul3A_597 : f32 to vector<16xf32>
        %mul3A_599 = arith.mulf %mul3A_598, %add3A_510 : vector<16xf32>
        %mul3A_600 = arith.mulf %mul3A_599, %mul3A_596 : vector<16xf32>
        %mul3A_601 = arith.mulf %mul3A_600, %mul3A_596 : vector<16xf32>
        %sub3A_602 = arith.constant 1.500000e+00 : f32
        %sub3A_603 = vector.broadcast %sub3A_602 : f32 to vector<16xf32>
        %sub3A_604 = arith.subf %sub3A_603, %mul3A_601 : vector<16xf32>
        %mul3A_605 = arith.mulf %mul3A_596, %sub3A_604 : vector<16xf32>
        %mul3A_606 = arith.mulf %exp3A_562, %mul3A_605 : vector<16xf32>
        %jit3A_607 = arith.constant 0.000000e+00 : f32
        %broadcast_in_dim3A_608 = vector.broadcast %jit3A_607 : f32 to vector<16xf32>
        %select_n3A_609 = arith.select %eq3A_570, %broadcast_in_dim3A_608, %mul3A_606 : vector<16xi1>, vector<16xf32>
        %reduce_sum3A_610 = arith.constant true
        %reduce_sum3A_611 = vector.broadcast %reduce_sum3A_610 : i1 to vector<16xi1>
        %reduce_sum3A_612 = tpu.scan <sum>, %scan3A_94#23 masked %reduce_sum3A_611 : vector<16xf32>, vector<16xi1> -> vector<16xf32>
        %reduce_sum3A_613 = vector.extract %reduce_sum3A_612[15] : f32 from vector<16xf32>
        %broadcast_in_dim3A_614 = vector.broadcast %reduce_sum3A_613 : f32 to vector<16xf32>
        %reduce_sum3A_615 = arith.constant true
        %reduce_sum3A_616 = vector.broadcast %reduce_sum3A_615 : i1 to vector<16xi1>
        %reduce_sum3A_617 = tpu.scan <sum>, %scan3A_94#21 masked %reduce_sum3A_616 : vector<16xf32>, vector<16xi1> -> vector<16xf32>
        %reduce_sum3A_618 = vector.extract %reduce_sum3A_617[15] : f32 from vector<16xf32>
        %broadcast_in_dim3A_619 = vector.broadcast %reduce_sum3A_618 : f32 to vector<16xf32>
        %mul3A_620 = arith.constant 2.000000e+00 : f32
        %mul3A_621 = vector.broadcast %mul3A_620 : f32 to vector<16xf32>
        %mul3A_622 = arith.mulf %mul3A_621, %broadcast_in_dim3A_619 : vector<16xf32>
        %add3A_623 = arith.addf %broadcast_in_dim3A_614, %mul3A_622 : vector<16xf32>
        %get3A_624 = arith.index_cast %scan3A_89 : i32 to index
        %get3A_625 = arith.constant 0 : index
        %get3A_626 = tpu.vector_load %arg16[%get3A_624, %get3A_625] {strides = array<i32>} : memref<8x16xf32, #tpu.memory_space<vmem>>, vector<16xf32>,
        %add3A_627 = arith.addf %add3A_623, %get3A_626 : vector<16xf32>
        %reduce_sum3A_628 = arith.constant true
        %reduce_sum3A_629 = vector.broadcast %reduce_sum3A_628 : i1 to vector<16xi1>
        %reduce_sum3A_630 = tpu.scan <sum>, %scan3A_94#22 masked %reduce_sum3A_629 : vector<16xf32>, vector<16xi1> -> vector<16xf32>
        %reduce_sum3A_631 = vector.extract %reduce_sum3A_630[15] : f32 from vector<16xf32>
        %broadcast_in_dim3A_632 = vector.broadcast %reduce_sum3A_631 : f32 to vector<16xf32>
        %mul3A_633 = arith.constant 2.000000e+00 : f32
        %mul3A_634 = vector.broadcast %mul3A_633 : f32 to vector<16xf32>
        %mul3A_635 = arith.mulf %mul3A_634, %broadcast_in_dim3A_632 : vector<16xf32>
        %add3A_636 = arith.addf %broadcast_in_dim3A_614, %mul3A_635 : vector<16xf32>
        %get3A_637 = arith.index_cast %scan3A_89 : i32 to index
        %get3A_638 = arith.constant 0 : index
        %get3A_639 = tpu.vector_load %arg17[%get3A_637, %get3A_638] {strides = array<i32>} : memref<8x16xf32, #tpu.memory_space<vmem>>, vector<16xf32>,
        %add3A_640 = arith.addf %add3A_636, %get3A_639 : vector<16xf32>
        %reduce_sum3A_641 = arith.constant true
        %reduce_sum3A_642 = vector.broadcast %reduce_sum3A_641 : i1 to vector<16xi1>
        %reduce_sum3A_643 = tpu.scan <sum>, %scan3A_94#20 masked %reduce_sum3A_642 : vector<16xf32>, vector<16xi1> -> vector<16xf32>
        %reduce_sum3A_644 = vector.extract %reduce_sum3A_643[15] : f32 from vector<16xf32>
        %broadcast_in_dim3A_645 = vector.broadcast %reduce_sum3A_644 : f32 to vector<16xf32>
        %get3A_646 = arith.index_cast %scan3A_89 : i32 to index
        %get3A_647 = arith.constant 0 : index
        %get3A_648 = tpu.vector_load %arg18[%get3A_646, %get3A_647] {strides = array<i32>} : memref<8x16xf32, #tpu.memory_space<vmem>>, vector<16xf32>,
        %add3A_649 = arith.addf %broadcast_in_dim3A_645, %get3A_648 : vector<16xf32>
        %bitcast_convert_type3A_650 = tpu.bitcast %add3A_627 : vector<16xf32> -> vector<16xi32>
        %shift_right_arithmetic3A_651 = arith.constant 1 : i32
        %shift_right_arithmetic3A_652 = vector.broadcast %shift_right_arithmetic3A_651 : i32 to vector<16xi32>
        %shift_right_arithmetic3A_653 = arith.shrsi %bitcast_convert_type3A_650, %shift_right_arithmetic3A_652 : vector<16xi32>
        %sub3A_654 = arith.constant 1597463007 : i32
        %sub3A_655 = vector.broadcast %sub3A_654 : i32 to vector<16xi32>
        %sub3A_656 = arith.subi %sub3A_655, %shift_right_arithmetic3A_653 : vector<16xi32>
        %bitcast_convert_type3A_657 = tpu.bitcast %sub3A_656 : vector<16xi32> -> vector<16xf32>
        %mul3A_658 = arith.constant 5.000000e-01 : f32
        %mul3A_659 = vector.broadcast %mul3A_658 : f32 to vector<16xf32>
        %mul3A_660 = arith.mulf %mul3A_659, %add3A_627 : vector<16xf32>
        %mul3A_661 = arith.mulf %mul3A_660, %bitcast_convert_type3A_657 : vector<16xf32>
        %mul3A_662 = arith.mulf %mul3A_661, %bitcast_convert_type3A_657 : vector<16xf32>
        %sub3A_663 = arith.constant 1.500000e+00 : f32
        %sub3A_664 = vector.broadcast %sub3A_663 : f32 to vector<16xf32>
        %sub3A_665 = arith.subf %sub3A_664, %mul3A_662 : vector<16xf32>
        %mul3A_666 = arith.mulf %bitcast_convert_type3A_657, %sub3A_665 : vector<16xf32>
        %mul3A_667 = arith.constant 5.000000e-01 : f32
        %mul3A_668 = vector.broadcast %mul3A_667 : f32 to vector<16xf32>
        %mul3A_669 = arith.mulf %mul3A_668, %add3A_627 : vector<16xf32>
        %mul3A_670 = arith.mulf %mul3A_669, %mul3A_666 : vector<16xf32>
        %mul3A_671 = arith.mulf %mul3A_670, %mul3A_666 : vector<16xf32>
        %sub3A_672 = arith.constant 1.500000e+00 : f32
        %sub3A_673 = vector.broadcast %sub3A_672 : f32 to vector<16xf32>
        %sub3A_674 = arith.subf %sub3A_673, %mul3A_671 : vector<16xf32>
        %mul3A_675 = arith.mulf %mul3A_666, %sub3A_674 : vector<16xf32>
        %mul3A_676 = arith.constant 5.000000e-01 : f32
        %mul3A_677 = vector.broadcast %mul3A_676 : f32 to vector<16xf32>
        %mul3A_678 = arith.mulf %mul3A_677, %add3A_627 : vector<16xf32>
        %mul3A_679 = arith.mulf %mul3A_678, %mul3A_675 : vector<16xf32>
        %mul3A_680 = arith.mulf %mul3A_679, %mul3A_675 : vector<16xf32>
        %sub3A_681 = arith.constant 1.500000e+00 : f32
        %sub3A_682 = vector.broadcast %sub3A_681 : f32 to vector<16xf32>
        %sub3A_683 = arith.subf %sub3A_682, %mul3A_680 : vector<16xf32>
        %mul3A_684 = arith.mulf %mul3A_675, %sub3A_683 : vector<16xf32>
        %mul3A_685 = arith.mulf %add3A_649, %mul3A_684 : vector<16xf32>
        %sub3A_686 = arith.constant 1.000000e+00 : f32
        %sub3A_687 = vector.broadcast %sub3A_686 : f32 to vector<16xf32>
        %sub3A_688 = arith.subf %mul3A_685, %sub3A_687 : vector<16xf32>
        %mul3A_689 = arith.constant 5.500000e+00 : f32
        %mul3A_690 = vector.broadcast %mul3A_689 : f32 to vector<16xf32>
        %mul3A_691 = arith.mulf %mul3A_690, %sub3A_688 : vector<16xf32>
        %exp3A_692 = math.exp %mul3A_691 : vector<16xf32>
        %reduce_sum3A_693 = arith.constant true
        %reduce_sum3A_694 = vector.broadcast %reduce_sum3A_693 : i1 to vector<16xi1>
        %reduce_sum3A_695 = tpu.scan <sum>, %scan3A_94#24 masked %reduce_sum3A_694 : vector<16xf32>, vector<16xi1> -> vector<16xf32>
        %reduce_sum3A_696 = vector.extract %reduce_sum3A_695[15] : f32 from vector<16xf32>
        %broadcast_in_dim3A_697 = vector.broadcast %reduce_sum3A_696 : f32 to vector<16xf32>
        %eq3A_698 = arith.constant 0.000000e+00 : f32
        %eq3A_699 = vector.broadcast %eq3A_698 : f32 to vector<16xf32>
        %eq3A_700 = arith.cmpf oeq, %broadcast_in_dim3A_697, %eq3A_699 : vector<16xf32>
        %bitcast_convert_type3A_701 = tpu.bitcast %add3A_640 : vector<16xf32> -> vector<16xi32>
        %shift_right_arithmetic3A_702 = arith.constant 1 : i32
        %shift_right_arithmetic3A_703 = vector.broadcast %shift_right_arithmetic3A_702 : i32 to vector<16xi32>
        %shift_right_arithmetic3A_704 = arith.shrsi %bitcast_convert_type3A_701, %shift_right_arithmetic3A_703 : vector<16xi32>
        %sub3A_705 = arith.constant 1597463007 : i32
        %sub3A_706 = vector.broadcast %sub3A_705 : i32 to vector<16xi32>
        %sub3A_707 = arith.subi %sub3A_706, %shift_right_arithmetic3A_704 : vector<16xi32>
        %bitcast_convert_type3A_708 = tpu.bitcast %sub3A_707 : vector<16xi32> -> vector<16xf32>
        %mul3A_709 = arith.constant 5.000000e-01 : f32
        %mul3A_710 = vector.broadcast %mul3A_709 : f32 to vector<16xf32>
        %mul3A_711 = arith.mulf %mul3A_710, %add3A_640 : vector<16xf32>
        %mul3A_712 = arith.mulf %mul3A_711, %bitcast_convert_type3A_708 : vector<16xf32>
        %mul3A_713 = arith.mulf %mul3A_712, %bitcast_convert_type3A_708 : vector<16xf32>
        %sub3A_714 = arith.constant 1.500000e+00 : f32
        %sub3A_715 = vector.broadcast %sub3A_714 : f32 to vector<16xf32>
        %sub3A_716 = arith.subf %sub3A_715, %mul3A_713 : vector<16xf32>
        %mul3A_717 = arith.mulf %bitcast_convert_type3A_708, %sub3A_716 : vector<16xf32>
        %mul3A_718 = arith.constant 5.000000e-01 : f32
        %mul3A_719 = vector.broadcast %mul3A_718 : f32 to vector<16xf32>
        %mul3A_720 = arith.mulf %mul3A_719, %add3A_640 : vector<16xf32>
        %mul3A_721 = arith.mulf %mul3A_720, %mul3A_717 : vector<16xf32>
        %mul3A_722 = arith.mulf %mul3A_721, %mul3A_717 : vector<16xf32>
        %sub3A_723 = arith.constant 1.500000e+00 : f32
        %sub3A_724 = vector.broadcast %sub3A_723 : f32 to vector<16xf32>
        %sub3A_725 = arith.subf %sub3A_724, %mul3A_722 : vector<16xf32>
        %mul3A_726 = arith.mulf %mul3A_717, %sub3A_725 : vector<16xf32>
        %mul3A_727 = arith.constant 5.000000e-01 : f32
        %mul3A_728 = vector.broadcast %mul3A_727 : f32 to vector<16xf32>
        %mul3A_729 = arith.mulf %mul3A_728, %add3A_640 : vector<16xf32>
        %mul3A_730 = arith.mulf %mul3A_729, %mul3A_726 : vector<16xf32>
        %mul3A_731 = arith.mulf %mul3A_730, %mul3A_726 : vector<16xf32>
        %sub3A_732 = arith.constant 1.500000e+00 : f32
        %sub3A_733 = vector.broadcast %sub3A_732 : f32 to vector<16xf32>
        %sub3A_734 = arith.subf %sub3A_733, %mul3A_731 : vector<16xf32>
        %mul3A_735 = arith.mulf %mul3A_726, %sub3A_734 : vector<16xf32>
        %mul3A_736 = arith.mulf %exp3A_692, %mul3A_735 : vector<16xf32>
        %jit3A_737 = arith.constant 0.000000e+00 : f32
        %broadcast_in_dim3A_738 = vector.broadcast %jit3A_737 : f32 to vector<16xf32>
        %select_n3A_739 = arith.select %eq3A_700, %broadcast_in_dim3A_738, %mul3A_736 : vector<16xi1>, vector<16xf32>
        %get3A_740 = arith.index_cast %scan3A_89 : i32 to index
        %get3A_741 = arith.constant 0 : index
        %get3A_742 = tpu.vector_load %arg19[%get3A_740, %get3A_741] {strides = array<i32>} : memref<8x16xf32, #tpu.memory_space<vmem>>, vector<16xf32>,
        %add3A_743 = arith.addf %get3A_742, %select_n3A_219 : vector<16xf32>
        %add3A_744 = arith.addf %add3A_743, %select_n3A_349 : vector<16xf32>
        %add3A_745 = arith.addf %add3A_744, %select_n3A_479 : vector<16xf32>
        %add3A_746 = arith.addf %add3A_745, %select_n3A_609 : vector<16xf32>
        %add3A_747 = arith.addf %add3A_746, %select_n3A_739 : vector<16xf32>
        %swap3A = arith.index_cast %scan3A_89 : i32 to index
        %swap3A_748 = arith.constant 0 : index
        %swap3A_749 = tpu.vector_load %arg19[%swap3A, %swap3A_748] {strides = array<i32>} : memref<8x16xf32, #tpu.memory_space<vmem>>, vector<16xf32>,
        tpu.vector_store %arg19[%swap3A, %swap3A_748], %add3A_747 {strides = array<i32>} : memref<8x16xf32, #tpu.memory_space<vmem>>, vector<16xf32>,
        %scan3A_750 = arith.constant 0 : i32
        %scan3A_751 = arith.constant 64 : i32
        %scan3A_752 = arith.addi %scan3A_750, %scan3A_751 : i32
        %scan3A_753 = arith.constant 1 : i32
        scf.for %scan3A_755 = %scan3A_750 to %scan3A_752 step %scan3A_753  : i32 {
          %mul3A_756 = arith.constant 16 : i32
          %mul3A_757 = arith.muli %scan3A_755, %mul3A_756 : i32
          %get3A_758 = arith.index_cast %scan3A_89 : i32 to index
          %get3A_759 = arith.index_cast %mul3A_757 : i32 to index
          %get3A_760 = tpu.vector_load %arg15[%get3A_758, %get3A_759] {strides = array<i32>} : memref<8x1024xf32, #tpu.memory_space<vmem>>, vector<16xf32>,
          %get3A_761 = arith.constant 0 : i32
          %get3A_762 = arith.constant 0 : i32
          %get3A_763 = arith.index_cast %get3A_761 : i32 to index
          %get3A_764 = arith.index_cast %get3A_762 : i32 to index
          %get3A_765 = arith.index_cast %scan3A_89 : i32 to index
          %get3A_766 = arith.index_cast %mul3A_757 : i32 to index
          %get3A_767 = tpu.vector_load %arg10[%get3A_763, %get3A_764, %get3A_765, %get3A_766] {strides = array<i32>} : memref<2x5x8x1024xf32, #tpu.memory_space<vmem>>, vector<16xf32>,
          %mul3A_768 = arith.mulf %get3A_767, %select_n3A_219 : vector<16xf32>
          %add3A_769 = arith.addf %get3A_760, %mul3A_768 : vector<16xf32>
          %get3A_770 = arith.constant 0 : i32
          %get3A_771 = arith.constant 1 : i32
          %get3A_772 = arith.index_cast %get3A_770 : i32 to index
          %get3A_773 = arith.index_cast %get3A_771 : i32 to index
          %get3A_774 = arith.index_cast %scan3A_89 : i32 to index
          %get3A_775 = arith.index_cast %mul3A_757 : i32 to index
          %get3A_776 = tpu.vector_load %arg10[%get3A_772, %get3A_773, %get3A_774, %get3A_775] {strides = array<i32>} : memref<2x5x8x1024xf32, #tpu.memory_space<vmem>>, vector<16xf32>,
          %mul3A_777 = arith.mulf %get3A_776, %select_n3A_349 : vector<16xf32>
          %add3A_778 = arith.addf %add3A_769, %mul3A_777 : vector<16xf32>
          %get3A_779 = arith.constant 0 : i32
          %get3A_780 = arith.constant 2 : i32
          %get3A_781 = arith.index_cast %get3A_779 : i32 to index
          %get3A_782 = arith.index_cast %get3A_780 : i32 to index
          %get3A_783 = arith.index_cast %scan3A_89 : i32 to index
          %get3A_784 = arith.index_cast %mul3A_757 : i32 to index
          %get3A_785 = tpu.vector_load %arg10[%get3A_781, %get3A_782, %get3A_783, %get3A_784] {strides = array<i32>} : memref<2x5x8x1024xf32, #tpu.memory_space<vmem>>, vector<16xf32>,
          %mul3A_786 = arith.mulf %get3A_785, %select_n3A_479 : vector<16xf32>
          %add3A_787 = arith.addf %add3A_778, %mul3A_786 : vector<16xf32>
          %get3A_788 = arith.constant 0 : i32
          %get3A_789 = arith.constant 3 : i32
          %get3A_790 = arith.index_cast %get3A_788 : i32 to index
          %get3A_791 = arith.index_cast %get3A_789 : i32 to index
          %get3A_792 = arith.index_cast %scan3A_89 : i32 to index
          %get3A_793 = arith.index_cast %mul3A_757 : i32 to index
          %get3A_794 = tpu.vector_load %arg10[%get3A_790, %get3A_791, %get3A_792, %get3A_793] {strides = array<i32>} : memref<2x5x8x1024xf32, #tpu.memory_space<vmem>>, vector<16xf32>,
          %mul3A_795 = arith.mulf %get3A_794, %select_n3A_609 : vector<16xf32>
          %add3A_796 = arith.addf %add3A_787, %mul3A_795 : vector<16xf32>
          %get3A_797 = arith.constant 0 : i32
          %get3A_798 = arith.constant 4 : i32
          %get3A_799 = arith.index_cast %get3A_797 : i32 to index
          %get3A_800 = arith.index_cast %get3A_798 : i32 to index
          %get3A_801 = arith.index_cast %scan3A_89 : i32 to index
          %get3A_802 = arith.index_cast %mul3A_757 : i32 to index
          %get3A_803 = tpu.vector_load %arg10[%get3A_799, %get3A_800, %get3A_801, %get3A_802] {strides = array<i32>} : memref<2x5x8x1024xf32, #tpu.memory_space<vmem>>, vector<16xf32>,
          %mul3A_804 = arith.mulf %get3A_803, %select_n3A_739 : vector<16xf32>
          %add3A_805 = arith.addf %add3A_796, %mul3A_804 : vector<16xf32>
          %swap3A_806 = arith.index_cast %scan3A_89 : i32 to index
          %swap3A_807 = arith.index_cast %mul3A_757 : i32 to index
          %swap3A_808 = tpu.vector_load %arg15[%swap3A_806, %swap3A_807] {strides = array<i32>} : memref<8x1024xf32, #tpu.memory_space<vmem>>, vector<16xf32>,
          tpu.vector_store %arg15[%swap3A_806, %swap3A_807], %add3A_805 {strides = array<i32>} : memref<8x1024xf32, #tpu.memory_space<vmem>>, vector<16xf32>,
        }
        %scan3A_754 = arith.constant 64 : i32
      }
      %scan3A_74 = arith.constant 8 : i32
      %add3A_75 = arith.constant 2 : i32
      %add3A_76 = arith.addi %mul3A_39, %add3A_75 : i32
      %lt3A_77 = arith.constant 10 : i32
      %lt3A_78 = arith.cmpi slt, %add3A_76, %lt3A_77 : i32
      %convert_element_type3A_79 = arith.extui %lt3A_78 : i1 to i32
      %cond3A_80 = arith.constant 0 : i32
      %cond3A_81 = arith.cmpi ne, %convert_element_type3A_79, %cond3A_80 : i32
      scf.if %cond3A_81 {
        %add3A_89 = arith.constant 2 : i32
        %add3A_90 = arith.addi %mul3A_39, %add3A_89 : i32
        %mul3A_91 = arith.constant 5 : i32
        %mul3A_92 = arith.muli %add3A_90, %mul3A_91 : i32
        %jit3A_93 = arith.constant 2 : i32
        %eq3A_94 = arith.constant 0 : i32
        %eq3A_95 = arith.cmpi eq, %jit3A_93, %eq3A_94 : i32
        %jit3A_96 = arith.constant 1 : i32
        %select_n3A_97 = arith.select %eq3A_95, %jit3A_96, %jit3A_93 : i32
        %rem3A_98 = arith.remsi %add3A_90, %select_n3A_97 : i32
        %ne3A_99 = arith.constant 0 : i32
        %ne3A_100 = arith.cmpi ne, %rem3A_98, %ne3A_99 : i32
        %lt3A_101 = arith.constant 0 : i32
        %lt3A_102 = arith.cmpi slt, %rem3A_98, %lt3A_101 : i32
        %lt3A_103 = arith.constant 0 : i32
        %lt3A_104 = arith.cmpi slt, %select_n3A_97, %lt3A_103 : i32
        %ne3A_105 = arith.xori %lt3A_102, %lt3A_104 : i1
        %and3A_106 = arith.andi %ne3A_105, %ne3A_100 : i1
        %add3A_107 = arith.addi %rem3A_98, %select_n3A_97 : i32
        %select_n3A_108 = arith.select %and3A_106, %add3A_107, %rem3A_98 : i32
        %dma_start3A_109 = arith.constant 0 : i32
        %dma_start3A_110 = arith.constant 0 : i32
        %dma_start3A_111 = arith.constant 0 : i32
        %dma_start3A_112 = tpu.memref_slice %arg10[%select_n3A_108, %dma_start3A_109, %dma_start3A_110, %dma_start3A_111] : memref<2x5x8x1024xf32, #tpu.memory_space<vmem>> -> memref<1x5x8x1024xf32, #tpu.memory_space<vmem>>
        %dma_start3A_113 = tpu.memref_squeeze %dma_start3A_112 : memref<1x5x8x1024xf32, #tpu.memory_space<vmem>> -> memref<5x8x1024xf32, #tpu.memory_space<vmem>>
        %dma_start3A_114 = arith.constant 0 : i32
        %dma_start3A_115 = tpu.memref_slice %arg3[%mul3A_92, %mul3A_3, %dma_start3A_114] : memref<50x1000x1024xf32, #tpu.memory_space<hbm>> -> memref<5x8x1024xf32, #tpu.memory_space<hbm>>
        %dma_start3A_116 = arith.constant 0 : i32
        %dma_start3A_117 = arith.constant 0 : i32
        %dma_start3A_118 = arith.constant 0 : i32
        %dma_start3A_119 = tpu.memref_slice %arg10[%select_n3A_108, %dma_start3A_116, %dma_start3A_117, %dma_start3A_118] : memref<2x5x8x1024xf32, #tpu.memory_space<vmem>> -> memref<1x5x8x1024xf32, #tpu.memory_space<vmem>>
        %dma_start3A_120 = tpu.memref_squeeze %dma_start3A_119 : memref<1x5x8x1024xf32, #tpu.memory_space<vmem>> -> memref<5x8x1024xf32, #tpu.memory_space<vmem>>
        %dma_start3A_121 = arith.constant 0 : i32
        %dma_start3A_122 = tpu.memref_slice %arg3[%mul3A_92, %mul3A_3, %dma_start3A_121] : memref<50x1000x1024xf32, #tpu.memory_space<hbm>> -> memref<5x8x1024xf32, #tpu.memory_space<hbm>>
        tpu.enqueue_dma source(%dma_start3A_122 : memref<5x8x1024xf32, #tpu.memory_space<hbm>>) target(%dma_start3A_120 : memref<5x8x1024xf32, #tpu.memory_space<vmem>>) target_semaphore(%arg23 : memref<!tpu.dma_semaphore, #tpu.memory_space<semaphore_mem>>)
      } else {
      }
      %add3A_82 = arith.constant 1 : i32
      %add3A_83 = arith.addi %mul3A_39, %add3A_82 : i32
      %lt3A_84 = arith.constant 10 : i32
      %lt3A_85 = arith.cmpi slt, %add3A_83, %lt3A_84 : i32
      %convert_element_type3A_86 = arith.extui %lt3A_85 : i1 to i32
      %cond3A_87 = arith.constant 0 : i32
      %cond3A_88 = arith.cmpi ne, %convert_element_type3A_86, %cond3A_87 : i32
      scf.if %cond3A_88 {
        %add3A_89 = arith.constant 1 : i32
        %add3A_90 = arith.addi %mul3A_39, %add3A_89 : i32
        %mul3A_91 = arith.constant 5 : i32
        %mul3A_92 = arith.muli %add3A_90, %mul3A_91 : i32
        %jit3A_93 = arith.constant 2 : i32
        %eq3A_94 = arith.constant 0 : i32
        %eq3A_95 = arith.cmpi eq, %jit3A_93, %eq3A_94 : i32
        %jit3A_96 = arith.constant 1 : i32
        %select_n3A_97 = arith.select %eq3A_95, %jit3A_96, %jit3A_93 : i32
        %rem3A_98 = arith.remsi %add3A_90, %select_n3A_97 : i32
        %ne3A_99 = arith.constant 0 : i32
        %ne3A_100 = arith.cmpi ne, %rem3A_98, %ne3A_99 : i32
        %lt3A_101 = arith.constant 0 : i32
        %lt3A_102 = arith.cmpi slt, %rem3A_98, %lt3A_101 : i32
        %lt3A_103 = arith.constant 0 : i32
        %lt3A_104 = arith.cmpi slt, %select_n3A_97, %lt3A_103 : i32
        %ne3A_105 = arith.xori %lt3A_102, %lt3A_104 : i1
        %and3A_106 = arith.andi %ne3A_105, %ne3A_100 : i1
        %add3A_107 = arith.addi %rem3A_98, %select_n3A_97 : i32
        %select_n3A_108 = arith.select %and3A_106, %add3A_107, %rem3A_98 : i32
        %dma_wait3A_109 = arith.constant 0 : i32
        %dma_wait3A_110 = arith.constant 0 : i32
        %dma_wait3A_111 = arith.constant 0 : i32
        %dma_wait3A_112 = tpu.memref_slice %arg10[%select_n3A_108, %dma_wait3A_109, %dma_wait3A_110, %dma_wait3A_111] : memref<2x5x8x1024xf32, #tpu.memory_space<vmem>> -> memref<1x5x8x1024xf32, #tpu.memory_space<vmem>>
        %dma_wait3A_113 = tpu.memref_squeeze %dma_wait3A_112 : memref<1x5x8x1024xf32, #tpu.memory_space<vmem>> -> memref<5x8x1024xf32, #tpu.memory_space<vmem>>
        %dma_wait3A_114 = arith.constant 0 : i32
        %dma_wait3A_115 = tpu.memref_slice %arg3[%mul3A_92, %mul3A_3, %dma_wait3A_114] : memref<50x1000x1024xf32, #tpu.memory_space<hbm>> -> memref<5x8x1024xf32, #tpu.memory_space<hbm>>
        %dma_wait3A_116 = arith.constant 0 : i32
        %dma_wait3A_117 = arith.constant 0 : i32
        %dma_wait3A_118 = arith.constant 0 : i32
        %dma_wait3A_119 = tpu.memref_slice %arg10[%select_n3A_108, %dma_wait3A_116, %dma_wait3A_117, %dma_wait3A_118] : memref<2x5x8x1024xf32, #tpu.memory_space<vmem>> -> memref<1x5x8x1024xf32, #tpu.memory_space<vmem>>
        %dma_wait3A_120 = tpu.memref_squeeze %dma_wait3A_119 : memref<1x5x8x1024xf32, #tpu.memory_space<vmem>> -> memref<5x8x1024xf32, #tpu.memory_space<vmem>>
        %dma_wait3A_121 = arith.constant 0 : i32
        %dma_wait3A_122 = tpu.memref_slice %arg3[%mul3A_92, %mul3A_3, %dma_wait3A_121] : memref<50x1000x1024xf32, #tpu.memory_space<hbm>> -> memref<5x8x1024xf32, #tpu.memory_space<hbm>>
        tpu.wait_dma2 semaphore(%arg24 : memref<!tpu.dma_semaphore, #tpu.memory_space<semaphore_mem>>) src(%dma_wait3A_122 : memref<5x8x1024xf32, #tpu.memory_space<hbm>>) dst(%dma_wait3A_120 : memref<5x8x1024xf32, #tpu.memory_space<vmem>>)
        %scan3A_123 = arith.constant 0 : i32
        %scan3A_124 = arith.constant 0 : i32
        %scan3A_125 = arith.constant 8 : i32
        %scan3A_126 = arith.addi %scan3A_124, %scan3A_125 : i32
        %scan3A_127 = arith.constant 1 : i32
        scf.for %scan3A_129 = %scan3A_124 to %scan3A_126 step %scan3A_127  : i32 {
          %scan3A_130 = arith.constant 0 : i32
          %scan3A_131 = arith.constant 64 : i32
          %scan3A_132 = arith.addi %scan3A_130, %scan3A_131 : i32
          %scan3A_133 = arith.constant 2 : i32
          %scan3A_134:25 = scf.for %scan3A_795 = %scan3A_130 to %scan3A_132 step %scan3A_133 iter_args(%scan3A_796 = %broadcast_in_dim3A_1, %scan3A_797 = %broadcast_in_dim3A_1, %scan3A_798 = %broadcast_in_dim3A_1, %scan3A_799 = %broadcast_in_dim3A_1, %scan3A_800 = %broadcast_in_dim3A_1, %scan3A_801 = %broadcast_in_dim3A_1, %scan3A_802 = %broadcast_in_dim3A_1, %scan3A_803 = %broadcast_in_dim3A_1, %scan3A_804 = %broadcast_in_dim3A_1, %scan3A_805 = %broadcast_in_dim3A_1, %scan3A_806 = %broadcast_in_dim3A_1, %scan3A_807 = %broadcast_in_dim3A_1, %scan3A_808 = %broadcast_in_dim3A_1, %scan3A_809 = %broadcast_in_dim3A_1, %scan3A_810 = %broadcast_in_dim3A_1, %scan3A_811 = %broadcast_in_dim3A_1, %scan3A_812 = %broadcast_in_dim3A_1, %scan3A_813 = %broadcast_in_dim3A_1, %scan3A_814 = %broadcast_in_dim3A_1, %scan3A_815 = %broadcast_in_dim3A_1, %scan3A_816 = %broadcast_in_dim3A_1, %scan3A_817 = %broadcast_in_dim3A_1, %scan3A_818 = %broadcast_in_dim3A_1, %scan3A_819 = %broadcast_in_dim3A_1, %scan3A_820 = %broadcast_in_dim3A_1) -> (vector<16xf32>, vector<16xf32>, vector<16xf32>, vector<16xf32>, vector<16xf32>, vector<16xf32>, vector<16xf32>, vector<16xf32>, vector<16xf32>, vector<16xf32>, vector<16xf32>, vector<16xf32>, vector<16xf32>, vector<16xf32>, vector<16xf32>, vector<16xf32>, vector<16xf32>, vector<16xf32>, vector<16xf32>, vector<16xf32>, vector<16xf32>, vector<16xf32>, vector<16xf32>, vector<16xf32>, vector<16xf32>)  : i32 {
            %mul3A_821 = arith.constant 16 : i32
            %mul3A_822 = arith.muli %scan3A_795, %mul3A_821 : i32
            %get3A_823 = arith.constant 0 : i32
            %get3A_824 = arith.index_cast %get3A_823 : i32 to index
            %get3A_825 = arith.index_cast %mul3A_822 : i32 to index
            %get3A_826 = tpu.vector_load %arg20[%get3A_824, %get3A_825] {strides = array<i32>} : memref<1x1024xf32, #tpu.memory_space<vmem>>, vector<16xf32>,
            %get3A_827 = arith.index_cast %scan3A_129 : i32 to index
            %get3A_828 = arith.index_cast %mul3A_822 : i32 to index
            %get3A_829 = tpu.vector_load %arg11[%get3A_827, %get3A_828] {strides = array<i32>} : memref<8x1024xf32, #tpu.memory_space<vmem>>, vector<16xf32>,
            %get3A_830 = arith.index_cast %scan3A_129 : i32 to index
            %get3A_831 = arith.index_cast %mul3A_822 : i32 to index
            %get3A_832 = tpu.vector_load %arg12[%get3A_830, %get3A_831] {strides = array<i32>} : memref<8x1024xf32, #tpu.memory_space<vmem>>, vector<16xf32>,
            %get3A_833 = arith.constant 1 : i32
            %get3A_834 = arith.constant 0 : i32
            %get3A_835 = arith.index_cast %get3A_833 : i32 to index
            %get3A_836 = arith.index_cast %get3A_834 : i32 to index
            %get3A_837 = arith.index_cast %scan3A_129 : i32 to index
            %get3A_838 = arith.index_cast %mul3A_822 : i32 to index
            %get3A_839 = tpu.vector_load %arg10[%get3A_835, %get3A_836, %get3A_837, %get3A_838] {strides = array<i32>} : memref<2x5x8x1024xf32, #tpu.memory_space<vmem>>, vector<16xf32>,
            %mul3A_840 = arith.mulf %get3A_839, %get3A_826 : vector<16xf32>
            %add3A_841 = arith.addf %scan3A_796, %mul3A_840 : vector<16xf32>
            %mul3A_842 = arith.mulf %get3A_839, %get3A_829 : vector<16xf32>
            %add3A_843 = arith.addf %scan3A_797, %mul3A_842 : vector<16xf32>
            %mul3A_844 = arith.mulf %get3A_839, %get3A_832 : vector<16xf32>
            %add3A_845 = arith.addf %scan3A_798, %mul3A_844 : vector<16xf32>
            %mul3A_846 = arith.mulf %get3A_839, %get3A_839 : vector<16xf32>
            %add3A_847 = arith.addf %scan3A_799, %mul3A_846 : vector<16xf32>
            %add3A_848 = arith.addf %scan3A_800, %get3A_839 : vector<16xf32>
            %get3A_849 = arith.constant 1 : i32
            %get3A_850 = arith.constant 1 : i32
            %get3A_851 = arith.index_cast %get3A_849 : i32 to index
            %get3A_852 = arith.index_cast %get3A_850 : i32 to index
            %get3A_853 = arith.index_cast %scan3A_129 : i32 to index
            %get3A_854 = arith.index_cast %mul3A_822 : i32 to index
            %get3A_855 = tpu.vector_load %arg10[%get3A_851, %get3A_852, %get3A_853, %get3A_854] {strides = array<i32>} : memref<2x5x8x1024xf32, #tpu.memory_space<vmem>>, vector<16xf32>,
            %mul3A_856 = arith.mulf %get3A_855, %get3A_826 : vector<16xf32>
            %add3A_857 = arith.addf %scan3A_801, %mul3A_856 : vector<16xf32>
            %mul3A_858 = arith.mulf %get3A_855, %get3A_829 : vector<16xf32>
            %add3A_859 = arith.addf %scan3A_802, %mul3A_858 : vector<16xf32>
            %mul3A_860 = arith.mulf %get3A_855, %get3A_832 : vector<16xf32>
            %add3A_861 = arith.addf %scan3A_803, %mul3A_860 : vector<16xf32>
            %mul3A_862 = arith.mulf %get3A_855, %get3A_855 : vector<16xf32>
            %add3A_863 = arith.addf %scan3A_804, %mul3A_862 : vector<16xf32>
            %add3A_864 = arith.addf %scan3A_805, %get3A_855 : vector<16xf32>
            %get3A_865 = arith.constant 1 : i32
            %get3A_866 = arith.constant 2 : i32
            %get3A_867 = arith.index_cast %get3A_865 : i32 to index
            %get3A_868 = arith.index_cast %get3A_866 : i32 to index
            %get3A_869 = arith.index_cast %scan3A_129 : i32 to index
            %get3A_870 = arith.index_cast %mul3A_822 : i32 to index
            %get3A_871 = tpu.vector_load %arg10[%get3A_867, %get3A_868, %get3A_869, %get3A_870] {strides = array<i32>} : memref<2x5x8x1024xf32, #tpu.memory_space<vmem>>, vector<16xf32>,
            %mul3A_872 = arith.mulf %get3A_871, %get3A_826 : vector<16xf32>
            %add3A_873 = arith.addf %scan3A_806, %mul3A_872 : vector<16xf32>
            %mul3A_874 = arith.mulf %get3A_871, %get3A_829 : vector<16xf32>
            %add3A_875 = arith.addf %scan3A_807, %mul3A_874 : vector<16xf32>
            %mul3A_876 = arith.mulf %get3A_871, %get3A_832 : vector<16xf32>
            %add3A_877 = arith.addf %scan3A_808, %mul3A_876 : vector<16xf32>
            %mul3A_878 = arith.mulf %get3A_871, %get3A_871 : vector<16xf32>
            %add3A_879 = arith.addf %scan3A_809, %mul3A_878 : vector<16xf32>
            %add3A_880 = arith.addf %scan3A_810, %get3A_871 : vector<16xf32>
            %get3A_881 = arith.constant 1 : i32
            %get3A_882 = arith.constant 3 : i32
            %get3A_883 = arith.index_cast %get3A_881 : i32 to index
            %get3A_884 = arith.index_cast %get3A_882 : i32 to index
            %get3A_885 = arith.index_cast %scan3A_129 : i32 to index
            %get3A_886 = arith.index_cast %mul3A_822 : i32 to index
            %get3A_887 = tpu.vector_load %arg10[%get3A_883, %get3A_884, %get3A_885, %get3A_886] {strides = array<i32>} : memref<2x5x8x1024xf32, #tpu.memory_space<vmem>>, vector<16xf32>,
            %mul3A_888 = arith.mulf %get3A_887, %get3A_826 : vector<16xf32>
            %add3A_889 = arith.addf %scan3A_811, %mul3A_888 : vector<16xf32>
            %mul3A_890 = arith.mulf %get3A_887, %get3A_829 : vector<16xf32>
            %add3A_891 = arith.addf %scan3A_812, %mul3A_890 : vector<16xf32>
            %mul3A_892 = arith.mulf %get3A_887, %get3A_832 : vector<16xf32>
            %add3A_893 = arith.addf %scan3A_813, %mul3A_892 : vector<16xf32>
            %mul3A_894 = arith.mulf %get3A_887, %get3A_887 : vector<16xf32>
            %add3A_895 = arith.addf %scan3A_814, %mul3A_894 : vector<16xf32>
            %add3A_896 = arith.addf %scan3A_815, %get3A_887 : vector<16xf32>
            %get3A_897 = arith.constant 1 : i32
            %get3A_898 = arith.constant 4 : i32
            %get3A_899 = arith.index_cast %get3A_897 : i32 to index
            %get3A_900 = arith.index_cast %get3A_898 : i32 to index
            %get3A_901 = arith.index_cast %scan3A_129 : i32 to index
            %get3A_902 = arith.index_cast %mul3A_822 : i32 to index
            %get3A_903 = tpu.vector_load %arg10[%get3A_899, %get3A_900, %get3A_901, %get3A_902] {strides = array<i32>} : memref<2x5x8x1024xf32, #tpu.memory_space<vmem>>, vector<16xf32>,
            %mul3A_904 = arith.mulf %get3A_903, %get3A_826 : vector<16xf32>
            %add3A_905 = arith.addf %scan3A_816, %mul3A_904 : vector<16xf32>
            %mul3A_906 = arith.mulf %get3A_903, %get3A_829 : vector<16xf32>
            %add3A_907 = arith.addf %scan3A_817, %mul3A_906 : vector<16xf32>
            %mul3A_908 = arith.mulf %get3A_903, %get3A_832 : vector<16xf32>
            %add3A_909 = arith.addf %scan3A_818, %mul3A_908 : vector<16xf32>
            %mul3A_910 = arith.mulf %get3A_903, %get3A_903 : vector<16xf32>
            %add3A_911 = arith.addf %scan3A_819, %mul3A_910 : vector<16xf32>
            %add3A_912 = arith.addf %scan3A_820, %get3A_903 : vector<16xf32>
            %scan3A_913 = arith.constant 1 : i32
            %scan3A_914 = arith.addi %scan3A_795, %scan3A_913 : i32
            %mul3A_915 = arith.constant 16 : i32
            %mul3A_916 = arith.muli %scan3A_914, %mul3A_915 : i32
            %get3A_917 = arith.constant 0 : i32
            %get3A_918 = arith.index_cast %get3A_917 : i32 to index
            %get3A_919 = arith.index_cast %mul3A_916 : i32 to index
            %get3A_920 = tpu.vector_load %arg20[%get3A_918, %get3A_919] {strides = array<i32>} : memref<1x1024xf32, #tpu.memory_space<vmem>>, vector<16xf32>,
            %get3A_921 = arith.index_cast %scan3A_129 : i32 to index
            %get3A_922 = arith.index_cast %mul3A_916 : i32 to index
            %get3A_923 = tpu.vector_load %arg11[%get3A_921, %get3A_922] {strides = array<i32>} : memref<8x1024xf32, #tpu.memory_space<vmem>>, vector<16xf32>,
            %get3A_924 = arith.index_cast %scan3A_129 : i32 to index
            %get3A_925 = arith.index_cast %mul3A_916 : i32 to index
            %get3A_926 = tpu.vector_load %arg12[%get3A_924, %get3A_925] {strides = array<i32>} : memref<8x1024xf32, #tpu.memory_space<vmem>>, vector<16xf32>,
            %get3A_927 = arith.constant 1 : i32
            %get3A_928 = arith.constant 0 : i32
            %get3A_929 = arith.index_cast %get3A_927 : i32 to index
            %get3A_930 = arith.index_cast %get3A_928 : i32 to index
            %get3A_931 = arith.index_cast %scan3A_129 : i32 to index
            %get3A_932 = arith.index_cast %mul3A_916 : i32 to index
            %get3A_933 = tpu.vector_load %arg10[%get3A_929, %get3A_930, %get3A_931, %get3A_932] {strides = array<i32>} : memref<2x5x8x1024xf32, #tpu.memory_space<vmem>>, vector<16xf32>,
            %mul3A_934 = arith.mulf %get3A_933, %get3A_920 : vector<16xf32>
            %add3A_935 = arith.addf %add3A_841, %mul3A_934 : vector<16xf32>
            %mul3A_936 = arith.mulf %get3A_933, %get3A_923 : vector<16xf32>
            %add3A_937 = arith.addf %add3A_843, %mul3A_936 : vector<16xf32>
            %mul3A_938 = arith.mulf %get3A_933, %get3A_926 : vector<16xf32>
            %add3A_939 = arith.addf %add3A_845, %mul3A_938 : vector<16xf32>
            %mul3A_940 = arith.mulf %get3A_933, %get3A_933 : vector<16xf32>
            %add3A_941 = arith.addf %add3A_847, %mul3A_940 : vector<16xf32>
            %add3A_942 = arith.addf %add3A_848, %get3A_933 : vector<16xf32>
            %get3A_943 = arith.constant 1 : i32
            %get3A_944 = arith.constant 1 : i32
            %get3A_945 = arith.index_cast %get3A_943 : i32 to index
            %get3A_946 = arith.index_cast %get3A_944 : i32 to index
            %get3A_947 = arith.index_cast %scan3A_129 : i32 to index
            %get3A_948 = arith.index_cast %mul3A_916 : i32 to index
            %get3A_949 = tpu.vector_load %arg10[%get3A_945, %get3A_946, %get3A_947, %get3A_948] {strides = array<i32>} : memref<2x5x8x1024xf32, #tpu.memory_space<vmem>>, vector<16xf32>,
            %mul3A_950 = arith.mulf %get3A_949, %get3A_920 : vector<16xf32>
            %add3A_951 = arith.addf %add3A_857, %mul3A_950 : vector<16xf32>
            %mul3A_952 = arith.mulf %get3A_949, %get3A_923 : vector<16xf32>
            %add3A_953 = arith.addf %add3A_859, %mul3A_952 : vector<16xf32>
            %mul3A_954 = arith.mulf %get3A_949, %get3A_926 : vector<16xf32>
            %add3A_955 = arith.addf %add3A_861, %mul3A_954 : vector<16xf32>
            %mul3A_956 = arith.mulf %get3A_949, %get3A_949 : vector<16xf32>
            %add3A_957 = arith.addf %add3A_863, %mul3A_956 : vector<16xf32>
            %add3A_958 = arith.addf %add3A_864, %get3A_949 : vector<16xf32>
            %get3A_959 = arith.constant 1 : i32
            %get3A_960 = arith.constant 2 : i32
            %get3A_961 = arith.index_cast %get3A_959 : i32 to index
            %get3A_962 = arith.index_cast %get3A_960 : i32 to index
            %get3A_963 = arith.index_cast %scan3A_129 : i32 to index
            %get3A_964 = arith.index_cast %mul3A_916 : i32 to index
            %get3A_965 = tpu.vector_load %arg10[%get3A_961, %get3A_962, %get3A_963, %get3A_964] {strides = array<i32>} : memref<2x5x8x1024xf32, #tpu.memory_space<vmem>>, vector<16xf32>,
            %mul3A_966 = arith.mulf %get3A_965, %get3A_920 : vector<16xf32>
            %add3A_967 = arith.addf %add3A_873, %mul3A_966 : vector<16xf32>
            %mul3A_968 = arith.mulf %get3A_965, %get3A_923 : vector<16xf32>
            %add3A_969 = arith.addf %add3A_875, %mul3A_968 : vector<16xf32>
            %mul3A_970 = arith.mulf %get3A_965, %get3A_926 : vector<16xf32>
            %add3A_971 = arith.addf %add3A_877, %mul3A_970 : vector<16xf32>
            %mul3A_972 = arith.mulf %get3A_965, %get3A_965 : vector<16xf32>
            %add3A_973 = arith.addf %add3A_879, %mul3A_972 : vector<16xf32>
            %add3A_974 = arith.addf %add3A_880, %get3A_965 : vector<16xf32>
            %get3A_975 = arith.constant 1 : i32
            %get3A_976 = arith.constant 3 : i32
            %get3A_977 = arith.index_cast %get3A_975 : i32 to index
            %get3A_978 = arith.index_cast %get3A_976 : i32 to index
            %get3A_979 = arith.index_cast %scan3A_129 : i32 to index
            %get3A_980 = arith.index_cast %mul3A_916 : i32 to index
            %get3A_981 = tpu.vector_load %arg10[%get3A_977, %get3A_978, %get3A_979, %get3A_980] {strides = array<i32>} : memref<2x5x8x1024xf32, #tpu.memory_space<vmem>>, vector<16xf32>,
            %mul3A_982 = arith.mulf %get3A_981, %get3A_920 : vector<16xf32>
            %add3A_983 = arith.addf %add3A_889, %mul3A_982 : vector<16xf32>
            %mul3A_984 = arith.mulf %get3A_981, %get3A_923 : vector<16xf32>
            %add3A_985 = arith.addf %add3A_891, %mul3A_984 : vector<16xf32>
            %mul3A_986 = arith.mulf %get3A_981, %get3A_926 : vector<16xf32>
            %add3A_987 = arith.addf %add3A_893, %mul3A_986 : vector<16xf32>
            %mul3A_988 = arith.mulf %get3A_981, %get3A_981 : vector<16xf32>
            %add3A_989 = arith.addf %add3A_895, %mul3A_988 : vector<16xf32>
            %add3A_990 = arith.addf %add3A_896, %get3A_981 : vector<16xf32>
            %get3A_991 = arith.constant 1 : i32
            %get3A_992 = arith.constant 4 : i32
            %get3A_993 = arith.index_cast %get3A_991 : i32 to index
            %get3A_994 = arith.index_cast %get3A_992 : i32 to index
            %get3A_995 = arith.index_cast %scan3A_129 : i32 to index
            %get3A_996 = arith.index_cast %mul3A_916 : i32 to index
            %get3A_997 = tpu.vector_load %arg10[%get3A_993, %get3A_994, %get3A_995, %get3A_996] {strides = array<i32>} : memref<2x5x8x1024xf32, #tpu.memory_space<vmem>>, vector<16xf32>,
            %mul3A_998 = arith.mulf %get3A_997, %get3A_920 : vector<16xf32>
            %add3A_999 = arith.addf %add3A_905, %mul3A_998 : vector<16xf32>
            %mul3A_1000 = arith.mulf %get3A_997, %get3A_923 : vector<16xf32>
            %add3A_1001 = arith.addf %add3A_907, %mul3A_1000 : vector<16xf32>
            %mul3A_1002 = arith.mulf %get3A_997, %get3A_926 : vector<16xf32>
            %add3A_1003 = arith.addf %add3A_909, %mul3A_1002 : vector<16xf32>
            %mul3A_1004 = arith.mulf %get3A_997, %get3A_997 : vector<16xf32>
            %add3A_1005 = arith.addf %add3A_911, %mul3A_1004 : vector<16xf32>
            %add3A_1006 = arith.addf %add3A_912, %get3A_997 : vector<16xf32>
            scf.yield %add3A_935, %add3A_937, %add3A_939, %add3A_941, %add3A_942, %add3A_951, %add3A_953, %add3A_955, %add3A_957, %add3A_958, %add3A_967, %add3A_969, %add3A_971, %add3A_973, %add3A_974, %add3A_983, %add3A_985, %add3A_987, %add3A_989, %add3A_990, %add3A_999, %add3A_1001, %add3A_1003, %add3A_1005, %add3A_1006 : vector<16xf32>, vector<16xf32>, vector<16xf32>, vector<16xf32>, vector<16xf32>, vector<16xf32>, vector<16xf32>, vector<16xf32>, vector<16xf32>, vector<16xf32>, vector<16xf32>, vector<16xf32>, vector<16xf32>, vector<16xf32>, vector<16xf32>, vector<16xf32>, vector<16xf32>, vector<16xf32>, vector<16xf32>, vector<16xf32>, vector<16xf32>, vector<16xf32>, vector<16xf32>, vector<16xf32>, vector<16xf32>
          }
          %scan3A_135 = arith.constant 64 : i32
          %reduce_sum3A = arith.constant true
          %reduce_sum3A_136 = vector.broadcast %reduce_sum3A : i1 to vector<16xi1>
          %reduce_sum3A_137 = tpu.scan <sum>, %scan3A_134#3 masked %reduce_sum3A_136 : vector<16xf32>, vector<16xi1> -> vector<16xf32>
          %reduce_sum3A_138 = vector.extract %reduce_sum3A_137[15] : f32 from vector<16xf32>
          %broadcast_in_dim3A_139 = vector.broadcast %reduce_sum3A_138 : f32 to vector<16xf32>
          %reduce_sum3A_140 = arith.constant true
          %reduce_sum3A_141 = vector.broadcast %reduce_sum3A_140 : i1 to vector<16xi1>
          %reduce_sum3A_142 = tpu.scan <sum>, %scan3A_134#1 masked %reduce_sum3A_141 : vector<16xf32>, vector<16xi1> -> vector<16xf32>
          %reduce_sum3A_143 = vector.extract %reduce_sum3A_142[15] : f32 from vector<16xf32>
          %broadcast_in_dim3A_144 = vector.broadcast %reduce_sum3A_143 : f32 to vector<16xf32>
          %mul3A_145 = arith.constant 2.000000e+00 : f32
          %mul3A_146 = vector.broadcast %mul3A_145 : f32 to vector<16xf32>
          %mul3A_147 = arith.mulf %mul3A_146, %broadcast_in_dim3A_144 : vector<16xf32>
          %add3A_148 = arith.addf %broadcast_in_dim3A_139, %mul3A_147 : vector<16xf32>
          %get3A = arith.index_cast %scan3A_129 : i32 to index
          %get3A_149 = arith.constant 0 : index
          %get3A_150 = tpu.vector_load %arg16[%get3A, %get3A_149] {strides = array<i32>} : memref<8x16xf32, #tpu.memory_space<vmem>>, vector<16xf32>,
          %add3A_151 = arith.addf %add3A_148, %get3A_150 : vector<16xf32>
          %reduce_sum3A_152 = arith.constant true
          %reduce_sum3A_153 = vector.broadcast %reduce_sum3A_152 : i1 to vector<16xi1>
          %reduce_sum3A_154 = tpu.scan <sum>, %scan3A_134#2 masked %reduce_sum3A_153 : vector<16xf32>, vector<16xi1> -> vector<16xf32>
          %reduce_sum3A_155 = vector.extract %reduce_sum3A_154[15] : f32 from vector<16xf32>
          %broadcast_in_dim3A_156 = vector.broadcast %reduce_sum3A_155 : f32 to vector<16xf32>
          %mul3A_157 = arith.constant 2.000000e+00 : f32
          %mul3A_158 = vector.broadcast %mul3A_157 : f32 to vector<16xf32>
          %mul3A_159 = arith.mulf %mul3A_158, %broadcast_in_dim3A_156 : vector<16xf32>
          %add3A_160 = arith.addf %broadcast_in_dim3A_139, %mul3A_159 : vector<16xf32>
          %get3A_161 = arith.index_cast %scan3A_129 : i32 to index
          %get3A_162 = arith.constant 0 : index
          %get3A_163 = tpu.vector_load %arg17[%get3A_161, %get3A_162] {strides = array<i32>} : memref<8x16xf32, #tpu.memory_space<vmem>>, vector<16xf32>,
          %add3A_164 = arith.addf %add3A_160, %get3A_163 : vector<16xf32>
          %reduce_sum3A_165 = arith.constant true
          %reduce_sum3A_166 = vector.broadcast %reduce_sum3A_165 : i1 to vector<16xi1>
          %reduce_sum3A_167 = tpu.scan <sum>, %scan3A_134#0 masked %reduce_sum3A_166 : vector<16xf32>, vector<16xi1> -> vector<16xf32>
          %reduce_sum3A_168 = vector.extract %reduce_sum3A_167[15] : f32 from vector<16xf32>
          %broadcast_in_dim3A_169 = vector.broadcast %reduce_sum3A_168 : f32 to vector<16xf32>
          %get3A_170 = arith.index_cast %scan3A_129 : i32 to index
          %get3A_171 = arith.constant 0 : index
          %get3A_172 = tpu.vector_load %arg18[%get3A_170, %get3A_171] {strides = array<i32>} : memref<8x16xf32, #tpu.memory_space<vmem>>, vector<16xf32>,
          %add3A_173 = arith.addf %broadcast_in_dim3A_169, %get3A_172 : vector<16xf32>
          %bitcast_convert_type3A = tpu.bitcast %add3A_151 : vector<16xf32> -> vector<16xi32>
          %shift_right_arithmetic3A = arith.constant 1 : i32
          %shift_right_arithmetic3A_174 = vector.broadcast %shift_right_arithmetic3A : i32 to vector<16xi32>
          %shift_right_arithmetic3A_175 = arith.shrsi %bitcast_convert_type3A, %shift_right_arithmetic3A_174 : vector<16xi32>
          %sub3A = arith.constant 1597463007 : i32
          %sub3A_176 = vector.broadcast %sub3A : i32 to vector<16xi32>
          %sub3A_177 = arith.subi %sub3A_176, %shift_right_arithmetic3A_175 : vector<16xi32>
          %bitcast_convert_type3A_178 = tpu.bitcast %sub3A_177 : vector<16xi32> -> vector<16xf32>
          %mul3A_179 = arith.constant 5.000000e-01 : f32
          %mul3A_180 = vector.broadcast %mul3A_179 : f32 to vector<16xf32>
          %mul3A_181 = arith.mulf %mul3A_180, %add3A_151 : vector<16xf32>
          %mul3A_182 = arith.mulf %mul3A_181, %bitcast_convert_type3A_178 : vector<16xf32>
          %mul3A_183 = arith.mulf %mul3A_182, %bitcast_convert_type3A_178 : vector<16xf32>
          %sub3A_184 = arith.constant 1.500000e+00 : f32
          %sub3A_185 = vector.broadcast %sub3A_184 : f32 to vector<16xf32>
          %sub3A_186 = arith.subf %sub3A_185, %mul3A_183 : vector<16xf32>
          %mul3A_187 = arith.mulf %bitcast_convert_type3A_178, %sub3A_186 : vector<16xf32>
          %mul3A_188 = arith.constant 5.000000e-01 : f32
          %mul3A_189 = vector.broadcast %mul3A_188 : f32 to vector<16xf32>
          %mul3A_190 = arith.mulf %mul3A_189, %add3A_151 : vector<16xf32>
          %mul3A_191 = arith.mulf %mul3A_190, %mul3A_187 : vector<16xf32>
          %mul3A_192 = arith.mulf %mul3A_191, %mul3A_187 : vector<16xf32>
          %sub3A_193 = arith.constant 1.500000e+00 : f32
          %sub3A_194 = vector.broadcast %sub3A_193 : f32 to vector<16xf32>
          %sub3A_195 = arith.subf %sub3A_194, %mul3A_192 : vector<16xf32>
          %mul3A_196 = arith.mulf %mul3A_187, %sub3A_195 : vector<16xf32>
          %mul3A_197 = arith.constant 5.000000e-01 : f32
          %mul3A_198 = vector.broadcast %mul3A_197 : f32 to vector<16xf32>
          %mul3A_199 = arith.mulf %mul3A_198, %add3A_151 : vector<16xf32>
          %mul3A_200 = arith.mulf %mul3A_199, %mul3A_196 : vector<16xf32>
          %mul3A_201 = arith.mulf %mul3A_200, %mul3A_196 : vector<16xf32>
          %sub3A_202 = arith.constant 1.500000e+00 : f32
          %sub3A_203 = vector.broadcast %sub3A_202 : f32 to vector<16xf32>
          %sub3A_204 = arith.subf %sub3A_203, %mul3A_201 : vector<16xf32>
          %mul3A_205 = arith.mulf %mul3A_196, %sub3A_204 : vector<16xf32>
          %mul3A_206 = arith.mulf %add3A_173, %mul3A_205 : vector<16xf32>
          %sub3A_207 = arith.constant 1.000000e+00 : f32
          %sub3A_208 = vector.broadcast %sub3A_207 : f32 to vector<16xf32>
          %sub3A_209 = arith.subf %mul3A_206, %sub3A_208 : vector<16xf32>
          %mul3A_210 = arith.constant 5.500000e+00 : f32
          %mul3A_211 = vector.broadcast %mul3A_210 : f32 to vector<16xf32>
          %mul3A_212 = arith.mulf %mul3A_211, %sub3A_209 : vector<16xf32>
          %exp3A = math.exp %mul3A_212 : vector<16xf32>
          %reduce_sum3A_213 = arith.constant true
          %reduce_sum3A_214 = vector.broadcast %reduce_sum3A_213 : i1 to vector<16xi1>
          %reduce_sum3A_215 = tpu.scan <sum>, %scan3A_134#4 masked %reduce_sum3A_214 : vector<16xf32>, vector<16xi1> -> vector<16xf32>
          %reduce_sum3A_216 = vector.extract %reduce_sum3A_215[15] : f32 from vector<16xf32>
          %broadcast_in_dim3A_217 = vector.broadcast %reduce_sum3A_216 : f32 to vector<16xf32>
          %eq3A_218 = arith.constant 0.000000e+00 : f32
          %eq3A_219 = vector.broadcast %eq3A_218 : f32 to vector<16xf32>
          %eq3A_220 = arith.cmpf oeq, %broadcast_in_dim3A_217, %eq3A_219 : vector<16xf32>
          %bitcast_convert_type3A_221 = tpu.bitcast %add3A_164 : vector<16xf32> -> vector<16xi32>
          %shift_right_arithmetic3A_222 = arith.constant 1 : i32
          %shift_right_arithmetic3A_223 = vector.broadcast %shift_right_arithmetic3A_222 : i32 to vector<16xi32>
          %shift_right_arithmetic3A_224 = arith.shrsi %bitcast_convert_type3A_221, %shift_right_arithmetic3A_223 : vector<16xi32>
          %sub3A_225 = arith.constant 1597463007 : i32
          %sub3A_226 = vector.broadcast %sub3A_225 : i32 to vector<16xi32>
          %sub3A_227 = arith.subi %sub3A_226, %shift_right_arithmetic3A_224 : vector<16xi32>
          %bitcast_convert_type3A_228 = tpu.bitcast %sub3A_227 : vector<16xi32> -> vector<16xf32>
          %mul3A_229 = arith.constant 5.000000e-01 : f32
          %mul3A_230 = vector.broadcast %mul3A_229 : f32 to vector<16xf32>
          %mul3A_231 = arith.mulf %mul3A_230, %add3A_164 : vector<16xf32>
          %mul3A_232 = arith.mulf %mul3A_231, %bitcast_convert_type3A_228 : vector<16xf32>
          %mul3A_233 = arith.mulf %mul3A_232, %bitcast_convert_type3A_228 : vector<16xf32>
          %sub3A_234 = arith.constant 1.500000e+00 : f32
          %sub3A_235 = vector.broadcast %sub3A_234 : f32 to vector<16xf32>
          %sub3A_236 = arith.subf %sub3A_235, %mul3A_233 : vector<16xf32>
          %mul3A_237 = arith.mulf %bitcast_convert_type3A_228, %sub3A_236 : vector<16xf32>
          %mul3A_238 = arith.constant 5.000000e-01 : f32
          %mul3A_239 = vector.broadcast %mul3A_238 : f32 to vector<16xf32>
          %mul3A_240 = arith.mulf %mul3A_239, %add3A_164 : vector<16xf32>
          %mul3A_241 = arith.mulf %mul3A_240, %mul3A_237 : vector<16xf32>
          %mul3A_242 = arith.mulf %mul3A_241, %mul3A_237 : vector<16xf32>
          %sub3A_243 = arith.constant 1.500000e+00 : f32
          %sub3A_244 = vector.broadcast %sub3A_243 : f32 to vector<16xf32>
          %sub3A_245 = arith.subf %sub3A_244, %mul3A_242 : vector<16xf32>
          %mul3A_246 = arith.mulf %mul3A_237, %sub3A_245 : vector<16xf32>
          %mul3A_247 = arith.constant 5.000000e-01 : f32
          %mul3A_248 = vector.broadcast %mul3A_247 : f32 to vector<16xf32>
          %mul3A_249 = arith.mulf %mul3A_248, %add3A_164 : vector<16xf32>
          %mul3A_250 = arith.mulf %mul3A_249, %mul3A_246 : vector<16xf32>
          %mul3A_251 = arith.mulf %mul3A_250, %mul3A_246 : vector<16xf32>
          %sub3A_252 = arith.constant 1.500000e+00 : f32
          %sub3A_253 = vector.broadcast %sub3A_252 : f32 to vector<16xf32>
          %sub3A_254 = arith.subf %sub3A_253, %mul3A_251 : vector<16xf32>
          %mul3A_255 = arith.mulf %mul3A_246, %sub3A_254 : vector<16xf32>
          %mul3A_256 = arith.mulf %exp3A, %mul3A_255 : vector<16xf32>
          %jit3A_257 = arith.constant 0.000000e+00 : f32
          %broadcast_in_dim3A_258 = vector.broadcast %jit3A_257 : f32 to vector<16xf32>
          %select_n3A_259 = arith.select %eq3A_220, %broadcast_in_dim3A_258, %mul3A_256 : vector<16xi1>, vector<16xf32>
          %reduce_sum3A_260 = arith.constant true
          %reduce_sum3A_261 = vector.broadcast %reduce_sum3A_260 : i1 to vector<16xi1>
          %reduce_sum3A_262 = tpu.scan <sum>, %scan3A_134#8 masked %reduce_sum3A_261 : vector<16xf32>, vector<16xi1> -> vector<16xf32>
          %reduce_sum3A_263 = vector.extract %reduce_sum3A_262[15] : f32 from vector<16xf32>
          %broadcast_in_dim3A_264 = vector.broadcast %reduce_sum3A_263 : f32 to vector<16xf32>
          %reduce_sum3A_265 = arith.constant true
          %reduce_sum3A_266 = vector.broadcast %reduce_sum3A_265 : i1 to vector<16xi1>
          %reduce_sum3A_267 = tpu.scan <sum>, %scan3A_134#6 masked %reduce_sum3A_266 : vector<16xf32>, vector<16xi1> -> vector<16xf32>
          %reduce_sum3A_268 = vector.extract %reduce_sum3A_267[15] : f32 from vector<16xf32>
          %broadcast_in_dim3A_269 = vector.broadcast %reduce_sum3A_268 : f32 to vector<16xf32>
          %mul3A_270 = arith.constant 2.000000e+00 : f32
          %mul3A_271 = vector.broadcast %mul3A_270 : f32 to vector<16xf32>
          %mul3A_272 = arith.mulf %mul3A_271, %broadcast_in_dim3A_269 : vector<16xf32>
          %add3A_273 = arith.addf %broadcast_in_dim3A_264, %mul3A_272 : vector<16xf32>
          %get3A_274 = arith.index_cast %scan3A_129 : i32 to index
          %get3A_275 = arith.constant 0 : index
          %get3A_276 = tpu.vector_load %arg16[%get3A_274, %get3A_275] {strides = array<i32>} : memref<8x16xf32, #tpu.memory_space<vmem>>, vector<16xf32>,
          %add3A_277 = arith.addf %add3A_273, %get3A_276 : vector<16xf32>
          %reduce_sum3A_278 = arith.constant true
          %reduce_sum3A_279 = vector.broadcast %reduce_sum3A_278 : i1 to vector<16xi1>
          %reduce_sum3A_280 = tpu.scan <sum>, %scan3A_134#7 masked %reduce_sum3A_279 : vector<16xf32>, vector<16xi1> -> vector<16xf32>
          %reduce_sum3A_281 = vector.extract %reduce_sum3A_280[15] : f32 from vector<16xf32>
          %broadcast_in_dim3A_282 = vector.broadcast %reduce_sum3A_281 : f32 to vector<16xf32>
          %mul3A_283 = arith.constant 2.000000e+00 : f32
          %mul3A_284 = vector.broadcast %mul3A_283 : f32 to vector<16xf32>
          %mul3A_285 = arith.mulf %mul3A_284, %broadcast_in_dim3A_282 : vector<16xf32>
          %add3A_286 = arith.addf %broadcast_in_dim3A_264, %mul3A_285 : vector<16xf32>
          %get3A_287 = arith.index_cast %scan3A_129 : i32 to index
          %get3A_288 = arith.constant 0 : index
          %get3A_289 = tpu.vector_load %arg17[%get3A_287, %get3A_288] {strides = array<i32>} : memref<8x16xf32, #tpu.memory_space<vmem>>, vector<16xf32>,
          %add3A_290 = arith.addf %add3A_286, %get3A_289 : vector<16xf32>
          %reduce_sum3A_291 = arith.constant true
          %reduce_sum3A_292 = vector.broadcast %reduce_sum3A_291 : i1 to vector<16xi1>
          %reduce_sum3A_293 = tpu.scan <sum>, %scan3A_134#5 masked %reduce_sum3A_292 : vector<16xf32>, vector<16xi1> -> vector<16xf32>
          %reduce_sum3A_294 = vector.extract %reduce_sum3A_293[15] : f32 from vector<16xf32>
          %broadcast_in_dim3A_295 = vector.broadcast %reduce_sum3A_294 : f32 to vector<16xf32>
          %get3A_296 = arith.index_cast %scan3A_129 : i32 to index
          %get3A_297 = arith.constant 0 : index
          %get3A_298 = tpu.vector_load %arg18[%get3A_296, %get3A_297] {strides = array<i32>} : memref<8x16xf32, #tpu.memory_space<vmem>>, vector<16xf32>,
          %add3A_299 = arith.addf %broadcast_in_dim3A_295, %get3A_298 : vector<16xf32>
          %bitcast_convert_type3A_300 = tpu.bitcast %add3A_277 : vector<16xf32> -> vector<16xi32>
          %shift_right_arithmetic3A_301 = arith.constant 1 : i32
          %shift_right_arithmetic3A_302 = vector.broadcast %shift_right_arithmetic3A_301 : i32 to vector<16xi32>
          %shift_right_arithmetic3A_303 = arith.shrsi %bitcast_convert_type3A_300, %shift_right_arithmetic3A_302 : vector<16xi32>
          %sub3A_304 = arith.constant 1597463007 : i32
          %sub3A_305 = vector.broadcast %sub3A_304 : i32 to vector<16xi32>
          %sub3A_306 = arith.subi %sub3A_305, %shift_right_arithmetic3A_303 : vector<16xi32>
          %bitcast_convert_type3A_307 = tpu.bitcast %sub3A_306 : vector<16xi32> -> vector<16xf32>
          %mul3A_308 = arith.constant 5.000000e-01 : f32
          %mul3A_309 = vector.broadcast %mul3A_308 : f32 to vector<16xf32>
          %mul3A_310 = arith.mulf %mul3A_309, %add3A_277 : vector<16xf32>
          %mul3A_311 = arith.mulf %mul3A_310, %bitcast_convert_type3A_307 : vector<16xf32>
          %mul3A_312 = arith.mulf %mul3A_311, %bitcast_convert_type3A_307 : vector<16xf32>
          %sub3A_313 = arith.constant 1.500000e+00 : f32
          %sub3A_314 = vector.broadcast %sub3A_313 : f32 to vector<16xf32>
          %sub3A_315 = arith.subf %sub3A_314, %mul3A_312 : vector<16xf32>
          %mul3A_316 = arith.mulf %bitcast_convert_type3A_307, %sub3A_315 : vector<16xf32>
          %mul3A_317 = arith.constant 5.000000e-01 : f32
          %mul3A_318 = vector.broadcast %mul3A_317 : f32 to vector<16xf32>
          %mul3A_319 = arith.mulf %mul3A_318, %add3A_277 : vector<16xf32>
          %mul3A_320 = arith.mulf %mul3A_319, %mul3A_316 : vector<16xf32>
          %mul3A_321 = arith.mulf %mul3A_320, %mul3A_316 : vector<16xf32>
          %sub3A_322 = arith.constant 1.500000e+00 : f32
          %sub3A_323 = vector.broadcast %sub3A_322 : f32 to vector<16xf32>
          %sub3A_324 = arith.subf %sub3A_323, %mul3A_321 : vector<16xf32>
          %mul3A_325 = arith.mulf %mul3A_316, %sub3A_324 : vector<16xf32>
          %mul3A_326 = arith.constant 5.000000e-01 : f32
          %mul3A_327 = vector.broadcast %mul3A_326 : f32 to vector<16xf32>
          %mul3A_328 = arith.mulf %mul3A_327, %add3A_277 : vector<16xf32>
          %mul3A_329 = arith.mulf %mul3A_328, %mul3A_325 : vector<16xf32>
          %mul3A_330 = arith.mulf %mul3A_329, %mul3A_325 : vector<16xf32>
          %sub3A_331 = arith.constant 1.500000e+00 : f32
          %sub3A_332 = vector.broadcast %sub3A_331 : f32 to vector<16xf32>
          %sub3A_333 = arith.subf %sub3A_332, %mul3A_330 : vector<16xf32>
          %mul3A_334 = arith.mulf %mul3A_325, %sub3A_333 : vector<16xf32>
          %mul3A_335 = arith.mulf %add3A_299, %mul3A_334 : vector<16xf32>
          %sub3A_336 = arith.constant 1.000000e+00 : f32
          %sub3A_337 = vector.broadcast %sub3A_336 : f32 to vector<16xf32>
          %sub3A_338 = arith.subf %mul3A_335, %sub3A_337 : vector<16xf32>
          %mul3A_339 = arith.constant 5.500000e+00 : f32
          %mul3A_340 = vector.broadcast %mul3A_339 : f32 to vector<16xf32>
          %mul3A_341 = arith.mulf %mul3A_340, %sub3A_338 : vector<16xf32>
          %exp3A_342 = math.exp %mul3A_341 : vector<16xf32>
          %reduce_sum3A_343 = arith.constant true
          %reduce_sum3A_344 = vector.broadcast %reduce_sum3A_343 : i1 to vector<16xi1>
          %reduce_sum3A_345 = tpu.scan <sum>, %scan3A_134#9 masked %reduce_sum3A_344 : vector<16xf32>, vector<16xi1> -> vector<16xf32>
          %reduce_sum3A_346 = vector.extract %reduce_sum3A_345[15] : f32 from vector<16xf32>
          %broadcast_in_dim3A_347 = vector.broadcast %reduce_sum3A_346 : f32 to vector<16xf32>
          %eq3A_348 = arith.constant 0.000000e+00 : f32
          %eq3A_349 = vector.broadcast %eq3A_348 : f32 to vector<16xf32>
          %eq3A_350 = arith.cmpf oeq, %broadcast_in_dim3A_347, %eq3A_349 : vector<16xf32>
          %bitcast_convert_type3A_351 = tpu.bitcast %add3A_290 : vector<16xf32> -> vector<16xi32>
          %shift_right_arithmetic3A_352 = arith.constant 1 : i32
          %shift_right_arithmetic3A_353 = vector.broadcast %shift_right_arithmetic3A_352 : i32 to vector<16xi32>
          %shift_right_arithmetic3A_354 = arith.shrsi %bitcast_convert_type3A_351, %shift_right_arithmetic3A_353 : vector<16xi32>
          %sub3A_355 = arith.constant 1597463007 : i32
          %sub3A_356 = vector.broadcast %sub3A_355 : i32 to vector<16xi32>
          %sub3A_357 = arith.subi %sub3A_356, %shift_right_arithmetic3A_354 : vector<16xi32>
          %bitcast_convert_type3A_358 = tpu.bitcast %sub3A_357 : vector<16xi32> -> vector<16xf32>
          %mul3A_359 = arith.constant 5.000000e-01 : f32
          %mul3A_360 = vector.broadcast %mul3A_359 : f32 to vector<16xf32>
          %mul3A_361 = arith.mulf %mul3A_360, %add3A_290 : vector<16xf32>
          %mul3A_362 = arith.mulf %mul3A_361, %bitcast_convert_type3A_358 : vector<16xf32>
          %mul3A_363 = arith.mulf %mul3A_362, %bitcast_convert_type3A_358 : vector<16xf32>
          %sub3A_364 = arith.constant 1.500000e+00 : f32
          %sub3A_365 = vector.broadcast %sub3A_364 : f32 to vector<16xf32>
          %sub3A_366 = arith.subf %sub3A_365, %mul3A_363 : vector<16xf32>
          %mul3A_367 = arith.mulf %bitcast_convert_type3A_358, %sub3A_366 : vector<16xf32>
          %mul3A_368 = arith.constant 5.000000e-01 : f32
          %mul3A_369 = vector.broadcast %mul3A_368 : f32 to vector<16xf32>
          %mul3A_370 = arith.mulf %mul3A_369, %add3A_290 : vector<16xf32>
          %mul3A_371 = arith.mulf %mul3A_370, %mul3A_367 : vector<16xf32>
          %mul3A_372 = arith.mulf %mul3A_371, %mul3A_367 : vector<16xf32>
          %sub3A_373 = arith.constant 1.500000e+00 : f32
          %sub3A_374 = vector.broadcast %sub3A_373 : f32 to vector<16xf32>
          %sub3A_375 = arith.subf %sub3A_374, %mul3A_372 : vector<16xf32>
          %mul3A_376 = arith.mulf %mul3A_367, %sub3A_375 : vector<16xf32>
          %mul3A_377 = arith.constant 5.000000e-01 : f32
          %mul3A_378 = vector.broadcast %mul3A_377 : f32 to vector<16xf32>
          %mul3A_379 = arith.mulf %mul3A_378, %add3A_290 : vector<16xf32>
          %mul3A_380 = arith.mulf %mul3A_379, %mul3A_376 : vector<16xf32>
          %mul3A_381 = arith.mulf %mul3A_380, %mul3A_376 : vector<16xf32>
          %sub3A_382 = arith.constant 1.500000e+00 : f32
          %sub3A_383 = vector.broadcast %sub3A_382 : f32 to vector<16xf32>
          %sub3A_384 = arith.subf %sub3A_383, %mul3A_381 : vector<16xf32>
          %mul3A_385 = arith.mulf %mul3A_376, %sub3A_384 : vector<16xf32>
          %mul3A_386 = arith.mulf %exp3A_342, %mul3A_385 : vector<16xf32>
          %jit3A_387 = arith.constant 0.000000e+00 : f32
          %broadcast_in_dim3A_388 = vector.broadcast %jit3A_387 : f32 to vector<16xf32>
          %select_n3A_389 = arith.select %eq3A_350, %broadcast_in_dim3A_388, %mul3A_386 : vector<16xi1>, vector<16xf32>
          %reduce_sum3A_390 = arith.constant true
          %reduce_sum3A_391 = vector.broadcast %reduce_sum3A_390 : i1 to vector<16xi1>
          %reduce_sum3A_392 = tpu.scan <sum>, %scan3A_134#13 masked %reduce_sum3A_391 : vector<16xf32>, vector<16xi1> -> vector<16xf32>
          %reduce_sum3A_393 = vector.extract %reduce_sum3A_392[15] : f32 from vector<16xf32>
          %broadcast_in_dim3A_394 = vector.broadcast %reduce_sum3A_393 : f32 to vector<16xf32>
          %reduce_sum3A_395 = arith.constant true
          %reduce_sum3A_396 = vector.broadcast %reduce_sum3A_395 : i1 to vector<16xi1>
          %reduce_sum3A_397 = tpu.scan <sum>, %scan3A_134#11 masked %reduce_sum3A_396 : vector<16xf32>, vector<16xi1> -> vector<16xf32>
          %reduce_sum3A_398 = vector.extract %reduce_sum3A_397[15] : f32 from vector<16xf32>
          %broadcast_in_dim3A_399 = vector.broadcast %reduce_sum3A_398 : f32 to vector<16xf32>
          %mul3A_400 = arith.constant 2.000000e+00 : f32
          %mul3A_401 = vector.broadcast %mul3A_400 : f32 to vector<16xf32>
          %mul3A_402 = arith.mulf %mul3A_401, %broadcast_in_dim3A_399 : vector<16xf32>
          %add3A_403 = arith.addf %broadcast_in_dim3A_394, %mul3A_402 : vector<16xf32>
          %get3A_404 = arith.index_cast %scan3A_129 : i32 to index
          %get3A_405 = arith.constant 0 : index
          %get3A_406 = tpu.vector_load %arg16[%get3A_404, %get3A_405] {strides = array<i32>} : memref<8x16xf32, #tpu.memory_space<vmem>>, vector<16xf32>,
          %add3A_407 = arith.addf %add3A_403, %get3A_406 : vector<16xf32>
          %reduce_sum3A_408 = arith.constant true
          %reduce_sum3A_409 = vector.broadcast %reduce_sum3A_408 : i1 to vector<16xi1>
          %reduce_sum3A_410 = tpu.scan <sum>, %scan3A_134#12 masked %reduce_sum3A_409 : vector<16xf32>, vector<16xi1> -> vector<16xf32>
          %reduce_sum3A_411 = vector.extract %reduce_sum3A_410[15] : f32 from vector<16xf32>
          %broadcast_in_dim3A_412 = vector.broadcast %reduce_sum3A_411 : f32 to vector<16xf32>
          %mul3A_413 = arith.constant 2.000000e+00 : f32
          %mul3A_414 = vector.broadcast %mul3A_413 : f32 to vector<16xf32>
          %mul3A_415 = arith.mulf %mul3A_414, %broadcast_in_dim3A_412 : vector<16xf32>
          %add3A_416 = arith.addf %broadcast_in_dim3A_394, %mul3A_415 : vector<16xf32>
          %get3A_417 = arith.index_cast %scan3A_129 : i32 to index
          %get3A_418 = arith.constant 0 : index
          %get3A_419 = tpu.vector_load %arg17[%get3A_417, %get3A_418] {strides = array<i32>} : memref<8x16xf32, #tpu.memory_space<vmem>>, vector<16xf32>,
          %add3A_420 = arith.addf %add3A_416, %get3A_419 : vector<16xf32>
          %reduce_sum3A_421 = arith.constant true
          %reduce_sum3A_422 = vector.broadcast %reduce_sum3A_421 : i1 to vector<16xi1>
          %reduce_sum3A_423 = tpu.scan <sum>, %scan3A_134#10 masked %reduce_sum3A_422 : vector<16xf32>, vector<16xi1> -> vector<16xf32>
          %reduce_sum3A_424 = vector.extract %reduce_sum3A_423[15] : f32 from vector<16xf32>
          %broadcast_in_dim3A_425 = vector.broadcast %reduce_sum3A_424 : f32 to vector<16xf32>
          %get3A_426 = arith.index_cast %scan3A_129 : i32 to index
          %get3A_427 = arith.constant 0 : index
          %get3A_428 = tpu.vector_load %arg18[%get3A_426, %get3A_427] {strides = array<i32>} : memref<8x16xf32, #tpu.memory_space<vmem>>, vector<16xf32>,
          %add3A_429 = arith.addf %broadcast_in_dim3A_425, %get3A_428 : vector<16xf32>
          %bitcast_convert_type3A_430 = tpu.bitcast %add3A_407 : vector<16xf32> -> vector<16xi32>
          %shift_right_arithmetic3A_431 = arith.constant 1 : i32
          %shift_right_arithmetic3A_432 = vector.broadcast %shift_right_arithmetic3A_431 : i32 to vector<16xi32>
          %shift_right_arithmetic3A_433 = arith.shrsi %bitcast_convert_type3A_430, %shift_right_arithmetic3A_432 : vector<16xi32>
          %sub3A_434 = arith.constant 1597463007 : i32
          %sub3A_435 = vector.broadcast %sub3A_434 : i32 to vector<16xi32>
          %sub3A_436 = arith.subi %sub3A_435, %shift_right_arithmetic3A_433 : vector<16xi32>
          %bitcast_convert_type3A_437 = tpu.bitcast %sub3A_436 : vector<16xi32> -> vector<16xf32>
          %mul3A_438 = arith.constant 5.000000e-01 : f32
          %mul3A_439 = vector.broadcast %mul3A_438 : f32 to vector<16xf32>
          %mul3A_440 = arith.mulf %mul3A_439, %add3A_407 : vector<16xf32>
          %mul3A_441 = arith.mulf %mul3A_440, %bitcast_convert_type3A_437 : vector<16xf32>
          %mul3A_442 = arith.mulf %mul3A_441, %bitcast_convert_type3A_437 : vector<16xf32>
          %sub3A_443 = arith.constant 1.500000e+00 : f32
          %sub3A_444 = vector.broadcast %sub3A_443 : f32 to vector<16xf32>
          %sub3A_445 = arith.subf %sub3A_444, %mul3A_442 : vector<16xf32>
          %mul3A_446 = arith.mulf %bitcast_convert_type3A_437, %sub3A_445 : vector<16xf32>
          %mul3A_447 = arith.constant 5.000000e-01 : f32
          %mul3A_448 = vector.broadcast %mul3A_447 : f32 to vector<16xf32>
          %mul3A_449 = arith.mulf %mul3A_448, %add3A_407 : vector<16xf32>
          %mul3A_450 = arith.mulf %mul3A_449, %mul3A_446 : vector<16xf32>
          %mul3A_451 = arith.mulf %mul3A_450, %mul3A_446 : vector<16xf32>
          %sub3A_452 = arith.constant 1.500000e+00 : f32
          %sub3A_453 = vector.broadcast %sub3A_452 : f32 to vector<16xf32>
          %sub3A_454 = arith.subf %sub3A_453, %mul3A_451 : vector<16xf32>
          %mul3A_455 = arith.mulf %mul3A_446, %sub3A_454 : vector<16xf32>
          %mul3A_456 = arith.constant 5.000000e-01 : f32
          %mul3A_457 = vector.broadcast %mul3A_456 : f32 to vector<16xf32>
          %mul3A_458 = arith.mulf %mul3A_457, %add3A_407 : vector<16xf32>
          %mul3A_459 = arith.mulf %mul3A_458, %mul3A_455 : vector<16xf32>
          %mul3A_460 = arith.mulf %mul3A_459, %mul3A_455 : vector<16xf32>
          %sub3A_461 = arith.constant 1.500000e+00 : f32
          %sub3A_462 = vector.broadcast %sub3A_461 : f32 to vector<16xf32>
          %sub3A_463 = arith.subf %sub3A_462, %mul3A_460 : vector<16xf32>
          %mul3A_464 = arith.mulf %mul3A_455, %sub3A_463 : vector<16xf32>
          %mul3A_465 = arith.mulf %add3A_429, %mul3A_464 : vector<16xf32>
          %sub3A_466 = arith.constant 1.000000e+00 : f32
          %sub3A_467 = vector.broadcast %sub3A_466 : f32 to vector<16xf32>
          %sub3A_468 = arith.subf %mul3A_465, %sub3A_467 : vector<16xf32>
          %mul3A_469 = arith.constant 5.500000e+00 : f32
          %mul3A_470 = vector.broadcast %mul3A_469 : f32 to vector<16xf32>
          %mul3A_471 = arith.mulf %mul3A_470, %sub3A_468 : vector<16xf32>
          %exp3A_472 = math.exp %mul3A_471 : vector<16xf32>
          %reduce_sum3A_473 = arith.constant true
          %reduce_sum3A_474 = vector.broadcast %reduce_sum3A_473 : i1 to vector<16xi1>
          %reduce_sum3A_475 = tpu.scan <sum>, %scan3A_134#14 masked %reduce_sum3A_474 : vector<16xf32>, vector<16xi1> -> vector<16xf32>
          %reduce_sum3A_476 = vector.extract %reduce_sum3A_475[15] : f32 from vector<16xf32>
          %broadcast_in_dim3A_477 = vector.broadcast %reduce_sum3A_476 : f32 to vector<16xf32>
          %eq3A_478 = arith.constant 0.000000e+00 : f32
          %eq3A_479 = vector.broadcast %eq3A_478 : f32 to vector<16xf32>
          %eq3A_480 = arith.cmpf oeq, %broadcast_in_dim3A_477, %eq3A_479 : vector<16xf32>
          %bitcast_convert_type3A_481 = tpu.bitcast %add3A_420 : vector<16xf32> -> vector<16xi32>
          %shift_right_arithmetic3A_482 = arith.constant 1 : i32
          %shift_right_arithmetic3A_483 = vector.broadcast %shift_right_arithmetic3A_482 : i32 to vector<16xi32>
          %shift_right_arithmetic3A_484 = arith.shrsi %bitcast_convert_type3A_481, %shift_right_arithmetic3A_483 : vector<16xi32>
          %sub3A_485 = arith.constant 1597463007 : i32
          %sub3A_486 = vector.broadcast %sub3A_485 : i32 to vector<16xi32>
          %sub3A_487 = arith.subi %sub3A_486, %shift_right_arithmetic3A_484 : vector<16xi32>
          %bitcast_convert_type3A_488 = tpu.bitcast %sub3A_487 : vector<16xi32> -> vector<16xf32>
          %mul3A_489 = arith.constant 5.000000e-01 : f32
          %mul3A_490 = vector.broadcast %mul3A_489 : f32 to vector<16xf32>
          %mul3A_491 = arith.mulf %mul3A_490, %add3A_420 : vector<16xf32>
          %mul3A_492 = arith.mulf %mul3A_491, %bitcast_convert_type3A_488 : vector<16xf32>
          %mul3A_493 = arith.mulf %mul3A_492, %bitcast_convert_type3A_488 : vector<16xf32>
          %sub3A_494 = arith.constant 1.500000e+00 : f32
          %sub3A_495 = vector.broadcast %sub3A_494 : f32 to vector<16xf32>
          %sub3A_496 = arith.subf %sub3A_495, %mul3A_493 : vector<16xf32>
          %mul3A_497 = arith.mulf %bitcast_convert_type3A_488, %sub3A_496 : vector<16xf32>
          %mul3A_498 = arith.constant 5.000000e-01 : f32
          %mul3A_499 = vector.broadcast %mul3A_498 : f32 to vector<16xf32>
          %mul3A_500 = arith.mulf %mul3A_499, %add3A_420 : vector<16xf32>
          %mul3A_501 = arith.mulf %mul3A_500, %mul3A_497 : vector<16xf32>
          %mul3A_502 = arith.mulf %mul3A_501, %mul3A_497 : vector<16xf32>
          %sub3A_503 = arith.constant 1.500000e+00 : f32
          %sub3A_504 = vector.broadcast %sub3A_503 : f32 to vector<16xf32>
          %sub3A_505 = arith.subf %sub3A_504, %mul3A_502 : vector<16xf32>
          %mul3A_506 = arith.mulf %mul3A_497, %sub3A_505 : vector<16xf32>
          %mul3A_507 = arith.constant 5.000000e-01 : f32
          %mul3A_508 = vector.broadcast %mul3A_507 : f32 to vector<16xf32>
          %mul3A_509 = arith.mulf %mul3A_508, %add3A_420 : vector<16xf32>
          %mul3A_510 = arith.mulf %mul3A_509, %mul3A_506 : vector<16xf32>
          %mul3A_511 = arith.mulf %mul3A_510, %mul3A_506 : vector<16xf32>
          %sub3A_512 = arith.constant 1.500000e+00 : f32
          %sub3A_513 = vector.broadcast %sub3A_512 : f32 to vector<16xf32>
          %sub3A_514 = arith.subf %sub3A_513, %mul3A_511 : vector<16xf32>
          %mul3A_515 = arith.mulf %mul3A_506, %sub3A_514 : vector<16xf32>
          %mul3A_516 = arith.mulf %exp3A_472, %mul3A_515 : vector<16xf32>
          %jit3A_517 = arith.constant 0.000000e+00 : f32
          %broadcast_in_dim3A_518 = vector.broadcast %jit3A_517 : f32 to vector<16xf32>
          %select_n3A_519 = arith.select %eq3A_480, %broadcast_in_dim3A_518, %mul3A_516 : vector<16xi1>, vector<16xf32>
          %reduce_sum3A_520 = arith.constant true
          %reduce_sum3A_521 = vector.broadcast %reduce_sum3A_520 : i1 to vector<16xi1>
          %reduce_sum3A_522 = tpu.scan <sum>, %scan3A_134#18 masked %reduce_sum3A_521 : vector<16xf32>, vector<16xi1> -> vector<16xf32>
          %reduce_sum3A_523 = vector.extract %reduce_sum3A_522[15] : f32 from vector<16xf32>
          %broadcast_in_dim3A_524 = vector.broadcast %reduce_sum3A_523 : f32 to vector<16xf32>
          %reduce_sum3A_525 = arith.constant true
          %reduce_sum3A_526 = vector.broadcast %reduce_sum3A_525 : i1 to vector<16xi1>
          %reduce_sum3A_527 = tpu.scan <sum>, %scan3A_134#16 masked %reduce_sum3A_526 : vector<16xf32>, vector<16xi1> -> vector<16xf32>
          %reduce_sum3A_528 = vector.extract %reduce_sum3A_527[15] : f32 from vector<16xf32>
          %broadcast_in_dim3A_529 = vector.broadcast %reduce_sum3A_528 : f32 to vector<16xf32>
          %mul3A_530 = arith.constant 2.000000e+00 : f32
          %mul3A_531 = vector.broadcast %mul3A_530 : f32 to vector<16xf32>
          %mul3A_532 = arith.mulf %mul3A_531, %broadcast_in_dim3A_529 : vector<16xf32>
          %add3A_533 = arith.addf %broadcast_in_dim3A_524, %mul3A_532 : vector<16xf32>
          %get3A_534 = arith.index_cast %scan3A_129 : i32 to index
          %get3A_535 = arith.constant 0 : index
          %get3A_536 = tpu.vector_load %arg16[%get3A_534, %get3A_535] {strides = array<i32>} : memref<8x16xf32, #tpu.memory_space<vmem>>, vector<16xf32>,
          %add3A_537 = arith.addf %add3A_533, %get3A_536 : vector<16xf32>
          %reduce_sum3A_538 = arith.constant true
          %reduce_sum3A_539 = vector.broadcast %reduce_sum3A_538 : i1 to vector<16xi1>
          %reduce_sum3A_540 = tpu.scan <sum>, %scan3A_134#17 masked %reduce_sum3A_539 : vector<16xf32>, vector<16xi1> -> vector<16xf32>
          %reduce_sum3A_541 = vector.extract %reduce_sum3A_540[15] : f32 from vector<16xf32>
          %broadcast_in_dim3A_542 = vector.broadcast %reduce_sum3A_541 : f32 to vector<16xf32>
          %mul3A_543 = arith.constant 2.000000e+00 : f32
          %mul3A_544 = vector.broadcast %mul3A_543 : f32 to vector<16xf32>
          %mul3A_545 = arith.mulf %mul3A_544, %broadcast_in_dim3A_542 : vector<16xf32>
          %add3A_546 = arith.addf %broadcast_in_dim3A_524, %mul3A_545 : vector<16xf32>
          %get3A_547 = arith.index_cast %scan3A_129 : i32 to index
          %get3A_548 = arith.constant 0 : index
          %get3A_549 = tpu.vector_load %arg17[%get3A_547, %get3A_548] {strides = array<i32>} : memref<8x16xf32, #tpu.memory_space<vmem>>, vector<16xf32>,
          %add3A_550 = arith.addf %add3A_546, %get3A_549 : vector<16xf32>
          %reduce_sum3A_551 = arith.constant true
          %reduce_sum3A_552 = vector.broadcast %reduce_sum3A_551 : i1 to vector<16xi1>
          %reduce_sum3A_553 = tpu.scan <sum>, %scan3A_134#15 masked %reduce_sum3A_552 : vector<16xf32>, vector<16xi1> -> vector<16xf32>
          %reduce_sum3A_554 = vector.extract %reduce_sum3A_553[15] : f32 from vector<16xf32>
          %broadcast_in_dim3A_555 = vector.broadcast %reduce_sum3A_554 : f32 to vector<16xf32>
          %get3A_556 = arith.index_cast %scan3A_129 : i32 to index
          %get3A_557 = arith.constant 0 : index
          %get3A_558 = tpu.vector_load %arg18[%get3A_556, %get3A_557] {strides = array<i32>} : memref<8x16xf32, #tpu.memory_space<vmem>>, vector<16xf32>,
          %add3A_559 = arith.addf %broadcast_in_dim3A_555, %get3A_558 : vector<16xf32>
          %bitcast_convert_type3A_560 = tpu.bitcast %add3A_537 : vector<16xf32> -> vector<16xi32>
          %shift_right_arithmetic3A_561 = arith.constant 1 : i32
          %shift_right_arithmetic3A_562 = vector.broadcast %shift_right_arithmetic3A_561 : i32 to vector<16xi32>
          %shift_right_arithmetic3A_563 = arith.shrsi %bitcast_convert_type3A_560, %shift_right_arithmetic3A_562 : vector<16xi32>
          %sub3A_564 = arith.constant 1597463007 : i32
          %sub3A_565 = vector.broadcast %sub3A_564 : i32 to vector<16xi32>
          %sub3A_566 = arith.subi %sub3A_565, %shift_right_arithmetic3A_563 : vector<16xi32>
          %bitcast_convert_type3A_567 = tpu.bitcast %sub3A_566 : vector<16xi32> -> vector<16xf32>
          %mul3A_568 = arith.constant 5.000000e-01 : f32
          %mul3A_569 = vector.broadcast %mul3A_568 : f32 to vector<16xf32>
          %mul3A_570 = arith.mulf %mul3A_569, %add3A_537 : vector<16xf32>
          %mul3A_571 = arith.mulf %mul3A_570, %bitcast_convert_type3A_567 : vector<16xf32>
          %mul3A_572 = arith.mulf %mul3A_571, %bitcast_convert_type3A_567 : vector<16xf32>
          %sub3A_573 = arith.constant 1.500000e+00 : f32
          %sub3A_574 = vector.broadcast %sub3A_573 : f32 to vector<16xf32>
          %sub3A_575 = arith.subf %sub3A_574, %mul3A_572 : vector<16xf32>
          %mul3A_576 = arith.mulf %bitcast_convert_type3A_567, %sub3A_575 : vector<16xf32>
          %mul3A_577 = arith.constant 5.000000e-01 : f32
          %mul3A_578 = vector.broadcast %mul3A_577 : f32 to vector<16xf32>
          %mul3A_579 = arith.mulf %mul3A_578, %add3A_537 : vector<16xf32>
          %mul3A_580 = arith.mulf %mul3A_579, %mul3A_576 : vector<16xf32>
          %mul3A_581 = arith.mulf %mul3A_580, %mul3A_576 : vector<16xf32>
          %sub3A_582 = arith.constant 1.500000e+00 : f32
          %sub3A_583 = vector.broadcast %sub3A_582 : f32 to vector<16xf32>
          %sub3A_584 = arith.subf %sub3A_583, %mul3A_581 : vector<16xf32>
          %mul3A_585 = arith.mulf %mul3A_576, %sub3A_584 : vector<16xf32>
          %mul3A_586 = arith.constant 5.000000e-01 : f32
          %mul3A_587 = vector.broadcast %mul3A_586 : f32 to vector<16xf32>
          %mul3A_588 = arith.mulf %mul3A_587, %add3A_537 : vector<16xf32>
          %mul3A_589 = arith.mulf %mul3A_588, %mul3A_585 : vector<16xf32>
          %mul3A_590 = arith.mulf %mul3A_589, %mul3A_585 : vector<16xf32>
          %sub3A_591 = arith.constant 1.500000e+00 : f32
          %sub3A_592 = vector.broadcast %sub3A_591 : f32 to vector<16xf32>
          %sub3A_593 = arith.subf %sub3A_592, %mul3A_590 : vector<16xf32>
          %mul3A_594 = arith.mulf %mul3A_585, %sub3A_593 : vector<16xf32>
          %mul3A_595 = arith.mulf %add3A_559, %mul3A_594 : vector<16xf32>
          %sub3A_596 = arith.constant 1.000000e+00 : f32
          %sub3A_597 = vector.broadcast %sub3A_596 : f32 to vector<16xf32>
          %sub3A_598 = arith.subf %mul3A_595, %sub3A_597 : vector<16xf32>
          %mul3A_599 = arith.constant 5.500000e+00 : f32
          %mul3A_600 = vector.broadcast %mul3A_599 : f32 to vector<16xf32>
          %mul3A_601 = arith.mulf %mul3A_600, %sub3A_598 : vector<16xf32>
          %exp3A_602 = math.exp %mul3A_601 : vector<16xf32>
          %reduce_sum3A_603 = arith.constant true
          %reduce_sum3A_604 = vector.broadcast %reduce_sum3A_603 : i1 to vector<16xi1>
          %reduce_sum3A_605 = tpu.scan <sum>, %scan3A_134#19 masked %reduce_sum3A_604 : vector<16xf32>, vector<16xi1> -> vector<16xf32>
          %reduce_sum3A_606 = vector.extract %reduce_sum3A_605[15] : f32 from vector<16xf32>
          %broadcast_in_dim3A_607 = vector.broadcast %reduce_sum3A_606 : f32 to vector<16xf32>
          %eq3A_608 = arith.constant 0.000000e+00 : f32
          %eq3A_609 = vector.broadcast %eq3A_608 : f32 to vector<16xf32>
          %eq3A_610 = arith.cmpf oeq, %broadcast_in_dim3A_607, %eq3A_609 : vector<16xf32>
          %bitcast_convert_type3A_611 = tpu.bitcast %add3A_550 : vector<16xf32> -> vector<16xi32>
          %shift_right_arithmetic3A_612 = arith.constant 1 : i32
          %shift_right_arithmetic3A_613 = vector.broadcast %shift_right_arithmetic3A_612 : i32 to vector<16xi32>
          %shift_right_arithmetic3A_614 = arith.shrsi %bitcast_convert_type3A_611, %shift_right_arithmetic3A_613 : vector<16xi32>
          %sub3A_615 = arith.constant 1597463007 : i32
          %sub3A_616 = vector.broadcast %sub3A_615 : i32 to vector<16xi32>
          %sub3A_617 = arith.subi %sub3A_616, %shift_right_arithmetic3A_614 : vector<16xi32>
          %bitcast_convert_type3A_618 = tpu.bitcast %sub3A_617 : vector<16xi32> -> vector<16xf32>
          %mul3A_619 = arith.constant 5.000000e-01 : f32
          %mul3A_620 = vector.broadcast %mul3A_619 : f32 to vector<16xf32>
          %mul3A_621 = arith.mulf %mul3A_620, %add3A_550 : vector<16xf32>
          %mul3A_622 = arith.mulf %mul3A_621, %bitcast_convert_type3A_618 : vector<16xf32>
          %mul3A_623 = arith.mulf %mul3A_622, %bitcast_convert_type3A_618 : vector<16xf32>
          %sub3A_624 = arith.constant 1.500000e+00 : f32
          %sub3A_625 = vector.broadcast %sub3A_624 : f32 to vector<16xf32>
          %sub3A_626 = arith.subf %sub3A_625, %mul3A_623 : vector<16xf32>
          %mul3A_627 = arith.mulf %bitcast_convert_type3A_618, %sub3A_626 : vector<16xf32>
          %mul3A_628 = arith.constant 5.000000e-01 : f32
          %mul3A_629 = vector.broadcast %mul3A_628 : f32 to vector<16xf32>
          %mul3A_630 = arith.mulf %mul3A_629, %add3A_550 : vector<16xf32>
          %mul3A_631 = arith.mulf %mul3A_630, %mul3A_627 : vector<16xf32>
          %mul3A_632 = arith.mulf %mul3A_631, %mul3A_627 : vector<16xf32>
          %sub3A_633 = arith.constant 1.500000e+00 : f32
          %sub3A_634 = vector.broadcast %sub3A_633 : f32 to vector<16xf32>
          %sub3A_635 = arith.subf %sub3A_634, %mul3A_632 : vector<16xf32>
          %mul3A_636 = arith.mulf %mul3A_627, %sub3A_635 : vector<16xf32>
          %mul3A_637 = arith.constant 5.000000e-01 : f32
          %mul3A_638 = vector.broadcast %mul3A_637 : f32 to vector<16xf32>
          %mul3A_639 = arith.mulf %mul3A_638, %add3A_550 : vector<16xf32>
          %mul3A_640 = arith.mulf %mul3A_639, %mul3A_636 : vector<16xf32>
          %mul3A_641 = arith.mulf %mul3A_640, %mul3A_636 : vector<16xf32>
          %sub3A_642 = arith.constant 1.500000e+00 : f32
          %sub3A_643 = vector.broadcast %sub3A_642 : f32 to vector<16xf32>
          %sub3A_644 = arith.subf %sub3A_643, %mul3A_641 : vector<16xf32>
          %mul3A_645 = arith.mulf %mul3A_636, %sub3A_644 : vector<16xf32>
          %mul3A_646 = arith.mulf %exp3A_602, %mul3A_645 : vector<16xf32>
          %jit3A_647 = arith.constant 0.000000e+00 : f32
          %broadcast_in_dim3A_648 = vector.broadcast %jit3A_647 : f32 to vector<16xf32>
          %select_n3A_649 = arith.select %eq3A_610, %broadcast_in_dim3A_648, %mul3A_646 : vector<16xi1>, vector<16xf32>
          %reduce_sum3A_650 = arith.constant true
          %reduce_sum3A_651 = vector.broadcast %reduce_sum3A_650 : i1 to vector<16xi1>
          %reduce_sum3A_652 = tpu.scan <sum>, %scan3A_134#23 masked %reduce_sum3A_651 : vector<16xf32>, vector<16xi1> -> vector<16xf32>
          %reduce_sum3A_653 = vector.extract %reduce_sum3A_652[15] : f32 from vector<16xf32>
          %broadcast_in_dim3A_654 = vector.broadcast %reduce_sum3A_653 : f32 to vector<16xf32>
          %reduce_sum3A_655 = arith.constant true
          %reduce_sum3A_656 = vector.broadcast %reduce_sum3A_655 : i1 to vector<16xi1>
          %reduce_sum3A_657 = tpu.scan <sum>, %scan3A_134#21 masked %reduce_sum3A_656 : vector<16xf32>, vector<16xi1> -> vector<16xf32>
          %reduce_sum3A_658 = vector.extract %reduce_sum3A_657[15] : f32 from vector<16xf32>
          %broadcast_in_dim3A_659 = vector.broadcast %reduce_sum3A_658 : f32 to vector<16xf32>
          %mul3A_660 = arith.constant 2.000000e+00 : f32
          %mul3A_661 = vector.broadcast %mul3A_660 : f32 to vector<16xf32>
          %mul3A_662 = arith.mulf %mul3A_661, %broadcast_in_dim3A_659 : vector<16xf32>
          %add3A_663 = arith.addf %broadcast_in_dim3A_654, %mul3A_662 : vector<16xf32>
          %get3A_664 = arith.index_cast %scan3A_129 : i32 to index
          %get3A_665 = arith.constant 0 : index
          %get3A_666 = tpu.vector_load %arg16[%get3A_664, %get3A_665] {strides = array<i32>} : memref<8x16xf32, #tpu.memory_space<vmem>>, vector<16xf32>,
          %add3A_667 = arith.addf %add3A_663, %get3A_666 : vector<16xf32>
          %reduce_sum3A_668 = arith.constant true
          %reduce_sum3A_669 = vector.broadcast %reduce_sum3A_668 : i1 to vector<16xi1>
          %reduce_sum3A_670 = tpu.scan <sum>, %scan3A_134#22 masked %reduce_sum3A_669 : vector<16xf32>, vector<16xi1> -> vector<16xf32>
          %reduce_sum3A_671 = vector.extract %reduce_sum3A_670[15] : f32 from vector<16xf32>
          %broadcast_in_dim3A_672 = vector.broadcast %reduce_sum3A_671 : f32 to vector<16xf32>
          %mul3A_673 = arith.constant 2.000000e+00 : f32
          %mul3A_674 = vector.broadcast %mul3A_673 : f32 to vector<16xf32>
          %mul3A_675 = arith.mulf %mul3A_674, %broadcast_in_dim3A_672 : vector<16xf32>
          %add3A_676 = arith.addf %broadcast_in_dim3A_654, %mul3A_675 : vector<16xf32>
          %get3A_677 = arith.index_cast %scan3A_129 : i32 to index
          %get3A_678 = arith.constant 0 : index
          %get3A_679 = tpu.vector_load %arg17[%get3A_677, %get3A_678] {strides = array<i32>} : memref<8x16xf32, #tpu.memory_space<vmem>>, vector<16xf32>,
          %add3A_680 = arith.addf %add3A_676, %get3A_679 : vector<16xf32>
          %reduce_sum3A_681 = arith.constant true
          %reduce_sum3A_682 = vector.broadcast %reduce_sum3A_681 : i1 to vector<16xi1>
          %reduce_sum3A_683 = tpu.scan <sum>, %scan3A_134#20 masked %reduce_sum3A_682 : vector<16xf32>, vector<16xi1> -> vector<16xf32>
          %reduce_sum3A_684 = vector.extract %reduce_sum3A_683[15] : f32 from vector<16xf32>
          %broadcast_in_dim3A_685 = vector.broadcast %reduce_sum3A_684 : f32 to vector<16xf32>
          %get3A_686 = arith.index_cast %scan3A_129 : i32 to index
          %get3A_687 = arith.constant 0 : index
          %get3A_688 = tpu.vector_load %arg18[%get3A_686, %get3A_687] {strides = array<i32>} : memref<8x16xf32, #tpu.memory_space<vmem>>, vector<16xf32>,
          %add3A_689 = arith.addf %broadcast_in_dim3A_685, %get3A_688 : vector<16xf32>
          %bitcast_convert_type3A_690 = tpu.bitcast %add3A_667 : vector<16xf32> -> vector<16xi32>
          %shift_right_arithmetic3A_691 = arith.constant 1 : i32
          %shift_right_arithmetic3A_692 = vector.broadcast %shift_right_arithmetic3A_691 : i32 to vector<16xi32>
          %shift_right_arithmetic3A_693 = arith.shrsi %bitcast_convert_type3A_690, %shift_right_arithmetic3A_692 : vector<16xi32>
          %sub3A_694 = arith.constant 1597463007 : i32
          %sub3A_695 = vector.broadcast %sub3A_694 : i32 to vector<16xi32>
          %sub3A_696 = arith.subi %sub3A_695, %shift_right_arithmetic3A_693 : vector<16xi32>
          %bitcast_convert_type3A_697 = tpu.bitcast %sub3A_696 : vector<16xi32> -> vector<16xf32>
          %mul3A_698 = arith.constant 5.000000e-01 : f32
          %mul3A_699 = vector.broadcast %mul3A_698 : f32 to vector<16xf32>
          %mul3A_700 = arith.mulf %mul3A_699, %add3A_667 : vector<16xf32>
          %mul3A_701 = arith.mulf %mul3A_700, %bitcast_convert_type3A_697 : vector<16xf32>
          %mul3A_702 = arith.mulf %mul3A_701, %bitcast_convert_type3A_697 : vector<16xf32>
          %sub3A_703 = arith.constant 1.500000e+00 : f32
          %sub3A_704 = vector.broadcast %sub3A_703 : f32 to vector<16xf32>
          %sub3A_705 = arith.subf %sub3A_704, %mul3A_702 : vector<16xf32>
          %mul3A_706 = arith.mulf %bitcast_convert_type3A_697, %sub3A_705 : vector<16xf32>
          %mul3A_707 = arith.constant 5.000000e-01 : f32
          %mul3A_708 = vector.broadcast %mul3A_707 : f32 to vector<16xf32>
          %mul3A_709 = arith.mulf %mul3A_708, %add3A_667 : vector<16xf32>
          %mul3A_710 = arith.mulf %mul3A_709, %mul3A_706 : vector<16xf32>
          %mul3A_711 = arith.mulf %mul3A_710, %mul3A_706 : vector<16xf32>
          %sub3A_712 = arith.constant 1.500000e+00 : f32
          %sub3A_713 = vector.broadcast %sub3A_712 : f32 to vector<16xf32>
          %sub3A_714 = arith.subf %sub3A_713, %mul3A_711 : vector<16xf32>
          %mul3A_715 = arith.mulf %mul3A_706, %sub3A_714 : vector<16xf32>
          %mul3A_716 = arith.constant 5.000000e-01 : f32
          %mul3A_717 = vector.broadcast %mul3A_716 : f32 to vector<16xf32>
          %mul3A_718 = arith.mulf %mul3A_717, %add3A_667 : vector<16xf32>
          %mul3A_719 = arith.mulf %mul3A_718, %mul3A_715 : vector<16xf32>
          %mul3A_720 = arith.mulf %mul3A_719, %mul3A_715 : vector<16xf32>
          %sub3A_721 = arith.constant 1.500000e+00 : f32
          %sub3A_722 = vector.broadcast %sub3A_721 : f32 to vector<16xf32>
          %sub3A_723 = arith.subf %sub3A_722, %mul3A_720 : vector<16xf32>
          %mul3A_724 = arith.mulf %mul3A_715, %sub3A_723 : vector<16xf32>
          %mul3A_725 = arith.mulf %add3A_689, %mul3A_724 : vector<16xf32>
          %sub3A_726 = arith.constant 1.000000e+00 : f32
          %sub3A_727 = vector.broadcast %sub3A_726 : f32 to vector<16xf32>
          %sub3A_728 = arith.subf %mul3A_725, %sub3A_727 : vector<16xf32>
          %mul3A_729 = arith.constant 5.500000e+00 : f32
          %mul3A_730 = vector.broadcast %mul3A_729 : f32 to vector<16xf32>
          %mul3A_731 = arith.mulf %mul3A_730, %sub3A_728 : vector<16xf32>
          %exp3A_732 = math.exp %mul3A_731 : vector<16xf32>
          %reduce_sum3A_733 = arith.constant true
          %reduce_sum3A_734 = vector.broadcast %reduce_sum3A_733 : i1 to vector<16xi1>
          %reduce_sum3A_735 = tpu.scan <sum>, %scan3A_134#24 masked %reduce_sum3A_734 : vector<16xf32>, vector<16xi1> -> vector<16xf32>
          %reduce_sum3A_736 = vector.extract %reduce_sum3A_735[15] : f32 from vector<16xf32>
          %broadcast_in_dim3A_737 = vector.broadcast %reduce_sum3A_736 : f32 to vector<16xf32>
          %eq3A_738 = arith.constant 0.000000e+00 : f32
          %eq3A_739 = vector.broadcast %eq3A_738 : f32 to vector<16xf32>
          %eq3A_740 = arith.cmpf oeq, %broadcast_in_dim3A_737, %eq3A_739 : vector<16xf32>
          %bitcast_convert_type3A_741 = tpu.bitcast %add3A_680 : vector<16xf32> -> vector<16xi32>
          %shift_right_arithmetic3A_742 = arith.constant 1 : i32
          %shift_right_arithmetic3A_743 = vector.broadcast %shift_right_arithmetic3A_742 : i32 to vector<16xi32>
          %shift_right_arithmetic3A_744 = arith.shrsi %bitcast_convert_type3A_741, %shift_right_arithmetic3A_743 : vector<16xi32>
          %sub3A_745 = arith.constant 1597463007 : i32
          %sub3A_746 = vector.broadcast %sub3A_745 : i32 to vector<16xi32>
          %sub3A_747 = arith.subi %sub3A_746, %shift_right_arithmetic3A_744 : vector<16xi32>
          %bitcast_convert_type3A_748 = tpu.bitcast %sub3A_747 : vector<16xi32> -> vector<16xf32>
          %mul3A_749 = arith.constant 5.000000e-01 : f32
          %mul3A_750 = vector.broadcast %mul3A_749 : f32 to vector<16xf32>
          %mul3A_751 = arith.mulf %mul3A_750, %add3A_680 : vector<16xf32>
          %mul3A_752 = arith.mulf %mul3A_751, %bitcast_convert_type3A_748 : vector<16xf32>
          %mul3A_753 = arith.mulf %mul3A_752, %bitcast_convert_type3A_748 : vector<16xf32>
          %sub3A_754 = arith.constant 1.500000e+00 : f32
          %sub3A_755 = vector.broadcast %sub3A_754 : f32 to vector<16xf32>
          %sub3A_756 = arith.subf %sub3A_755, %mul3A_753 : vector<16xf32>
          %mul3A_757 = arith.mulf %bitcast_convert_type3A_748, %sub3A_756 : vector<16xf32>
          %mul3A_758 = arith.constant 5.000000e-01 : f32
          %mul3A_759 = vector.broadcast %mul3A_758 : f32 to vector<16xf32>
          %mul3A_760 = arith.mulf %mul3A_759, %add3A_680 : vector<16xf32>
          %mul3A_761 = arith.mulf %mul3A_760, %mul3A_757 : vector<16xf32>
          %mul3A_762 = arith.mulf %mul3A_761, %mul3A_757 : vector<16xf32>
          %sub3A_763 = arith.constant 1.500000e+00 : f32
          %sub3A_764 = vector.broadcast %sub3A_763 : f32 to vector<16xf32>
          %sub3A_765 = arith.subf %sub3A_764, %mul3A_762 : vector<16xf32>
          %mul3A_766 = arith.mulf %mul3A_757, %sub3A_765 : vector<16xf32>
          %mul3A_767 = arith.constant 5.000000e-01 : f32
          %mul3A_768 = vector.broadcast %mul3A_767 : f32 to vector<16xf32>
          %mul3A_769 = arith.mulf %mul3A_768, %add3A_680 : vector<16xf32>
          %mul3A_770 = arith.mulf %mul3A_769, %mul3A_766 : vector<16xf32>
          %mul3A_771 = arith.mulf %mul3A_770, %mul3A_766 : vector<16xf32>
          %sub3A_772 = arith.constant 1.500000e+00 : f32
          %sub3A_773 = vector.broadcast %sub3A_772 : f32 to vector<16xf32>
          %sub3A_774 = arith.subf %sub3A_773, %mul3A_771 : vector<16xf32>
          %mul3A_775 = arith.mulf %mul3A_766, %sub3A_774 : vector<16xf32>
          %mul3A_776 = arith.mulf %exp3A_732, %mul3A_775 : vector<16xf32>
          %jit3A_777 = arith.constant 0.000000e+00 : f32
          %broadcast_in_dim3A_778 = vector.broadcast %jit3A_777 : f32 to vector<16xf32>
          %select_n3A_779 = arith.select %eq3A_740, %broadcast_in_dim3A_778, %mul3A_776 : vector<16xi1>, vector<16xf32>
          %get3A_780 = arith.index_cast %scan3A_129 : i32 to index
          %get3A_781 = arith.constant 0 : index
          %get3A_782 = tpu.vector_load %arg19[%get3A_780, %get3A_781] {strides = array<i32>} : memref<8x16xf32, #tpu.memory_space<vmem>>, vector<16xf32>,
          %add3A_783 = arith.addf %get3A_782, %select_n3A_259 : vector<16xf32>
          %add3A_784 = arith.addf %add3A_783, %select_n3A_389 : vector<16xf32>
          %add3A_785 = arith.addf %add3A_784, %select_n3A_519 : vector<16xf32>
          %add3A_786 = arith.addf %add3A_785, %select_n3A_649 : vector<16xf32>
          %add3A_787 = arith.addf %add3A_786, %select_n3A_779 : vector<16xf32>
          %swap3A = arith.index_cast %scan3A_129 : i32 to index
          %swap3A_788 = arith.constant 0 : index
          %swap3A_789 = tpu.vector_load %arg19[%swap3A, %swap3A_788] {strides = array<i32>} : memref<8x16xf32, #tpu.memory_space<vmem>>, vector<16xf32>,
          tpu.vector_store %arg19[%swap3A, %swap3A_788], %add3A_787 {strides = array<i32>} : memref<8x16xf32, #tpu.memory_space<vmem>>, vector<16xf32>,
          %scan3A_790 = arith.constant 0 : i32
          %scan3A_791 = arith.constant 64 : i32
          %scan3A_792 = arith.addi %scan3A_790, %scan3A_791 : i32
          %scan3A_793 = arith.constant 1 : i32
          scf.for %scan3A_795 = %scan3A_790 to %scan3A_792 step %scan3A_793  : i32 {
            %mul3A_796 = arith.constant 16 : i32
            %mul3A_797 = arith.muli %scan3A_795, %mul3A_796 : i32
            %get3A_798 = arith.index_cast %scan3A_129 : i32 to index
            %get3A_799 = arith.index_cast %mul3A_797 : i32 to index
            %get3A_800 = tpu.vector_load %arg15[%get3A_798, %get3A_799] {strides = array<i32>} : memref<8x1024xf32, #tpu.memory_space<vmem>>, vector<16xf32>,
            %get3A_801 = arith.constant 1 : i32
            %get3A_802 = arith.constant 0 : i32
            %get3A_803 = arith.index_cast %get3A_801 : i32 to index
            %get3A_804 = arith.index_cast %get3A_802 : i32 to index
            %get3A_805 = arith.index_cast %scan3A_129 : i32 to index
            %get3A_806 = arith.index_cast %mul3A_797 : i32 to index
            %get3A_807 = tpu.vector_load %arg10[%get3A_803, %get3A_804, %get3A_805, %get3A_806] {strides = array<i32>} : memref<2x5x8x1024xf32, #tpu.memory_space<vmem>>, vector<16xf32>,
            %mul3A_808 = arith.mulf %get3A_807, %select_n3A_259 : vector<16xf32>
            %add3A_809 = arith.addf %get3A_800, %mul3A_808 : vector<16xf32>
            %get3A_810 = arith.constant 1 : i32
            %get3A_811 = arith.constant 1 : i32
            %get3A_812 = arith.index_cast %get3A_810 : i32 to index
            %get3A_813 = arith.index_cast %get3A_811 : i32 to index
            %get3A_814 = arith.index_cast %scan3A_129 : i32 to index
            %get3A_815 = arith.index_cast %mul3A_797 : i32 to index
            %get3A_816 = tpu.vector_load %arg10[%get3A_812, %get3A_813, %get3A_814, %get3A_815] {strides = array<i32>} : memref<2x5x8x1024xf32, #tpu.memory_space<vmem>>, vector<16xf32>,
            %mul3A_817 = arith.mulf %get3A_816, %select_n3A_389 : vector<16xf32>
            %add3A_818 = arith.addf %add3A_809, %mul3A_817 : vector<16xf32>
            %get3A_819 = arith.constant 1 : i32
            %get3A_820 = arith.constant 2 : i32
            %get3A_821 = arith.index_cast %get3A_819 : i32 to index
            %get3A_822 = arith.index_cast %get3A_820 : i32 to index
            %get3A_823 = arith.index_cast %scan3A_129 : i32 to index
            %get3A_824 = arith.index_cast %mul3A_797 : i32 to index
            %get3A_825 = tpu.vector_load %arg10[%get3A_821, %get3A_822, %get3A_823, %get3A_824] {strides = array<i32>} : memref<2x5x8x1024xf32, #tpu.memory_space<vmem>>, vector<16xf32>,
            %mul3A_826 = arith.mulf %get3A_825, %select_n3A_519 : vector<16xf32>
            %add3A_827 = arith.addf %add3A_818, %mul3A_826 : vector<16xf32>
            %get3A_828 = arith.constant 1 : i32
            %get3A_829 = arith.constant 3 : i32
            %get3A_830 = arith.index_cast %get3A_828 : i32 to index
            %get3A_831 = arith.index_cast %get3A_829 : i32 to index
            %get3A_832 = arith.index_cast %scan3A_129 : i32 to index
            %get3A_833 = arith.index_cast %mul3A_797 : i32 to index
            %get3A_834 = tpu.vector_load %arg10[%get3A_830, %get3A_831, %get3A_832, %get3A_833] {strides = array<i32>} : memref<2x5x8x1024xf32, #tpu.memory_space<vmem>>, vector<16xf32>,
            %mul3A_835 = arith.mulf %get3A_834, %select_n3A_649 : vector<16xf32>
            %add3A_836 = arith.addf %add3A_827, %mul3A_835 : vector<16xf32>
            %get3A_837 = arith.constant 1 : i32
            %get3A_838 = arith.constant 4 : i32
            %get3A_839 = arith.index_cast %get3A_837 : i32 to index
            %get3A_840 = arith.index_cast %get3A_838 : i32 to index
            %get3A_841 = arith.index_cast %scan3A_129 : i32 to index
            %get3A_842 = arith.index_cast %mul3A_797 : i32 to index
            %get3A_843 = tpu.vector_load %arg10[%get3A_839, %get3A_840, %get3A_841, %get3A_842] {strides = array<i32>} : memref<2x5x8x1024xf32, #tpu.memory_space<vmem>>, vector<16xf32>,
            %mul3A_844 = arith.mulf %get3A_843, %select_n3A_779 : vector<16xf32>
            %add3A_845 = arith.addf %add3A_836, %mul3A_844 : vector<16xf32>
            %swap3A_846 = arith.index_cast %scan3A_129 : i32 to index
            %swap3A_847 = arith.index_cast %mul3A_797 : i32 to index
            %swap3A_848 = tpu.vector_load %arg15[%swap3A_846, %swap3A_847] {strides = array<i32>} : memref<8x1024xf32, #tpu.memory_space<vmem>>, vector<16xf32>,
            tpu.vector_store %arg15[%swap3A_846, %swap3A_847], %add3A_845 {strides = array<i32>} : memref<8x1024xf32, #tpu.memory_space<vmem>>, vector<16xf32>,
          }
          %scan3A_794 = arith.constant 64 : i32
        }
        %scan3A_128 = arith.constant 8 : i32
      } else {
      }
    }
    %scan3A_30 = arith.constant 5 : i32
    %scan3A_31 = arith.constant 0 : i32
    %scan3A_32 = arith.constant 0 : i32
    %scan3A_33 = arith.constant 8 : i32
    %scan3A_34 = arith.addi %scan3A_32, %scan3A_33 : i32
    %scan3A_35 = arith.constant 1 : i32
    scf.for %scan3A_37 = %scan3A_32 to %scan3A_34 step %scan3A_35  : i32 {
      %scan3A_38 = arith.constant 0 : i32
      %scan3A_39 = arith.constant 64 : i32
      %scan3A_40 = arith.addi %scan3A_38, %scan3A_39 : i32
      %scan3A_41 = arith.constant 2 : i32
      %scan3A_42:5 = scf.for %scan3A_272 = %scan3A_38 to %scan3A_40 step %scan3A_41 iter_args(%scan3A_273 = %broadcast_in_dim3A_1, %scan3A_274 = %broadcast_in_dim3A_1, %scan3A_275 = %broadcast_in_dim3A_1, %scan3A_276 = %broadcast_in_dim3A_1, %scan3A_277 = %broadcast_in_dim3A_1) -> (vector<16xf32>, vector<16xf32>, vector<16xf32>, vector<16xf32>, vector<16xf32>)  : i32 {
        %mul3A_278 = arith.constant 16 : i32
        %mul3A_279 = arith.muli %scan3A_272, %mul3A_278 : i32
        %get3A_280 = arith.constant 0 : i32
        %get3A_281 = arith.index_cast %get3A_280 : i32 to index
        %get3A_282 = arith.index_cast %mul3A_279 : i32 to index
        %get3A_283 = tpu.vector_load %arg20[%get3A_281, %get3A_282] {strides = array<i32>} : memref<1x1024xf32, #tpu.memory_space<vmem>>, vector<16xf32>,
        %get3A_284 = arith.index_cast %scan3A_37 : i32 to index
        %get3A_285 = arith.index_cast %mul3A_279 : i32 to index
        %get3A_286 = tpu.vector_load %arg11[%get3A_284, %get3A_285] {strides = array<i32>} : memref<8x1024xf32, #tpu.memory_space<vmem>>, vector<16xf32>,
        %get3A_287 = arith.index_cast %scan3A_37 : i32 to index
        %get3A_288 = arith.index_cast %mul3A_279 : i32 to index
        %get3A_289 = tpu.vector_load %arg12[%get3A_287, %get3A_288] {strides = array<i32>} : memref<8x1024xf32, #tpu.memory_space<vmem>>, vector<16xf32>,
        %get3A_290 = arith.constant 0 : i32
        %get3A_291 = arith.index_cast %get3A_290 : i32 to index
        %get3A_292 = arith.index_cast %scan3A_37 : i32 to index
        %get3A_293 = arith.index_cast %mul3A_279 : i32 to index
        %get3A_294 = tpu.vector_load %arg14[%get3A_291, %get3A_292, %get3A_293] {strides = array<i32>} : memref<1x8x1024xf32, #tpu.memory_space<vmem>>, vector<16xf32>,
        %mul3A_295 = arith.mulf %get3A_294, %get3A_283 : vector<16xf32>
        %add3A_296 = arith.addf %scan3A_273, %mul3A_295 : vector<16xf32>
        %mul3A_297 = arith.mulf %get3A_294, %get3A_286 : vector<16xf32>
        %add3A_298 = arith.addf %scan3A_274, %mul3A_297 : vector<16xf32>
        %mul3A_299 = arith.mulf %get3A_294, %get3A_289 : vector<16xf32>
        %add3A_300 = arith.addf %scan3A_275, %mul3A_299 : vector<16xf32>
        %mul3A_301 = arith.mulf %get3A_294, %get3A_294 : vector<16xf32>
        %add3A_302 = arith.addf %scan3A_276, %mul3A_301 : vector<16xf32>
        %add3A_303 = arith.addf %scan3A_277, %get3A_294 : vector<16xf32>
        %scan3A_304 = arith.constant 1 : i32
        %scan3A_305 = arith.addi %scan3A_272, %scan3A_304 : i32
        %mul3A_306 = arith.constant 16 : i32
        %mul3A_307 = arith.muli %scan3A_305, %mul3A_306 : i32
        %get3A_308 = arith.constant 0 : i32
        %get3A_309 = arith.index_cast %get3A_308 : i32 to index
        %get3A_310 = arith.index_cast %mul3A_307 : i32 to index
        %get3A_311 = tpu.vector_load %arg20[%get3A_309, %get3A_310] {strides = array<i32>} : memref<1x1024xf32, #tpu.memory_space<vmem>>, vector<16xf32>,
        %get3A_312 = arith.index_cast %scan3A_37 : i32 to index
        %get3A_313 = arith.index_cast %mul3A_307 : i32 to index
        %get3A_314 = tpu.vector_load %arg11[%get3A_312, %get3A_313] {strides = array<i32>} : memref<8x1024xf32, #tpu.memory_space<vmem>>, vector<16xf32>,
        %get3A_315 = arith.index_cast %scan3A_37 : i32 to index
        %get3A_316 = arith.index_cast %mul3A_307 : i32 to index
        %get3A_317 = tpu.vector_load %arg12[%get3A_315, %get3A_316] {strides = array<i32>} : memref<8x1024xf32, #tpu.memory_space<vmem>>, vector<16xf32>,
        %get3A_318 = arith.constant 0 : i32
        %get3A_319 = arith.index_cast %get3A_318 : i32 to index
        %get3A_320 = arith.index_cast %scan3A_37 : i32 to index
        %get3A_321 = arith.index_cast %mul3A_307 : i32 to index
        %get3A_322 = tpu.vector_load %arg14[%get3A_319, %get3A_320, %get3A_321] {strides = array<i32>} : memref<1x8x1024xf32, #tpu.memory_space<vmem>>, vector<16xf32>,
        %mul3A_323 = arith.mulf %get3A_322, %get3A_311 : vector<16xf32>
        %add3A_324 = arith.addf %add3A_296, %mul3A_323 : vector<16xf32>
        %mul3A_325 = arith.mulf %get3A_322, %get3A_314 : vector<16xf32>
        %add3A_326 = arith.addf %add3A_298, %mul3A_325 : vector<16xf32>
        %mul3A_327 = arith.mulf %get3A_322, %get3A_317 : vector<16xf32>
        %add3A_328 = arith.addf %add3A_300, %mul3A_327 : vector<16xf32>
        %mul3A_329 = arith.mulf %get3A_322, %get3A_322 : vector<16xf32>
        %add3A_330 = arith.addf %add3A_302, %mul3A_329 : vector<16xf32>
        %add3A_331 = arith.addf %add3A_303, %get3A_322 : vector<16xf32>
        scf.yield %add3A_324, %add3A_326, %add3A_328, %add3A_330, %add3A_331 : vector<16xf32>, vector<16xf32>, vector<16xf32>, vector<16xf32>, vector<16xf32>
      }
      %scan3A_43 = arith.constant 64 : i32
      %reduce_sum3A = arith.constant true
      %reduce_sum3A_44 = vector.broadcast %reduce_sum3A : i1 to vector<16xi1>
      %reduce_sum3A_45 = tpu.scan <sum>, %scan3A_42#3 masked %reduce_sum3A_44 : vector<16xf32>, vector<16xi1> -> vector<16xf32>
      %reduce_sum3A_46 = vector.extract %reduce_sum3A_45[15] : f32 from vector<16xf32>
      %broadcast_in_dim3A_47 = vector.broadcast %reduce_sum3A_46 : f32 to vector<16xf32>
      %reduce_sum3A_48 = arith.constant true
      %reduce_sum3A_49 = vector.broadcast %reduce_sum3A_48 : i1 to vector<16xi1>
      %reduce_sum3A_50 = tpu.scan <sum>, %scan3A_42#1 masked %reduce_sum3A_49 : vector<16xf32>, vector<16xi1> -> vector<16xf32>
      %reduce_sum3A_51 = vector.extract %reduce_sum3A_50[15] : f32 from vector<16xf32>
      %broadcast_in_dim3A_52 = vector.broadcast %reduce_sum3A_51 : f32 to vector<16xf32>
      %mul3A_53 = arith.constant 2.000000e+00 : f32
      %mul3A_54 = vector.broadcast %mul3A_53 : f32 to vector<16xf32>
      %mul3A_55 = arith.mulf %mul3A_54, %broadcast_in_dim3A_52 : vector<16xf32>
      %add3A_56 = arith.addf %broadcast_in_dim3A_47, %mul3A_55 : vector<16xf32>
      %get3A = arith.index_cast %scan3A_37 : i32 to index
      %get3A_57 = arith.constant 0 : index
      %get3A_58 = tpu.vector_load %arg16[%get3A, %get3A_57] {strides = array<i32>} : memref<8x16xf32, #tpu.memory_space<vmem>>, vector<16xf32>,
      %add3A_59 = arith.addf %add3A_56, %get3A_58 : vector<16xf32>
      %reduce_sum3A_60 = arith.constant true
      %reduce_sum3A_61 = vector.broadcast %reduce_sum3A_60 : i1 to vector<16xi1>
      %reduce_sum3A_62 = tpu.scan <sum>, %scan3A_42#2 masked %reduce_sum3A_61 : vector<16xf32>, vector<16xi1> -> vector<16xf32>
      %reduce_sum3A_63 = vector.extract %reduce_sum3A_62[15] : f32 from vector<16xf32>
      %broadcast_in_dim3A_64 = vector.broadcast %reduce_sum3A_63 : f32 to vector<16xf32>
      %mul3A_65 = arith.constant 2.000000e+00 : f32
      %mul3A_66 = vector.broadcast %mul3A_65 : f32 to vector<16xf32>
      %mul3A_67 = arith.mulf %mul3A_66, %broadcast_in_dim3A_64 : vector<16xf32>
      %add3A_68 = arith.addf %broadcast_in_dim3A_47, %mul3A_67 : vector<16xf32>
      %get3A_69 = arith.index_cast %scan3A_37 : i32 to index
      %get3A_70 = arith.constant 0 : index
      %get3A_71 = tpu.vector_load %arg17[%get3A_69, %get3A_70] {strides = array<i32>} : memref<8x16xf32, #tpu.memory_space<vmem>>, vector<16xf32>,
      %add3A_72 = arith.addf %add3A_68, %get3A_71 : vector<16xf32>
      %reduce_sum3A_73 = arith.constant true
      %reduce_sum3A_74 = vector.broadcast %reduce_sum3A_73 : i1 to vector<16xi1>
      %reduce_sum3A_75 = tpu.scan <sum>, %scan3A_42#0 masked %reduce_sum3A_74 : vector<16xf32>, vector<16xi1> -> vector<16xf32>
      %reduce_sum3A_76 = vector.extract %reduce_sum3A_75[15] : f32 from vector<16xf32>
      %broadcast_in_dim3A_77 = vector.broadcast %reduce_sum3A_76 : f32 to vector<16xf32>
      %get3A_78 = arith.index_cast %scan3A_37 : i32 to index
      %get3A_79 = arith.constant 0 : index
      %get3A_80 = tpu.vector_load %arg18[%get3A_78, %get3A_79] {strides = array<i32>} : memref<8x16xf32, #tpu.memory_space<vmem>>, vector<16xf32>,
      %add3A_81 = arith.addf %broadcast_in_dim3A_77, %get3A_80 : vector<16xf32>
      %bitcast_convert_type3A = tpu.bitcast %add3A_59 : vector<16xf32> -> vector<16xi32>
      %shift_right_arithmetic3A = arith.constant 1 : i32
      %shift_right_arithmetic3A_82 = vector.broadcast %shift_right_arithmetic3A : i32 to vector<16xi32>
      %shift_right_arithmetic3A_83 = arith.shrsi %bitcast_convert_type3A, %shift_right_arithmetic3A_82 : vector<16xi32>
      %sub3A = arith.constant 1597463007 : i32
      %sub3A_84 = vector.broadcast %sub3A : i32 to vector<16xi32>
      %sub3A_85 = arith.subi %sub3A_84, %shift_right_arithmetic3A_83 : vector<16xi32>
      %bitcast_convert_type3A_86 = tpu.bitcast %sub3A_85 : vector<16xi32> -> vector<16xf32>
      %mul3A_87 = arith.constant 5.000000e-01 : f32
      %mul3A_88 = vector.broadcast %mul3A_87 : f32 to vector<16xf32>
      %mul3A_89 = arith.mulf %mul3A_88, %add3A_59 : vector<16xf32>
      %mul3A_90 = arith.mulf %mul3A_89, %bitcast_convert_type3A_86 : vector<16xf32>
      %mul3A_91 = arith.mulf %mul3A_90, %bitcast_convert_type3A_86 : vector<16xf32>
      %sub3A_92 = arith.constant 1.500000e+00 : f32
      %sub3A_93 = vector.broadcast %sub3A_92 : f32 to vector<16xf32>
      %sub3A_94 = arith.subf %sub3A_93, %mul3A_91 : vector<16xf32>
      %mul3A_95 = arith.mulf %bitcast_convert_type3A_86, %sub3A_94 : vector<16xf32>
      %mul3A_96 = arith.constant 5.000000e-01 : f32
      %mul3A_97 = vector.broadcast %mul3A_96 : f32 to vector<16xf32>
      %mul3A_98 = arith.mulf %mul3A_97, %add3A_59 : vector<16xf32>
      %mul3A_99 = arith.mulf %mul3A_98, %mul3A_95 : vector<16xf32>
      %mul3A_100 = arith.mulf %mul3A_99, %mul3A_95 : vector<16xf32>
      %sub3A_101 = arith.constant 1.500000e+00 : f32
      %sub3A_102 = vector.broadcast %sub3A_101 : f32 to vector<16xf32>
      %sub3A_103 = arith.subf %sub3A_102, %mul3A_100 : vector<16xf32>
      %mul3A_104 = arith.mulf %mul3A_95, %sub3A_103 : vector<16xf32>
      %mul3A_105 = arith.constant 5.000000e-01 : f32
      %mul3A_106 = vector.broadcast %mul3A_105 : f32 to vector<16xf32>
      %mul3A_107 = arith.mulf %mul3A_106, %add3A_59 : vector<16xf32>
      %mul3A_108 = arith.mulf %mul3A_107, %mul3A_104 : vector<16xf32>
      %mul3A_109 = arith.mulf %mul3A_108, %mul3A_104 : vector<16xf32>
      %sub3A_110 = arith.constant 1.500000e+00 : f32
      %sub3A_111 = vector.broadcast %sub3A_110 : f32 to vector<16xf32>
      %sub3A_112 = arith.subf %sub3A_111, %mul3A_109 : vector<16xf32>
      %mul3A_113 = arith.mulf %mul3A_104, %sub3A_112 : vector<16xf32>
      %mul3A_114 = arith.mulf %add3A_81, %mul3A_113 : vector<16xf32>
      %sub3A_115 = arith.constant 1.000000e+00 : f32
      %sub3A_116 = vector.broadcast %sub3A_115 : f32 to vector<16xf32>
      %sub3A_117 = arith.subf %mul3A_114, %sub3A_116 : vector<16xf32>
      %mul3A_118 = arith.constant 5.500000e+00 : f32
      %mul3A_119 = vector.broadcast %mul3A_118 : f32 to vector<16xf32>
      %mul3A_120 = arith.mulf %mul3A_119, %sub3A_117 : vector<16xf32>
      %exp3A = math.exp %mul3A_120 : vector<16xf32>
      %reduce_sum3A_121 = arith.constant true
      %reduce_sum3A_122 = vector.broadcast %reduce_sum3A_121 : i1 to vector<16xi1>
      %reduce_sum3A_123 = tpu.scan <sum>, %scan3A_42#4 masked %reduce_sum3A_122 : vector<16xf32>, vector<16xi1> -> vector<16xf32>
      %reduce_sum3A_124 = vector.extract %reduce_sum3A_123[15] : f32 from vector<16xf32>
      %broadcast_in_dim3A_125 = vector.broadcast %reduce_sum3A_124 : f32 to vector<16xf32>
      %eq3A = arith.constant 0.000000e+00 : f32
      %eq3A_126 = vector.broadcast %eq3A : f32 to vector<16xf32>
      %eq3A_127 = arith.cmpf oeq, %broadcast_in_dim3A_125, %eq3A_126 : vector<16xf32>
      %bitcast_convert_type3A_128 = tpu.bitcast %add3A_72 : vector<16xf32> -> vector<16xi32>
      %shift_right_arithmetic3A_129 = arith.constant 1 : i32
      %shift_right_arithmetic3A_130 = vector.broadcast %shift_right_arithmetic3A_129 : i32 to vector<16xi32>
      %shift_right_arithmetic3A_131 = arith.shrsi %bitcast_convert_type3A_128, %shift_right_arithmetic3A_130 : vector<16xi32>
      %sub3A_132 = arith.constant 1597463007 : i32
      %sub3A_133 = vector.broadcast %sub3A_132 : i32 to vector<16xi32>
      %sub3A_134 = arith.subi %sub3A_133, %shift_right_arithmetic3A_131 : vector<16xi32>
      %bitcast_convert_type3A_135 = tpu.bitcast %sub3A_134 : vector<16xi32> -> vector<16xf32>
      %mul3A_136 = arith.constant 5.000000e-01 : f32
      %mul3A_137 = vector.broadcast %mul3A_136 : f32 to vector<16xf32>
      %mul3A_138 = arith.mulf %mul3A_137, %add3A_72 : vector<16xf32>
      %mul3A_139 = arith.mulf %mul3A_138, %bitcast_convert_type3A_135 : vector<16xf32>
      %mul3A_140 = arith.mulf %mul3A_139, %bitcast_convert_type3A_135 : vector<16xf32>
      %sub3A_141 = arith.constant 1.500000e+00 : f32
      %sub3A_142 = vector.broadcast %sub3A_141 : f32 to vector<16xf32>
      %sub3A_143 = arith.subf %sub3A_142, %mul3A_140 : vector<16xf32>
      %mul3A_144 = arith.mulf %bitcast_convert_type3A_135, %sub3A_143 : vector<16xf32>
      %mul3A_145 = arith.constant 5.000000e-01 : f32
      %mul3A_146 = vector.broadcast %mul3A_145 : f32 to vector<16xf32>
      %mul3A_147 = arith.mulf %mul3A_146, %add3A_72 : vector<16xf32>
      %mul3A_148 = arith.mulf %mul3A_147, %mul3A_144 : vector<16xf32>
      %mul3A_149 = arith.mulf %mul3A_148, %mul3A_144 : vector<16xf32>
      %sub3A_150 = arith.constant 1.500000e+00 : f32
      %sub3A_151 = vector.broadcast %sub3A_150 : f32 to vector<16xf32>
      %sub3A_152 = arith.subf %sub3A_151, %mul3A_149 : vector<16xf32>
      %mul3A_153 = arith.mulf %mul3A_144, %sub3A_152 : vector<16xf32>
      %mul3A_154 = arith.constant 5.000000e-01 : f32
      %mul3A_155 = vector.broadcast %mul3A_154 : f32 to vector<16xf32>
      %mul3A_156 = arith.mulf %mul3A_155, %add3A_72 : vector<16xf32>
      %mul3A_157 = arith.mulf %mul3A_156, %mul3A_153 : vector<16xf32>
      %mul3A_158 = arith.mulf %mul3A_157, %mul3A_153 : vector<16xf32>
      %sub3A_159 = arith.constant 1.500000e+00 : f32
      %sub3A_160 = vector.broadcast %sub3A_159 : f32 to vector<16xf32>
      %sub3A_161 = arith.subf %sub3A_160, %mul3A_158 : vector<16xf32>
      %mul3A_162 = arith.mulf %mul3A_153, %sub3A_161 : vector<16xf32>
      %mul3A_163 = arith.mulf %exp3A, %mul3A_162 : vector<16xf32>
      %jit3A = arith.constant 0.000000e+00 : f32
      %broadcast_in_dim3A_164 = vector.broadcast %jit3A : f32 to vector<16xf32>
      %select_n3A = arith.select %eq3A_127, %broadcast_in_dim3A_164, %mul3A_163 : vector<16xi1>, vector<16xf32>
      %get3A_165 = arith.index_cast %scan3A_37 : i32 to index
      %get3A_166 = arith.constant 0 : index
      %get3A_167 = tpu.vector_load %arg19[%get3A_165, %get3A_166] {strides = array<i32>} : memref<8x16xf32, #tpu.memory_space<vmem>>, vector<16xf32>,
      %add3A_168 = arith.addf %get3A_167, %select_n3A : vector<16xf32>
      %scan3A_169 = arith.constant 0 : i32
      %scan3A_170 = arith.constant 64 : i32
      %scan3A_171 = arith.addi %scan3A_169, %scan3A_170 : i32
      %scan3A_172 = arith.constant 2 : i32
      %scan3A_173 = scf.for %scan3A_272 = %scan3A_169 to %scan3A_171 step %scan3A_172 iter_args(%scan3A_273 = %broadcast_in_dim3A_1) -> (vector<16xf32>)  : i32 {
        %mul3A_274 = arith.constant 16 : i32
        %mul3A_275 = arith.muli %scan3A_272, %mul3A_274 : i32
        %get3A_276 = arith.index_cast %scan3A_37 : i32 to index
        %get3A_277 = arith.index_cast %mul3A_275 : i32 to index
        %get3A_278 = tpu.vector_load %arg15[%get3A_276, %get3A_277] {strides = array<i32>} : memref<8x1024xf32, #tpu.memory_space<vmem>>, vector<16xf32>,
        %get3A_279 = arith.constant 0 : i32
        %get3A_280 = arith.index_cast %get3A_279 : i32 to index
        %get3A_281 = arith.index_cast %scan3A_37 : i32 to index
        %get3A_282 = arith.index_cast %mul3A_275 : i32 to index
        %get3A_283 = tpu.vector_load %arg14[%get3A_280, %get3A_281, %get3A_282] {strides = array<i32>} : memref<1x8x1024xf32, #tpu.memory_space<vmem>>, vector<16xf32>,
        %mul3A_284 = arith.mulf %select_n3A, %get3A_283 : vector<16xf32>
        %add3A_285 = arith.addf %get3A_278, %mul3A_284 : vector<16xf32>
        %get3A_286 = arith.index_cast %scan3A_37 : i32 to index
        %get3A_287 = arith.index_cast %mul3A_275 : i32 to index
        %get3A_288 = tpu.vector_load %arg12[%get3A_286, %get3A_287] {strides = array<i32>} : memref<8x1024xf32, #tpu.memory_space<vmem>>, vector<16xf32>,
        %mul3A_289 = arith.mulf %add3A_168, %get3A_288 : vector<16xf32>
        %add3A_290 = arith.addf %add3A_285, %mul3A_289 : vector<16xf32>
        %mul3A_291 = arith.mulf %add3A_290, %add3A_290 : vector<16xf32>
        %add3A_292 = arith.addf %scan3A_273, %mul3A_291 : vector<16xf32>
        %scan3A_293 = arith.constant 1 : i32
        %scan3A_294 = arith.addi %scan3A_272, %scan3A_293 : i32
        %mul3A_295 = arith.constant 16 : i32
        %mul3A_296 = arith.muli %scan3A_294, %mul3A_295 : i32
        %get3A_297 = arith.index_cast %scan3A_37 : i32 to index
        %get3A_298 = arith.index_cast %mul3A_296 : i32 to index
        %get3A_299 = tpu.vector_load %arg15[%get3A_297, %get3A_298] {strides = array<i32>} : memref<8x1024xf32, #tpu.memory_space<vmem>>, vector<16xf32>,
        %get3A_300 = arith.constant 0 : i32
        %get3A_301 = arith.index_cast %get3A_300 : i32 to index
        %get3A_302 = arith.index_cast %scan3A_37 : i32 to index
        %get3A_303 = arith.index_cast %mul3A_296 : i32 to index
        %get3A_304 = tpu.vector_load %arg14[%get3A_301, %get3A_302, %get3A_303] {strides = array<i32>} : memref<1x8x1024xf32, #tpu.memory_space<vmem>>, vector<16xf32>,
        %mul3A_305 = arith.mulf %select_n3A, %get3A_304 : vector<16xf32>
        %add3A_306 = arith.addf %get3A_299, %mul3A_305 : vector<16xf32>
        %get3A_307 = arith.index_cast %scan3A_37 : i32 to index
        %get3A_308 = arith.index_cast %mul3A_296 : i32 to index
        %get3A_309 = tpu.vector_load %arg12[%get3A_307, %get3A_308] {strides = array<i32>} : memref<8x1024xf32, #tpu.memory_space<vmem>>, vector<16xf32>,
        %mul3A_310 = arith.mulf %add3A_168, %get3A_309 : vector<16xf32>
        %add3A_311 = arith.addf %add3A_306, %mul3A_310 : vector<16xf32>
        %mul3A_312 = arith.mulf %add3A_311, %add3A_311 : vector<16xf32>
        %add3A_313 = arith.addf %add3A_292, %mul3A_312 : vector<16xf32>
        scf.yield %add3A_313 : vector<16xf32>
      }
      %scan3A_174 = arith.constant 64 : i32
      %reduce_sum3A_175 = arith.constant true
      %reduce_sum3A_176 = vector.broadcast %reduce_sum3A_175 : i1 to vector<16xi1>
      %reduce_sum3A_177 = tpu.scan <sum>, %scan3A_173 masked %reduce_sum3A_176 : vector<16xf32>, vector<16xi1> -> vector<16xf32>
      %reduce_sum3A_178 = vector.extract %reduce_sum3A_177[15] : f32 from vector<16xf32>
      %broadcast_in_dim3A_179 = vector.broadcast %reduce_sum3A_178 : f32 to vector<16xf32>
      %bitcast_convert_type3A_180 = tpu.bitcast %broadcast_in_dim3A_179 : vector<16xf32> -> vector<16xi32>
      %shift_right_arithmetic3A_181 = arith.constant 1 : i32
      %shift_right_arithmetic3A_182 = vector.broadcast %shift_right_arithmetic3A_181 : i32 to vector<16xi32>
      %shift_right_arithmetic3A_183 = arith.shrsi %bitcast_convert_type3A_180, %shift_right_arithmetic3A_182 : vector<16xi32>
      %sub3A_184 = arith.constant 1597463007 : i32
      %sub3A_185 = vector.broadcast %sub3A_184 : i32 to vector<16xi32>
      %sub3A_186 = arith.subi %sub3A_185, %shift_right_arithmetic3A_183 : vector<16xi32>
      %bitcast_convert_type3A_187 = tpu.bitcast %sub3A_186 : vector<16xi32> -> vector<16xf32>
      %mul3A_188 = arith.constant 5.000000e-01 : f32
      %mul3A_189 = vector.broadcast %mul3A_188 : f32 to vector<16xf32>
      %mul3A_190 = arith.mulf %mul3A_189, %broadcast_in_dim3A_179 : vector<16xf32>
      %mul3A_191 = arith.mulf %mul3A_190, %bitcast_convert_type3A_187 : vector<16xf32>
      %mul3A_192 = arith.mulf %mul3A_191, %bitcast_convert_type3A_187 : vector<16xf32>
      %sub3A_193 = arith.constant 1.500000e+00 : f32
      %sub3A_194 = vector.broadcast %sub3A_193 : f32 to vector<16xf32>
      %sub3A_195 = arith.subf %sub3A_194, %mul3A_192 : vector<16xf32>
      %mul3A_196 = arith.mulf %bitcast_convert_type3A_187, %sub3A_195 : vector<16xf32>
      %mul3A_197 = arith.constant 5.000000e-01 : f32
      %mul3A_198 = vector.broadcast %mul3A_197 : f32 to vector<16xf32>
      %mul3A_199 = arith.mulf %mul3A_198, %broadcast_in_dim3A_179 : vector<16xf32>
      %mul3A_200 = arith.mulf %mul3A_199, %mul3A_196 : vector<16xf32>
      %mul3A_201 = arith.mulf %mul3A_200, %mul3A_196 : vector<16xf32>
      %sub3A_202 = arith.constant 1.500000e+00 : f32
      %sub3A_203 = vector.broadcast %sub3A_202 : f32 to vector<16xf32>
      %sub3A_204 = arith.subf %sub3A_203, %mul3A_201 : vector<16xf32>
      %mul3A_205 = arith.mulf %mul3A_196, %sub3A_204 : vector<16xf32>
      %mul3A_206 = arith.constant 5.000000e-01 : f32
      %mul3A_207 = vector.broadcast %mul3A_206 : f32 to vector<16xf32>
      %mul3A_208 = arith.mulf %mul3A_207, %broadcast_in_dim3A_179 : vector<16xf32>
      %mul3A_209 = arith.mulf %mul3A_208, %mul3A_205 : vector<16xf32>
      %mul3A_210 = arith.mulf %mul3A_209, %mul3A_205 : vector<16xf32>
      %sub3A_211 = arith.constant 1.500000e+00 : f32
      %sub3A_212 = vector.broadcast %sub3A_211 : f32 to vector<16xf32>
      %sub3A_213 = arith.subf %sub3A_212, %mul3A_210 : vector<16xf32>
      %mul3A_214 = arith.mulf %mul3A_205, %sub3A_213 : vector<16xf32>
      %scan3A_215 = arith.constant 0 : i32
      %scan3A_216 = arith.constant 64 : i32
      %scan3A_217 = arith.addi %scan3A_215, %scan3A_216 : i32
      %scan3A_218 = arith.constant 2 : i32
      %scan3A_219:2 = scf.for %scan3A_272 = %scan3A_215 to %scan3A_217 step %scan3A_218 iter_args(%scan3A_273 = %broadcast_in_dim3A_1, %scan3A_274 = %broadcast_in_dim3A_1) -> (vector<16xf32>, vector<16xf32>)  : i32 {
        %mul3A_275 = arith.constant 16 : i32
        %mul3A_276 = arith.muli %scan3A_272, %mul3A_275 : i32
        %get3A_277 = arith.index_cast %scan3A_37 : i32 to index
        %get3A_278 = arith.index_cast %mul3A_276 : i32 to index
        %get3A_279 = tpu.vector_load %arg15[%get3A_277, %get3A_278] {strides = array<i32>} : memref<8x1024xf32, #tpu.memory_space<vmem>>, vector<16xf32>,
        %get3A_280 = arith.constant 0 : i32
        %get3A_281 = arith.index_cast %get3A_280 : i32 to index
        %get3A_282 = arith.index_cast %scan3A_37 : i32 to index
        %get3A_283 = arith.index_cast %mul3A_276 : i32 to index
        %get3A_284 = tpu.vector_load %arg14[%get3A_281, %get3A_282, %get3A_283] {strides = array<i32>} : memref<1x8x1024xf32, #tpu.memory_space<vmem>>, vector<16xf32>,
        %mul3A_285 = arith.mulf %select_n3A, %get3A_284 : vector<16xf32>
        %add3A_286 = arith.addf %get3A_279, %mul3A_285 : vector<16xf32>
        %get3A_287 = arith.index_cast %scan3A_37 : i32 to index
        %get3A_288 = arith.index_cast %mul3A_276 : i32 to index
        %get3A_289 = tpu.vector_load %arg12[%get3A_287, %get3A_288] {strides = array<i32>} : memref<8x1024xf32, #tpu.memory_space<vmem>>, vector<16xf32>,
        %mul3A_290 = arith.mulf %add3A_168, %get3A_289 : vector<16xf32>
        %add3A_291 = arith.addf %add3A_286, %mul3A_290 : vector<16xf32>
        %mul3A_292 = arith.mulf %add3A_291, %mul3A_214 : vector<16xf32>
        %get3A_293 = arith.index_cast %scan3A_37 : i32 to index
        %get3A_294 = arith.index_cast %mul3A_276 : i32 to index
        %get3A_295 = tpu.vector_load %arg13[%get3A_293, %get3A_294] {strides = array<i32>} : memref<8x1024xf32, #tpu.memory_space<vmem>>, vector<16xf32>,
        %add3A_296 = arith.addf %mul3A_292, %get3A_295 : vector<16xf32>
        %mul3A_297 = arith.mulf %add3A_296, %add3A_296 : vector<16xf32>
        %add3A_298 = arith.addf %scan3A_273, %mul3A_297 : vector<16xf32>
        %get3A_299 = arith.constant 0 : i32
        %get3A_300 = arith.index_cast %get3A_299 : i32 to index
        %get3A_301 = arith.index_cast %mul3A_276 : i32 to index
        %get3A_302 = tpu.vector_load %arg21[%get3A_300, %get3A_301] {strides = array<i32>} : memref<1x1024xf32, #tpu.memory_space<vmem>>, vector<16xf32>,
        %mul3A_303 = arith.mulf %add3A_296, %get3A_302 : vector<16xf32>
        %add3A_304 = arith.addf %scan3A_274, %mul3A_303 : vector<16xf32>
        %scan3A_305 = arith.constant 1 : i32
        %scan3A_306 = arith.addi %scan3A_272, %scan3A_305 : i32
        %mul3A_307 = arith.constant 16 : i32
        %mul3A_308 = arith.muli %scan3A_306, %mul3A_307 : i32
        %get3A_309 = arith.index_cast %scan3A_37 : i32 to index
        %get3A_310 = arith.index_cast %mul3A_308 : i32 to index
        %get3A_311 = tpu.vector_load %arg15[%get3A_309, %get3A_310] {strides = array<i32>} : memref<8x1024xf32, #tpu.memory_space<vmem>>, vector<16xf32>,
        %get3A_312 = arith.constant 0 : i32
        %get3A_313 = arith.index_cast %get3A_312 : i32 to index
        %get3A_314 = arith.index_cast %scan3A_37 : i32 to index
        %get3A_315 = arith.index_cast %mul3A_308 : i32 to index
        %get3A_316 = tpu.vector_load %arg14[%get3A_313, %get3A_314, %get3A_315] {strides = array<i32>} : memref<1x8x1024xf32, #tpu.memory_space<vmem>>, vector<16xf32>,
        %mul3A_317 = arith.mulf %select_n3A, %get3A_316 : vector<16xf32>
        %add3A_318 = arith.addf %get3A_311, %mul3A_317 : vector<16xf32>
        %get3A_319 = arith.index_cast %scan3A_37 : i32 to index
        %get3A_320 = arith.index_cast %mul3A_308 : i32 to index
        %get3A_321 = tpu.vector_load %arg12[%get3A_319, %get3A_320] {strides = array<i32>} : memref<8x1024xf32, #tpu.memory_space<vmem>>, vector<16xf32>,
        %mul3A_322 = arith.mulf %add3A_168, %get3A_321 : vector<16xf32>
        %add3A_323 = arith.addf %add3A_318, %mul3A_322 : vector<16xf32>
        %mul3A_324 = arith.mulf %add3A_323, %mul3A_214 : vector<16xf32>
        %get3A_325 = arith.index_cast %scan3A_37 : i32 to index
        %get3A_326 = arith.index_cast %mul3A_308 : i32 to index
        %get3A_327 = tpu.vector_load %arg13[%get3A_325, %get3A_326] {strides = array<i32>} : memref<8x1024xf32, #tpu.memory_space<vmem>>, vector<16xf32>,
        %add3A_328 = arith.addf %mul3A_324, %get3A_327 : vector<16xf32>
        %mul3A_329 = arith.mulf %add3A_328, %add3A_328 : vector<16xf32>
        %add3A_330 = arith.addf %add3A_298, %mul3A_329 : vector<16xf32>
        %get3A_331 = arith.constant 0 : i32
        %get3A_332 = arith.index_cast %get3A_331 : i32 to index
        %get3A_333 = arith.index_cast %mul3A_308 : i32 to index
        %get3A_334 = tpu.vector_load %arg21[%get3A_332, %get3A_333] {strides = array<i32>} : memref<1x1024xf32, #tpu.memory_space<vmem>>, vector<16xf32>,
        %mul3A_335 = arith.mulf %add3A_328, %get3A_334 : vector<16xf32>
        %add3A_336 = arith.addf %add3A_304, %mul3A_335 : vector<16xf32>
        scf.yield %add3A_330, %add3A_336 : vector<16xf32>, vector<16xf32>
      }
      %scan3A_220 = arith.constant 64 : i32
      %reduce_sum3A_221 = arith.constant true
      %reduce_sum3A_222 = vector.broadcast %reduce_sum3A_221 : i1 to vector<16xi1>
      %reduce_sum3A_223 = tpu.scan <sum>, %scan3A_219#1 masked %reduce_sum3A_222 : vector<16xf32>, vector<16xi1> -> vector<16xf32>
      %reduce_sum3A_224 = vector.extract %reduce_sum3A_223[15] : f32 from vector<16xf32>
      %broadcast_in_dim3A_225 = vector.broadcast %reduce_sum3A_224 : f32 to vector<16xf32>
      %mul3A_226 = arith.constant 1.000000e+02 : f32
      %mul3A_227 = vector.broadcast %mul3A_226 : f32 to vector<16xf32>
      %mul3A_228 = arith.mulf %mul3A_227, %broadcast_in_dim3A_225 : vector<16xf32>
      %reduce_sum3A_229 = arith.constant true
      %reduce_sum3A_230 = vector.broadcast %reduce_sum3A_229 : i1 to vector<16xi1>
      %reduce_sum3A_231 = tpu.scan <sum>, %scan3A_219#0 masked %reduce_sum3A_230 : vector<16xf32>, vector<16xi1> -> vector<16xf32>
      %reduce_sum3A_232 = vector.extract %reduce_sum3A_231[15] : f32 from vector<16xf32>
      %broadcast_in_dim3A_233 = vector.broadcast %reduce_sum3A_232 : f32 to vector<16xf32>
      %bitcast_convert_type3A_234 = tpu.bitcast %broadcast_in_dim3A_233 : vector<16xf32> -> vector<16xi32>
      %shift_right_arithmetic3A_235 = arith.constant 1 : i32
      %shift_right_arithmetic3A_236 = vector.broadcast %shift_right_arithmetic3A_235 : i32 to vector<16xi32>
      %shift_right_arithmetic3A_237 = arith.shrsi %bitcast_convert_type3A_234, %shift_right_arithmetic3A_236 : vector<16xi32>
      %sub3A_238 = arith.constant 1597463007 : i32
      %sub3A_239 = vector.broadcast %sub3A_238 : i32 to vector<16xi32>
      %sub3A_240 = arith.subi %sub3A_239, %shift_right_arithmetic3A_237 : vector<16xi32>
      %bitcast_convert_type3A_241 = tpu.bitcast %sub3A_240 : vector<16xi32> -> vector<16xf32>
      %mul3A_242 = arith.constant 5.000000e-01 : f32
      %mul3A_243 = vector.broadcast %mul3A_242 : f32 to vector<16xf32>
      %mul3A_244 = arith.mulf %mul3A_243, %broadcast_in_dim3A_233 : vector<16xf32>
      %mul3A_245 = arith.mulf %mul3A_244, %bitcast_convert_type3A_241 : vector<16xf32>
      %mul3A_246 = arith.mulf %mul3A_245, %bitcast_convert_type3A_241 : vector<16xf32>
      %sub3A_247 = arith.constant 1.500000e+00 : f32
      %sub3A_248 = vector.broadcast %sub3A_247 : f32 to vector<16xf32>
      %sub3A_249 = arith.subf %sub3A_248, %mul3A_246 : vector<16xf32>
      %mul3A_250 = arith.mulf %bitcast_convert_type3A_241, %sub3A_249 : vector<16xf32>
      %mul3A_251 = arith.constant 5.000000e-01 : f32
      %mul3A_252 = vector.broadcast %mul3A_251 : f32 to vector<16xf32>
      %mul3A_253 = arith.mulf %mul3A_252, %broadcast_in_dim3A_233 : vector<16xf32>
      %mul3A_254 = arith.mulf %mul3A_253, %mul3A_250 : vector<16xf32>
      %mul3A_255 = arith.mulf %mul3A_254, %mul3A_250 : vector<16xf32>
      %sub3A_256 = arith.constant 1.500000e+00 : f32
      %sub3A_257 = vector.broadcast %sub3A_256 : f32 to vector<16xf32>
      %sub3A_258 = arith.subf %sub3A_257, %mul3A_255 : vector<16xf32>
      %mul3A_259 = arith.mulf %mul3A_250, %sub3A_258 : vector<16xf32>
      %mul3A_260 = arith.constant 5.000000e-01 : f32
      %mul3A_261 = vector.broadcast %mul3A_260 : f32 to vector<16xf32>
      %mul3A_262 = arith.mulf %mul3A_261, %broadcast_in_dim3A_233 : vector<16xf32>
      %mul3A_263 = arith.mulf %mul3A_262, %mul3A_259 : vector<16xf32>
      %mul3A_264 = arith.mulf %mul3A_263, %mul3A_259 : vector<16xf32>
      %sub3A_265 = arith.constant 1.500000e+00 : f32
      %sub3A_266 = vector.broadcast %sub3A_265 : f32 to vector<16xf32>
      %sub3A_267 = arith.subf %sub3A_266, %mul3A_264 : vector<16xf32>
      %mul3A_268 = arith.mulf %mul3A_259, %sub3A_267 : vector<16xf32>
      %mul3A_269 = arith.mulf %mul3A_228, %mul3A_268 : vector<16xf32>
      %swap3A = arith.index_cast %scan3A_37 : i32 to index
      %swap3A_270 = arith.constant 0 : index
      %swap3A_271 = tpu.vector_load %arg22[%swap3A, %swap3A_270] {strides = array<i32>} : memref<8x16xf32, #tpu.memory_space<vmem>>, vector<16xf32>,
      tpu.vector_store %arg22[%swap3A, %swap3A_270], %mul3A_269 {strides = array<i32>} : memref<8x16xf32, #tpu.memory_space<vmem>>, vector<16xf32>,
    }
    %scan3A_36 = arith.constant 8 : i32
    "tpu.region"() ({
      %run_scoped3A = tpu.sem_alloc : memref<!tpu.dma_semaphore, #tpu.memory_space<semaphore_mem>>
      %dma_start3A_37 = arith.constant 0 : i32
      %dma_start3A_38 = tpu.memref_slice %arg9[%mul3A_3, %dma_start3A_37] : memref<256x16xf32, #tpu.memory_space<hbm>> -> memref<8x16xf32, #tpu.memory_space<hbm>>
      %dma_start3A_39 = arith.constant 0 : i32
      %dma_start3A_40 = tpu.memref_slice %arg9[%mul3A_3, %dma_start3A_39] : memref<256x16xf32, #tpu.memory_space<hbm>> -> memref<8x16xf32, #tpu.memory_space<hbm>>
      tpu.enqueue_dma source(%arg22 : memref<8x16xf32, #tpu.memory_space<vmem>>) target(%dma_start3A_40 : memref<8x16xf32, #tpu.memory_space<hbm>>) target_semaphore(%run_scoped3A : memref<!tpu.dma_semaphore, #tpu.memory_space<semaphore_mem>>)
      %dma_wait3A = arith.constant 0 : i32
      %dma_wait3A_41 = tpu.memref_slice %arg9[%mul3A_3, %dma_wait3A] : memref<256x16xf32, #tpu.memory_space<hbm>> -> memref<8x16xf32, #tpu.memory_space<hbm>>
      %dma_wait3A_42 = arith.constant 0 : i32
      %dma_wait3A_43 = tpu.memref_slice %arg9[%mul3A_3, %dma_wait3A_42] : memref<256x16xf32, #tpu.memory_space<hbm>> -> memref<8x16xf32, #tpu.memory_space<hbm>>
      tpu.wait_dma2 semaphore(%run_scoped3A : memref<!tpu.dma_semaphore, #tpu.memory_space<semaphore_mem>>) src(%arg22 : memref<8x16xf32, #tpu.memory_space<vmem>>) dst(%dma_wait3A_43 : memref<8x16xf32, #tpu.memory_space<hbm>>)
      tpu.yield
    }) : () -> ()
    return
  }
}

module attributes {stable_mosaic.version = 14 : i64} {
  func.func @_q_body(%arg0: memref<1x1024xf32, #tpu.memory_space<vmem>>, %arg1: memref<1000x1024xf32, #tpu.memory_space<vmem>>, %arg2: memref<1x1024xf32, #tpu.memory_space<vmem>>) attributes {dimension_semantics = [], scalar_prefetch = 0 : i64, scratch_operands = 0 : i64, tpu.core_type = #tpu.core_type<tc>} {
    %get3A = arith.constant 0 : index
    %get3A_0 = arith.constant 0 : index
    %get3A_1 = vector.load %arg1[%get3A, %get3A_0] : memref<1000x1024xf32, #tpu.memory_space<vmem>>, vector<1000x1024xf32>
    %reduce_sum3A = arith.constant dense<0.000000e+00> : vector<1024xf32>
    %reduce_sum3A_2 = vector.multi_reduction <add>, %get3A_1, %reduce_sum3A [0] : vector<1000x1024xf32> to vector<1024xf32>
    %broadcast_in_dim3A = vector.shape_cast %reduce_sum3A_2 : vector<1024xf32> to vector<1x1024xf32>
    %mul3A = arith.constant 1.000000e-03 : f32
    %mul3A_3 = vector.broadcast %mul3A : f32 to vector<1x1024xf32>
    %mul3A_4 = arith.mulf %broadcast_in_dim3A, %mul3A_3 : vector<1x1024xf32>
    %get3A_5 = arith.constant 0 : index
    %get3A_6 = arith.constant 0 : index
    %get3A_7 = vector.load %arg0[%get3A_5, %get3A_6] : memref<1x1024xf32, #tpu.memory_space<vmem>>, vector<1x1024xf32>
    %add3A = arith.addf %mul3A_4, %get3A_7 : vector<1x1024xf32>
    %mul3A_8 = arith.mulf %add3A, %add3A : vector<1x1024xf32>
    %reduce_sum3A_9 = vector.shape_cast %mul3A_8 : vector<1x1024xf32> to vector<1x1x1024xf32>
    %reduce_sum3A_10 = arith.constant dense<0.000000e+00> : vector<1xf32>
    %reduce_sum3A_11 = vector.multi_reduction <add>, %reduce_sum3A_9, %reduce_sum3A_10 [1, 2] : vector<1x1x1024xf32> to vector<1xf32>
    %reduce_sum3A_12 = vector.shape_cast %reduce_sum3A_11 : vector<1xf32> to vector<1x1x1xf32>
    %reduce_sum3A_13 = vector.extract %reduce_sum3A_12[0, 0, 0] : f32 from vector<1x1x1xf32>
    %rsqrt3A = math.rsqrt %reduce_sum3A_13 : f32
    %mul3A_14 = vector.broadcast %rsqrt3A : f32 to vector<1x1024xf32>
    %mul3A_15 = arith.mulf %add3A, %mul3A_14 : vector<1x1024xf32>
    %swap3A = arith.constant 0 : index
    %swap3A_16 = arith.constant 0 : index
    %swap3A_17 = vector.load %arg2[%swap3A, %swap3A_16] : memref<1x1024xf32, #tpu.memory_space<vmem>>, vector<1x1024xf32>
    tpu.vector_store %arg2[%swap3A, %swap3A_16], %mul3A_15 {strides = array<i32>} : memref<1x1024xf32, #tpu.memory_space<vmem>>, vector<1x1024xf32>,
    return
  }
}

module attributes {stable_mosaic.version = 14 : i64} {
  func.func @_tc_body(%arg0: i32, %arg1: memref<1x1024xf32, #tpu.memory_space<vmem>>, %arg2: memref<1x1024xf32, #tpu.memory_space<vmem>>, %arg3: memref<50x8x1024xf32, #tpu.memory_space<vmem>>, %arg4: memref<1x8x1024xf32, #tpu.memory_space<vmem>>, %arg5: memref<8x1024xf32, #tpu.memory_space<vmem>>, %arg6: memref<8x1024xf32, #tpu.memory_space<vmem>>, %arg7: memref<8x1024xf32, #tpu.memory_space<vmem>>, %arg8: memref<8x1xf32, #tpu.memory_space<vmem>>) attributes {dimension_semantics = [#tpu.dimension_semantics<arbitrary>], iteration_bounds = array<i64: 93>, scalar_prefetch = 0 : i64, scratch_operands = 0 : i64, tpu.core_type = #tpu.core_type<tc>, window_params = [{pipeline_mode = #tpu.pipeline_mode<synchronous>, transform_indices = @transform_0, window_bounds = array<i64: 1, 1024>}, {pipeline_mode = #tpu.pipeline_mode<synchronous>, transform_indices = @transform_1, window_bounds = array<i64: 1, 1024>}, {transform_indices = @transform_2, window_bounds = array<i64: 50, 8, 1024>}, {transform_indices = @transform_3, window_bounds = array<i64: 1, 8, 1024>}, {transform_indices = @transform_4, window_bounds = array<i64: 8, 1024>}, {transform_indices = @transform_5, window_bounds = array<i64: 8, 1024>}, {transform_indices = @transform_6, window_bounds = array<i64: 8, 1024>}, {transform_indices = @transform_7, window_bounds = array<i64: 8, 1>}]} {
    %get3A = arith.constant 0 : index
    %get3A_0 = arith.constant 0 : index
    %get3A_1 = arith.constant 0 : index
    %get3A_2 = vector.load %arg3[%get3A, %get3A_0, %get3A_1] : memref<50x8x1024xf32, #tpu.memory_space<vmem>>, vector<50x8x1024xf32>
    %get3A_3 = arith.constant 0 : index
    %get3A_4 = arith.constant 0 : index
    %get3A_5 = arith.constant 0 : index
    %get3A_6 = vector.load %arg4[%get3A_3, %get3A_4, %get3A_5] : memref<1x8x1024xf32, #tpu.memory_space<vmem>>, vector<1x8x1024xf32>
    %get3A_7 = arith.constant 0 : index
    %get3A_8 = arith.constant 0 : index
    %get3A_9 = vector.load %arg5[%get3A_7, %get3A_8] : memref<8x1024xf32, #tpu.memory_space<vmem>>, vector<8x1024xf32>
    %get3A_10 = arith.constant 0 : index
    %get3A_11 = arith.constant 0 : index
    %get3A_12 = vector.load %arg6[%get3A_10, %get3A_11] : memref<8x1024xf32, #tpu.memory_space<vmem>>, vector<8x1024xf32>
    %get3A_13 = arith.constant 0 : index
    %get3A_14 = arith.constant 0 : index
    %get3A_15 = vector.load %arg7[%get3A_13, %get3A_14] : memref<8x1024xf32, #tpu.memory_space<vmem>>, vector<8x1024xf32>
    %get3A_16 = arith.constant 0 : index
    %get3A_17 = arith.constant 0 : index
    %get3A_18 = vector.load %arg1[%get3A_16, %get3A_17] : memref<1x1024xf32, #tpu.memory_space<vmem>>, vector<1x1024xf32>
    %mul3A = arith.mulf %get3A_9, %get3A_9 : vector<8x1024xf32>
    %reduce_sum3A = arith.constant dense<0.000000e+00> : vector<8xf32>
    %reduce_sum3A_19 = vector.multi_reduction <add>, %mul3A, %reduce_sum3A [1] : vector<8x1024xf32> to vector<8xf32>
    %broadcast_in_dim3A = vector.shape_cast %reduce_sum3A_19 : vector<8xf32> to vector<1x8xf32>
    %broadcast_in_dim3A_20 = vector.broadcast %broadcast_in_dim3A : vector<1x8xf32> to vector<50x8xf32>
    %mul3A_21 = arith.mulf %get3A_12, %get3A_12 : vector<8x1024xf32>
    %reduce_sum3A_22 = arith.constant dense<0.000000e+00> : vector<8xf32>
    %reduce_sum3A_23 = vector.multi_reduction <add>, %mul3A_21, %reduce_sum3A_22 [1] : vector<8x1024xf32> to vector<8xf32>
    %broadcast_in_dim3A_24 = vector.shape_cast %reduce_sum3A_23 : vector<8xf32> to vector<1x8xf32>
    %broadcast_in_dim3A_25 = vector.broadcast %broadcast_in_dim3A_24 : vector<1x8xf32> to vector<50x8xf32>
    %broadcast_in_dim3A_26 = vector.shape_cast %get3A_18 : vector<1x1024xf32> to vector<1x1024xf32>
    %broadcast_in_dim3A_27 = vector.broadcast %broadcast_in_dim3A_26 : vector<1x1024xf32> to vector<8x1024xf32>
    %mul3A_28 = arith.mulf %get3A_9, %broadcast_in_dim3A_27 : vector<8x1024xf32>
    %reduce_sum3A_29 = arith.constant dense<0.000000e+00> : vector<8xf32>
    %reduce_sum3A_30 = vector.multi_reduction <add>, %mul3A_28, %reduce_sum3A_29 [1] : vector<8x1024xf32> to vector<8xf32>
    %broadcast_in_dim3A_31 = vector.shape_cast %reduce_sum3A_30 : vector<8xf32> to vector<1x8xf32>
    %broadcast_in_dim3A_32 = vector.broadcast %broadcast_in_dim3A_31 : vector<1x8xf32> to vector<50x8xf32>
    %mul3A_33 = arith.mulf %get3A_2, %get3A_2 : vector<50x8x1024xf32>
    %reduce_sum3A_34 = arith.constant dense<0.000000e+00> : vector<50x8xf32>
    %reduce_sum3A_35 = vector.multi_reduction <add>, %mul3A_33, %reduce_sum3A_34 [2] : vector<50x8x1024xf32> to vector<50x8xf32>
    %broadcast_in_dim3A_36 = vector.shape_cast %get3A_9 : vector<8x1024xf32> to vector<1x8x1024xf32>
    %broadcast_in_dim3A_37 = vector.broadcast %broadcast_in_dim3A_36 : vector<1x8x1024xf32> to vector<50x8x1024xf32>
    %mul3A_38 = arith.mulf %get3A_2, %broadcast_in_dim3A_37 : vector<50x8x1024xf32>
    %reduce_sum3A_39 = arith.constant dense<0.000000e+00> : vector<50x8xf32>
    %reduce_sum3A_40 = vector.multi_reduction <add>, %mul3A_38, %reduce_sum3A_39 [2] : vector<50x8x1024xf32> to vector<50x8xf32>
    %mul3A_41 = arith.constant 2.000000e+00 : f32
    %mul3A_42 = vector.broadcast %mul3A_41 : f32 to vector<50x8xf32>
    %mul3A_43 = arith.mulf %mul3A_42, %reduce_sum3A_40 : vector<50x8xf32>
    %add3A = arith.addf %reduce_sum3A_35, %mul3A_43 : vector<50x8xf32>
    %add3A_44 = arith.addf %add3A, %broadcast_in_dim3A_20 : vector<50x8xf32>
    %broadcast_in_dim3A_45 = vector.shape_cast %get3A_12 : vector<8x1024xf32> to vector<1x8x1024xf32>
    %broadcast_in_dim3A_46 = vector.broadcast %broadcast_in_dim3A_45 : vector<1x8x1024xf32> to vector<50x8x1024xf32>
    %mul3A_47 = arith.mulf %get3A_2, %broadcast_in_dim3A_46 : vector<50x8x1024xf32>
    %reduce_sum3A_48 = arith.constant dense<0.000000e+00> : vector<50x8xf32>
    %reduce_sum3A_49 = vector.multi_reduction <add>, %mul3A_47, %reduce_sum3A_48 [2] : vector<50x8x1024xf32> to vector<50x8xf32>
    %mul3A_50 = arith.constant 2.000000e+00 : f32
    %mul3A_51 = vector.broadcast %mul3A_50 : f32 to vector<50x8xf32>
    %mul3A_52 = arith.mulf %mul3A_51, %reduce_sum3A_49 : vector<50x8xf32>
    %add3A_53 = arith.addf %reduce_sum3A_35, %mul3A_52 : vector<50x8xf32>
    %add3A_54 = arith.addf %add3A_53, %broadcast_in_dim3A_25 : vector<50x8xf32>
    %broadcast_in_dim3A_55 = vector.shape_cast %get3A_18 : vector<1x1024xf32> to vector<1x1x1024xf32>
    %broadcast_in_dim3A_56 = vector.broadcast %broadcast_in_dim3A_55 : vector<1x1x1024xf32> to vector<50x8x1024xf32>
    %mul3A_57 = arith.mulf %get3A_2, %broadcast_in_dim3A_56 : vector<50x8x1024xf32>
    %reduce_sum3A_58 = arith.constant dense<0.000000e+00> : vector<50x8xf32>
    %reduce_sum3A_59 = vector.multi_reduction <add>, %mul3A_57, %reduce_sum3A_58 [2] : vector<50x8x1024xf32> to vector<50x8xf32>
    %add3A_60 = arith.addf %reduce_sum3A_59, %broadcast_in_dim3A_32 : vector<50x8xf32>
    %rsqrt3A = math.rsqrt %add3A_44 : vector<50x8xf32>
    %mul3A_61 = arith.mulf %add3A_60, %rsqrt3A : vector<50x8xf32>
    %sub3A = arith.constant 1.000000e+00 : f32
    %sub3A_62 = vector.broadcast %sub3A : f32 to vector<50x8xf32>
    %sub3A_63 = arith.subf %mul3A_61, %sub3A_62 : vector<50x8xf32>
    %mul3A_64 = arith.constant 5.500000e+00 : f32
    %mul3A_65 = vector.broadcast %mul3A_64 : f32 to vector<50x8xf32>
    %mul3A_66 = arith.mulf %mul3A_65, %sub3A_63 : vector<50x8xf32>
    %exp3A = math.exp %mul3A_66 : vector<50x8xf32>
    %reduce_sum3A_67 = arith.constant dense<0.000000e+00> : vector<50x8xf32>
    %reduce_sum3A_68 = vector.multi_reduction <add>, %get3A_2, %reduce_sum3A_67 [2] : vector<50x8x1024xf32> to vector<50x8xf32>
    %eq3A = arith.constant 0.000000e+00 : f32
    %eq3A_69 = vector.broadcast %eq3A : f32 to vector<50x8xf32>
    %eq3A_70 = arith.cmpf oeq, %reduce_sum3A_68, %eq3A_69 : vector<50x8xf32>
    %rsqrt3A_71 = math.rsqrt %add3A_54 : vector<50x8xf32>
    %mul3A_72 = arith.mulf %exp3A, %rsqrt3A_71 : vector<50x8xf32>
    %jit3A = arith.constant 0.000000e+00 : f32
    %broadcast_in_dim3A_73 = vector.broadcast %jit3A : f32 to vector<50x8xf32>
    %select_n3A = arith.select %eq3A_70, %broadcast_in_dim3A_73, %mul3A_72 : vector<50x8xi1>, vector<50x8xf32>
    %mul3A_74 = arith.mulf %get3A_6, %get3A_6 : vector<1x8x1024xf32>
    %reduce_sum3A_75 = arith.constant dense<0.000000e+00> : vector<1x8xf32>
    %reduce_sum3A_76 = vector.multi_reduction <add>, %mul3A_74, %reduce_sum3A_75 [2] : vector<1x8x1024xf32> to vector<1x8xf32>
    %broadcast_in_dim3A_77 = vector.shape_cast %get3A_9 : vector<8x1024xf32> to vector<1x8x1024xf32>
    %mul3A_78 = arith.mulf %get3A_6, %broadcast_in_dim3A_77 : vector<1x8x1024xf32>
    %reduce_sum3A_79 = arith.constant dense<0.000000e+00> : vector<1x8xf32>
    %reduce_sum3A_80 = vector.multi_reduction <add>, %mul3A_78, %reduce_sum3A_79 [2] : vector<1x8x1024xf32> to vector<1x8xf32>
    %mul3A_81 = arith.constant 2.000000e+00 : f32
    %mul3A_82 = vector.broadcast %mul3A_81 : f32 to vector<1x8xf32>
    %mul3A_83 = arith.mulf %mul3A_82, %reduce_sum3A_80 : vector<1x8xf32>
    %add3A_84 = arith.addf %reduce_sum3A_76, %mul3A_83 : vector<1x8xf32>
    %slice3A = vector.extract_strided_slice %broadcast_in_dim3A_20 {offsets = [0, 0], sizes = [1, 8], strides = [1, 1]} : vector<50x8xf32> to vector<1x8xf32>
    %add3A_85 = arith.addf %add3A_84, %slice3A : vector<1x8xf32>
    %broadcast_in_dim3A_86 = vector.shape_cast %get3A_12 : vector<8x1024xf32> to vector<1x8x1024xf32>
    %mul3A_87 = arith.mulf %get3A_6, %broadcast_in_dim3A_86 : vector<1x8x1024xf32>
    %reduce_sum3A_88 = arith.constant dense<0.000000e+00> : vector<1x8xf32>
    %reduce_sum3A_89 = vector.multi_reduction <add>, %mul3A_87, %reduce_sum3A_88 [2] : vector<1x8x1024xf32> to vector<1x8xf32>
    %mul3A_90 = arith.constant 2.000000e+00 : f32
    %mul3A_91 = vector.broadcast %mul3A_90 : f32 to vector<1x8xf32>
    %mul3A_92 = arith.mulf %mul3A_91, %reduce_sum3A_89 : vector<1x8xf32>
    %add3A_93 = arith.addf %reduce_sum3A_76, %mul3A_92 : vector<1x8xf32>
    %slice3A_94 = vector.extract_strided_slice %broadcast_in_dim3A_25 {offsets = [0, 0], sizes = [1, 8], strides = [1, 1]} : vector<50x8xf32> to vector<1x8xf32>
    %add3A_95 = arith.addf %add3A_93, %slice3A_94 : vector<1x8xf32>
    %broadcast_in_dim3A_96 = vector.shape_cast %get3A_18 : vector<1x1024xf32> to vector<1x1x1024xf32>
    %broadcast_in_dim3A_97 = vector.broadcast %broadcast_in_dim3A_96 : vector<1x1x1024xf32> to vector<1x8x1024xf32>
    %mul3A_98 = arith.mulf %get3A_6, %broadcast_in_dim3A_97 : vector<1x8x1024xf32>
    %reduce_sum3A_99 = arith.constant dense<0.000000e+00> : vector<1x8xf32>
    %reduce_sum3A_100 = vector.multi_reduction <add>, %mul3A_98, %reduce_sum3A_99 [2] : vector<1x8x1024xf32> to vector<1x8xf32>
    %slice3A_101 = vector.extract_strided_slice %broadcast_in_dim3A_32 {offsets = [0, 0], sizes = [1, 8], strides = [1, 1]} : vector<50x8xf32> to vector<1x8xf32>
    %add3A_102 = arith.addf %reduce_sum3A_100, %slice3A_101 : vector<1x8xf32>
    %rsqrt3A_103 = math.rsqrt %add3A_85 : vector<1x8xf32>
    %mul3A_104 = arith.mulf %add3A_102, %rsqrt3A_103 : vector<1x8xf32>
    %sub3A_105 = arith.constant 1.000000e+00 : f32
    %sub3A_106 = vector.broadcast %sub3A_105 : f32 to vector<1x8xf32>
    %sub3A_107 = arith.subf %mul3A_104, %sub3A_106 : vector<1x8xf32>
    %mul3A_108 = arith.constant 5.500000e+00 : f32
    %mul3A_109 = vector.broadcast %mul3A_108 : f32 to vector<1x8xf32>
    %mul3A_110 = arith.mulf %mul3A_109, %sub3A_107 : vector<1x8xf32>
    %exp3A_111 = math.exp %mul3A_110 : vector<1x8xf32>
    %reduce_sum3A_112 = arith.constant dense<0.000000e+00> : vector<1x8xf32>
    %reduce_sum3A_113 = vector.multi_reduction <add>, %get3A_6, %reduce_sum3A_112 [2] : vector<1x8x1024xf32> to vector<1x8xf32>
    %eq3A_114 = arith.constant 0.000000e+00 : f32
    %eq3A_115 = vector.broadcast %eq3A_114 : f32 to vector<1x8xf32>
    %eq3A_116 = arith.cmpf oeq, %reduce_sum3A_113, %eq3A_115 : vector<1x8xf32>
    %rsqrt3A_117 = math.rsqrt %add3A_95 : vector<1x8xf32>
    %mul3A_118 = arith.mulf %exp3A_111, %rsqrt3A_117 : vector<1x8xf32>
    %jit3A_119 = arith.constant 0.000000e+00 : f32
    %broadcast_in_dim3A_120 = vector.broadcast %jit3A_119 : f32 to vector<1x8xf32>
    %select_n3A_121 = arith.select %eq3A_116, %broadcast_in_dim3A_120, %mul3A_118 : vector<1x8xi1>, vector<1x8xf32>
    %reduce_sum3A_122 = arith.constant dense<0.000000e+00> : vector<8xf32>
    %reduce_sum3A_123 = vector.multi_reduction <add>, %select_n3A, %reduce_sum3A_122 [0] : vector<50x8xf32> to vector<8xf32>
    %reduce_sum3A_124 = arith.constant dense<0.000000e+00> : vector<8xf32>
    %reduce_sum3A_125 = vector.multi_reduction <add>, %select_n3A_121, %reduce_sum3A_124 [0] : vector<1x8xf32> to vector<8xf32>
    %add3A_126 = arith.addf %reduce_sum3A_123, %reduce_sum3A_125 : vector<8xf32>
    %broadcast_in_dim3A_127 = vector.shape_cast %select_n3A : vector<50x8xf32> to vector<50x8x1xf32>
    %broadcast_in_dim3A_128 = vector.broadcast %broadcast_in_dim3A_127 : vector<50x8x1xf32> to vector<50x8x1024xf32>
    %mul3A_129 = arith.mulf %get3A_2, %broadcast_in_dim3A_128 : vector<50x8x1024xf32>
    %reduce_sum3A_130 = arith.constant dense<0.000000e+00> : vector<8x1024xf32>
    %reduce_sum3A_131 = vector.multi_reduction <add>, %mul3A_129, %reduce_sum3A_130 [0] : vector<50x8x1024xf32> to vector<8x1024xf32>
    %broadcast_in_dim3A_132 = vector.shape_cast %select_n3A_121 : vector<1x8xf32> to vector<1x8x1xf32>
    %broadcast_in_dim3A_133 = vector.broadcast %broadcast_in_dim3A_132 : vector<1x8x1xf32> to vector<1x8x1024xf32>
    %mul3A_134 = arith.mulf %get3A_6, %broadcast_in_dim3A_133 : vector<1x8x1024xf32>
    %reduce_sum3A_135 = arith.constant dense<0.000000e+00> : vector<8x1024xf32>
    %reduce_sum3A_136 = vector.multi_reduction <add>, %mul3A_134, %reduce_sum3A_135 [0] : vector<1x8x1024xf32> to vector<8x1024xf32>
    %add3A_137 = arith.addf %reduce_sum3A_131, %reduce_sum3A_136 : vector<8x1024xf32>
    %broadcast_in_dim3A_138 = vector.shape_cast %add3A_126 : vector<8xf32> to vector<8x1xf32>
    %broadcast_in_dim3A_139 = vector.broadcast %broadcast_in_dim3A_138 : vector<8x1xf32> to vector<8x1024xf32>
    %mul3A_140 = arith.mulf %broadcast_in_dim3A_139, %get3A_12 : vector<8x1024xf32>
    %add3A_141 = arith.addf %add3A_137, %mul3A_140 : vector<8x1024xf32>
    %mul3A_142 = arith.mulf %add3A_141, %add3A_141 : vector<8x1024xf32>
    %reduce_sum3A_143 = arith.constant dense<0.000000e+00> : vector<8xf32>
    %reduce_sum3A_144 = vector.multi_reduction <add>, %mul3A_142, %reduce_sum3A_143 [1] : vector<8x1024xf32> to vector<8xf32>
    %broadcast_in_dim3A_145 = vector.shape_cast %reduce_sum3A_144 : vector<8xf32> to vector<8x1xf32>
    %rsqrt3A_146 = math.rsqrt %broadcast_in_dim3A_145 : vector<8x1xf32>
    %mul3A_147 = vector.broadcast %rsqrt3A_146 : vector<8x1xf32> to vector<8x1024xf32>
    %mul3A_148 = arith.mulf %add3A_141, %mul3A_147 : vector<8x1024xf32>
    %add3A_149 = arith.addf %mul3A_148, %get3A_15 : vector<8x1024xf32>
    %get3A_150 = arith.constant 0 : index
    %get3A_151 = arith.constant 0 : index
    %get3A_152 = vector.load %arg2[%get3A_150, %get3A_151] : memref<1x1024xf32, #tpu.memory_space<vmem>>, vector<1x1024xf32>
    %broadcast_in_dim3A_153 = vector.shape_cast %get3A_152 : vector<1x1024xf32> to vector<1x1024xf32>
    %broadcast_in_dim3A_154 = vector.broadcast %broadcast_in_dim3A_153 : vector<1x1024xf32> to vector<8x1024xf32>
    %mul3A_155 = arith.mulf %add3A_149, %broadcast_in_dim3A_154 : vector<8x1024xf32>
    %reduce_sum3A_156 = arith.constant dense<0.000000e+00> : vector<8xf32>
    %reduce_sum3A_157 = vector.multi_reduction <add>, %mul3A_155, %reduce_sum3A_156 [1] : vector<8x1024xf32> to vector<8xf32>
    %broadcast_in_dim3A_158 = vector.shape_cast %reduce_sum3A_157 : vector<8xf32> to vector<8x1xf32>
    %mul3A_159 = arith.constant 1.000000e+02 : f32
    %mul3A_160 = vector.broadcast %mul3A_159 : f32 to vector<8x1xf32>
    %mul3A_161 = arith.mulf %mul3A_160, %broadcast_in_dim3A_158 : vector<8x1xf32>
    %mul3A_162 = arith.mulf %add3A_149, %add3A_149 : vector<8x1024xf32>
    %reduce_sum3A_163 = arith.constant dense<0.000000e+00> : vector<8xf32>
    %reduce_sum3A_164 = vector.multi_reduction <add>, %mul3A_162, %reduce_sum3A_163 [1] : vector<8x1024xf32> to vector<8xf32>
    %broadcast_in_dim3A_165 = vector.shape_cast %reduce_sum3A_164 : vector<8xf32> to vector<8x1xf32>
    %rsqrt3A_166 = math.rsqrt %broadcast_in_dim3A_165 : vector<8x1xf32>
    %mul3A_167 = arith.mulf %mul3A_161, %rsqrt3A_166 : vector<8x1xf32>
    %swap3A = arith.constant 0 : index
    %swap3A_168 = arith.constant 0 : index
    %swap3A_169 = vector.load %arg8[%swap3A, %swap3A_168] : memref<8x1xf32, #tpu.memory_space<vmem>>, vector<8x1xf32>
    tpu.vector_store %arg8[%swap3A, %swap3A_168], %mul3A_167 {strides = array<i32>} : memref<8x1xf32, #tpu.memory_space<vmem>>, vector<8x1xf32>,
    return
  }
  func.func @transform_0(%arg0: i32) -> (i32, i32) {
    %c0_i32 = arith.constant 0 : i32
    %c0_i32_0 = arith.constant 0 : i32
    %c0_i32_1 = arith.constant 0 : i32
    return %c0_i32, %c0_i32_0 : i32, i32
  }
  func.func @transform_1(%arg0: i32) -> (i32, i32) {
    %c0_i32 = arith.constant 0 : i32
    %c0_i32_0 = arith.constant 0 : i32
    %c0_i32_1 = arith.constant 0 : i32
    return %c0_i32, %c0_i32_0 : i32, i32
  }
  func.func @transform_2(%arg0: i32) -> (i32, i32, i32) {
    %add3A = arith.constant 32 : i32
    %add3A_0 = arith.addi %add3A, %arg0 : i32
    %c0_i32 = arith.constant 0 : i32
    %c0_i32_1 = arith.constant 0 : i32
    %c0_i32_2 = arith.constant 0 : i32
    return %c0_i32, %add3A_0, %c0_i32_1 : i32, i32, i32
  }
  func.func @transform_3(%arg0: i32) -> (i32, i32, i32) {
    %add3A = arith.constant 32 : i32
    %add3A_0 = arith.addi %add3A, %arg0 : i32
    %c0_i32 = arith.constant 0 : i32
    %c0_i32_1 = arith.constant 0 : i32
    %c0_i32_2 = arith.constant 0 : i32
    return %c0_i32, %add3A_0, %c0_i32_1 : i32, i32, i32
  }
  func.func @transform_4(%arg0: i32) -> (i32, i32) {
    %add3A = arith.constant 32 : i32
    %add3A_0 = arith.addi %add3A, %arg0 : i32
    %c0_i32 = arith.constant 0 : i32
    %c0_i32_1 = arith.constant 0 : i32
    return %add3A_0, %c0_i32 : i32, i32
  }
  func.func @transform_5(%arg0: i32) -> (i32, i32) {
    %add3A = arith.constant 32 : i32
    %add3A_0 = arith.addi %add3A, %arg0 : i32
    %c0_i32 = arith.constant 0 : i32
    %c0_i32_1 = arith.constant 0 : i32
    return %add3A_0, %c0_i32 : i32, i32
  }
  func.func @transform_6(%arg0: i32) -> (i32, i32) {
    %add3A = arith.constant 32 : i32
    %add3A_0 = arith.addi %add3A, %arg0 : i32
    %c0_i32 = arith.constant 0 : i32
    %c0_i32_1 = arith.constant 0 : i32
    return %add3A_0, %c0_i32 : i32, i32
  }
  func.func @transform_7(%arg0: i32) -> (i32, i32) {
    %c0_i32 = arith.constant 0 : i32
    %c0_i32_0 = arith.constant 0 : i32
    return %arg0, %c0_i32 : i32, i32
  }
}

module attributes {stable_mosaic.version = 14 : i64} {
  func.func @_softmax_body(%arg0: memref<8x128xf32, #tpu.memory_space<vmem>>, %arg1: memref<8x128xf32, #tpu.memory_space<vmem>>) attributes {dimension_semantics = [], scalar_prefetch = 0 : i64, scratch_operands = 0 : i64, tpu.core_type = #tpu.core_type<tc>} {
    %get3A = arith.constant 0 : index
    %get3A_0 = arith.constant 0 : index
    %get3A_1 = vector.load %arg0[%get3A, %get3A_0] : memref<8x128xf32, #tpu.memory_space<vmem>>, vector<8x128xf32>
    %iota3A = tpu.iota {dimensions = array<i32: 0>} : vector<8x128xi32>
    %mul3A = arith.constant 128 : i32
    %mul3A_2 = vector.broadcast %mul3A : i32 to vector<8x128xi32>
    %mul3A_3 = arith.muli %iota3A, %mul3A_2 : vector<8x128xi32>
    %iota3A_4 = tpu.iota {dimensions = array<i32: 1>} : vector<8x128xi32>
    %add3A = arith.addi %mul3A_3, %iota3A_4 : vector<8x128xi32>
    %lt3A = arith.constant 1000 : i32
    %lt3A_5 = vector.broadcast %lt3A : i32 to vector<8x128xi32>
    %lt3A_6 = arith.cmpi slt, %add3A, %lt3A_5 : vector<8x128xi32>
    %jit3A = arith.constant 0xFF800000 : f32
    %broadcast_in_dim3A = vector.broadcast %jit3A : f32 to vector<8x128xf32>
    %select_n3A = arith.select %lt3A_6, %get3A_1, %broadcast_in_dim3A : vector<8x128xi1>, vector<8x128xf32>
    %lt3A_7 = arith.constant 1000 : i32
    %lt3A_8 = vector.broadcast %lt3A_7 : i32 to vector<8x128xi32>
    %lt3A_9 = arith.cmpi slt, %add3A, %lt3A_8 : vector<8x128xi32>
    %reduce_max3A = vector.shape_cast %select_n3A : vector<8x128xf32> to vector<1x8x128xf32>
    %reduce_max3A_10 = arith.constant dense<0xFF800000> : vector<1xf32>
    %reduce_max3A_11 = vector.multi_reduction <maximumf>, %reduce_max3A, %reduce_max3A_10 [1, 2] : vector<1x8x128xf32> to vector<1xf32>
    %reduce_max3A_12 = vector.shape_cast %reduce_max3A_11 : vector<1xf32> to vector<1x1x1xf32>
    %reduce_max3A_13 = vector.extract %reduce_max3A_12[0, 0, 0] : f32 from vector<1x1x1xf32>
    %sub3A = vector.broadcast %reduce_max3A_13 : f32 to vector<8x128xf32>
    %sub3A_14 = arith.subf %select_n3A, %sub3A : vector<8x128xf32>
    %exp3A = math.exp %sub3A_14 : vector<8x128xf32>
    %jit3A_15 = arith.constant 0.000000e+00 : f32
    %broadcast_in_dim3A_16 = vector.broadcast %jit3A_15 : f32 to vector<8x128xf32>
    %select_n3A_17 = arith.select %lt3A_9, %exp3A, %broadcast_in_dim3A_16 : vector<8x128xi1>, vector<8x128xf32>
    %reduce_sum3A = vector.shape_cast %select_n3A_17 : vector<8x128xf32> to vector<1x8x128xf32>
    %reduce_sum3A_18 = arith.constant dense<0.000000e+00> : vector<1xf32>
    %reduce_sum3A_19 = vector.multi_reduction <add>, %reduce_sum3A, %reduce_sum3A_18 [1, 2] : vector<1x8x128xf32> to vector<1xf32>
    %reduce_sum3A_20 = vector.shape_cast %reduce_sum3A_19 : vector<1xf32> to vector<1x1x1xf32>
    %reduce_sum3A_21 = vector.extract %reduce_sum3A_20[0, 0, 0] : f32 from vector<1x1x1xf32>
    %div3A = vector.broadcast %reduce_sum3A_21 : f32 to vector<8x128xf32>
    %div3A_22 = arith.divf %select_n3A_17, %div3A : vector<8x128xf32>
    %swap3A = arith.constant 0 : index
    %swap3A_23 = arith.constant 0 : index
    %swap3A_24 = vector.load %arg1[%swap3A, %swap3A_23] : memref<8x128xf32, #tpu.memory_space<vmem>>, vector<8x128xf32>
    tpu.vector_store %arg1[%swap3A, %swap3A_23], %div3A_22 {strides = array<i32>} : memref<8x128xf32, #tpu.memory_space<vmem>>, vector<8x128xf32>,
    return
  }
}

</mosaic_0001>

<sc_bundles>
// kernel: kernel.6.cloned.1.call-start
scs
__scs_entry_jumppad:
0x0: {  	(pc) =	sbr.rel $0x88, $3  }
0x1: {  	(tag) =	ssettag $0x0;
	lr =	simm.s32 $0x1  }
0x2: {  	[smem:$0x3F9A] =	sst lr;
	_ =	strace $0xD0000000  }
0x3: {  	_ = 	snop  }
0x4: {  	_ = 	snop  }
0x5: {  	_ = 	snop  }
0x6: {  	_ = 	snop  }
0x7: {  	_ = 	snop  }
__scs_overlays_trampoline_lowered:
0x8: {  	[smem:$0x3FA9] =	sst s0  }
0x9: {  	[smem:$0x3FAA] =	sst s1  }
0xa: {  	[smem:$0x3FAB] =	sst s2  }
0xb: {  	[smem:$0x3FAC] =	sst s3  }
0xc: {  	[smem:$0x3FAD] =	sst s4  }
0xd: {  	[smem:$0x3FAE] =	sst s5  }
0xe: {  	[smem:$0x3FAF] =	sst s6  }
0xf: {  	[smem:$0x3FB0] =	sst s7  }
0x10: {  	[smem:$0x3FB1] =	sst s8  }
0x11: {  	[smem:$0x3FB2] =	sst s9;
	s0 =	simm.s32 @!p0 $0x0  }
0x12: {  	s1 =	sld [smem:$0x3F98];
	s0 =	simm.s32 @p0 $0x1  }
0x13: {  	[smem:$0x3FB3] =	sst s0;
	s0 =	simm.s32 @!p1 $0x0  }
0x14: {  	s2 =	sld [smem:$0x3F97];
	s0 =	simm.s32 @p1 $0x1  }
0x15: {  	[smem:$0x3FB4] =	sst s0;
	s0 =	simm.s32 @!p2 $0x0  }
0x16: {  	s3 =	sld [smem:$0x3FDB];
	s0 =	simm.s32 @p2 $0x1  }
0x17: {  	s4 =	simm.s32 $0x1BF5;
	[smem:$0x3FB6] =	sst s0  }
0x18: {  	s0 =	sld [smem:$0x3F99];
	_ =	swait.ge [sflag:s4], $0x0  }
0x19: {  	s7 =	sld [smem:$0x3F9A]  }
0x1a: {  	s8 =	sadd.s32 $0xFFFFE003, lr  }
0x1b: {  	s9 =	sadd.s32 $0xFFFFFEF7, lr;
	s5 =	simm.s32 $0xFFFFFFFF;
	p2 =	slt.u32 s8, $0xFFFFF086  }
0x1c: {  	p1 =	slt.u32 s9, $0xF7A;
	s5 =	simm.s32 @!p2 $0x0  }
0x1d: {  	s5 =	simm.s32 @p1 $0x1;
	p0 =	seq.s32 s7, s2  }
0x1e: {  	s7 =	smul.u32 @!p0 $0xF7A, s2;
	p2 =	seq.s32 @!p0 s5, $0x0  }
0x1f: {  	s9 =	smul.u32 $0xF7A, s1;
	s8 =	simm.s32 @!p0 $0x1BF5;
	p2 =	por !p2, p0  }
0x20: {  	[sflag:s8] =	ssyncset.s32 @!p0 $0xFFFFF086;
	s6 =	sadd.s32 @!p0 s3, s7;
	s7 =	simm.s32 @!p0 $0x108  }
0x21: {  	s3 =	sadd.s32 s3, s9;
	s6 =	sadd.s32 @!p0 $0x88, s6;
	s7 =	simm.s32 @p2 $0x1082  }
0x22: {  	[simem:s7], [sflag:s8] =	dma.local @!p0 [hbm:s6], $0xF7A  }
0x23: {  	s9 =	sor.u32 $0xD0000000, s2;
	s6 =	simm.s32 $0x108;
	_ =	swait.ge @!p0 [sflag:s8], $0x0  }
0x24: {  	s3 =	sadd.s32 $0x88, s3;
	s6 =	simm.s32 @!p1 $0x1082;
	[sflag:s4] =	ssyncset.s32 $0xFFFFF086  }
0x25: {  	[simem:s6], [sflag:s4] =	dma.local [hbm:s3], $0xF7A  }
0x26: {  	[smem:$0x3F9A] =	sst s1;
	(tag) =	ssettag s2;
	_ =	strace s9  }
0x27: {  	s1 =	sld [smem:$0x3FAA]  }
0x28: {  	s2 =	sld [smem:$0x3FAB]  }
0x29: {  	s4 =	sld [smem:$0x3FAD]  }
0x2a: {  	p0 =	seq.s32 s5, $0x0;
	s5 =	sld [smem:$0x3FAE]  }
0x2b: {  	s6 =	sld [smem:$0x3FAF]  }
0x2c: {  	s7 =	sld [smem:$0x3FB0]  }
0x2d: {  	s3 =	simm.s32 $0x108;
	s8 =	sld [smem:$0x3FB1]  }
0x2e: {  	s3 =	simm.s32 @!p0 $0x1082;
	s9 =	sld [smem:$0x3FB2]  }
0x2f: {  	lr =	sadd.s32 s0, s3;
	s0 =	sld [smem:$0x3FA9]  }
0x30: {  	s3 =	sld [smem:$0x3FAC]  }
0x31: {  	[smem:$0x3FB5] =	sst s10  }
0x32: {  	s10 =	sld [smem:$0x3FB3];
	_ =	sdelay $0x3  }
0x33: {  	p0 =	seq.s32 s10, $0x1;
	s10 =	sld [smem:$0x3FB5];
	_ =	sdelay $0x3  }
0x34: {  	[smem:$0x3FB5] =	sst s10  }
0x35: {  	s10 =	sld [smem:$0x3FB4];
	_ =	sdelay $0x3  }
0x36: {  	p1 =	seq.s32 s10, $0x1;
	s10 =	sld [smem:$0x3FB5];
	_ =	sdelay $0x3  }
0x37: {  	[smem:$0x3FB5] =	sst s10  }
0x38: {  	s10 =	sld [smem:$0x3FB6]  }
0x39: {  	_ = 	snop;
	(pc) =	sbr.ind lr, $3  }
0x3a: {  	_ = 	snop  }
0x3b: {  	_ = 	snop  }
0x3c: {  	p2 =	seq.s32 s10, $0x1;
	s10 =	sld [smem:$0x3FB5]  }
0x3d: {  	_ =	shalt  }
0x3e: {  	_ =	shalt  }
0x3f: {  	_ =	shalt  }
0x40: {  	_ =	shalt  }
0x41: {  	_ =	shalt  }
0x42: {  	_ =	shalt  }
0x43: {  	_ =	shalt  }
0x44: {  	_ =	shalt  }
0x45: {  	_ =	shalt  }
0x46: {  	_ =	shalt  }
0x47: {  	_ =	shalt  }
0x48: {  	_ =	shalt  }
0x49: {  	_ =	shalt  }
0x4a: {  	_ =	shalt  }
0x4b: {  	_ =	shalt  }
0x4c: {  	_ =	shalt  }
0x4d: {  	_ =	shalt  }
0x4e: {  	_ =	shalt  }
0x4f: {  	_ =	shalt  }
0x50: {  	_ =	shalt  }
0x51: {  	_ =	shalt  }
0x52: {  	_ =	shalt  }
0x53: {  	_ =	shalt  }
0x54: {  	_ =	shalt  }
0x55: {  	_ =	shalt  }
0x56: {  	_ =	shalt  }
0x57: {  	_ =	shalt  }
0x58: {  	_ =	shalt  }
0x59: {  	_ =	shalt  }
0x5a: {  	_ =	shalt  }
0x5b: {  	_ =	shalt  }
0x5c: {  	_ =	shalt  }
0x5d: {  	_ =	shalt  }
0x5e: {  	_ =	shalt  }
0x5f: {  	_ =	shalt  }
0x60: {  	_ =	shalt  }
0x61: {  	_ =	shalt  }
0x62: {  	_ =	shalt  }
0x63: {  	_ =	shalt  }
0x64: {  	_ =	shalt  }
0x65: {  	_ =	shalt  }
0x66: {  	_ =	shalt  }
0x67: {  	_ =	shalt  }
0x68: {  	_ =	shalt  }
0x69: {  	_ =	shalt  }
0x6a: {  	_ =	shalt  }
0x6b: {  	_ =	shalt  }
0x6c: {  	_ =	shalt  }
0x6d: {  	_ =	shalt  }
0x6e: {  	_ =	shalt  }
0x6f: {  	_ =	shalt  }
0x70: {  	_ =	shalt  }
0x71: {  	_ =	shalt  }
0x72: {  	_ =	shalt  }
0x73: {  	_ =	shalt  }
0x74: {  	_ =	shalt  }
0x75: {  	_ =	shalt  }
0x76: {  	_ =	shalt  }
0x77: {  	_ =	shalt  }
0x78: {  	_ =	shalt  }
0x79: {  	_ =	shalt  }
0x7a: {  	_ =	shalt  }
0x7b: {  	_ =	shalt  }
0x7c: {  	_ =	shalt  }
0x7d: {  	_ =	shalt  }
0x7e: {  	_ =	shalt  }
0x7f: {  	_ =	shalt  }
0x80: {  	_ =	shalt  }
0x81: {  	_ =	shalt  }
0x82: {  	_ =	shalt  }
0x83: {  	_ =	shalt  }
0x84: {  	_ =	shalt  }
0x85: {  	_ =	shalt  }
0x86: {  	_ =	shalt  }
0x87: {  	_ =	shalt  }
.Lfunc_end0:
.L_simem_size_0:
called_computation_lowered:
.L_overlay_start_0:
0x88: {  	s2 =	sld [smem:$0x3FD9]  }
0x89: {  	s3 =	sld [smem:$0x3FFE];
	_ =	sdelay $0x1  }
0x8a: {  	s1 =	srdreg.scid  }
0x8b: {  	s0 =	sand.u32 $0x1, s1  }
0x8c: {  	s17 =	sshll.u32 s0, $0xA;
	s2 =	sadd.s32 s3, s2  }
0x8d: {  	s2 =	sadd.s32 s2, s17  }
0x8e: {  	[smem:$0x3FC1] =	sst s2  }
0x8f: {  	_ = 	snop  }
0x90: {  	s2 =	sld [smem:$0x3FC9]  }
0x91: {  	s18 =	sld [smem:$0x3FC8]  }
0x92: {  	s4 =	sld [smem:$0x3FC5]  }
0x93: {  	s5 =	sld [smem:$0x3FC4]  }
0x94: {  	s6 =	sld [smem:$0x3FC3]  }
0x95: {  	s7 =	sld [smem:$0x3FD0];
	(tm) =	ssettm $0x1  }
0x96: {  	s8 =	sld [smem:$0x3FFB];
	_ =	sdelay $0x3  }
0x97: {  	_ =	strace s8  }
0x98: {  	s8 =	sld [smem:$0x3FFC];
	_ =	sdelay $0x3  }
0x99: {  	_ =	strace s8  }
0x9a: {  	s8 =	sld [smem:$0x3FFD];
	_ =	sdelay $0x3  }
0x9b: {  	_ =	strace s8  }
0x9c: {  	_ =	strace $0x8FFFFFFF  }
0x9d: {  	s19 =	sld [smem:$0x3FDB];
	_ =	sdelay $0x1  }
0x9e: {  	s9 =	simm.s32 $_scs_section_size  }
0x9f: {  	s10 =	simm.s32 $_size__tile_overlayer_lowered;
	s11 =	simm.s32 $_tile_overlayer_lowered  }
0xa0: {  	s22 =	simm.s32 $0x1BFF;
	s21 =	sshll.u32 s11, $0x1;
	s8 =	sadd.s32 s9, s19  }
0xa1: {  	s12 =	simm.s32 $0x0;
	s20 =	sshll.u32 s10, $0x1;
	s10 =	sadd.s32 s21, s8  }
0xa2: {  	[timem:s12], [sflag:s22] =	dma.local [hbm:s10], s20  }
0xa3: {  	_ =	swait.ge [sflag:s22], s20  }
0xa4: {  	s9 =	ssub.s32 $0x0, s20;
	[sflag:s22] =	ssyncset.done $0x0  }
0xa5: {  	[sflag:s22] =	ssyncadd.s32 s9;
	_ =	sdelay $0x1  }
0xa6: {  	s23 =	simm.s32 $0x1B8B  }
0xa7: {  	_ =	swait.ge [sflag:s23], $0x1  }
0xa8: {  	[sflag:s23] =	ssyncset.done $0x0  }
0xa9: {  	s25 =	simm.s32 $0x1B8E;
	s24 =	sld [smem:$0x3FFE];
	[sflag:s23] =	ssyncadd.s32 $0xFFFFFFFF  }
0xaa: {  	s26 =	simm.s32 $execute0_lowered;
	[smem:$0x3FD2] =	sst s25  }
0xab: {  	s10 =	sshll.u32 s26, $0x1;
	_ =	strace $0x80000046;
	[dreg:$0x1] =	wrdreg $0xFFFFFFFF  }
0xac: {  	s28 =	simm.s32 $_size_execute0_lowered;
	s8 =	sadd.s32 s8, s10;
	[dreg:$0x0] =	wrdreg $0x0  }
0xad: {  	s10 =	sshll.u32 s28, $0x1;
	[dreg:$0x2] =	wrdreg s8  }
0xae: {  	[dreg:$0x3] =	wrdreg s10  }
0xaf: {  	[dreg:$0x4] =	wrdreg $0xC0  }
0xb0: {  	_ =	task [dreg:s12], $0x5FFFF  }
0xb1: {  	[dreg:$0x1] =	wrdreg $0xFFFFFFFF  }
0xb2: {  	[dreg:$0x0] =	wrdreg $0x60  }
0xb3: {  	[dreg:$0x2] =	wrdreg s7  }
0xb4: {  	[dreg:$0x3] =	wrdreg s18  }
0xb5: {  	[dreg:$0x4] =	wrdreg s24  }
0xb6: {  	[dreg:$0x5] =	wrdreg s4  }
0xb7: {  	[dreg:$0x6] =	wrdreg s5  }
0xb8: {  	[dreg:$0x7] =	wrdreg s6  }
0xb9: {  	[dreg:$0x8] =	wrdreg s2  }
0xba: {  	[dreg:$0x9] =	wrdreg $0x9  }
0xbb: {  	_ =	task.clear_ibuf [dreg:s12], $0xAFFFF;
	_ =	strace $0x90000046  }
0xbc: {  	s29 =	simm.s32 $0x9;
	_ =	strace $0x80000048  }
0xbd: {  	_ =	swait.ge [sflag:s29], $0x1  }
0xbe: {  	[sflag:s29] =	ssyncadd.s32 $0xFFFFFFFF  }
0xbf: {  	_ =	strace $0x90000048  }
0xc0: {  	_ =	sfence  }
0xc1: {  	s30 =	sld [smem:$0x0];
	_ =	sdelay $0x2  }
0xc2: {  	s31 =	sshll.u32 s1, $0xD;
	s1 =	sshrl.u32 s1, $0x2  }
0xc3: {  	s3 =	sand.u32 $0x4000, s31;
	s1 =	sadd.s32 s1, s30  }
0xc4: {  	s0 =	sor.u32 s3, s0;
	s1 =	sshll.u32 s1, $0x11  }
0xc5: {  	s0 =	sor.u32 s1, s0  }
0xc6: {  	s0 =	sadd.s32 $0x8F2B, s0  }
0xc7: {  	[sflag:s0] =	ssyncadd.remote.s32 $0x1  }
0xc8: {  	_ =	sfence.sel $0xFFFF  }
0xc9: {  	[dreg:$0x0] =	wrdreg $0xFFFFFFFF;
	(pc) =	sbr.abs _section_cstart, $3  }
0xca: {  	[dreg:$0x1] =	wrdreg $0xFFFFFFFF  }
0xcb: {  	_ =	task.clear_ibuf [dreg:s12], $0x2FFFF;
	_ =	strace $0x9FFFFFFF  }
0xcc: {  	(tm) =	ssettm $0x7FFFFFFF  }
0xcd: {  	_ =	shalt  }
tec
execute0_lowered:
.L_overlay_start_1:
0x0: {  	(tag) =	ssettag $0x1  }
0x1: {  	s2 =	rddreg [dreg:$0x1]  }
0x2: {  	s0 =	rddreg [dreg:$0x2]  }
0x3: {  	s1 =	rddreg [dreg:$0x3]  }
0x4: {  	s3 =	rddreg [dreg:$0x4]  }
0x5: {  	s4 =	rddreg [dreg:$0x5]  }
0x6: {  	s13 =	simm.s32 $0x0;
	s6 =	srdreg.scid;
	s5 =	stileid.u32  }
0x7: {  	[smem:$0x7FF] =	sst s13;
	s6 =	sand.u32 $0x1, s6;
	s7 =	sshll.u32 s5, $0x1  }
0x8: {  	s25 =	simm.s32 $0x1;
	_ =	strace $0x80000047;
	s7 =	sor.u32 s6, s7  }
0x9: {  	s6 =	ssub.s32 $0x2, s6;
	s8 =	sshll.u32 s7, $0xA;
	s9 =	sshll.u32 s7, $0x7  }
0xa: {  	s10 =	sshrl.u32 s6, $0x1;
	s7 =	sshll.u32 s7, $0xD;
	s1 =	sadd.s32 s1, s8  }
0xb: {  	s11 =	sadd.s32 s8, s0;
	s26 =	sadd.s32 s3, s8;
	[dreg:$0x8] =	wrdreg s1  }
0xc: {  	s0 =	sadd.s32 s9, s0;
	s28 =	sadd.s32 s4, s8;
	[dreg:$0x9] =	wrdreg s26  }
0xd: {  	s6 =	ssub.s32 s6, s10;
	s30 =	sadd.s32 s2, s8;
	[dreg:$0xa] =	wrdreg s28  }
0xe: {  	s12 =	sadd.s32 $0x9C4000, s7;
	s29 =	sadd.s32 $0xC00, s11;
	[dreg:$0xc] =	wrdreg s30  }
0xf: {  	s3 =	simm.s32 $0x3;
	s0 =	sadd.s32 $0x20000, s0;
	[dreg:$0xb] =	wrdreg s29  }
0x10: {  	s11 =	sadd.s32 $0x4E2000, s7;
	s31 =	smax.u32 s6, $0x1;
	[dreg:$0xd] =	wrdreg s0  }
0x11: {  	v0 =	vimm.f32 $0.0e+00;
	v1 =	vimm.s32 $0x0;
	s26 =	simm.s32 $0x2;
	s1 =	simm.s32 $0x0;
	[dreg:$0xe] =	wrdreg s31  }
.LBB2_1:
0x12: {  	[dreg:$0xf] =	wrdreg s1  }
0x13: {  	s0 =	rddreg [dreg:$0x0];
	s15 =	simm.s32 $0x1F000  }
0x14: {  	[tilespmem:s15], [sflag:$0x3] =	stream.linear.gather [hbm4b:s0+s13], $0x400, $0x38;
	[tilespmem:$0x1FC00] =	vst v63  }
0x15: {  	_ =	swait.ge [sflag:s3], $0x400  }
0x16: {  	[sflag:s3] =	ssyncset.done $0x0  }
0x17: {  	[sflag:s3] =	ssyncadd.s32 $0xFFFFFC00  }
0x18: {  	s17 =	simm.s32 $0x1F400;
	s16 =	rddreg [dreg:$0x6]  }
0x19: {  	[tilespmem:s17], [sflag:$0x3] =	stream.linear.gather [hbm4b:s16+s13], $0x400, $0x38;
	[tilespmem:$0x1FC00] =	vst v63  }
0x1a: {  	_ =	swait.ge [sflag:s3], $0x400  }
0x1b: {  	[sflag:s3] =	ssyncset.done $0x0  }
0x1c: {  	s19 =	simm.s32 $0x14000;
	s18 =	rddreg [dreg:$0x8];
	[sflag:s3] =	ssyncadd.s32 $0xFFFFFC00  }
0x1d: {  	[tilespmem:s19], [sflag:$0x3] =	stream.linear.gather [hbm4b:s18+s13], $0x2000, $0x38;
	[tilespmem:$0x1FC00] =	vst v63  }
0x1e: {  	_ =	swait.ge [sflag:s3], $0x2000  }
0x1f: {  	[sflag:s3] =	ssyncset.done $0x0  }
0x20: {  	s21 =	simm.s32 $0x16000;
	s20 =	rddreg [dreg:$0x9];
	[sflag:s3] =	ssyncadd.s32 $0xFFFFE000  }
0x21: {  	[tilespmem:s21], [sflag:$0x3] =	stream.linear.gather [hbm4b:s20+s13], $0x2000, $0x38;
	[tilespmem:$0x1FC00] =	vst v63  }
0x22: {  	_ =	swait.ge [sflag:s3], $0x2000  }
0x23: {  	[sflag:s3] =	ssyncset.done $0x0  }
0x24: {  	s23 =	simm.s32 $0x18000;
	s22 =	rddreg [dreg:$0xa];
	[sflag:s3] =	ssyncadd.s32 $0xFFFFE000  }
0x25: {  	[tilespmem:s23], [sflag:$0x3] =	stream.linear.gather [hbm4b:s22+s13], $0x2000, $0x38;
	[tilespmem:$0x1FC00] =	vst v63  }
0x26: {  	_ =	swait.ge [sflag:s3], $0x2000  }
0x27: {  	[sflag:s3] =	ssyncset.done $0x0  }
0x28: {  	s28 =	simm.s32 $0x1A000;
	s24 =	rddreg [dreg:$0xb];
	[sflag:s3] =	ssyncadd.s32 $0xFFFFE000  }
0x29: {  	[tilespmem:s28], [sflag:$0x3] =	stream.linear.gather [hbm4b:s24+s13], $0x2000, $0x38;
	[tilespmem:$0x1FC00] =	vst v63  }
0x2a: {  	_ =	swait.ge [sflag:s3], $0x2000  }
0x2b: {  	s30 =	simm.s32 $0x2000;
	s31 =	simm.s32 $0xFA000;
	[sflag:s3] =	ssyncset.done $0x0  }
0x2c: {  	s0 =	simm.s32 $0x0;
	s29 =	rddreg [dreg:$0xc];
	[sflag:s3] =	ssyncadd.s32 $0xFFFFE000  }
0x2d: {  	[tilespmem:s13], [sflag:$0x1] =	stream.strided.gather [hbm4b:s29+s30], $0xA000, s31, s30, $0x38;
	[tilespmem:$0x1FC00] =	vst v63  }
.LBB2_2:
0x2e: {  	s3 =	simm.s32 $0x0  }
0x2f: {  	s1 =	sshll.u32 s0, $0x7;
	s4 =	sand.u32 $0x1C00, s3  }
0x30: {  	s6 =	sand.u32 $0x60, s3;
	s4 =	sor.u32 s1, s4  }
0x31: {  	s7 =	sor.u32 s6, s4  }
0x32: {  	s3 =	sand.u32 $0x380, s3;
	s6 =	sor.u32 $0x10, s6;
	v3 =	vld [tilespmem:s7+$0x14000]  }
0x33: {  	v5 =	vld [tilespmem:s7+$0x16000];
	s3 =	sor.u32 s6, s3  }
0x34: {  	s29 =	simm.s32 $0x100;
	s4 =	sor.u32 s6, s4;
	v9 =	vld [tilespmem:s3+$0x1F000]  }
0x35: {  	s30 =	simm.s32 $0x20;
	s31 =	sand.u32 $0x1C00, s29;
	v2 =	vld [tilespmem:s4+$0x14000]  }
0x36: {  	s8 =	sand.u32 $0x60, s30;
	s7 =	sor.u32 s1, s31;
	s3 =	simm.s32 $0x1F000;
	v6 =	vld [tilespmem:s4+$0x16000]  }
0x37: {  	s9 =	sor.u32 s8, s7;
	v8 =	vld [tilespmem:s3+$0x0]  }
0x38: {  	s6 =	sand.u32 $0x380, s30;
	s8 =	sor.u32 $0x10, s8;
	v4 =	vld [tilespmem:s9+$0x14000];
	v11 =	vmul.f32 v3, v3;
	v12 =	vmul.f32 v5, v5  }
0x39: {  	v10 =	vimm.f32 $0.0e+00;
	s4 =	simm.s32 $0x2;
	v7 =	vld [tilespmem:s9+$0x16000];
	s6 =	sor.u32 s8, s6  }
0x3a: {  	s8 =	sor.u32 s8, s7;
	s7 =	simm.s32 $0x40;
	v5 =	vld [tilespmem:s6+$0x1F000];
	s6 =	simm.s32 $0x200;
	v13 =	vmul.f32 v2, v2;
	v11 =	vadd.f32 v11, v10;
	v12 =	vadd.f32 v12, v10  }
.LBB2_3:
0x3b: {  	s9 =	sand.u32 $0x60, s7;
	s4 =	sadd.s32 $0x2, s4  }
0x3c: {  	s15 =	sand.u32 $0x1C00, s6;
	v14 =	vmul.f32 v6, v6;
	v15 =	vmul.f32 v2, v9;
	v2 =	vld [tilespmem:s8+$0x14000];
	s3 =	sadd.s32 $0x20, s3;
	p0 =	slt.u32 s4, $0x3E  }
.Ltmp0:
0x3d: {  	s15 =	sor.u32 s1, s15;
	s17 =	sor.u32 $0x10, s9;
	v6 =	vld [tilespmem:s8+$0x16000];
	v16 =	vmul.f32 v3, v8;
	v11 =	vadd.f32 v13, v11;
	(pc) =	sbr.rel @p0 .LBB2_3-.Ltmp0, $4  }
0x3e: {  	s8 =	sor.u32 s9, s15;
	v8 =	vld [tilespmem:s3+$0x0];
	v13 =	vmul.f32 v4, v4;
	v12 =	vadd.f32 v14, v12;
	v3 =	vmov v4  }
0x3f: {  	s9 =	sand.u32 $0x380, s7;
	v4 =	vld [tilespmem:s8+$0x14000];
	v14 =	vmul.f32 v7, v7;
	v10 =	vadd.f32 v16, v10  }
0x40: {  	v7 =	vld [tilespmem:s8+$0x16000];
	s8 =	sor.u32 s17, s9;
	v11 =	vadd.f32 v13, v11;
	v9 =	vmov v5  }
0x41: {  	s6 =	sadd.s32 $0x100, s6;
	s7 =	sadd.s32 $0x20, s7;
	v5 =	vld [tilespmem:s8+$0x1F000];
	s8 =	sor.u32 s17, s15;
	v12 =	vadd.f32 v14, v12;
	v13 =	vmul.f32 v2, v2;
	v10 =	vadd.f32 v15, v10  }
0x42: {  	v14 =	vld [tilespmem:s8+$0x14000];
	s3 =	sadd.s32 $0x20, s3  }
0x43: {  	v15 =	vld [tilespmem:s3+$0x0]  }
0x44: {  	v56 =	vld [tilespmem:s8+$0x16000];
	v3 =	vmul.f32 v3, v8  }
0x45: {  	v6 =	vmul.f32 v6, v6;
	v11 =	vadd.f32 v13, v11;
	v57 =	vmul.f32 v4, v4  }
0x46: {  	v2 =	vmul.f32 v2, v9;
	v3 =	vadd.f32 v3, v10  }
0x47: {  	v6 =	vadd.f32 v6, v12;
	v7 =	vmul.f32 v7, v7;
	v58 =	vadd.f32 v57, v11  }
0x48: {  	v59 =	vmul.f32 v14, v14;
	v2 =	vadd.f32 v2, v3;
	v3 =	vmul.f32 v4, v15  }
0x49: {  	v60 =	vadd.f32 v7, v6;
	v61 =	vmul.f32 v56, v56  }
0x4a: {  	v5 =	vmul.f32 v14, v5;
	v62 =	vadd.f32 v59, v58;
	v2 =	vadd.f32 v3, v2  }
0x4b: {  	v3 =	vadd.f32 v61, v60  }
0x4c: {  	(xrf2) =	vadd.scan.msk.f32 $0xffff, v62;
	v2 =	vadd.f32 v5, v2  }
0x4d: {  	(xrf2) =	vadd.scan.msk.f32 $0xffff, v3  }
0x4e: {  	(xrf2) =	vadd.scan.msk.f32 $0xffff, v2;
	_ =	sdelay $0x7  }
0x4f: {  	v2, _, _ =	vpop (xrf2)  }
0x50: {  	v3, _, _ =	vpop (xrf2);
	v2 =	vbroadcast v2, $0xF  }
0x51: {  	s4 =	sand.u32 $0x3FFFFF80, s1;
	s3 =	simm.s32 $0x0;
	[tilespmem:s1+$0x1EC00] =	vst v0;
	v3 =	vbroadcast v3, $0xF;
	v63, _, _ =	vpop (xrf2)  }
0x52: {  	s4 =	sadd.s32 $0x1C000, s4;
	s6 =	sand.u32 $0x1C00, s3;
	[tilespmem:s1+$0x1E000] =	vst v2;
	v2 =	vbroadcast v63, $0xF  }
0x53: {  	s7 =	sand.u32 $0x70, s3;
	s6 =	sadd.s32 s6, s4;
	[tilespmem:s1+$0x1E400] =	vst v3  }
0x54: {  	s6 =	sadd.s32 s7, s6;
	[tilespmem:s1+$0x1E800] =	vst v2;
	s1 =	simm.s32 $0x10  }
.LBB2_5:
0x55: {  	p0 =	sne.s32 s1, $0x3F0  }
0x56: {  	[tilespmem:s6+$0x0] =	vst v0;
	s3 =	sadd.s32 $0x80, s3;
	s6 =	smov.u32 s1;
	s1 =	sadd.s32 $0x10, s1  }
.Ltmp1:
0x57: {  	(pc) =	sbr.rel @p0 .LBB2_5-.Ltmp1, $4  }
0x58: {  	_ = 	snop  }
0x59: {  	s7 =	sand.u32 $0x1C00, s3  }
0x5a: {  	s6 =	sand.u32 $0x70, s6;
	s7 =	sadd.s32 s7, s4  }
0x5b: {  	s6 =	sadd.s32 s6, s7  }
0x5c: {  	s0 =	sadd.s32 $0x1, s0  }
0x5d: {  	p0 =	sne.s32 s0, $0x8  }
.Ltmp2:
0x5e: {  	_ = 	snop;
	(pc) =	sbr.rel @p0 .LBB2_2-.Ltmp2, $2  }
0x5f: {  	_ =	sdelay $0x2  }
0x60: {  	[tilespmem:s6+$0x0] =	vst v0;
	s30 =	simm.s32 $0x0  }
.LBB2_7:
0x61: {  	s31 =	smul.u32 $0x9C4000, s30;
	_ =	sdelay $0x1  }
0x62: {  	s0 =	sadd.s32 s31, s11  }
0x63: {  	s1 =	simm.s32 $0x2000;
	s0 =	sshrl.u32 s0, $0x3  }
0x64: {  	s3 =	simm.s32 $0xFA000;
	s4 =	simm.s32 $0xA000;
	s0 =	sadd.s32 s2, s0  }
0x65: {  	[tilespmem:s4], [sflag:$0x2] =	stream.strided.gather [hbm4b:s0+s1], $0xA000, s3, s1, $0x38;
	[tilespmem:$0x1FC00] =	vst v63  }
0x66: {  	_ =	swait.ge [sflag:s25], $0xA000  }
0x67: {  	[sflag:s25] =	ssyncset.done $0x0  }
0x68: {  	s1 =	simm.s32 $0x0;
	[sflag:s25] =	ssyncadd.s32 $0xFFFF6000  }
.LBB2_8:
0x69: {  	s3 =	sshll.u32 s1, $0x7;
	s6 =	simm.s32 $0x0  }
0x6a: {  	s0 =	sadd.s32 $0x4000, s3;
	s7 =	sand.u32 $0x1C00, s6  }
0x6b: {  	s8 =	simm.s32 $0x1F000;
	s9 =	sand.u32 $0x60, s6;
	s18 =	sadd.s32 s7, s0  }
0x6c: {  	s4 =	sadd.s32 $0x2000, s3;
	v6 =	vld [tilespmem:s8+$0x0];
	s17 =	sor.u32 s3, s7;
	s13 =	sadd.s32 s9, s18  }
0x6d: {  	s20 =	sadd.s32 s7, s4;
	s14 =	sor.u32 $0x10, s9;
	s19 =	sor.u32 s9, s17;
	v19 =	vld [tilespmem:s13+$0x0]  }
0x6e: {  	s21 =	sadd.s32 s14, s20;
	v17 =	vld [tilespmem:s19+$0x16000]  }
0x6f: {  	s15 =	sadd.s32 $0x6000, s3;
	s28 =	sor.u32 s14, s17;
	v21 =	vld [tilespmem:s21+$0x0]  }
0x70: {  	s16 =	sadd.s32 s7, s15;
	v11 =	vld [tilespmem:s28+$0x0]  }
0x71: {  	s10 =	sadd.s32 s9, s16;
	v10 =	vld [tilespmem:s28+$0x16000]  }
0x72: {  	s6 =	sand.u32 $0x380, s6;
	v24 =	vld [tilespmem:s10+$0x0]  }
0x73: {  	s6 =	sor.u32 s14, s6;
	v28 =	vld [tilespmem:s19+$0x0]  }
0x74: {  	s23 =	sadd.s32 s9, s20;
	v5 =	vld [tilespmem:s6+$0x1F000]  }
0x75: {  	v33 =	vimm.f32 $0.0e+00;
	v53 =	vimm.f32 $0.0e+00;
	v29 =	vld [tilespmem:s23+$0x0]  }
0x76: {  	v46 =	vimm.f32 $0.0e+00;
	v23 =	vld [tilespmem:s28+$0x14000];
	v2 =	vmul.f32 v19, v6;
	v7 =	vmul.f32 v19, v17  }
0x77: {  	v39 =	vimm.f32 $0.0e+00;
	s17 =	sadd.s32 $0x8000, s3;
	v25 =	vmul.f32 v19, v19;
	v38 =	vmul.f32 v24, v6  }
0x78: {  	v43 =	vimm.f32 $0.0e+00;
	s18 =	sadd.s32 s14, s18;
	s7 =	sadd.s32 s7, s17;
	v44 =	vld [tilespmem:s19+$0x14000];
	v47 =	vmul.f32 v11, v10;
	v31 =	vmul.f32 v28, v28  }
0x79: {  	v36 =	vimm.f32 $0.0e+00;
	v13 =	vld [tilespmem:s18+$0x0];
	s22 =	sadd.s32 s14, s7;
	v27 =	vmul.f32 v21, v5;
	v42 =	vmul.f32 v21, v21  }
0x7a: {  	v40 =	vimm.f32 $0.0e+00;
	v3 =	vld [tilespmem:s22+$0x0];
	v32 =	vmul.f32 v21, v10;
	v45 =	vmul.f32 v29, v6  }
0x7b: {  	s29 =	sadd.s32 s14, s16;
	v4 =	vadd.f32 v19, v33;
	v34 =	vmul.f32 v28, v6;
	v37 =	vmul.f32 v11, v23  }
0x7c: {  	v12 =	vld [tilespmem:s29+$0x0];
	s24 =	sadd.s32 s9, s7;
	v9 =	vadd.f32 v29, v33;
	v49 =	vmul.f32 v11, v5;
	v35 =	vmul.f32 v28, v17  }
0x7d: {  	v22 =	vld [tilespmem:s24+$0x0];
	v30 =	vadd.f32 v24, v33;
	v41 =	vmul.f32 v24, v44;
	v50 =	vmul.f32 v28, v44  }
0x7e: {  	v54 =	vmul.f32 v29, v29;
	v48 =	vmul.f32 v24, v24;
	v14 =	vadd.f32 v2, v33  }
0x7f: {  	v8 =	vadd.f32 v13, v4;
	v4 =	vmul.f32 v3, v10;
	v2 =	vadd.f32 v28, v33  }
0x80: {  	v15 =	vmul.f32 v3, v3;
	v20 =	vadd.f32 v21, v9;
	v16 =	vadd.f32 v7, v33  }
0x81: {  	v7 =	vmul.f32 v24, v17;
	v9 =	vadd.f32 v12, v30;
	v25 =	vadd.f32 v25, v33  }
0x82: {  	v18 =	vmul.f32 v22, v17;
	v31 =	vadd.f32 v31, v33;
	v51 =	vadd.f32 v34, v33  }
0x83: {  	v55 =	vadd.f32 v35, v33;
	v52 =	vmul.f32 v22, v44;
	v34 =	vimm.f32 $0.0e+00  }
0x84: {  	v28 =	vimm.f32 $0.0e+00;
	v26 =	vadd.f32 v11, v2;
	v2 =	vadd.f32 v22, v33  }
0x85: {  	v30 =	vadd.f32 v7, v33;
	v7 =	vmul.f32 v22, v6;
	v6 =	vmul.f32 v11, v11  }
0x86: {  	s20 =	simm.s32 $0x20;
	v24 =	vimm.f32 $0.0e+00;
	v11 =	vimm.f32 $0.0e+00;
	v2 =	vadd.f32 v3, v2  }
0x87: {  	s18 =	simm.s32 $0x0;
	s19 =	simm.s32 $0x100;
	s21 =	simm.s32 $0x1F020;
	v35 =	vadd.f32 v6, v31;
	v31 =	vimm.f32 $0.0e+00;
	v6 =	vimm.f32 $0.0e+00  }
.LBB2_9:
0x88: {  	s8 =	sand.u32 $0x1C00, s19;
	s9 =	sand.u32 $0x380, s20;
	s18 =	sadd.s32 $0x2, s18;
	v56 =	vmul.f32 v29, v44;
	v44 =	vmul.f32 v19, v44;
	v33 =	vadd.f32 v38, v33  }
0x89: {  	s10 =	sand.u32 $0x60, s20;
	v53 =	vadd.f32 v50, v53;
	v57 =	vmul.f32 v3, v23;
	s28 =	sor.u32 s3, s8;
	s13 =	sadd.s32 s8, s0;
	v38 =	vadd.f32 v48, v46  }
0x8a: {  	v34 =	vadd.f32 v45, v34;
	v45 =	vmul.f32 v13, v23;
	s14 =	sadd.s32 s8, s4;
	v48 =	vadd.f32 v47, v55;
	v50 =	vld [tilespmem:s21+$0x0];
	s6 =	sor.u32 s10, s28;
	s5 =	sadd.s32 s10, s13  }
0x8b: {  	v29 =	vmul.f32 v29, v17;
	s29 =	sor.u32 $0x10, s10;
	v39 =	vadd.f32 v54, v39;
	v46 =	vmul.f32 v12, v5;
	s7 =	sadd.s32 s10, s14;
	v19 =	vld [tilespmem:s5+$0x0];
	s5 =	sadd.s32 s8, s15  }
0x8c: {  	v43 =	vadd.f32 v52, v43;
	v52 =	vmul.f32 v12, v10;
	v47 =	vmul.f32 v13, v5;
	s28 =	sor.u32 s29, s28;
	s14 =	sadd.s32 s29, s14;
	v17 =	vld [tilespmem:s6+$0x16000];
	s16 =	sadd.s32 s10, s5  }
0x8d: {  	v36 =	vadd.f32 v41, v36;
	v11 =	vadd.f32 v18, v11;
	v18 =	vmul.f32 v12, v23;
	s9 =	sor.u32 s29, s9;
	s13 =	sadd.s32 s29, s13;
	s5 =	sadd.s32 s29, s5;
	v54 =	vld [tilespmem:s14+$0x0]  }
0x8e: {  	v41 =	vmul.f32 v13, v10;
	p0 =	slt.u32 s18, $0x3E;
	v28 =	vadd.f32 v44, v28;
	s8 =	sadd.s32 s8, s17;
	v39 =	vadd.f32 v42, v39;
	v55 =	vld [tilespmem:s28+$0x0]  }
0x8f: {  	v6 =	vadd.f32 v7, v6;
	v7 =	vmul.f32 v13, v13;
	v29 =	vadd.f32 v29, v31;
	s10 =	sadd.s32 s10, s8;
	s8 =	sadd.s32 s29, s8;
	v42 =	vld [tilespmem:s9+$0x1F000]  }
0x90: {  	v34 =	vadd.f32 v27, v34;
	v27 =	vmul.f32 v3, v5;
	v28 =	vadd.f32 v45, v28;
	v10 =	vld [tilespmem:s28+$0x16000]  }
0x91: {  	v44 =	vmul.f32 v22, v22;
	v30 =	vadd.f32 v52, v30;
	v31 =	vadd.f32 v32, v29;
	v58 =	vld [tilespmem:s16+$0x0]  }
0x92: {  	v51 =	vadd.f32 v49, v51;
	v22 =	vmul.f32 v12, v12;
	v11 =	vadd.f32 v4, v11;
	v13 =	vld [tilespmem:s13+$0x0]  }
0x93: {  	v23 =	vmul.f32 v21, v23;
	v12 =	vadd.f32 v47, v14;
	v4 =	vadd.f32 v44, v24;
	v21 =	vmovc v54;
	v3 =	vld [tilespmem:s8+$0x0]  }
0x94: {  	v32 =	vadd.f32 v56, v40;
	v14 =	vmul.f32 v19, v50;
	v8 =	vadd.f32 v19, v8;
	v52 =	vld [tilespmem:s6+$0x0];
	v5 =	vmovc v42  }
0x95: {  	v33 =	vadd.f32 v46, v33;
	v24 =	vadd.f32 v15, v4;
	v49 =	vmul.f32 v19, v17;
	v29 =	vld [tilespmem:s7+$0x0]  }
0x96: {  	v46 =	vadd.f32 v22, v38;
	v56 =	vmul.f32 v19, v19;
	v14 =	vadd.f32 v14, v12;
	v12 =	vld [tilespmem:s5+$0x0]  }
0x97: {  	v40 =	vadd.f32 v23, v32;
	v38 =	vmul.f32 v58, v50;
	v44 =	vld [tilespmem:s6+$0x14000];
	v8 =	vadd.f32 v13, v8  }
0x98: {  	v53 =	vadd.f32 v37, v53;
	v22 =	vld [tilespmem:s10+$0x0];
	v4 =	vmul.f32 v3, v10;
	v15 =	vmul.f32 v3, v3  }
0x99: {  	v43 =	vadd.f32 v57, v43;
	v47 =	vmul.f32 v55, v10;
	v26 =	vadd.f32 v52, v26  }
0x9a: {  	v6 =	vadd.f32 v27, v6;
	v57 =	vmul.f32 v52, v52;
	v20 =	vadd.f32 v29, v20  }
0x9b: {  	v7 =	vadd.f32 v7, v25;
	v27 =	vmul.f32 v21, v5;
	v9 =	vadd.f32 v58, v9;
	v23 =	vld [tilespmem:s28+$0x14000]  }
0x9c: {  	v16 =	vadd.f32 v41, v16;
	v42 =	vmul.f32 v54, v21;
	v20 =	vadd.f32 v21, v20  }
0x9d: {  	v36 =	vadd.f32 v18, v36;
	v32 =	vmul.f32 v21, v10;
	v26 =	vadd.f32 v55, v26  }
0x9e: {  	v16 =	vadd.f32 v49, v16;
	v45 =	vmul.f32 v29, v50;
	v2 =	vadd.f32 v22, v2  }
0x9f: {  	v41 =	vmul.f32 v58, v17;
	v9 =	vadd.f32 v12, v9;
	v18 =	vmul.f32 v22, v17  }
0xa0: {  	v54 =	vmul.f32 v52, v50;
	v2 =	vadd.f32 v3, v2;
	v37 =	vmul.f32 v55, v23  }
.Ltmp3:
0xa1: {  	v25 =	vadd.f32 v56, v7;
	v49 =	vmul.f32 v55, v5;
	v30 =	vadd.f32 v41, v30;
	(pc) =	sbr.rel @p0 .LBB2_9-.Ltmp3, $4  }
0xa2: {  	v56 =	vmul.f32 v52, v17;
	v35 =	vadd.f32 v57, v35;
	v7 =	vmul.f32 v22, v50  }
0xa3: {  	v51 =	vadd.f32 v54, v51;
	v57 =	vmul.f32 v55, v55;
	v41 =	vmul.f32 v58, v44  }
0xa4: {  	v50 =	vmul.f32 v52, v44;
	v52 =	vmul.f32 v22, v44;
	v55 =	vadd.f32 v56, v48  }
0xa5: {  	s19 =	sadd.s32 $0x100, s19;
	s20 =	sadd.s32 $0x20, s20;
	s21 =	sadd.s32 $0x20, s21;
	v54 =	vmul.f32 v29, v29;
	v35 =	vadd.f32 v57, v35;
	v48 =	vmul.f32 v58, v58  }
0xa6: {  	v50 =	vadd.f32 v50, v53;
	_ =	sdelay $0x1  }
0xa7: {  	v37 =	vadd.f32 v37, v50  }
0xa8: {  	(xrf2) =	vadd.scan.msk.f32 $0xffff, v35  }
0xa9: {  	(xrf2) =	vadd.scan.msk.f32 $0xffff, v37;
	_ =	sdelay $0x8  }
0xaa: {  	v35, _, _ =	vpop (xrf2)  }
0xab: {  	v57, _, _ =	vpop (xrf2)  }
0xac: {  	v56 =	vmul.f32 v29, v44;
	v47 =	vadd.f32 v47, v55;
	v50 =	vadd.f32 v57, v57  }
0xad: {  	v49 =	vadd.f32 v49, v51;
	v58 =	vmul.f32 v21, v23;
	v21 =	vld [tilespmem:s3+$0x1E000];
	v39 =	vadd.f32 v54, v39  }
0xae: {  	v37 =	vadd.f32 v56, v40;
	(xrf2) =	vadd.scan.msk.f32 $0xffff, v47;
	v59 =	vadd.f32 v35, v50  }
0xaf: {  	v39 =	vadd.f32 v42, v39;
	(xrf2) =	vadd.scan.msk.f32 $0xffff, v49  }
0xb0: {  	v37 =	vadd.f32 v58, v37;
	(xrf2) =	vadd.scan.msk.f32 $0xffff, v26;
	v60 =	vbroadcast v59, $0xF  }
0xb1: {  	(xrf2) =	vadd.scan.msk.f32 $0xffff, v39  }
0xb2: {  	(xrf2) =	vadd.scan.msk.f32 $0xffff, v37;
	v26 =	vadd.f32 v21, v60;
	_ =	sdelay $0x1  }
0xb3: {  	v61 =	vshra.s32 v26, $0x1;
	v39 =	vmul.f32 $5.000000000e-01, v26  }
0xb4: {  	v37 =	vsub.s32 $0x5F3759DF, v61  }
0xb5: {  	v26 =	vmul.f32 v37, v39;
	_ =	sdelay $0x1  }
0xb6: {  	v62, _, _ =	vpop (xrf2)  }
0xb7: {  	v17 =	vmul.f32 v29, v17;
	v42, _, _ =	vpop (xrf2);
	v63 =	vmul.f32 v37, v26  }
0xb8: {  	v33 =	vadd.f32 v38, v33;
	v34 =	vadd.f32 v45, v34;
	v26, _, _ =	vpop (xrf2)  }
0xb9: {  	v19 =	vmul.f32 v19, v44;
	v17 =	vadd.f32 v17, v31;
	v49 =	vsub.f32 $1.500000000e+00, v63;
	v44, _, _ =	vpop (xrf2)  }
0xba: {  	v53 =	vmul.f32 v13, v23;
	v11 =	vadd.f32 v18, v11;
	v6 =	vadd.f32 v7, v6;
	v50, _, _ =	vpop (xrf2)  }
0xbb: {  	v17 =	vadd.f32 v32, v17;
	v29 =	vmul.f32 v37, v49;
	v51 =	vadd.f32 v50, v50  }
0xbc: {  	v55 =	vmul.f32 v13, v13;
	v19 =	vadd.f32 v19, v28;
	v57 =	vadd.f32 v62, v62  }
0xbd: {  	v27 =	vadd.f32 v27, v34;
	(xrf2) =	vadd.scan.msk.f32 $0xffff, v17;
	v17 =	vld [tilespmem:s3+$0x1E400];
	v54 =	vmul.f32 v29, v39;
	v31 =	vadd.f32 v44, v51  }
0xbe: {  	v45 =	vmul.f32 v13, v10;
	v25 =	vadd.f32 v55, v25;
	v35 =	vadd.f32 v57, v35  }
0xbf: {  	v32 =	vadd.f32 v52, v43;
	v28 =	vmul.f32 v54, v29;
	v31 =	vbroadcast v31, $0xF  }
0xc0: {  	v19 =	vadd.f32 v53, v19;
	v40 =	vadd.f32 v41, v36;
	v63 =	vbroadcast v35, $0xF;
	(xrf2) =	vadd.scan.msk.f32 $0xffff, v27  }
0xc1: {  	v56 =	vmul.f32 v12, v5;
	(xrf2) =	vadd.scan.msk.f32 $0xffff, v20;
	v28 =	vsub.f32 $1.500000000e+00, v28;
	v31 =	vadd.f32 v21, v31  }
0xc2: {  	v62 =	vmul.f32 v22, v22;
	v59 =	vmul.f32 v12, v10;
	(xrf2) =	vadd.scan.msk.f32 $0xffff, v25;
	v22 =	vadd.f32 v17, v63  }
0xc3: {  	(xrf2) =	vadd.scan.msk.f32 $0xffff, v19;
	v60 =	vmul.f32 v28, v29;
	v61 =	vshra.s32 v31, $0x1;
	v29 =	vmul.f32 $5.000000000e-01, v31  }
0xc4: {  	v50 =	vshra.s32 v22, $0x1;
	v22 =	vmul.f32 $5.000000000e-01, v22;
	v28 =	vsub.s32 $0x5F3759DF, v61  }
0xc5: {  	v10 =	vld [tilespmem:s3+$0x1E800];
	v36 =	vsub.s32 $0x5F3759DF, v50;
	v41 =	vmul.f32 v60, v39;
	v43 =	vmul.f32 v28, v29  }
0xc6: {  	v38 =	vadd.f32 v48, v46;
	v46 =	vmul.f32 v3, v23;
	v53 =	vmul.f32 v36, v22  }
0xc7: {  	v52 =	vadd.f32 v56, v33;
	v47 =	vmul.f32 v41, v60;
	v48 =	vmul.f32 v28, v43  }
0xc8: {  	v49 =	vbroadcast v42, $0xF;
	v20 =	vadd.f32 v59, v30;
	v19 =	vadd.f32 v62, v24  }
0xc9: {  	v51, _, _ =	vpop (xrf2);
	v56 =	vmul.f32 v36, v53;
	v24 =	vsub.f32 $1.500000000e+00, v47;
	v30 =	vsub.f32 $1.500000000e+00, v48  }
0xca: {  	v58 =	vmul.f32 v13, v5;
	v13 =	vadd.f32 v45, v16;
	v35 =	vadd.f32 v10, v49;
	v54, _, _ =	vpop (xrf2)  }
0xcb: {  	v16 =	vsub.f32 $1.500000000e+00, v56;
	v24 =	vmul.f32 v24, v60;
	v55 =	vmul.f32 v28, v30;
	v28, _, _ =	vpop (xrf2)  }
0xcc: {  	v23 =	vmul.f32 v12, v23;
	v14 =	vadd.f32 v58, v14;
	v15 =	vadd.f32 v15, v19;
	v19, _, _ =	vpop (xrf2)  }
0xcd: {  	v57 =	vadd.f32 v51, v51;
	v16 =	vmul.f32 v36, v16;
	v24 =	vmul.f32 v24, v35;
	v59, _, _ =	vpop (xrf2)  }
0xce: {  	(xrf2) =	vadd.scan.msk.f32 $0xffff, v13;
	v60 =	vmul.f32 v12, v12;
	v58 =	vmul.f32 v55, v29;
	v35 =	vadd.f32 v59, v59  }
0xcf: {  	v30 =	vadd.f32 v57, v44;
	v62 =	vmul.f32 v16, v22;
	v24 =	vadd.f32 $-1.000000000e+00, v24  }
0xd0: {  	(xrf2) =	vadd.scan.msk.f32 $0xffff, v14;
	v12 =	vadd.f32 v60, v38;
	v33 =	vmul.f32 v58, v55;
	v35 =	vadd.f32 v19, v35  }
0xd1: {  	v63 =	vadd.f32 v23, v40;
	(xrf2) =	vadd.scan.msk.f32 $0xffff, v8;
	v30 =	vbroadcast v30, $0xF;
	v24 =	vmul.f32 $5.500000000e+00, v24  }
0xd2: {  	v49 =	vmul.f32 v3, v5;
	(xrf2) =	vadd.scan.msk.f32 $0xffff, v12;
	v33 =	vsub.f32 $1.500000000e+00, v33;
	v35 =	vbroadcast v35, $0xF  }
0xd3: {  	v37 =	vmul.f32 v62, v16;
	v36 =	vadd.f32 v17, v30;
	(xrf2) =	vadd.scan.msk.f32 $0xffff, v63;
	v8 =	vmul.f32 $1.442695020e+00, v24  }
0xd4: {  	v61 =	vadd.f32 v46, v32;
	(xrf2) =	vadd.scan.msk.f32 $0xffff, v20;
	v25 =	vmul.f32 v33, v55;
	v38 =	vadd.f32 v21, v35  }
0xd5: {  	v40 =	vshra.s32 v36, $0x1;
	(xrf2) =	vadd.scan.msk.f32 $0xffff, v52;
	(erf) = vpow2.f32 v8;
	v8 =	vsub.f32 $1.500000000e+00, v37  }
0xd6: {  	(xrf2) =	vadd.scan.msk.f32 $0xffff, v9;
	v39 =	vmul.f32 v25, v29;
	v42 =	vshra.s32 v38, $0x1;
	v30 =	vmul.f32 $5.000000000e-01, v38  }
0xd7: {  	v23 =	vmul.f32 $5.000000000e-01, v36;
	(xrf2) =	vadd.scan.msk.f32 $0xffff, v15;
	v8 =	vmul.f32 v8, v16;
	v29 =	vsub.s32 $0x5F3759DF, v42  }
0xd8: {  	v47, _, _ =	vpop (xrf2);
	v41 =	vsub.s32 $0x5F3759DF, v40;
	(xrf2) =	vadd.scan.msk.f32 $0xffff, v61;
	v12 =	vmul.f32 v39, v25;
	v44 =	vmul.f32 v29, v30  }
0xd9: {  	vm0 =	veq.f32 v26, $0.0e+00;
	v9 =	vbroadcast v54, $0xF;
	v43 =	vmul.f32 v41, v23  }
0xda: {  	v48, _, _ =	vpop (xrf2);
	v3 =	vmul.f32 v8, v22;
	v12 =	vsub.f32 $1.500000000e+00, v12;
	v45 =	vmul.f32 v29, v44  }
0xdb: {  	v5, _, _ =	vpop (xrf2);
	v13 =	vbroadcast v48, $0xF;
	v9 =	vadd.f32 v10, v9;
	v20 =	vmul.f32 v41, v43  }
0xdc: {  	v51, _, _ =	vpop (xrf2);
	v3 =	vmul.f32 v3, v8;
	v12 =	vmul.f32 v12, v25;
	v16 =	vsub.f32 $1.500000000e+00, v45  }
0xdd: {  	v11 =	vadd.f32 v4, v11;
	v54 =	vsel vm0, $0x1, v1;
	v46 =	vsub.f32 $1.500000000e+00, v20;
	v53, _, _ =	vpop (xrf2)  }
0xde: {  	v13 =	vadd.f32 v10, v13;
	v56, _, _ =	vpop (xrf2);
	v9 =	vmul.f32 v12, v9;
	v52 =	vmul.f32 v29, v16  }
0xdf: {  	v18 =	vbroadcast v54, $0xF;
	v50 =	vmul.f32 v41, v46;
	v59, _, _ =	vpop (xrf2);
	v57 =	vsub.f32 $1.500000000e+00, v3  }
0xe0: {  	v3, _, _ =	vpop (xrf2);
	v16 =	vadd.f32 v53, v53;
	v9 =	vadd.f32 $-1.000000000e+00, v9;
	v58 =	vmul.f32 v52, v30  }
0xe1: {  	v20 =	vadd.f32 v47, v47;
	v55 =	vmul.f32 v50, v23;
	v47 =	vadd.f32 v56, v56;
	v63, _, _ =	vpop (xrf2)  }
0xe2: {  	v33 =	vadd.f32 v51, v16;
	v34, _, _ =	vpop (xrf2);
	v4 =	vmul.f32 $5.500000000e+00, v9;
	v60 =	vmul.f32 v58, v52  }
0xe3: {  	v8 =	vmul.f32 v57, v8;
	v9 =	vmul.f32 v55, v50;
	v16 =	vadd.f32 v34, v34  }
0xe4: {  	v61 =	vpop (erf);
	v12 =	vbroadcast v33, $0xF;
	v62 =	vmul.f32 $1.442695020e+00, v4;
	v32 =	vsub.f32 $1.500000000e+00, v60  }
0xe5: {  	v9 =	vsub.f32 $1.500000000e+00, v9;
	v4 =	vmul.f32 v61, v8;
	v8 =	vadd.f32 v20, v19  }
0xe6: {  	v16 =	vadd.f32 v63, v16;
	v12 =	vadd.f32 v21, v12;
	v15 =	vmul.f32 v32, v52  }
0xe7: {  	v14 =	vadd.f32 v47, v51;
	v9 =	vmul.f32 v9, v50;
	v8 =	vbroadcast v8, $0xF  }
0xe8: {  	v16 =	vbroadcast v16, $0xF;
	v38 =	vshra.s32 v12, $0x1;
	v36 =	vmul.f32 v15, v30  }
0xe9: {  	v12 =	vmul.f32 $5.000000000e-01, v12;
	v35 =	vmul.f32 v9, v23;
	v8 =	vadd.f32 v17, v8  }
0xea: {  	v23 =	vsub.s32 $0x5F3759DF, v38;
	v16 =	vadd.f32 v21, v16;
	v20 =	vmul.f32 v36, v15  }
0xeb: {  	v14 =	vbroadcast v14, $0xF;
	(xrf2) =	vadd.scan.msk.f32 $0xffff, v11;
	v41 =	vmul.f32 v23, v12;
	v37 =	vshra.s32 v8, $0x1  }
0xec: {  	v42 =	vshra.s32 v16, $0x1;
	v16 =	vmul.f32 $5.000000000e-01, v16;
	v11 =	vsub.f32 $1.500000000e+00, v20  }
0xed: {  	v8 =	vmul.f32 $5.000000000e-01, v8;
	v27 =	vmul.f32 v23, v41;
	v20 =	vsub.s32 $0x5F3759DF, v42  }
0xee: {  	v22 =	vsub.s32 $0x5F3759DF, v37;
	v43 =	vmul.f32 v20, v16;
	v11 =	vmul.f32 v11, v15  }
0xef: {  	v51 =	vbroadcast v59, $0xF;
	v40 =	vmul.f32 v22, v8;
	v27 =	vsub.f32 $1.500000000e+00, v27  }
0xf0: {  	v44 =	vmul.f32 v20, v43;
	v11 =	vmul.f32 v11, v13  }
0xf1: {  	v6 =	vadd.f32 v49, v6;
	v26 =	vmul.f32 v22, v40;
	v45 =	vmul.f32 v23, v27  }
0xf2: {  	(erf) = vpow2.f32 v62;
	v13 =	vsub.f32 $1.500000000e+00, v44;
	v11 =	vadd.f32 $-1.000000000e+00, v11  }
0xf3: {  	v19 =	vmul.f32 v35, v9;
	v26 =	vsub.f32 $1.500000000e+00, v26;
	v23 =	vmul.f32 v45, v12  }
0xf4: {  	v14 =	vadd.f32 v17, v14;
	v13 =	vmul.f32 v20, v13;
	v11 =	vmul.f32 $5.500000000e+00, v11  }
0xf5: {  	v49, _, _ =	vpop (xrf2);
	v19 =	vsub.f32 $1.500000000e+00, v19;
	v7 =	vmul.f32 v22, v26;
	v48 =	vmul.f32 v23, v45  }
0xf6: {  	v22 =	vadd.f32 v49, v49;
	v50 =	vmul.f32 v13, v16;
	v11 =	vmul.f32 $1.442695020e+00, v11  }
0xf7: {  	(xrf2) =	vadd.scan.msk.f32 $0xffff, v6;
	v9 =	vmul.f32 v19, v9;
	v46 =	vmul.f32 v7, v8;
	v20 =	vsub.f32 $1.500000000e+00, v48  }
0xf8: {  	v6 =	vadd.f32 v22, v63;
	(erf) = vpow2.f32 v11;
	v11 =	vmul.f32 v50, v13  }
0xf9: {  	v52 =	vshra.s32 v14, $0x1;
	v19 =	vmul.f32 v46, v7;
	v15 =	vmul.f32 v20, v45  }
0xfa: {  	v14 =	vmul.f32 $5.000000000e-01, v14;
	v6 =	vbroadcast v6, $0xF;
	v11 =	vsub.f32 $1.500000000e+00, v11  }
0xfb: {  	v20 =	vsub.s32 $0x5F3759DF, v52;
	v19 =	vsub.f32 $1.500000000e+00, v19;
	v12 =	vmul.f32 v15, v12  }
0xfc: {  	v6 =	vadd.f32 v17, v6;
	v53 =	vmul.f32 v20, v14;
	v11 =	vmul.f32 v11, v13  }
0xfd: {  	v7 =	vmul.f32 v19, v7;
	v12 =	vmul.f32 v12, v15  }
0xfe: {  	v17 =	vshra.s32 v6, $0x1;
	v6 =	vmul.f32 $5.000000000e-01, v6;
	v16 =	vmul.f32 v11, v16  }
0xff: {  	v17 =	vsub.s32 $0x5F3759DF, v17;
	v12 =	vsub.f32 $1.500000000e+00, v12;
	v13 =	vmul.f32 v20, v53  }
0x100: {  	vm7 =	veq.f32 v28, $0.0e+00;
	v54 =	vmul.f32 v17, v6;
	v16 =	vmul.f32 v16, v11  }
0x101: {  	v55, _, _ =	vpop (xrf2);
	v19 =	vadd.f32 v10, v51;
	v12 =	vmul.f32 v12, v15;
	v13 =	vsub.f32 $1.500000000e+00, v13  }
0x102: {  	v22 =	vmul.f32 v17, v54;
	v15 =	vbroadcast v55, $0xF;
	v16 =	vsub.f32 $1.500000000e+00, v16  }
0x103: {  	vm8 =	veq.f32 v5, $0.0e+00;
	v12 =	vmul.f32 v12, v19;
	v13 =	vmul.f32 v20, v13  }
0x104: {  	v56 =	vsub.f32 $1.500000000e+00, v22;
	v10 =	vadd.f32 v10, v15;
	v11 =	vmul.f32 v16, v11  }
0x105: {  	v8 =	vmul.f32 v7, v8;
	v12 =	vadd.f32 $-1.000000000e+00, v12;
	v57 =	vmul.f32 v13, v14  }
0x106: {  	v18 =	vand.u32 $0x1, v18;
	v10 =	vmul.f32 v11, v10;
	v11 =	vmul.f32 v17, v56  }
0x107: {  	vm9 =	veq.s32 v18, $0x1;
	v8 =	vmul.f32 v8, v7;
	v5 =	vmul.f32 $5.500000000e+00, v12  }
0x108: {  	v58 =	vmul.f32 v57, v13;
	v10 =	vadd.f32 $-1.000000000e+00, v10;
	v60 =	vmul.f32 v11, v6  }
0x109: {  	v39 =	vsel vm7, $0x1, v1;
	v8 =	vsub.f32 $1.500000000e+00, v8;
	v5 =	vmul.f32 $1.442695020e+00, v5  }
0x10a: {  	(xrf2) =	vadd.scan.msk.f32 $0xffff, v2;
	v12 =	vsub.f32 $1.500000000e+00, v58;
	v2 =	vmul.f32 $5.500000000e+00, v10;
	v10 =	vmul.f32 v60, v11  }
0x10b: {  	v59 =	vsel vm8, $0x1, v1;
	v21 =	vbroadcast v39, $0xF;
	(erf) = vpow2.f32 v5  }
0x10c: {  	v12 =	vmul.f32 v12, v13;
	v5 =	vbroadcast v59, $0xF;
	v10 =	vsub.f32 $1.500000000e+00, v10  }
0x10d: {  	v61 =	vmul.f32 $1.442695020e+00, v2;
	v2 =	vsel vm9, $0x0, v4;
	v4 =	vmul.f32 v8, v7  }
0x10e: {  	v7 =	vmul.f32 v12, v14;
	v8 =	vpop (erf);
	v10 =	vmul.f32 v10, v11  }
0x10f: {  	v8 =	vmul.f32 v8, v9;
	(erf) = vpow2.f32 v61;
	v11 =	vld [tilespmem:s3+$0x1EC00]  }
0x110: {  	v62 =	vand.u32 $0x1, v21;
	v7 =	vmul.f32 v7, v12;
	v6 =	vmul.f32 v10, v6  }
0x111: {  	vm12 =	veq.f32 v3, $0.0e+00;
	vm10 =	veq.s32 v62, $0x1;
	v9 =	vand.u32 $0x1, v5  }
0x112: {  	v63 =	vpop (erf);
	v7 =	vsub.f32 $1.500000000e+00, v7;
	v3 =	vmul.f32 v6, v10;
	v6 =	vsel vm12, $0x1, v1  }
0x113: {  	v4 =	vmul.f32 v63, v4;
	vm11 =	veq.s32 v9, $0x1;
	v6 =	vbroadcast v6, $0xF  }
0x114: {  	v5 =	vsel vm10, $0x0, v8;
	v8, _, _ =	vpop (xrf2);
	v7 =	vmul.f32 v7, v12;
	v9 =	vadd.f32 v2, v11  }
0x115: {  	vm13 =	veq.f32 v8, $0.0e+00;
	v11 =	vpop (erf);
	v3 =	vsub.f32 $1.500000000e+00, v3;
	v6 =	vand.u32 $0x1, v6  }
0x116: {  	v8 =	vsel vm13, $0x1, v1;
	v7 =	vmul.f32 v11, v7;
	v9 =	vadd.f32 v9, v5  }
0x117: {  	v4 =	vsel vm11, $0x0, v4;
	v8 =	vbroadcast v8, $0xF;
	v10 =	vmul.f32 v3, v10  }
0x118: {  	vm14 =	veq.s32 v6, $0x1;
	v9 =	vadd.f32 v9, v4;
	v6 =	vpop (erf)  }
0x119: {  	v3 =	vsel vm14, $0x0, v7;
	v7 =	vand.u32 $0x1, v8;
	v6 =	vmul.f32 v6, v10  }
0x11a: {  	vm15 =	veq.s32 v7, $0x1;
	v7 =	vadd.f32 v9, v3  }
0x11b: {  	s5 =	simm.s32 $0x0;
	v6 =	vsel vm15, $0x0, v6  }
0x11c: {  	s6 =	sand.u32 $0x1C00, s5;
	v7 =	vadd.f32 v7, v6  }
0x11d: {  	s5 =	sand.u32 $0x70, s5;
	s7 =	sor.u32 s3, s6  }
0x11e: {  	s18 =	sor.u32 s5, s7;
	[tilespmem:s3+$0x1EC00] =	vst v7  }
0x11f: {  	s24 =	sadd.s32 s6, s4;
	v7 =	vld [tilespmem:s18+$0x0]  }
0x120: {  	s7 =	sadd.s32 s5, s24;
	v8 =	vld [tilespmem:s18+$0x1C000]  }
0x121: {  	s28 =	sadd.s32 s6, s0;
	v9 =	vld [tilespmem:s7+$0x0]  }
0x122: {  	s7 =	sadd.s32 s5, s28  }
0x123: {  	s29 =	sadd.s32 s6, s15;
	v10 =	vld [tilespmem:s7+$0x0]  }
0x124: {  	s7 =	sadd.s32 s5, s29;
	v7 =	vmul.f32 v7, v2  }
0x125: {  	s6 =	sadd.s32 s6, s17;
	v11 =	vld [tilespmem:s7+$0x0]  }
0x126: {  	s5 =	sadd.s32 s5, s6;
	v7 =	vadd.f32 v7, v8;
	v8 =	vmul.f32 v9, v5  }
0x127: {  	v9 =	vld [tilespmem:s5+$0x0]  }
0x128: {  	v7 =	vadd.f32 v8, v7;
	v8 =	vmul.f32 v10, v4;
	_ =	sdelay $0x1  }
0x129: {  	v7 =	vadd.f32 v8, v7;
	v8 =	vmul.f32 v11, v3;
	_ =	sdelay $0x1  }
0x12a: {  	s6 =	simm.s32 $0x80;
	v7 =	vadd.f32 v8, v7;
	v8 =	vmul.f32 v9, v6  }
0x12b: {  	s8 =	simm.s32 $0x20;
	s7 =	simm.s32 $0x10;
	s9 =	sand.u32 $0x1C00, s6  }
.LBB2_11:
0x12c: {  	p0 =	sne.s32 s8, $0x3F0;
	s5 =	sand.u32 $0x70, s7;
	s7 =	sor.u32 s3, s9;
	v7 =	vadd.f32 v8, v7  }
0x12d: {  	s10 =	sor.u32 s5, s7;
	s7 =	smov.u32 s8  }
0x12e: {  	s13 =	sadd.s32 s9, s4;
	v8 =	vld [tilespmem:s10+$0x0];
	[tilespmem:s18+$0x1C000] =	vst v7;
	s18 =	smov.u32 s10  }
0x12f: {  	s10 =	sadd.s32 s5, s13;
	v7 =	vld [tilespmem:s18+$0x1C000]  }
0x130: {  	v9 =	vld [tilespmem:s10+$0x0];
	s10 =	sadd.s32 s9, s0  }
0x131: {  	s10 =	sadd.s32 s5, s10  }
0x132: {  	v10 =	vld [tilespmem:s10+$0x0];
	s10 =	sadd.s32 s9, s15  }
0x133: {  	v8 =	vmul.f32 v8, v2;
	s10 =	sadd.s32 s5, s10  }
0x134: {  	s9 =	sadd.s32 s9, s17;
	v11 =	vld [tilespmem:s10+$0x0]  }
0x135: {  	s5 =	sadd.s32 s5, s9;
	v7 =	vadd.f32 v8, v7;
	v8 =	vmul.f32 v9, v5  }
0x136: {  	v9 =	vld [tilespmem:s5+$0x0]  }
0x137: {  	v7 =	vadd.f32 v8, v7;
	v8 =	vmul.f32 v10, v4  }
.Ltmp4:
0x138: {  	(pc) =	sbr.rel @p0 .LBB2_11-.Ltmp4, $3  }
0x139: {  	v7 =	vadd.f32 v8, v7;
	v8 =	vmul.f32 v11, v3;
	_ =	sdelay $0x1  }
0x13a: {  	s6 =	sadd.s32 $0x80, s6;
	v7 =	vadd.f32 v8, v7;
	v8 =	vmul.f32 v9, v6  }
0x13b: {  	s8 =	sadd.s32 $0x10, s8;
	s9 =	sand.u32 $0x1C00, s6  }
0x13c: {  	s5 =	sand.u32 $0x70, s7;
	s3 =	sor.u32 s3, s9;
	v7 =	vadd.f32 v8, v7  }
0x13d: {  	s3 =	sor.u32 s5, s3  }
0x13e: {  	s4 =	sadd.s32 s9, s4;
	v61 =	vld [tilespmem:s3+$0x0];
	[tilespmem:s18+$0x1C000] =	vst v7  }
0x13f: {  	s4 =	sadd.s32 s5, s4;
	v7 =	vld [tilespmem:s3+$0x1C000]  }
0x140: {  	s0 =	sadd.s32 s9, s0;
	v9 =	vld [tilespmem:s4+$0x0]  }
0x141: {  	s0 =	sadd.s32 s5, s0  }
0x142: {  	s28 =	sadd.s32 s9, s15;
	v10 =	vld [tilespmem:s0+$0x0]  }
0x143: {  	s0 =	sadd.s32 s5, s28;
	v2 =	vmul.f32 v61, v2  }
0x144: {  	s29 =	sadd.s32 s9, s17;
	v62 =	vld [tilespmem:s0+$0x0]  }
0x145: {  	s0 =	sadd.s32 s5, s29;
	v5 =	vmul.f32 v9, v5;
	v2 =	vadd.f32 v2, v7  }
0x146: {  	v63 =	vld [tilespmem:s0+$0x0]  }
0x147: {  	v4 =	vmul.f32 v10, v4;
	v2 =	vadd.f32 v5, v2;
	_ =	sdelay $0x1  }
0x148: {  	s1 =	sadd.s32 $0x1, s1;
	v3 =	vmul.f32 v62, v3;
	v2 =	vadd.f32 v4, v2  }
0x149: {  	p0 =	sne.s32 s1, $0x8  }
.Ltmp5:
0x14a: {  	v2 =	vadd.f32 v3, v2;
	v3 =	vmul.f32 v63, v6;
	(pc) =	sbr.rel @p0 .LBB2_8-.Ltmp5, $3  }
0x14b: {  	_ = 	snop  }
0x14c: {  	v2 =	vadd.f32 v3, v2;
	_ =	sdelay $0x1  }
0x14d: {  	[tilespmem:s3+$0x1C000] =	vst v2  }
0x14e: {  	p0 =	seq.s32 s30, $0x4  }
0x14f: {  	s0 =	sadd.s32 @!p0 s31, s12  }
0x150: {  	s1 =	simm.s32 @!p0 $0x2000;
	s0 =	sshrl.u32 @!p0 s0, $0x3  }
0x151: {  	s3 =	simm.s32 @!p0 $0xFA000;
	s4 =	simm.s32 @!p0 $0x0;
	s0 =	sadd.s32 @!p0 s2, s0  }
0x152: {  	[tilespmem:s4], [sflag:$0x1] =	stream.strided.gather @!p0 [hbm4b:s0+s1], $0xA000, s3, s1, $0x38;
	[tilespmem:$0x1FC00] =	vst v63  }
0x153: {  	_ =	swait.ge [sflag:s26], $0xA000  }
0x154: {  	[sflag:s26] =	ssyncset.done $0x0  }
0x155: {  	s31 =	simm.s32 $0x0;
	s1 =	simm.s32 $0x0;
	[sflag:s26] =	ssyncadd.s32 $0xFFFF6000  }
.LBB2_14:
0x156: {  	s18 =	sshll.u32 s1, $0x7  }
0x157: {  	s5 =	sand.u32 $0x1C00, s31;
	s6 =	simm.s32 $0x1F000;
	s4 =	sadd.s32 $0xA000, s18  }
0x158: {  	s7 =	sand.u32 $0x60, s31;
	s3 =	sadd.s32 $0x12000, s18;
	s8 =	sadd.s32 s5, s4  }
0x159: {  	s0 =	sadd.s32 $0x10000, s18;
	v5 =	vld [tilespmem:s6+$0x0];
	s9 =	sadd.s32 s5, s3;
	s16 =	sadd.s32 s7, s8  }
0x15a: {  	s15 =	sadd.s32 $0xC000, s18;
	s10 =	sadd.s32 s5, s0;
	s17 =	sadd.s32 s7, s9;
	v16 =	vld [tilespmem:s16+$0x0]  }
0x15b: {  	s19 =	sor.u32 $0x10, s7;
	s13 =	sadd.s32 s5, s15;
	s14 =	sadd.s32 s7, s10;
	v7 =	vld [tilespmem:s17+$0x0]  }
0x15c: {  	s20 =	sadd.s32 s19, s13;
	v2 =	vld [tilespmem:s14+$0x0]  }
0x15d: {  	s8 =	sadd.s32 s19, s8;
	v11 =	vld [tilespmem:s20+$0x0]  }
0x15e: {  	s23 =	sand.u32 $0x380, s31;
	s22 =	sadd.s32 s7, s13;
	v19 =	vld [tilespmem:s8+$0x0]  }
0x15f: {  	s16 =	sor.u32 s18, s5;
	v9 =	vld [tilespmem:s22+$0x0];
	s8 =	sor.u32 s19, s23  }
0x160: {  	s21 =	sor.u32 s7, s16;
	v3 =	vld [tilespmem:s8+$0x1F000]  }
0x161: {  	v29 =	vimm.f32 $0.0e+00;
	v23 =	vld [tilespmem:s21+$0x14000];
	v4 =	vmul.f32 v16, v5  }
0x162: {  	v37 =	vimm.f32 $0.0e+00;
	v6 =	vmul.f32 v16, v16;
	v10 =	vmul.f32 v7, v7  }
0x163: {  	v41 =	vimm.f32 $0.0e+00;
	s17 =	sadd.s32 $0xE000, s18;
	s24 =	sor.u32 s19, s16;
	v12 =	vld [tilespmem:s21+$0x16000];
	v28 =	vmul.f32 v7, v5;
	v22 =	vmul.f32 v11, v11  }
0x164: {  	s5 =	sadd.s32 s5, s17;
	v27 =	vld [tilespmem:s24+$0x14000];
	v8 =	vadd.f32 v16, v29;
	v14 =	vmul.f32 v19, v19;
	v30 =	vmul.f32 v9, v5  }
0x165: {  	s29 =	sadd.s32 s19, s5;
	v13 =	vld [tilespmem:s24+$0x16000];
	v18 =	vadd.f32 v7, v29;
	v45 =	vmul.f32 v9, v9;
	v47 =	vmul.f32 v11, v3  }
0x166: {  	v17 =	vld [tilespmem:s29+$0x0];
	v33 =	vadd.f32 v9, v29;
	v21 =	vmul.f32 v2, v23;
	v24 =	vmul.f32 v7, v23  }
0x167: {  	v20 =	vadd.f32 v19, v8;
	v8 =	vmul.f32 v2, v2;
	v31 =	vmul.f32 v9, v23  }
0x168: {  	v6 =	vadd.f32 v6, v29;
	v32 =	vmul.f32 v9, v12;
	v43 =	vmul.f32 v2, v12  }
0x169: {  	v25 =	vadd.f32 v4, v29;
	v48 =	vmul.f32 v19, v27;
	v49 =	vmul.f32 v16, v23  }
0x16a: {  	s9 =	sadd.s32 s19, s9;
	v36 =	vadd.f32 v30, v29;
	v63 =	vmul.f32 v11, v27;
	v46 =	vmul.f32 v19, v13  }
0x16b: {  	s6 =	sadd.s32 s19, s10;
	v4 =	vld [tilespmem:s9+$0x0];
	v9 =	vmul.f32 v17, v13;
	v26 =	vadd.f32 v14, v6;
	v15 =	vadd.f32 v8, v29  }
0x16c: {  	v30 =	vld [tilespmem:s6+$0x0];
	v6 =	vmul.f32 v2, v5;
	v42 =	vadd.f32 v24, v29;
	v34 =	vadd.f32 v31, v29  }
0x16d: {  	s5 =	sadd.s32 s7, s5;
	v31 =	vadd.f32 v2, v29;
	v38 =	vadd.f32 v32, v29;
	v24 =	vmul.f32 v7, v12  }
0x16e: {  	v14 =	vld [tilespmem:s5+$0x0];
	v8 =	vadd.f32 v6, v29;
	v6 =	vadd.f32 v10, v29;
	v10 =	vmul.f32 v19, v3  }
0x16f: {  	v32 =	vadd.f32 v63, v34;
	v34 =	vimm.f32 $0.0e+00;
	v19 =	vimm.f32 $0.0e+00  }
0x170: {  	v2 =	vadd.f32 v4, v18;
	v18 =	vadd.f32 v21, v29;
	v7 =	vmul.f32 v4, v13  }
0x171: {  	v21 =	vmul.f32 v30, v27;
	v40 =	vmul.f32 v4, v27;
	v35 =	vadd.f32 v10, v25  }
0x172: {  	v10 =	vadd.f32 v24, v29;
	v25 =	vadd.f32 v11, v33;
	v24 =	vmul.f32 v17, v27  }
0x173: {  	s28 =	simm.s32 $0x1F020;
	v33 =	vimm.f32 $0.0e+00;
	v27 =	vimm.f32 $0.0e+00;
	v39 =	vadd.f32 v14, v29  }
0x174: {  	s20 =	simm.s32 $0x100;
	s19 =	simm.s32 $0x0;
	s21 =	simm.s32 $0x20;
	v44 =	vmul.f32 v14, v5;
	v5 =	vadd.f32 v28, v29;
	v28 =	vimm.f32 $0.0e+00  }
.LBB2_15:
0x175: {  	s5 =	sand.u32 $0x60, s21;
	s6 =	sand.u32 $0x1C00, s20;
	s10 =	sand.u32 $0x380, s21;
	v50 =	vmul.f32 v14, v23;
	v51 =	vmul.f32 v14, v12;
	v39 =	vadd.f32 v17, v39  }
0x176: {  	v29 =	vadd.f32 v43, v29;
	v43 =	vmul.f32 v17, v17;
	s8 =	sor.u32 s18, s6;
	s13 =	sadd.s32 s6, s4;
	s14 =	sadd.s32 s6, s0;
	v42 =	vadd.f32 v40, v42  }
0x177: {  	v23 =	vadd.f32 v49, v34;
	v37 =	vadd.f32 v45, v37;
	v45 =	vmul.f32 v30, v3;
	s16 =	sadd.s32 s6, s15;
	s29 =	sadd.s32 s6, s3;
	v40 =	vld [tilespmem:s28+$0x0];
	s7 =	sadd.s32 s5, s13  }
0x178: {  	v41 =	vadd.f32 v44, v41;
	v36 =	vadd.f32 v47, v36;
	v11 =	vmul.f32 v11, v13;
	s6 =	sadd.s32 s6, s17;
	s9 =	sor.u32 s5, s8;
	s24 =	sadd.s32 s5, s29;
	v49 =	vld [tilespmem:s7+$0x0]  }
0x179: {  	v31 =	vadd.f32 v30, v31;
	s22 =	sadd.s32 s5, s14;
	v34 =	vadd.f32 v48, v23;
	v23 =	vmul.f32 v30, v30;
	s7 =	sadd.s32 s5, s6;
	v44 =	vld [tilespmem:s24+$0x0];
	s24 =	sor.u32 $0x10, s5  }
0x17a: {  	v12 =	vmul.f32 v16, v12;
	v13 =	vmul.f32 v30, v13;
	v38 =	vadd.f32 v11, v38;
	v47 =	vld [tilespmem:s22+$0x0];
	s22 =	sor.u32 s24, s8;
	s13 =	sadd.s32 s24, s13;
	s8 =	sadd.s32 s24, s6  }
0x17b: {  	v10 =	vadd.f32 v7, v10;
	v30 =	vmul.f32 v17, v3;
	v17 =	vmul.f32 v4, v3;
	s23 =	sadd.s32 s24, s16;
	s6 =	sadd.s32 s24, s14;
	s14 =	sadd.s32 s24, s29;
	v52 =	vld [tilespmem:s22+$0x14000]  }
0x17c: {  	s19 =	sadd.s32 $0x2, s19;
	v37 =	vadd.f32 v22, v37;
	v48 =	vmul.f32 v4, v4;
	s5 =	sadd.s32 s5, s16;
	v7 =	vadd.f32 v23, v15;
	s10 =	sor.u32 s24, s10;
	v11 =	vld [tilespmem:s23+$0x0]  }
0x17d: {  	p0 =	slt.u32 s19, $0x3E;
	v3 =	vadd.f32 v12, v33;
	v15 =	vmul.f32 v49, v40;
	v22 =	vmul.f32 v49, v49;
	v53 =	vld [tilespmem:s13+$0x0];
	v16 =	vmovc v49  }
0x17e: {  	v19 =	vadd.f32 v51, v19;
	v23 =	vld [tilespmem:s9+$0x14000];
	v20 =	vadd.f32 v16, v20;
	v49 =	vmul.f32 v44, v44  }
0x17f: {  	v33 =	vadd.f32 v46, v3;
	v51 =	vmul.f32 v44, v40;
	v2 =	vadd.f32 v44, v2;
	v4 =	vld [tilespmem:s14+$0x0]  }
0x180: {  	v14 =	vmul.f32 v14, v14;
	v8 =	vadd.f32 v45, v8;
	v5 =	vadd.f32 v17, v5;
	v3 =	vld [tilespmem:s10+$0x1F000]  }
0x181: {  	v18 =	vadd.f32 v21, v18;
	v17 =	vadd.f32 v22, v26;
	v45 =	vld [tilespmem:s5+$0x0];
	v22 =	vmul.f32 v11, v11  }
0x182: {  	v29 =	vadd.f32 v13, v29;
	v12 =	vld [tilespmem:s9+$0x16000];
	v21 =	vmul.f32 v53, v53;
	v20 =	vadd.f32 v53, v20  }
0x183: {  	v27 =	vadd.f32 v14, v27;
	v46 =	vmul.f32 v47, v23;
	v54 =	vmul.f32 v44, v23;
	v13 =	vld [tilespmem:s22+$0x16000]  }
0x184: {  	v19 =	vadd.f32 v9, v19;
	v55 =	vmul.f32 v47, v47;
	v14 =	vld [tilespmem:s7+$0x0];
	v26 =	vadd.f32 v21, v17  }
0x185: {  	v27 =	vadd.f32 v43, v27;
	v9 =	vmul.f32 v47, v40;
	v21 =	vadd.f32 v15, v35  }
0x186: {  	v6 =	vadd.f32 v48, v6;
	v15 =	vadd.f32 v55, v7;
	v35 =	vmul.f32 v45, v23;
	v17 =	vld [tilespmem:s8+$0x0]  }
0x187: {  	v8 =	vadd.f32 v9, v8;
	v9 =	vadd.f32 v50, v28;
	v7 =	vmul.f32 v45, v12  }
0x188: {  	v6 =	vadd.f32 v49, v6;
	v28 =	vmul.f32 v45, v40;
	v25 =	vadd.f32 v45, v25  }
0x189: {  	v41 =	vadd.f32 v30, v41;
	v42 =	vadd.f32 v54, v42;
	v45 =	vmul.f32 v45, v45  }
0x18a: {  	v43 =	vmul.f32 v47, v12;
	v36 =	vadd.f32 v28, v36;
	v28 =	vadd.f32 v24, v9;
	v30 =	vld [tilespmem:s6+$0x0]  }
0x18b: {  	v32 =	vadd.f32 v35, v32;
	v24 =	vmul.f32 v53, v3;
	v9 =	vmul.f32 v17, v13  }
0x18c: {  	v31 =	vadd.f32 v47, v31;
	v48 =	vmul.f32 v53, v52;
	v2 =	vadd.f32 v4, v2  }
0x18d: {  	v50 =	vmul.f32 v11, v52;
	v49 =	vmul.f32 v16, v23;
	v38 =	vadd.f32 v7, v38  }
.Ltmp6:
0x18e: {  	v18 =	vadd.f32 v46, v18;
	v44 =	vmul.f32 v44, v12;
	v7 =	vmul.f32 v4, v13;
	(pc) =	sbr.rel @p0 .LBB2_15-.Ltmp6, $4  }
0x18f: {  	v39 =	vadd.f32 v14, v39;
	v35 =	vadd.f32 v24, v21;
	v21 =	vmul.f32 v30, v52  }
0x190: {  	v25 =	vadd.f32 v11, v25;
	v10 =	vadd.f32 v44, v10;
	v24 =	vmul.f32 v17, v52  }
0x191: {  	v5 =	vadd.f32 v51, v5;
	v47 =	vmul.f32 v11, v3;
	v44 =	vmul.f32 v14, v40  }
0x192: {  	s20 =	sadd.s32 $0x100, s20;
	s21 =	sadd.s32 $0x20, s21;
	s28 =	sadd.s32 $0x20, s28;
	v46 =	vmul.f32 v53, v13;
	v40 =	vmul.f32 v4, v52;
	v32 =	vadd.f32 v50, v32  }
0x193: {  	v34 =	vadd.f32 v49, v34;
	_ =	sdelay $0x1  }
0x194: {  	v34 =	vadd.f32 v48, v34  }
0x195: {  	(xrf2) =	vadd.scan.msk.f32 $0xffff, v26  }
0x196: {  	(xrf2) =	vadd.scan.msk.f32 $0xffff, v34;
	_ =	sdelay $0x7  }
0x197: {  	v16 =	vmul.f32 v16, v12  }
0x198: {  	v26, _, _ =	vpop (xrf2)  }
0x199: {  	v16 =	vadd.f32 v16, v33;
	v57, _, _ =	vpop (xrf2)  }
0x19a: {  	v59 =	vadd.f32 v57, v57  }
0x19b: {  	v33 =	vadd.f32 v46, v16;
	v16 =	vld [tilespmem:s18+$0x1E000]  }
0x19c: {  	v58 =	vadd.f32 v45, v37;
	v60 =	vadd.f32 v26, v59  }
0x19d: {  	(xrf2) =	vadd.scan.msk.f32 $0xffff, v33  }
0x19e: {  	v22 =	vadd.f32 v22, v58;
	(xrf2) =	vadd.scan.msk.f32 $0xffff, v35;
	v61 =	vbroadcast v60, $0xF  }
0x19f: {  	(xrf2) =	vadd.scan.msk.f32 $0xffff, v20  }
0x1a0: {  	(xrf2) =	vadd.scan.msk.f32 $0xffff, v22;
	v20 =	vadd.f32 v16, v61  }
0x1a1: {  	(xrf2) =	vadd.scan.msk.f32 $0xffff, v32  }
0x1a2: {  	v62 =	vshra.s32 v20, $0x1;
	v32 =	vmul.f32 $5.000000000e-01, v20  }
0x1a3: {  	v22 =	vsub.s32 $0x5F3759DF, v62  }
0x1a4: {  	v20 =	vmul.f32 v22, v32;
	_ =	sdelay $0x1  }
0x1a5: {  	v23 =	vmul.f32 v14, v23;
	v39 =	vadd.f32 v17, v39;
	v48 =	vmul.f32 v22, v20  }
0x1a6: {  	v29 =	vadd.f32 v43, v29;
	v11 =	vmul.f32 v11, v13;
	v36 =	vadd.f32 v47, v36;
	v63, _, _ =	vpop (xrf2)  }
0x1a7: {  	v50 =	vmul.f32 v14, v14;
	v18 =	vadd.f32 v21, v18;
	v34, _, _ =	vpop (xrf2);
	v35 =	vsub.f32 $1.500000000e+00, v48  }
0x1a8: {  	v56 =	vmul.f32 v14, v12;
	v7 =	vadd.f32 v7, v10;
	v40 =	vadd.f32 v40, v42;
	v20, _, _ =	vpop (xrf2)  }
0x1a9: {  	v11 =	vadd.f32 v11, v38;
	v27 =	vadd.f32 v50, v27;
	v37, _, _ =	vpop (xrf2);
	v22 =	vmul.f32 v22, v35  }
0x1aa: {  	v52 =	vmul.f32 v17, v17;
	v23 =	vadd.f32 v23, v28;
	v28 =	vadd.f32 v30, v31;
	v49, _, _ =	vpop (xrf2)  }
0x1ab: {  	v14 =	vadd.f32 v56, v19;
	v51 =	vadd.f32 v49, v49;
	v53 =	vmul.f32 v22, v32  }
0x1ac: {  	v27 =	vadd.f32 v52, v27;
	v55 =	vadd.f32 v63, v63  }
0x1ad: {  	v23 =	vadd.f32 v24, v23;
	(xrf2) =	vadd.scan.msk.f32 $0xffff, v11;
	v11 =	vld [tilespmem:s18+$0x1E400];
	v35 =	vadd.f32 v37, v51;
	v54 =	vmul.f32 v53, v22  }
0x1ae: {  	v42 =	vmul.f32 v17, v3;
	v9 =	vadd.f32 v9, v14;
	v24 =	vadd.f32 v55, v26;
	(xrf2) =	vadd.scan.msk.f32 $0xffff, v36  }
0x1af: {  	v59 =	vmul.f32 v30, v3;
	(xrf2) =	vadd.scan.msk.f32 $0xffff, v25;
	v35 =	vbroadcast v35, $0xF;
	v57 =	vsub.f32 $1.500000000e+00, v54  }
0x1b0: {  	v45 =	vbroadcast v34, $0xF;
	v60 =	vadd.f32 v44, v41;
	v24 =	vbroadcast v24, $0xF;
	(xrf2) =	vadd.scan.msk.f32 $0xffff, v27  }
0x1b1: {  	v12 =	vld [tilespmem:s18+$0x1E800];
	v41 =	vmul.f32 v30, v13;
	(xrf2) =	vadd.scan.msk.f32 $0xffff, v23;
	v58 =	vadd.f32 v16, v35;
	v22 =	vmul.f32 v57, v22  }
0x1b2: {  	v17 =	vadd.f32 v42, v60;
	v62 =	vmul.f32 v30, v30;
	v24 =	vadd.f32 v11, v24  }
0x1b3: {  	v61 =	vshra.s32 v58, $0x1;
	v26 =	vmul.f32 $5.000000000e-01, v58;
	v36 =	vmul.f32 v22, v32  }
0x1b4: {  	v46 =	vshra.s32 v24, $0x1;
	v24 =	vmul.f32 $5.000000000e-01, v24;
	v63 =	vsub.s32 $0x5F3759DF, v61  }
0x1b5: {  	v32 =	vsub.s32 $0x5F3759DF, v46;
	v38 =	vmul.f32 v63, v26;
	v43 =	vmul.f32 v36, v22  }
0x1b6: {  	v8 =	vadd.f32 v59, v8;
	v31 =	vadd.f32 v12, v45;
	(xrf2) =	vadd.scan.msk.f32 $0xffff, v9;
	v48 =	vmul.f32 v32, v24  }
0x1b7: {  	v15 =	vadd.f32 v62, v15;
	(xrf2) =	vadd.scan.msk.f32 $0xffff, v17;
	v47, _, _ =	vpop (xrf2);
	v44 =	vmul.f32 v63, v38;
	v23 =	vsub.f32 $1.500000000e+00, v43  }
0x1b8: {  	v56 =	vadd.f32 v41, v29;
	vm0 =	veq.f32 v20, $0.0e+00;
	(xrf2) =	vadd.scan.msk.f32 $0xffff, v39;
	v49, _, _ =	vpop (xrf2);
	v51 =	vmul.f32 v32, v48  }
0x1b9: {  	(xrf2) =	vadd.scan.msk.f32 $0xffff, v15;
	v53 =	vadd.f32 v47, v47;
	v27, _, _ =	vpop (xrf2);
	v30 =	vsub.f32 $1.500000000e+00, v44;
	v22 =	vmul.f32 v23, v22  }
0x1ba: {  	v55 =	vmul.f32 v4, v4;
	v20 =	vsel vm0, $0x1, v1;
	(xrf2) =	vadd.scan.msk.f32 $0xffff, v18;
	v19, _, _ =	vpop (xrf2);
	v14 =	vsub.f32 $1.500000000e+00, v51  }
0x1bb: {  	(xrf2) =	vadd.scan.msk.f32 $0xffff, v56;
	v54, _, _ =	vpop (xrf2);
	v50 =	vmul.f32 v63, v30;
	v52 =	vmul.f32 v22, v31;
	v22 =	vadd.f32 v53, v37  }
0x1bc: {  	v20 =	vbroadcast v20, $0xF;
	v14 =	vmul.f32 v32, v14;
	v31 =	vadd.f32 v54, v54  }
0x1bd: {  	v6 =	vadd.f32 v55, v6;
	v30 =	vmul.f32 v50, v26;
	v22 =	vbroadcast v22, $0xF  }
0x1be: {  	v34 =	vbroadcast v49, $0xF;
	v57 =	vmul.f32 v14, v24;
	v31 =	vadd.f32 v19, v31  }
0x1bf: {  	v38 =	vmul.f32 v4, v3;
	v30 =	vmul.f32 v30, v50;
	v59 =	vadd.f32 v11, v22  }
0x1c0: {  	(xrf2) =	vadd.scan.msk.f32 $0xffff, v8;
	v36, _, _ =	vpop (xrf2);
	v21 =	vadd.f32 $-1.000000000e+00, v52;
	v13 =	vmul.f32 v57, v14;
	v58 =	vbroadcast v31, $0xF  }
0x1c1: {  	(xrf2) =	vadd.scan.msk.f32 $0xffff, v28;
	v37, _, _ =	vpop (xrf2);
	v30 =	vsub.f32 $1.500000000e+00, v30;
	v63 =	vshra.s32 v59, $0x1;
	v17 =	vmul.f32 $5.000000000e-01, v59  }
0x1c2: {  	(xrf2) =	vadd.scan.msk.f32 $0xffff, v6;
	v4, _, _ =	vpop (xrf2);
	v21 =	vmul.f32 $5.500000000e+00, v21;
	v61 =	vadd.f32 v16, v58;
	v29 =	vsub.s32 $0x5F3759DF, v63  }
0x1c3: {  	v6 =	vadd.f32 v12, v34;
	(xrf2) =	vadd.scan.msk.f32 $0xffff, v40;
	v40, _, _ =	vpop (xrf2);
	v60 =	vmul.f32 v30, v50;
	v32 =	vmul.f32 v29, v17  }
0x1c4: {  	v41, _, _ =	vpop (xrf2);
	v8 =	vsub.f32 $1.500000000e+00, v13;
	v30 =	vshra.s32 v61, $0x1;
	v23 =	vmul.f32 $5.000000000e-01, v61  }
0x1c5: {  	v43, _, _ =	vpop (xrf2);
	v62 =	vmul.f32 v60, v26;
	v26 =	vsub.s32 $0x5F3759DF, v30;
	v15 =	vmul.f32 v29, v32  }
0x1c6: {  	v34 =	vadd.f32 v43, v43;
	v8 =	vmul.f32 v8, v14;
	v33 =	vmul.f32 v26, v23  }
0x1c7: {  	v21 =	vmul.f32 $1.442695020e+00, v21;
	v31 =	vmul.f32 v62, v60;
	v35 =	vsub.f32 $1.500000000e+00, v15  }
0x1c8: {  	v14 =	vadd.f32 v34, v40;
	v3 =	vmul.f32 v8, v24;
	v13 =	vmul.f32 v26, v33  }
0x1c9: {  	(erf) = vpow2.f32 v21;
	v9 =	vsub.f32 $1.500000000e+00, v31;
	v39 =	vmul.f32 v29, v35  }
0x1ca: {  	v14 =	vbroadcast v14, $0xF;
	v3 =	vmul.f32 v3, v8;
	v13 =	vsub.f32 $1.500000000e+00, v13  }
0x1cb: {  	v18 =	vadd.f32 v41, v41;
	v9 =	vmul.f32 v9, v60;
	v42 =	vmul.f32 v39, v17  }
0x1cc: {  	v57 =	vbroadcast v37, $0xF;
	v14 =	vadd.f32 v11, v14;
	v13 =	vmul.f32 v26, v13  }
0x1cd: {  	v46, _, _ =	vpop (xrf2);
	v53 =	vadd.f32 v40, v18;
	v6 =	vmul.f32 v9, v6;
	v47 =	vmul.f32 v42, v39  }
0x1ce: {  	v44 =	vsub.f32 $1.500000000e+00, v3;
	v40 =	vshra.s32 v14, $0x1;
	v3, _, _ =	vpop (xrf2);
	v45 =	vmul.f32 v13, v23  }
0x1cf: {  	v14 =	vmul.f32 $5.000000000e-01, v14;
	v51, _, _ =	vpop (xrf2);
	v6 =	vadd.f32 $-1.000000000e+00, v6;
	v10 =	vsub.f32 $1.500000000e+00, v47  }
0x1d0: {  	v15 =	vadd.f32 v36, v36;
	v8 =	vmul.f32 v44, v8;
	v54, _, _ =	vpop (xrf2);
	v48 =	vmul.f32 v45, v13  }
0x1d1: {  	(xrf2) =	vadd.scan.msk.f32 $0xffff, v7;
	v55 =	vadd.f32 v54, v54;
	v6 =	vmul.f32 $5.500000000e+00, v6;
	v9 =	vmul.f32 v10, v39  }
0x1d2: {  	v49 =	vpop (erf);
	v52 =	vsub.f32 $1.500000000e+00, v48;
	v10 =	vbroadcast v53, $0xF;
	v39 =	vbroadcast v46, $0xF  }
0x1d3: {  	v50 =	vmul.f32 $1.442695020e+00, v6;
	v6 =	vmul.f32 v49, v8  }
0x1d4: {  	v8 =	vadd.f32 v15, v19;
	v15 =	vadd.f32 v51, v55;
	v13 =	vmul.f32 v52, v13  }
0x1d5: {  	v17 =	vmul.f32 v9, v17;
	v10 =	vadd.f32 v16, v10;
	(erf) = vpow2.f32 v50  }
0x1d6: {  	v5 =	vadd.f32 v38, v5;
	v15 =	vbroadcast v15, $0xF;
	v56 =	vmul.f32 v13, v23  }
0x1d7: {  	v8 =	vbroadcast v8, $0xF;
	v59 =	vshra.s32 v10, $0x1;
	v10 =	vmul.f32 $5.000000000e-01, v10  }
0x1d8: {  	v23 =	vsub.s32 $0x5F3759DF, v59;
	v15 =	vadd.f32 v16, v15;
	v18 =	vmul.f32 v56, v13  }
0x1d9: {  	v19 =	vadd.f32 v12, v57;
	v17 =	vmul.f32 v17, v9;
	v62 =	vmul.f32 v23, v10  }
0x1da: {  	v63 =	vshra.s32 v15, $0x1;
	v15 =	vmul.f32 $5.000000000e-01, v15;
	v7 =	vsub.f32 $1.500000000e+00, v18  }
0x1db: {  	v8 =	vadd.f32 v11, v8;
	v37, _, _ =	vpop (xrf2);
	v26 =	vmul.f32 v23, v62;
	v18 =	vsub.s32 $0x5F3759DF, v63  }
0x1dc: {  	v22 =	vadd.f32 v37, v37;
	v28 =	vmul.f32 v18, v15;
	v7 =	vmul.f32 v7, v13  }
0x1dd: {  	v58 =	vshra.s32 v8, $0x1;
	v8 =	vmul.f32 $5.000000000e-01, v8;
	v26 =	vsub.f32 $1.500000000e+00, v26  }
0x1de: {  	v13 =	vmul.f32 v18, v28;
	v7 =	vmul.f32 v7, v19  }
0x1df: {  	(xrf2) =	vadd.scan.msk.f32 $0xffff, v5;
	v21 =	vsub.s32 $0x5F3759DF, v58;
	v5 =	vadd.f32 v22, v51;
	v32 =	vmul.f32 v23, v26  }
0x1e0: {  	v61 =	vmul.f32 v21, v8;
	v13 =	vsub.f32 $1.500000000e+00, v13;
	v7 =	vadd.f32 $-1.000000000e+00, v7  }
0x1e1: {  	v5 =	vbroadcast v5, $0xF;
	v35 =	vmul.f32 v32, v10  }
0x1e2: {  	v13 =	vmul.f32 v18, v13;
	v7 =	vmul.f32 $5.500000000e+00, v7  }
0x1e3: {  	v17 =	vsub.f32 $1.500000000e+00, v17;
	v24 =	vmul.f32 v21, v61;
	v36 =	vmul.f32 v35, v32  }
0x1e4: {  	v38 =	vmul.f32 v13, v15;
	v7 =	vmul.f32 $1.442695020e+00, v7  }
0x1e5: {  	v9 =	vmul.f32 v17, v9;
	v5 =	vadd.f32 v11, v5;
	v18 =	vsub.f32 $1.500000000e+00, v36  }
0x1e6: {  	v24 =	vsub.f32 $1.500000000e+00, v24;
	(erf) = vpow2.f32 v7;
	v7 =	vmul.f32 v38, v13  }
0x1e7: {  	v42 =	vshra.s32 v5, $0x1;
	v5 =	vmul.f32 $5.000000000e-01, v5;
	v18 =	vmul.f32 v18, v32  }
0x1e8: {  	v31 =	vmul.f32 v21, v24;
	v21 =	vsub.s32 $0x5F3759DF, v40;
	v7 =	vsub.f32 $1.500000000e+00, v7  }
0x1e9: {  	vm7 =	veq.f32 v27, $0.0e+00;
	v41 =	vmul.f32 v21, v14;
	v10 =	vmul.f32 v18, v10  }
0x1ea: {  	vm8 =	veq.f32 v4, $0.0e+00;
	v33 =	vmul.f32 v31, v8;
	v7 =	vmul.f32 v7, v13  }
0x1eb: {  	v60 =	vsel vm7, $0x1, v1;
	v11 =	vmul.f32 v21, v41;
	v10 =	vmul.f32 v10, v18  }
0x1ec: {  	vm12 =	veq.f32 v3, $0.0e+00;
	v17 =	vmul.f32 v33, v31;
	v13 =	vmul.f32 v7, v15  }
0x1ed: {  	v11 =	vsub.f32 $1.500000000e+00, v11;
	v10 =	vsub.f32 $1.500000000e+00, v10;
	v15 =	vsub.s32 $0x5F3759DF, v42  }
0x1ee: {  	v19 =	vadd.f32 v12, v39;
	v43 =	vmul.f32 v15, v5;
	v13 =	vmul.f32 v13, v7  }
0x1ef: {  	v44, _, _ =	vpop (xrf2);
	v17 =	vsub.f32 $1.500000000e+00, v17;
	v11 =	vmul.f32 v21, v11;
	v10 =	vmul.f32 v10, v18  }
0x1f0: {  	v18 =	vbroadcast v44, $0xF;
	v22 =	vmul.f32 v15, v43;
	v13 =	vsub.f32 $1.500000000e+00, v13  }
0x1f1: {  	v47 =	vand.u32 $0x1, v20;
	v17 =	vmul.f32 v17, v31;
	v10 =	vmul.f32 v10, v19  }
0x1f2: {  	v12 =	vadd.f32 v12, v18;
	v45 =	vsub.f32 $1.500000000e+00, v22;
	v7 =	vmul.f32 v13, v7  }
0x1f3: {  	v46 =	vmul.f32 v11, v14;
	v8 =	vmul.f32 v17, v8;
	v10 =	vadd.f32 $-1.000000000e+00, v10  }
0x1f4: {  	vm9 =	veq.s32 v47, $0x1;
	(xrf2) =	vadd.scan.msk.f32 $0xffff, v2;
	v48 =	vmul.f32 v15, v45;
	v7 =	vmul.f32 v7, v12  }
0x1f5: {  	v50 =	vsel vm8, $0x1, v1;
	v49 =	vmul.f32 v46, v11;
	v4 =	vmul.f32 $5.500000000e+00, v10  }
0x1f6: {  	v16 =	vbroadcast v60, $0xF;
	v15 =	vmul.f32 v48, v5;
	v7 =	vadd.f32 $-1.000000000e+00, v7  }
0x1f7: {  	v8 =	vmul.f32 v8, v17;
	v10 =	vsub.f32 $1.500000000e+00, v49;
	v4 =	vmul.f32 $1.442695020e+00, v4  }
0x1f8: {  	v53 =	vand.u32 $0x1, v16;
	v2 =	vmul.f32 $5.500000000e+00, v7;
	v7 =	vmul.f32 v15, v48  }
0x1f9: {  	v8 =	vsub.f32 $1.500000000e+00, v8;
	v10 =	vmul.f32 v10, v11;
	(erf) = vpow2.f32 v4  }
0x1fa: {  	v4 =	vbroadcast v50, $0xF;
	v51 =	vmul.f32 $1.442695020e+00, v2;
	v7 =	vsub.f32 $1.500000000e+00, v7  }
0x1fb: {  	v52 =	vpop (erf);
	v2 =	vsel vm9, $0x0, v6;
	v6 =	vmul.f32 v8, v17;
	v8 =	vmul.f32 v10, v14  }
0x1fc: {  	v54 =	vld [tilespmem:s18+$0x1EC00];
	vm10 =	veq.s32 v53, $0x1;
	v55 =	vpop (erf);
	(erf) = vpow2.f32 v51;
	v7 =	vmul.f32 v7, v48  }
0x1fd: {  	v9 =	vmul.f32 v52, v9;
	v4 =	vand.u32 $0x1, v4;
	v6 =	vmul.f32 v55, v6  }
0x1fe: {  	v57, _, _ =	vpop (xrf2);
	vm11 =	veq.s32 v4, $0x1;
	v8 =	vmul.f32 v8, v10;
	v56 =	vmul.f32 v7, v5  }
0x1ff: {  	vm13 =	veq.f32 v57, $0.0e+00;
	v4 =	vsel vm11, $0x0, v6;
	v6 =	vsel vm12, $0x1, v1  }
0x200: {  	v8 =	vsub.f32 $1.500000000e+00, v8;
	v6 =	vbroadcast v6, $0xF;
	v3 =	vmul.f32 v56, v7  }
0x201: {  	v58 =	vadd.f32 v2, v54;
	v5 =	vsel vm10, $0x0, v9;
	v9 =	vsel vm13, $0x1, v1  }
0x202: {  	v8 =	vmul.f32 v8, v10;
	v6 =	vand.u32 $0x1, v6;
	v3 =	vsub.f32 $1.500000000e+00, v3  }
0x203: {  	v9 =	vbroadcast v9, $0xF;
	v10 =	vadd.f32 v58, v5;
	v59 =	vpop (erf)  }
0x204: {  	v8 =	vmul.f32 v59, v8;
	v7 =	vmul.f32 v3, v7  }
0x205: {  	vm14 =	veq.s32 v6, $0x1;
	v10 =	vadd.f32 v10, v4;
	v6 =	vpop (erf)  }
0x206: {  	v3 =	vsel vm14, $0x0, v8;
	v8 =	vand.u32 $0x1, v9;
	v6 =	vmul.f32 v6, v7  }
0x207: {  	vm15 =	veq.s32 v8, $0x1;
	v7 =	vadd.f32 v10, v3  }
0x208: {  	s5 =	simm.s32 $0x0;
	v6 =	vsel vm15, $0x0, v6  }
0x209: {  	s6 =	sand.u32 $0x1C00, s5;
	v7 =	vadd.f32 v7, v6  }
0x20a: {  	s19 =	sadd.s32 $0x1C000, s18;
	s5 =	sand.u32 $0x70, s5;
	s7 =	sadd.s32 s6, s4  }
0x20b: {  	s8 =	sadd.s32 s6, s19;
	s7 =	sadd.s32 s5, s7;
	[tilespmem:s18+$0x1EC00] =	vst v7  }
0x20c: {  	s24 =	sadd.s32 s6, s15;
	s18 =	sadd.s32 s5, s8;
	v7 =	vld [tilespmem:s7+$0x0]  }
0x20d: {  	v8 =	vld [tilespmem:s18+$0x0];
	s7 =	sadd.s32 s5, s24  }
0x20e: {  	s28 =	sadd.s32 s6, s17;
	v60 =	vld [tilespmem:s7+$0x0]  }
0x20f: {  	s7 =	sadd.s32 s5, s28  }
0x210: {  	s29 =	sadd.s32 s6, s0;
	v61 =	vld [tilespmem:s7+$0x0]  }
0x211: {  	s7 =	sadd.s32 s5, s29;
	v7 =	vmul.f32 v7, v2  }
0x212: {  	s6 =	sadd.s32 s6, s3;
	v62 =	vld [tilespmem:s7+$0x0]  }
0x213: {  	s5 =	sadd.s32 s5, s6;
	v7 =	vadd.f32 v7, v8;
	v8 =	vmul.f32 v60, v5  }
0x214: {  	v63 =	vld [tilespmem:s5+$0x0]  }
0x215: {  	v7 =	vadd.f32 v8, v7;
	v8 =	vmul.f32 v61, v4;
	_ =	sdelay $0x1  }
0x216: {  	v7 =	vadd.f32 v8, v7;
	v8 =	vmul.f32 v62, v3;
	_ =	sdelay $0x1  }
0x217: {  	v7 =	vadd.f32 v8, v7;
	v8 =	vmul.f32 v63, v6  }
0x218: {  	s6 =	simm.s32 $0x80  }
0x219: {  	s9 =	simm.s32 $0x10;
	s8 =	sand.u32 $0x1C00, s6;
	s7 =	simm.s32 $0x20;
	v7 =	vadd.f32 v8, v7  }
.LBB2_17:
0x21a: {  	p0 =	sne.s32 s7, $0x3F0;
	s5 =	sand.u32 $0x70, s9;
	s9 =	sadd.s32 s8, s4  }
0x21b: {  	s10 =	sadd.s32 s8, s19;
	s13 =	sadd.s32 s5, s9;
	[tilespmem:s18+$0x0] =	vst v7;
	s9 =	smov.u32 s7  }
0x21c: {  	s18 =	sadd.s32 s5, s10;
	s10 =	sadd.s32 s8, s15;
	v7 =	vld [tilespmem:s13+$0x0]  }
0x21d: {  	s10 =	sadd.s32 s5, s10;
	v8 =	vld [tilespmem:s18+$0x0]  }
0x21e: {  	v9 =	vld [tilespmem:s10+$0x0];
	s10 =	sadd.s32 s8, s17  }
0x21f: {  	s10 =	sadd.s32 s5, s10  }
0x220: {  	v10 =	vld [tilespmem:s10+$0x0];
	s10 =	sadd.s32 s8, s0  }
0x221: {  	v7 =	vmul.f32 v7, v2;
	s10 =	sadd.s32 s5, s10  }
0x222: {  	s8 =	sadd.s32 s8, s3;
	v11 =	vld [tilespmem:s10+$0x0]  }
0x223: {  	s5 =	sadd.s32 s5, s8;
	v7 =	vadd.f32 v7, v8;
	v8 =	vmul.f32 v9, v5  }
0x224: {  	v9 =	vld [tilespmem:s5+$0x0]  }
0x225: {  	v7 =	vadd.f32 v8, v7;
	v8 =	vmul.f32 v10, v4;
	_ =	sdelay $0x1  }
.Ltmp7:
0x226: {  	v7 =	vadd.f32 v8, v7;
	v8 =	vmul.f32 v11, v3;
	(pc) =	sbr.rel @p0 .LBB2_17-.Ltmp7, $4  }
0x227: {  	_ = 	snop  }
0x228: {  	v7 =	vadd.f32 v8, v7;
	v8 =	vmul.f32 v9, v6  }
0x229: {  	s6 =	sadd.s32 $0x80, s6  }
0x22a: {  	s7 =	sadd.s32 $0x10, s7;
	s8 =	sand.u32 $0x1C00, s6;
	v7 =	vadd.f32 v8, v7  }
0x22b: {  	s5 =	sand.u32 $0x70, s9;
	s4 =	sadd.s32 s8, s4  }
0x22c: {  	s6 =	sadd.s32 s8, s19;
	s4 =	sadd.s32 s5, s4;
	[tilespmem:s18+$0x0] =	vst v7  }
0x22d: {  	s24 =	sadd.s32 s8, s15;
	s6 =	sadd.s32 s5, s6;
	v7 =	vld [tilespmem:s4+$0x0]  }
0x22e: {  	v8 =	vld [tilespmem:s6+$0x0];
	s4 =	sadd.s32 s5, s24  }
0x22f: {  	s28 =	sadd.s32 s8, s17;
	v9 =	vld [tilespmem:s4+$0x0]  }
0x230: {  	s4 =	sadd.s32 s5, s28  }
0x231: {  	s0 =	sadd.s32 s8, s0;
	v10 =	vld [tilespmem:s4+$0x0]  }
0x232: {  	s0 =	sadd.s32 s5, s0;
	v2 =	vmul.f32 v7, v2  }
0x233: {  	s29 =	sadd.s32 s8, s3;
	v62 =	vld [tilespmem:s0+$0x0]  }
0x234: {  	s0 =	sadd.s32 s5, s29;
	v5 =	vmul.f32 v9, v5;
	v2 =	vadd.f32 v2, v8  }
0x235: {  	v63 =	vld [tilespmem:s0+$0x0]  }
0x236: {  	v4 =	vmul.f32 v10, v4;
	v2 =	vadd.f32 v5, v2;
	_ =	sdelay $0x1  }
0x237: {  	s1 =	sadd.s32 $0x1, s1;
	v3 =	vmul.f32 v62, v3;
	v2 =	vadd.f32 v4, v2  }
0x238: {  	p0 =	sne.s32 s1, $0x8  }
.Ltmp8:
0x239: {  	v2 =	vadd.f32 v3, v2;
	v3 =	vmul.f32 v63, v6;
	(pc) =	sbr.rel @p0 .LBB2_14-.Ltmp8, $3  }
0x23a: {  	_ = 	snop  }
0x23b: {  	v2 =	vadd.f32 v3, v2;
	_ =	sdelay $0x1  }
0x23c: {  	[tilespmem:s6+$0x0] =	vst v2  }
0x23d: {  	s30 =	sadd.s32 $0x1, s30  }
0x23e: {  	p0 =	sne.s32 s30, $0x5  }
.Ltmp9:
0x23f: {  	_ = 	snop;
	(pc) =	sbr.rel @p0 .LBB2_7-.Ltmp9, $2  }
0x240: {  	_ =	sdelay $0x2  }
0x241: {  	s0 =	simm.s32 $0x0  }
0x242: {  	s1 =	simm.s32 $0x0  }
.LBB2_21:
0x243: {  	s3 =	sshll.u32 s1, $0x7;
	s4 =	simm.s32 $0x1F000;
	s5 =	sand.u32 $0x60, s0  }
0x244: {  	s6 =	sand.u32 $0x1C00, s0;
	s8 =	sand.u32 $0x380, s0;
	s7 =	sor.u32 $0x10, s5  }
0x245: {  	v3 =	vld [tilespmem:s4+$0x0];
	s22 =	sor.u32 s3, s6;
	s23 =	sor.u32 s7, s8  }
0x246: {  	s5 =	sor.u32 s5, s22;
	v4 =	vld [tilespmem:s23+$0x1F000]  }
0x247: {  	s24 =	sor.u32 s7, s22;
	v8 =	vld [tilespmem:s5+$0x1A000]  }
0x248: {  	v2 =	vld [tilespmem:s24+$0x1A000]  }
0x249: {  	v6 =	vld [tilespmem:s5+$0x14000]  }
0x24a: {  	s28 =	simm.s32 $0x20;
	v7 =	vld [tilespmem:s5+$0x16000]  }
0x24b: {  	s15 =	simm.s32 $0x1F020;
	s29 =	sand.u32 $0x60, s28;
	s4 =	simm.s32 $0x100;
	v9 =	vld [tilespmem:s24+$0x14000]  }
0x24c: {  	s30 =	sand.u32 $0x1C00, s4;
	s9 =	sor.u32 $0x10, s29;
	s5 =	sand.u32 $0x380, s28;
	v12 =	vld [tilespmem:s24+$0x16000]  }
0x24d: {  	v5 =	vld [tilespmem:s15+$0x0];
	s31 =	sor.u32 s3, s30;
	s5 =	sor.u32 s9, s5;
	v10 =	vmul.f32 v8, v3  }
0x24e: {  	v16 =	vimm.f32 $0.0e+00;
	s8 =	sor.u32 s29, s31;
	v3 =	vld [tilespmem:s5+$0x1F000];
	v11 =	vmul.f32 v2, v4  }
0x24f: {  	s6 =	sor.u32 s9, s31;
	v4 =	vld [tilespmem:s8+$0x1A000];
	v14 =	vmul.f32 v8, v6;
	v15 =	vmul.f32 v8, v7;
	v10 =	vadd.f32 v10, v16  }
0x250: {  	v6 =	vld [tilespmem:s6+$0x1A000];
	v17 =	vmul.f32 v8, v8;
	v13 =	vmul.f32 v2, v9;
	v8 =	vadd.f32 v8, v16  }
0x251: {  	v12 =	vmul.f32 v2, v12;
	v9 =	vld [tilespmem:s8+$0x16000];
	v14 =	vadd.f32 v14, v16;
	v7 =	vadd.f32 v11, v10  }
0x252: {  	s7 =	simm.s32 $0x2;
	v10 =	vld [tilespmem:s8+$0x14000];
	v11 =	vadd.f32 v15, v16;
	s8 =	simm.s32 $0x40;
	v15 =	vadd.f32 v17, v16;
	v16 =	vmul.f32 v2, v2  }
.LBB2_22:
0x253: {  	_ =	sdelay $0x1  }
0x254: {  	s5 =	sand.u32 $0x60, s8;
	v18 =	vmov v4;
	v17 =	vmov v6  }
0x255: {  	s4 =	sadd.s32 $0x100, s4;
	s15 =	sadd.s32 $0x20, s15;
	v14 =	vadd.f32 v13, v14;
	v11 =	vadd.f32 v12, v11;
	s13 =	sand.u32 $0x380, s8;
	v19 =	vld [tilespmem:s6+$0x14000]  }
0x256: {  	s7 =	sadd.s32 $0x2, s7;
	s9 =	sand.u32 $0x1C00, s4;
	s10 =	sor.u32 $0x10, s5;
	v4 =	vmul.f32 v4, v5;
	v15 =	vadd.f32 v16, v15;
	v8 =	vadd.f32 v2, v8;
	v16 =	vmovc v18;
	v12 =	vld [tilespmem:s6+$0x16000]  }
0x257: {  	p0 =	slt.u32 s7, $0x3E;
	v2 =	vmov v6;
	s6 =	sor.u32 s3, s9;
	s9 =	sor.u32 s10, s13;
	v5 =	vld [tilespmem:s15+$0x0]  }
.Ltmp10:
0x258: {  	v7 =	vadd.f32 v4, v7;
	v13 =	vmul.f32 v2, v3;
	s5 =	sor.u32 s5, s6;
	v3 =	vld [tilespmem:s9+$0x1F000];
	(pc) =	sbr.rel @p0 .LBB2_22-.Ltmp10, $4  }
0x259: {  	v20 =	vmul.f32 v16, v10;
	v9 =	vmul.f32 v16, v9;
	s6 =	sor.u32 s10, s6;
	v4 =	vld [tilespmem:s5+$0x1A000]  }
0x25a: {  	v18 =	vmul.f32 v18, v16;
	v7 =	vadd.f32 v13, v7;
	v6 =	vld [tilespmem:s6+$0x1A000];
	v13 =	vmul.f32 v2, v19  }
0x25b: {  	v14 =	vadd.f32 v20, v14;
	v11 =	vadd.f32 v9, v11;
	v10 =	vld [tilespmem:s5+$0x14000];
	v12 =	vmul.f32 v2, v12  }
0x25c: {  	s8 =	sadd.s32 $0x20, s8;
	v8 =	vadd.f32 v16, v8;
	v16 =	vmul.f32 v17, v2;
	v15 =	vadd.f32 v18, v15;
	v9 =	vld [tilespmem:s5+$0x16000]  }
0x25d: {  	v17 =	vld [tilespmem:s6+$0x14000];
	_ =	sdelay $0x1  }
0x25e: {  	v15 =	vadd.f32 v16, v15;
	v61 =	vmul.f32 v4, v4  }
0x25f: {  	v13 =	vadd.f32 v13, v14;
	v10 =	vmul.f32 v4, v10  }
0x260: {  	v14 =	vadd.f32 v61, v15;
	v15 =	vmul.f32 v6, v6  }
0x261: {  	v62 =	vmul.f32 v6, v17;
	v10 =	vadd.f32 v10, v13  }
0x262: {  	v13 =	vadd.f32 v15, v14  }
0x263: {  	v10 =	vadd.f32 v62, v10  }
0x264: {  	(xrf2) =	vadd.scan.msk.f32 $0xffff, v13  }
0x265: {  	(xrf2) =	vadd.scan.msk.f32 $0xffff, v10;
	_ =	sdelay $0x8  }
0x266: {  	v13 =	vld [tilespmem:s6+$0x16000];
	v10, _, _ =	vpop (xrf2)  }
0x267: {  	v14, _, _ =	vpop (xrf2)  }
0x268: {  	v14 =	vadd.f32 v14, v14  }
0x269: {  	v11 =	vadd.f32 v12, v11;
	v12 =	vld [tilespmem:s3+$0x1E000];
	v9 =	vmul.f32 v4, v9  }
0x26a: {  	v14 =	vadd.f32 v10, v14  }
0x26b: {  	v9 =	vadd.f32 v9, v11;
	v11 =	vmul.f32 v6, v13  }
0x26c: {  	v13 =	vbroadcast v14, $0xF  }
0x26d: {  	v9 =	vadd.f32 v11, v9  }
0x26e: {  	v11 =	vadd.f32 v12, v13  }
0x26f: {  	(xrf2) =	vadd.scan.msk.f32 $0xffff, v9  }
0x270: {  	v9 =	vshra.s32 v11, $0x1;
	v11 =	vmul.f32 $5.000000000e-01, v11  }
0x271: {  	v9 =	vsub.s32 $0x5F3759DF, v9  }
0x272: {  	v12 =	vmul.f32 v9, v11  }
0x273: {  	v5 =	vmul.f32 v4, v5  }
0x274: {  	v12 =	vmul.f32 v9, v12  }
0x275: {  	v5 =	vadd.f32 v5, v7  }
0x276: {  	v12 =	vsub.f32 $1.500000000e+00, v12  }
0x277: {  	v3 =	vmul.f32 v6, v3  }
0x278: {  	v7 =	vmul.f32 v9, v12  }
0x279: {  	v3 =	vadd.f32 v3, v5;
	v5, _, _ =	vpop (xrf2)  }
0x27a: {  	v5 =	vadd.f32 v5, v5;
	v9 =	vmul.f32 v7, v11  }
0x27b: {  	(xrf2) =	vadd.scan.msk.f32 $0xffff, v3;
	v12 =	vld [tilespmem:s3+$0x1E400]  }
0x27c: {  	v3 =	vadd.f32 v5, v10;
	v5 =	vmul.f32 v9, v7;
	_ =	sdelay $0x1  }
0x27d: {  	v3 =	vbroadcast v3, $0xF;
	v5 =	vsub.f32 $1.500000000e+00, v5;
	_ =	sdelay $0x1  }
0x27e: {  	v3 =	vadd.f32 v12, v3;
	v5 =	vmul.f32 v5, v7;
	_ =	sdelay $0x1  }
0x27f: {  	v9 =	vshra.s32 v3, $0x1;
	v3 =	vmul.f32 $5.000000000e-01, v3;
	v7 =	vmul.f32 v5, v11  }
0x280: {  	v10 =	vld [tilespmem:s3+$0x1E800];
	v9 =	vsub.s32 $0x5F3759DF, v9  }
0x281: {  	v11 =	vmul.f32 v9, v3;
	v7 =	vmul.f32 v7, v5  }
0x282: {  	v12, _, _ =	vpop (xrf2)  }
0x283: {  	v12 =	vbroadcast v12, $0xF;
	v11 =	vmul.f32 v9, v11;
	v7 =	vsub.f32 $1.500000000e+00, v7  }
0x284: {  	v2 =	vadd.f32 v2, v8  }
0x285: {  	v8 =	vadd.f32 v10, v12;
	v5 =	vmul.f32 v7, v5;
	v7 =	vsub.f32 $1.500000000e+00, v11;
	_ =	sdelay $0x1  }
0x286: {  	v2 =	vadd.f32 v4, v2;
	v4 =	vmul.f32 v5, v8;
	v5 =	vmul.f32 v9, v7;
	_ =	sdelay $0x1  }
0x287: {  	v2 =	vadd.f32 v6, v2;
	v4 =	vadd.f32 $-1.000000000e+00, v4;
	v6 =	vmul.f32 v5, v3;
	_ =	sdelay $0x1  }
0x288: {  	(xrf2) =	vadd.scan.msk.f32 $0xffff, v2;
	v2 =	vmul.f32 $5.500000000e+00, v4;
	v4 =	vmul.f32 v6, v5;
	_ =	sdelay $0x1  }
0x289: {  	v2 =	vmul.f32 $1.442695020e+00, v2;
	v4 =	vsub.f32 $1.500000000e+00, v4;
	_ =	sdelay $0x1  }
0x28a: {  	(erf) = vpow2.f32 v2;
	v2 =	vmul.f32 v4, v5;
	_ =	sdelay $0x1  }
0x28b: {  	v3 =	vmul.f32 v2, v3  }
0x28c: {  	s4 =	simm.s32 $0x0  }
0x28d: {  	s5 =	sand.u32 $0x60, s4;
	s4 =	sand.u32 $0x1C00, s4;
	v3 =	vmul.f32 v3, v2  }
0x28e: {  	s4 =	sor.u32 s4, s5  }
0x28f: {  	s4 =	sor.u32 s3, s4;
	v4, _, _ =	vpop (xrf2);
	v3 =	vsub.f32 $1.500000000e+00, v3  }
0x290: {  	v7 =	vld [tilespmem:s4+$0x1C000];
	vm0 =	veq.f32 v4, $0.0e+00  }
0x291: {  	v6 =	vld [tilespmem:s4+$0x1A000];
	v5 =	vsel vm0, $0x1, v1  }
0x292: {  	v4 =	vld [tilespmem:s3+$0x1EC00];
	v5 =	vbroadcast v5, $0xF;
	v2 =	vmul.f32 v3, v2  }
0x293: {  	s28 =	simm.s32 $0x100;
	s29 =	simm.s32 $0x20;
	v8 =	vld [tilespmem:s4+$0x16000];
	v3 =	vpop (erf)  }
0x294: {  	s5 =	sand.u32 $0x1C00, s28;
	s6 =	sand.u32 $0x60, s29;
	v9 =	vld [tilespmem:s4+$0x1A010];
	v5 =	vand.u32 $0x1, v5;
	v2 =	vmul.f32 v3, v2  }
0x295: {  	s5 =	sor.u32 s5, s6;
	v10 =	vld [tilespmem:s4+$0x16010];
	vm15 =	veq.s32 v5, $0x1  }
0x296: {  	s5 =	sor.u32 s3, s5;
	v5 =	vld [tilespmem:s4+$0x1C010];
	v3 =	vsel vm15, $0x0, v2  }
0x297: {  	v2 =	vadd.f32 v3, v4;
	v4 =	vmul.f32 v6, v3;
	v6 =	vld [tilespmem:s5+$0x1A000]  }
0x298: {  	s30 =	simm.s32 $0x200;
	s31 =	simm.s32 $0x40;
	v13 =	vld [tilespmem:s5+$0x1A010]  }
0x299: {  	s6 =	sand.u32 $0x60, s31;
	v11 =	vld [tilespmem:s5+$0x1C000];
	s4 =	sand.u32 $0x1C00, s30;
	v4 =	vadd.f32 v4, v7;
	v7 =	vmul.f32 v8, v2;
	v8 =	vmul.f32 v9, v3  }
0x29a: {  	v12 =	vld [tilespmem:s5+$0x16000];
	s4 =	sor.u32 s4, s6  }
0x29b: {  	s4 =	sor.u32 s3, s4;
	v9 =	vmul.f32 v10, v2;
	v7 =	vadd.f32 v7, v4;
	v4 =	vld [tilespmem:s5+$0x1C010];
	v5 =	vadd.f32 v8, v5  }
0x29c: {  	v8 =	vld [tilespmem:s4+$0x1A000];
	v10 =	vmul.f32 v6, v3  }
0x29d: {  	v6 =	vld [tilespmem:s5+$0x16010];
	v14 =	vmul.f32 v7, v7;
	v15 =	vadd.f32 v9, v5  }
0x29e: {  	v63 =	vimm.f32 $0.0e+00;
	v13 =	vmul.f32 v13, v3;
	v5 =	vld [tilespmem:s4+$0x1C000];
	v9 =	vadd.f32 v10, v11  }
0x29f: {  	s7 =	simm.s32 $0x300;
	s8 =	simm.s32 $0x60;
	s6 =	simm.s32 $0x4;
	v7 =	vld [tilespmem:s4+$0x16000];
	v10 =	vmul.f32 v12, v2;
	v11 =	vadd.f32 v14, v63;
	v12 =	vmul.f32 v15, v15  }
.LBB2_24:
0x2a0: {  	s6 =	sadd.s32 $0x2, s6  }
0x2a1: {  	s5 =	sand.u32 $0x60, s8;
	s9 =	sand.u32 $0x1C00, s7;
	v14 =	vld [tilespmem:s4+$0x1A010];
	v9 =	vadd.f32 v10, v9;
	p0 =	slt.u32 s6, $0x3E  }
.Ltmp11:
0x2a2: {  	s5 =	sor.u32 s9, s5;
	v10 =	vadd.f32 v13, v4;
	v4 =	vld [tilespmem:s4+$0x1C010];
	v13 =	vmul.f32 v6, v2;
	v11 =	vadd.f32 v12, v11;
	(pc) =	sbr.rel @p0 .LBB2_24-.Ltmp11, $4  }
0x2a3: {  	v12 =	vmul.f32 v8, v3;
	v6 =	vld [tilespmem:s4+$0x16010];
	s4 =	sor.u32 s3, s5;
	v15 =	vmul.f32 v9, v9  }
0x2a4: {  	v8 =	vld [tilespmem:s4+$0x1A000];
	v16 =	vadd.f32 v13, v10  }
0x2a5: {  	v9 =	vadd.f32 v12, v5;
	v5 =	vld [tilespmem:s4+$0x1C000];
	v10 =	vmul.f32 v7, v2  }
0x2a6: {  	s7 =	sadd.s32 $0x100, s7;
	s8 =	sadd.s32 $0x20, s8;
	v11 =	vadd.f32 v15, v11;
	v7 =	vld [tilespmem:s4+$0x16000];
	v13 =	vmul.f32 v14, v3;
	v12 =	vmul.f32 v16, v16  }
0x2a7: {  	v14 =	vld [tilespmem:s4+$0x1A010]  }
0x2a8: {  	v15 =	vld [tilespmem:s4+$0x1C010]  }
0x2a9: {  	v9 =	vadd.f32 v10, v9;
	v10 =	vld [tilespmem:s4+$0x16010];
	v4 =	vadd.f32 v13, v4;
	v6 =	vmul.f32 v6, v2  }
0x2aa: {  	v8 =	vmul.f32 v8, v3  }
0x2ab: {  	v11 =	vadd.f32 v12, v11;
	v9 =	vmul.f32 v9, v9;
	v4 =	vadd.f32 v6, v4  }
0x2ac: {  	v5 =	vadd.f32 v8, v5;
	v6 =	vmul.f32 v7, v2;
	v7 =	vmul.f32 v14, v3  }
0x2ad: {  	v8 =	vadd.f32 v9, v11;
	v4 =	vmul.f32 v4, v4  }
0x2ae: {  	v5 =	vadd.f32 v6, v5;
	v6 =	vadd.f32 v7, v15;
	v7 =	vmul.f32 v10, v2;
	_ =	sdelay $0x1  }
0x2af: {  	v4 =	vadd.f32 v4, v8;
	v5 =	vmul.f32 v5, v5;
	v6 =	vadd.f32 v7, v6;
	_ =	sdelay $0x1  }
0x2b0: {  	v4 =	vadd.f32 v5, v4;
	v5 =	vmul.f32 v6, v6;
	_ =	sdelay $0x1  }
0x2b1: {  	v4 =	vadd.f32 v5, v4;
	_ =	sdelay $0x1  }
0x2b2: {  	(xrf2) =	vadd.scan.msk.f32 $0xffff, v4;
	_ =	sdelay $0x9  }
0x2b3: {  	v4, _, _ =	vpop (xrf2)  }
0x2b4: {  	v4 =	vbroadcast v4, $0xF;
	_ =	sdelay $0x1  }
0x2b5: {  	v5 =	vshra.s32 v4, $0x1;
	v4 =	vmul.f32 $5.000000000e-01, v4  }
0x2b6: {  	v5 =	vsub.s32 $0x5F3759DF, v5  }
0x2b7: {  	v6 =	vmul.f32 v5, v4;
	_ =	sdelay $0x1  }
0x2b8: {  	v6 =	vmul.f32 v5, v6;
	_ =	sdelay $0x1  }
0x2b9: {  	v6 =	vsub.f32 $1.500000000e+00, v6;
	_ =	sdelay $0x1  }
0x2ba: {  	v5 =	vmul.f32 v5, v6  }
0x2bb: {  	s28 =	simm.s32 $0x0  }
0x2bc: {  	s5 =	sand.u32 $0x1C00, s28;
	v6 =	vmul.f32 v5, v4  }
0x2bd: {  	s6 =	sand.u32 $0x60, s28;
	s5 =	sor.u32 s3, s5  }
0x2be: {  	s7 =	sor.u32 s6, s5;
	s6 =	sor.u32 $0x10, s6;
	v6 =	vmul.f32 v6, v5  }
0x2bf: {  	v9 =	vld [tilespmem:s7+$0x1C000];
	s5 =	sor.u32 s6, s5  }
0x2c0: {  	v11 =	vld [tilespmem:s5+$0x1A000];
	v6 =	vsub.f32 $1.500000000e+00, v6  }
0x2c1: {  	v8 =	vld [tilespmem:s7+$0x1A000]  }
0x2c2: {  	v12 =	vld [tilespmem:s5+$0x1C000];
	v10 =	vmul.f32 v6, v5  }
0x2c3: {  	v7 =	vld [tilespmem:s7+$0x16000]  }
0x2c4: {  	s4 =	sand.u32 $0x380, s28;
	v13 =	vld [tilespmem:s5+$0x16000];
	v4 =	vmul.f32 v10, v4  }
0x2c5: {  	s29 =	simm.s32 $0x100;
	s4 =	sor.u32 s6, s4;
	v14 =	vld [tilespmem:s5+$0x18000]  }
0x2c6: {  	s6 =	sand.u32 $0x1C00, s29;
	v8 =	vmul.f32 v8, v3;
	v5 =	vld [tilespmem:s4+$0x1F400];
	s4 =	simm.s32 $0x20;
	v4 =	vmul.f32 v4, v10  }
0x2c7: {  	s8 =	simm.s32 $0x1F400;
	s6 =	sor.u32 s3, s6;
	v15 =	vld [tilespmem:s7+$0x18000];
	v11 =	vmul.f32 v11, v3;
	s30 =	sand.u32 $0x60, s4  }
0x2c8: {  	v7 =	vmul.f32 v7, v2;
	v8 =	vadd.f32 v8, v9;
	v6 =	vld [tilespmem:s8+$0x0];
	s15 =	sor.u32 s30, s6;
	v4 =	vsub.f32 $1.500000000e+00, v4  }
0x2c9: {  	v9 =	vadd.f32 v11, v12;
	v11 =	vmul.f32 v13, v2;
	v17 =	vld [tilespmem:s15+$0x1A000]  }
0x2ca: {  	v7 =	vadd.f32 v7, v8;
	s31 =	sor.u32 $0x10, s30;
	v4 =	vmul.f32 v4, v10;
	v10 =	vld [tilespmem:s15+$0x16000]  }
0x2cb: {  	v8 =	vadd.f32 v11, v9;
	v12 =	vld [tilespmem:s15+$0x1C000];
	s8 =	sor.u32 s31, s6  }
0x2cc: {  	v13 =	vld [tilespmem:s8+$0x1A000];
	v16 =	vmul.f32 v7, v4  }
0x2cd: {  	v9 =	vld [tilespmem:s8+$0x1C000];
	v18 =	vmul.f32 v8, v4  }
0x2ce: {  	s9 =	sand.u32 $0x380, s4;
	s6 =	simm.s32 $0x1F420;
	v11 =	vld [tilespmem:s8+$0x16000];
	v17 =	vmul.f32 v17, v3;
	v7 =	vimm.f32 $0.0e+00;
	v16 =	vadd.f32 v16, v15  }
0x2cf: {  	s7 =	simm.s32 $0x2;
	s17 =	sor.u32 s31, s9;
	s9 =	simm.s32 $0x200;
	v8 =	vld [tilespmem:s6+$0x0];
	v14 =	vadd.f32 v18, v14;
	v15 =	vmul.f32 v10, v2;
	v10 =	vimm.f32 $0.0e+00  }
.LBB2_26:
0x2d0: {  	s5 =	sand.u32 $0x1C00, s9;
	v18 =	vld [tilespmem:s17+$0x1F400];
	s4 =	sadd.s32 $0x20, s4;
	v19 =	vmul.f32 v16, v16;
	v6 =	vmul.f32 v16, v6  }
0x2d1: {  	s10 =	sand.u32 $0x60, s4;
	s5 =	sor.u32 s3, s5;
	v12 =	vadd.f32 v17, v12;
	v13 =	vmul.f32 v13, v3;
	v20 =	vld [tilespmem:s8+$0x18000];
	v16 =	vmul.f32 v14, v14  }
0x2d2: {  	s7 =	sadd.s32 $0x2, s7;
	v22 =	vmul.f32 v14, v5;
	v17 =	vld [tilespmem:s15+$0x18000];
	s15 =	sor.u32 s10, s5;
	v7 =	vadd.f32 v19, v7;
	v21 =	vadd.f32 v6, v10  }
0x2d3: {  	p0 =	slt.u32 s7, $0x3E;
	v14 =	vld [tilespmem:s15+$0x16000];
	v15 =	vadd.f32 v15, v12;
	v9 =	vadd.f32 v13, v9;
	v11 =	vmul.f32 v11, v2  }
0x2d4: {  	s10 =	sor.u32 $0x10, s10;
	v19 =	vld [tilespmem:s15+$0x1A000];
	v7 =	vadd.f32 v16, v7;
	v10 =	vadd.f32 v22, v21;
	v6 =	vmov v8  }
.Ltmp12:
0x2d5: {  	s8 =	sor.u32 s10, s5;
	v12 =	vld [tilespmem:s15+$0x1C000];
	v8 =	vadd.f32 v11, v9;
	v5 =	vmov v18;
	(pc) =	sbr.rel @p0 .LBB2_26-.Ltmp12, $4  }
0x2d6: {  	v15 =	vmul.f32 v15, v4;
	v13 =	vld [tilespmem:s8+$0x1A000]  }
0x2d7: {  	v9 =	vld [tilespmem:s8+$0x1C000];
	v18 =	vmul.f32 v8, v4  }
0x2d8: {  	s6 =	sadd.s32 $0x20, s6;
	s5 =	sand.u32 $0x380, s4;
	v16 =	vadd.f32 v15, v17;
	v11 =	vld [tilespmem:s8+$0x16000]  }
0x2d9: {  	s9 =	sadd.s32 $0x100, s9;
	s17 =	sor.u32 s10, s5;
	v15 =	vmul.f32 v14, v2;
	v17 =	vmul.f32 v19, v3;
	v8 =	vld [tilespmem:s6+$0x0];
	v14 =	vadd.f32 v18, v20  }
0x2da: {  	_ = 	snop  }
0x2db: {  	v12 =	vadd.f32 v17, v12;
	v3 =	vmul.f32 v13, v3  }
0x2dc: {  	v54 =	vld [tilespmem:s15+$0x18000]  }
0x2dd: {  	v12 =	vadd.f32 v15, v12;
	v3 =	vadd.f32 v3, v9;
	v2 =	vmul.f32 v11, v2  }
0x2de: {  	v55 =	vld [tilespmem:s8+$0x18000]  }
0x2df: {  	v6 =	vmul.f32 v16, v6;
	v2 =	vadd.f32 v2, v3;
	v3 =	vmul.f32 v12, v4  }
0x2e0: {  	v56 =	vld [tilespmem:s17+$0x1F400];
	v57 =	vmul.f32 v16, v16;
	v5 =	vmul.f32 v14, v5  }
0x2e1: {  	v6 =	vadd.f32 v6, v10;
	v2 =	vmul.f32 v2, v4;
	v3 =	vadd.f32 v3, v54  }
0x2e2: {  	v58 =	vmul.f32 v14, v14;
	v7 =	vadd.f32 v57, v7  }
0x2e3: {  	v5 =	vadd.f32 v5, v6;
	v2 =	vadd.f32 v2, v55;
	v59 =	vmul.f32 v3, v8  }
0x2e4: {  	v4 =	vadd.f32 v58, v7;
	v3 =	vmul.f32 v3, v3  }
0x2e5: {  	v5 =	vadd.f32 v59, v5;
	v60 =	vmul.f32 v2, v56  }
0x2e6: {  	v2 =	vmul.f32 v2, v2;
	v3 =	vadd.f32 v3, v4  }
0x2e7: {  	v61 =	vadd.f32 v60, v5  }
0x2e8: {  	v2 =	vadd.f32 v2, v3  }
0x2e9: {  	(xrf2) =	vadd.scan.msk.f32 $0xffff, v61  }
0x2ea: {  	(xrf2) =	vadd.scan.msk.f32 $0xffff, v2;
	_ =	sdelay $0x8  }
0x2eb: {  	v2, _, _ =	vpop (xrf2)  }
0x2ec: {  	v3, _, _ =	vpop (xrf2)  }
0x2ed: {  	v3 =	vbroadcast v3, $0xF;
	_ =	sdelay $0x1  }
0x2ee: {  	v62 =	vshra.s32 v3, $0x1;
	v3 =	vmul.f32 $5.000000000e-01, v3  }
0x2ef: {  	v4 =	vsub.s32 $0x5F3759DF, v62  }
0x2f0: {  	v63 =	vmul.f32 v4, v3;
	_ =	sdelay $0x1  }
0x2f1: {  	v5 =	vmul.f32 v4, v63;
	_ =	sdelay $0x1  }
0x2f2: {  	v5 =	vsub.f32 $1.500000000e+00, v5;
	_ =	sdelay $0x1  }
0x2f3: {  	v4 =	vmul.f32 v4, v5;
	_ =	sdelay $0x1  }
0x2f4: {  	v5 =	vmul.f32 v4, v3;
	_ =	sdelay $0x1  }
0x2f5: {  	v5 =	vmul.f32 v5, v4;
	_ =	sdelay $0x1  }
0x2f6: {  	v5 =	vsub.f32 $1.500000000e+00, v5;
	_ =	sdelay $0x1  }
0x2f7: {  	v4 =	vmul.f32 v5, v4;
	_ =	sdelay $0x1  }
0x2f8: {  	v3 =	vmul.f32 v4, v3;
	_ =	sdelay $0x1  }
0x2f9: {  	v3 =	vmul.f32 v3, v4;
	_ =	sdelay $0x1  }
0x2fa: {  	s1 =	sadd.s32 $0x1, s1;
	v2 =	vmul.f32 $1.000000000e+02, v2;
	v3 =	vsub.f32 $1.500000000e+00, v3  }
0x2fb: {  	p0 =	sne.s32 s1, $0x8  }
.Ltmp13:
0x2fc: {  	v2 =	vbroadcast v2, $0xF;
	v3 =	vmul.f32 v3, v4;
	(pc) =	sbr.rel @p0 .LBB2_21-.Ltmp13, $3  }
0x2fd: {  	_ = 	snop  }
0x2fe: {  	v2 =	vmul.f32 v3, v2;
	_ =	sdelay $0x1  }
0x2ff: {  	[tilespmem:s3+$0x1F800] =	vst v2  }
0x300: {  	s13 =	simm.s32 $0x0  }
0x301: {  	s0 =	rddreg [dreg:$0xd];
	s1 =	simm.s32 $0x1F800;
	s3 =	simm.s32 $0x3  }
0x302: {  	[hbm4b:s0+s13] =	stream.linear.scatter [tilespmem:s1], [sflag:$0x3], $0x400, $0x38;
	[tilespmem:$0x1FC00] =	vst v63  }
0x303: {  	_ =	swait.ge [sflag:s3], $0x400  }
0x304: {  	s30 =	rddreg [dreg:$0xf]  }
0x305: {  	s31 =	rddreg [dreg:$0xe];
	s1 =	sadd.s32 $0x1, s30  }
0x306: {  	p0 =	sne.s32 s1, s31  }
.Ltmp14:
0x307: {  	_ = 	snop;
	(pc) =	sbr.rel @p0 .LBB2_1-.Ltmp14, $3  }
0x308: {  	_ =	sdelay $0x1  }
0x309: {  	[sflag:s3] =	ssyncset.done $0x0  }
0x30a: {  	[sflag:s3] =	ssyncadd.s32 $0xFFFFFC00  }
0x30b: {  	_ =	sfence.sel $0x180000  }
0x30c: {  	[bflag:$0x0] =	sbarrier.arrive $0xFFFF  }
0x30d: {  	_ =	strace $0x90000047  }
0x30e: {  	s0 =	stileid.u32;
	[bflag:$0x2] =	sbarrier.arrive $0xFFFF  }
0x30f: {  	p0 =	sne.s32 s0, $0x0;
	s0 =	rddreg [dreg:$0x7]  }
0x310: {  	s0 =	sadd.s32 @!p0 $0x100000, s0  }
0x311: {  	[sflag:s0] =	ssyncadd.tile.s32 @!p0 $0x1;
	_ =	shalt  }
.Lfunc_end2:
_tile_overlayer_lowered:
.L_overlay_start_2:
0x312: {  	(tag) =	ssettag $0x2  }
0x313: {  	s0 =	rddreg [dreg:$0x0];
	s2 =	stileid.u32  }
0x314: {  	s1 =	rddreg [dreg:$0x1];
	p0 =	sne.s32 s2, $0x0  }
0x315: {  	s3 =	rddreg [dreg:$0x2];
	[bflag:$0x3] =	sbarrier.arrive $0xFFFF;
	s2 =	simm.s32 @!p0 $0x1C03  }
0x316: {  	[timem:s3], [sflag:s2] =	dma.local @!p0 [hbm:s0], s1  }
0x317: {  	s0 =	simm.s32 @!p0 $0x3  }
0x318: {  	_ =	swait.ge @!p0 [sflag:s0], s1  }
0x319: {  	s1 =	ssub.s32 @!p0 $0x0, s1;
	[sflag:s0] =	ssyncset.done @!p0 $0x0  }
0x31a: {  	[sflag:s0] =	ssyncadd.s32 @!p0 s1  }
0x31b: {  	[bflag:$0x3] =	sbarrier.arrive $0xFFFF  }
0x31c: {  	_ =	shalt  }

</sc_bundles>
